<compile_context>
chip_gen: v7x
topology: tpu7x:2x2x1
jax: 0.10.2.dev20260603
libtpu: 0.0.44.dev20260713+nightly
codegen_flags: <defaults>
</compile_context>

<pallas_src>
import dataclasses
import functools

import jax
import jax.numpy as jnp
from jax import lax
from jax.experimental import pallas as pl
from jax.experimental.pallas import tpu as pltpu
from jax.experimental.pallas import tpu_sc as plsc

D = 128
W = D // 2
L = 16
NC, NS = 2, 16
NW = NC * NS
C = 128


@functools.cache
def _dot_kernel(E_pad, n_rows):
    per_w = E_pad // NW
    n_chunks = per_w // C
    assert n_chunks % 2 == 0 and n_chunks * C * NW == E_pad

    rows_per_tile = ((n_rows // NS) // 8) * 8
    tail_rows = n_rows - (NS - 1) * rows_per_tile

    mesh = plsc.VectorSubcoreMesh(core_axis_name="c", subcore_axis_name="s")

    cp = pltpu.CompilerParams(use_tc_tiling_on_sc=False)
    if "needs_layout_passes" in pltpu.CompilerParams.__dataclass_fields__:
        cp = dataclasses.replace(cp, needs_layout_passes=False)

    @functools.partial(
        pl.kernel,
        mesh=mesh,
        compiler_params=cp,
        out_type=jax.ShapeDtypeStruct((E_pad,), jnp.float32),
        scratch_types=[
            pltpu.VMEM_SHARED((n_rows, W), jnp.int32),
            pltpu.VMEM((n_chunks, C), jnp.int32),
            pltpu.VMEM((n_chunks, C), jnp.int32),
            pltpu.VMEM((C, W), jnp.int32),
            pltpu.VMEM((C, W), jnp.int32),
            pltpu.VMEM((C, W), jnp.int32),
            pltpu.VMEM((C, W), jnp.int32),
            pltpu.VMEM((per_w,), jnp.float32),
            pltpu.SemaphoreType.DMA,
            pltpu.SemaphoreType.DMA,
            pltpu.SemaphoreType.DMA,
            pltpu.SemaphoreType.DMA,
            pltpu.SemaphoreType.DMA,
        ],
    )
    def k(h_hbm, src_hbm, dst_hbm, out_hbm,
          h_sh, sslab, dslab, srows0, drows0, srows1, drows1, obuf,
          sem_i, sem_s0, sem_d0, sem_s1, sem_d1):
        cid = lax.axis_index("c")
        sid = lax.axis_index("s")
        wid = cid * NS + sid
        base = wid * per_w

        ci1 = pltpu.async_copy(src_hbm.at[wid], sslab, sem_i)
        ci2 = pltpu.async_copy(dst_hbm.at[wid], dslab, sem_i)

        @pl.when(sid < NS - 1)
        def _():
            r0 = sid * rows_per_tile
            pltpu.sync_copy(h_hbm.at[pl.ds(r0, rows_per_tile)],
                            h_sh.at[pl.ds(r0, rows_per_tile)])

        @pl.when(sid == NS - 1)
        def _():
            r0 = (NS - 1) * rows_per_tile
            pltpu.sync_copy(h_hbm.at[pl.ds(r0, tail_rows)],
                            h_sh.at[pl.ds(r0, tail_rows)])

        ci1.wait()
        ci2.wait()
        plsc.subcore_barrier()

        bufs = ((srows0, drows0, sem_s0, sem_d0),
                (srows1, drows1, sem_s1, sem_d1))

        def issue(t, b):
            sr, dr, ss, sd = bufs[b]
            pltpu.async_copy(h_sh.at[sslab.at[t]], sr, ss)
            pltpu.async_copy(h_sh.at[dslab.at[t]], dr, sd)

        def drain(t, b):
            sr, dr, ss, sd = bufs[b]
            pltpu.make_async_copy(h_sh.at[sslab.at[t]], sr, ss).wait()
            pltpu.make_async_copy(h_sh.at[dslab.at[t]], dr, sd).wait()

        def compute(t, b):
            sr, dr = bufs[b][0], bufs[b][1]
            lane = lax.iota(jnp.int32, L)
            last = lane == (L - 1)

            @plsc.parallel_loop(0, C // L, unroll=2)
            def _grp(g):
                o0 = t * C + g * L
                o0v = jnp.full((L,), 0, jnp.int32) + o0
                for j in range(L):
                    e = g * L + j
                    p = None
                    for kk in range(W // L):
                        sv = plsc.bitcast(sr[e, pl.ds(kk * L, L)],
                                          jnp.bfloat16)
                        dv = plsc.bitcast(dr[e, pl.ds(kk * L, L)],
                                          jnp.bfloat16)
                        sa, sb = plsc.unpack(
                            sv, format=plsc.PackFormat.INTERLEAVED)
                        da, db = plsc.unpack(
                            dv, format=plsc.PackFormat.INTERLEAVED)
                        q = sa * da + sb * db
                        p = q if p is None else p + q
                    ps = lax.cumsum(p, axis=0)
                    plsc.store_scatter(obuf, [o0v + j], ps, mask=last)

        issue(0, 0)

        @pl.loop(0, n_chunks, step=2)
        def _chunk(t):
            issue(t + 1, 1)
            drain(t, 0)
            compute(t, 0)

            @pl.when(t + 2 < n_chunks)
            def _():
                issue(t + 2, 0)

            drain(t + 1, 1)
            compute(t + 1, 1)

        pltpu.sync_copy(obuf, out_hbm.at[pl.ds(base, per_w)])

    return k


def kernel(h, edge_index):
    E = edge_index.shape[1]
    src = edge_index[0].astype(jnp.int32)
    dst = edge_index[1].astype(jnp.int32)

    step = NW * C * 2
    E_pad = ((E + step - 1) // step) * step
    if E_pad != E:
        pad = E_pad - E
        zeros = jnp.zeros((pad,), jnp.int32)
        src = jnp.concatenate([src, zeros])
        dst = jnp.concatenate([dst, zeros])

    per_w = E_pad // NW
    src = src.reshape(NW, per_w // C, C)
    dst = dst.reshape(NW, per_w // C, C)

    h32 = jax.lax.bitcast_convert_type(
        h.astype(jnp.bfloat16).reshape(h.shape[0], W, 2), jnp.int32)
    out = _dot_kernel(E_pad, h.shape[0])(h32, src, dst)
    return out[:E].reshape(E, 1)

# --- scband reference (transcript-rebuilt; emitter-appended) ---
"""Pipeline reference for scband-hetero-dot-product-predictor-42374147343139 (READ-ONLY COPY).

The authoritative reference and input builder live on the scoring server;
editing this copy changes nothing except your own understanding.
"""

import jax, jax.numpy as jnp
import numpy as np


def setup_inputs(seed: int = 0) -> dict:
    key = jax.random.key(seed)
    k1, k2 = jax.random.split(key)
    h = jax.random.normal(k1, (10000, 128), dtype=jnp.float32)
    edge_index = jax.random.randint(k2, (2, 320000), 0, 10000, dtype=jnp.int64)
    return {"h": h, "edge_index": edge_index}


def reference(h, edge_index):
    # DGL HeteroDotProductPredictor: for each edge (u, v) of the given etype,
    # score = dot(h[u], h[v]). apply_edges(fn.u_dot_v(...)) produces shape [E, 1].
    src = edge_index[0]
    dst = edge_index[1]
    h_src = jnp.take(h, src, axis=0)  # gather [E, d]
    h_dst = jnp.take(h, dst, axis=0)  # gather [E, d]
    score = jnp.sum(h_src * h_dst, axis=-1, keepdims=True)  # [E, 1]
    return score

if __name__ == "__main__":
    import jax
    _d = setup_inputs()
    print(jax.jit(kernel)(*tuple(_d.values())))

</pallas_src>

<mosaic_0001>
#map = affine_map<(d0, d1) -> (0, 0)>
#map1 = affine_map<(d0, d1) -> (0, 0, 0)>
#map2 = affine_map<(d0, d1) -> (0)>
module attributes {stable_mosaic.version = 14 : i64} {
  func.func @k(%arg0: i32, %arg1: i32, %arg2: memref<10000x64xi32, #tpu.memory_space<hbm>>, %arg3: memref<32x80x128xi32, #tpu.memory_space<hbm>>, %arg4: memref<32x80x128xi32, #tpu.memory_space<hbm>>, %arg5: memref<327680xf32, #tpu.memory_space<hbm>>, %arg6: memref<10000x64xi32, #tpu.memory_space<vmem_shared>>, %arg7: memref<80x128xi32, #tpu.memory_space<vmem>>, %arg8: memref<80x128xi32, #tpu.memory_space<vmem>>, %arg9: memref<128x64xi32, #tpu.memory_space<vmem>>, %arg10: memref<128x64xi32, #tpu.memory_space<vmem>>, %arg11: memref<128x64xi32, #tpu.memory_space<vmem>>, %arg12: memref<128x64xi32, #tpu.memory_space<vmem>>, %arg13: memref<10240xf32, #tpu.memory_space<vmem>>, %arg14: memref<!tpu.dma_semaphore, #tpu.memory_space<semaphore_mem>>, %arg15: memref<!tpu.dma_semaphore, #tpu.memory_space<semaphore_mem>>, %arg16: memref<!tpu.dma_semaphore, #tpu.memory_space<semaphore_mem>>, %arg17: memref<!tpu.dma_semaphore, #tpu.memory_space<semaphore_mem>>, %arg18: memref<!tpu.dma_semaphore, #tpu.memory_space<semaphore_mem>>) attributes {dimension_semantics = [#tpu.dimension_semantics<core_parallel>, #tpu.dimension_semantics<subcore_parallel>], iteration_bounds = array<i64: 2, 16>, scalar_prefetch = 0 : i64, scratch_operands = 13 : i64, tpu.core_type = #tpu.core_type<sc_vector_subcore>, window_params = [{transform_indices = #map}, {transform_indices = #map1}, {transform_indices = #map1}, {transform_indices = #map2}]} {
    %mul3A = arith.constant 16 : i32
    %mul3A_0 = arith.muli %arg0, %mul3A : i32
    %add3A = arith.addi %mul3A_0, %arg1 : i32
    %mul3A_1 = arith.constant 10240 : i32
    %mul3A_2 = arith.muli %add3A, %mul3A_1 : i32
    %dma_start3A = arith.constant 0 : i32
    %dma_start3A_3 = arith.constant 0 : i32
    %dma_start3A_4 = tpu.memref_slice %arg3[%add3A, %dma_start3A, %dma_start3A_3] : memref<32x80x128xi32, #tpu.memory_space<hbm>> -> memref<1x80x128xi32, #tpu.memory_space<hbm>>
    %dma_start3A_5 = tpu.memref_squeeze %dma_start3A_4 : memref<1x80x128xi32, #tpu.memory_space<hbm>> -> memref<80x128xi32, #tpu.memory_space<hbm>>
    %dma_start3A_6 = arith.constant 0 : i32
    %dma_start3A_7 = arith.constant 0 : i32
    %dma_start3A_8 = tpu.memref_slice %arg3[%add3A, %dma_start3A_6, %dma_start3A_7] : memref<32x80x128xi32, #tpu.memory_space<hbm>> -> memref<1x80x128xi32, #tpu.memory_space<hbm>>
    %dma_start3A_9 = tpu.memref_squeeze %dma_start3A_8 : memref<1x80x128xi32, #tpu.memory_space<hbm>> -> memref<80x128xi32, #tpu.memory_space<hbm>>
    tpu.enqueue_dma source(%dma_start3A_9 : memref<80x128xi32, #tpu.memory_space<hbm>>) target(%arg7 : memref<80x128xi32, #tpu.memory_space<vmem>>) target_semaphore(%arg14 : memref<!tpu.dma_semaphore, #tpu.memory_space<semaphore_mem>>)
    %dma_start3A_10 = arith.constant 0 : i32
    %dma_start3A_11 = arith.constant 0 : i32
    %dma_start3A_12 = tpu.memref_slice %arg4[%add3A, %dma_start3A_10, %dma_start3A_11] : memref<32x80x128xi32, #tpu.memory_space<hbm>> -> memref<1x80x128xi32, #tpu.memory_space<hbm>>
    %dma_start3A_13 = tpu.memref_squeeze %dma_start3A_12 : memref<1x80x128xi32, #tpu.memory_space<hbm>> -> memref<80x128xi32, #tpu.memory_space<hbm>>
    %dma_start3A_14 = arith.constant 0 : i32
    %dma_start3A_15 = arith.constant 0 : i32
    %dma_start3A_16 = tpu.memref_slice %arg4[%add3A, %dma_start3A_14, %dma_start3A_15] : memref<32x80x128xi32, #tpu.memory_space<hbm>> -> memref<1x80x128xi32, #tpu.memory_space<hbm>>
    %dma_start3A_17 = tpu.memref_squeeze %dma_start3A_16 : memref<1x80x128xi32, #tpu.memory_space<hbm>> -> memref<80x128xi32, #tpu.memory_space<hbm>>
    tpu.enqueue_dma source(%dma_start3A_17 : memref<80x128xi32, #tpu.memory_space<hbm>>) target(%arg8 : memref<80x128xi32, #tpu.memory_space<vmem>>) target_semaphore(%arg14 : memref<!tpu.dma_semaphore, #tpu.memory_space<semaphore_mem>>)
    %lt3A = arith.constant 15 : i32
    %lt3A_18 = arith.cmpi slt, %arg1, %lt3A : i32
    %convert_element_type3A = arith.extui %lt3A_18 : i1 to i32
    %cond3A = arith.constant 0 : i32
    %cond3A_19 = arith.cmpi ne, %convert_element_type3A, %cond3A : i32
    scf.if %cond3A_19 {
      %mul3A_57 = arith.constant 624 : i32
      %mul3A_58 = arith.muli %arg1, %mul3A_57 : i32
      "tpu.region"() ({
        %run_scoped3A = tpu.sem_alloc : memref<!tpu.dma_semaphore, #tpu.memory_space<semaphore_mem>>
        %dma_start3A_59 = arith.constant 0 : i32
        %dma_start3A_60 = tpu.memref_slice %arg6[%mul3A_58, %dma_start3A_59] : memref<10000x64xi32, #tpu.memory_space<vmem_shared>> -> memref<624x64xi32, #tpu.memory_space<vmem_shared>>
        %dma_start3A_61 = arith.constant 0 : i32
        %dma_start3A_62 = tpu.memref_slice %arg2[%mul3A_58, %dma_start3A_61] : memref<10000x64xi32, #tpu.memory_space<hbm>> -> memref<624x64xi32, #tpu.memory_space<hbm>>
        tpu.enqueue_dma source(%dma_start3A_62 : memref<624x64xi32, #tpu.memory_space<hbm>>) target(%dma_start3A_60 : memref<624x64xi32, #tpu.memory_space<vmem_shared>>) target_semaphore(%run_scoped3A : memref<!tpu.dma_semaphore, #tpu.memory_space<semaphore_mem>>)
        %dma_wait3A_63 = arith.constant 0 : i32
        %dma_wait3A_64 = tpu.memref_slice %arg6[%mul3A_58, %dma_wait3A_63] : memref<10000x64xi32, #tpu.memory_space<vmem_shared>> -> memref<624x64xi32, #tpu.memory_space<vmem_shared>>
        %dma_wait3A_65 = arith.constant 0 : i32
        %dma_wait3A_66 = tpu.memref_slice %arg2[%mul3A_58, %dma_wait3A_65] : memref<10000x64xi32, #tpu.memory_space<hbm>> -> memref<624x64xi32, #tpu.memory_space<hbm>>
        tpu.wait_dma2 semaphore(%run_scoped3A : memref<!tpu.dma_semaphore, #tpu.memory_space<semaphore_mem>>) src(%dma_wait3A_66 : memref<624x64xi32, #tpu.memory_space<hbm>>) dst(%dma_wait3A_64 : memref<624x64xi32, #tpu.memory_space<vmem_shared>>)
        tpu.yield
      }) : () -> ()
    } else {
    }
    %eq3A = arith.constant 15 : i32
    %eq3A_20 = arith.cmpi eq, %arg1, %eq3A : i32
    %convert_element_type3A_21 = arith.extui %eq3A_20 : i1 to i32
    %cond3A_22 = arith.constant 0 : i32
    %cond3A_23 = arith.cmpi ne, %convert_element_type3A_21, %cond3A_22 : i32
    scf.if %cond3A_23 {
      "tpu.region"() ({
        %run_scoped3A = tpu.sem_alloc : memref<!tpu.dma_semaphore, #tpu.memory_space<semaphore_mem>>
        %dma_start3A_57 = arith.constant 9360 : i32
        %dma_start3A_58 = arith.constant 0 : i32
        %dma_start3A_59 = tpu.memref_slice %arg6[%dma_start3A_57, %dma_start3A_58] : memref<10000x64xi32, #tpu.memory_space<vmem_shared>> -> memref<640x64xi32, #tpu.memory_space<vmem_shared>>
        %dma_start3A_60 = arith.constant 9360 : i32
        %dma_start3A_61 = arith.constant 0 : i32
        %dma_start3A_62 = tpu.memref_slice %arg2[%dma_start3A_60, %dma_start3A_61] : memref<10000x64xi32, #tpu.memory_space<hbm>> -> memref<640x64xi32, #tpu.memory_space<hbm>>
        tpu.enqueue_dma source(%dma_start3A_62 : memref<640x64xi32, #tpu.memory_space<hbm>>) target(%dma_start3A_59 : memref<640x64xi32, #tpu.memory_space<vmem_shared>>) target_semaphore(%run_scoped3A : memref<!tpu.dma_semaphore, #tpu.memory_space<semaphore_mem>>)
        %dma_wait3A_63 = arith.constant 9360 : i32
        %dma_wait3A_64 = arith.constant 0 : i32
        %dma_wait3A_65 = tpu.memref_slice %arg6[%dma_wait3A_63, %dma_wait3A_64] : memref<10000x64xi32, #tpu.memory_space<vmem_shared>> -> memref<640x64xi32, #tpu.memory_space<vmem_shared>>
        %dma_wait3A_66 = arith.constant 9360 : i32
        %dma_wait3A_67 = arith.constant 0 : i32
        %dma_wait3A_68 = tpu.memref_slice %arg2[%dma_wait3A_66, %dma_wait3A_67] : memref<10000x64xi32, #tpu.memory_space<hbm>> -> memref<640x64xi32, #tpu.memory_space<hbm>>
        tpu.wait_dma2 semaphore(%run_scoped3A : memref<!tpu.dma_semaphore, #tpu.memory_space<semaphore_mem>>) src(%dma_wait3A_68 : memref<640x64xi32, #tpu.memory_space<hbm>>) dst(%dma_wait3A_65 : memref<640x64xi32, #tpu.memory_space<vmem_shared>>)
        tpu.yield
      }) : () -> ()
    } else {
    }
    %dma_wait3A = arith.constant 0 : i32
    %dma_wait3A_24 = arith.constant 0 : i32
    %dma_wait3A_25 = tpu.memref_slice %arg3[%add3A, %dma_wait3A, %dma_wait3A_24] : memref<32x80x128xi32, #tpu.memory_space<hbm>> -> memref<1x80x128xi32, #tpu.memory_space<hbm>>
    %dma_wait3A_26 = tpu.memref_squeeze %dma_wait3A_25 : memref<1x80x128xi32, #tpu.memory_space<hbm>> -> memref<80x128xi32, #tpu.memory_space<hbm>>
    %dma_wait3A_27 = arith.constant 0 : i32
    %dma_wait3A_28 = arith.constant 0 : i32
    %dma_wait3A_29 = tpu.memref_slice %arg3[%add3A, %dma_wait3A_27, %dma_wait3A_28] : memref<32x80x128xi32, #tpu.memory_space<hbm>> -> memref<1x80x128xi32, #tpu.memory_space<hbm>>
    %dma_wait3A_30 = tpu.memref_squeeze %dma_wait3A_29 : memref<1x80x128xi32, #tpu.memory_space<hbm>> -> memref<80x128xi32, #tpu.memory_space<hbm>>
    tpu.wait_dma2 semaphore(%arg14 : memref<!tpu.dma_semaphore, #tpu.memory_space<semaphore_mem>>) src(%dma_wait3A_30 : memref<80x128xi32, #tpu.memory_space<hbm>>) dst(%arg7 : memref<80x128xi32, #tpu.memory_space<vmem>>)
    %dma_wait3A_31 = arith.constant 0 : i32
    %dma_wait3A_32 = arith.constant 0 : i32
    %dma_wait3A_33 = tpu.memref_slice %arg4[%add3A, %dma_wait3A_31, %dma_wait3A_32] : memref<32x80x128xi32, #tpu.memory_space<hbm>> -> memref<1x80x128xi32, #tpu.memory_space<hbm>>
    %dma_wait3A_34 = tpu.memref_squeeze %dma_wait3A_33 : memref<1x80x128xi32, #tpu.memory_space<hbm>> -> memref<80x128xi32, #tpu.memory_space<hbm>>
    %dma_wait3A_35 = arith.constant 0 : i32
    %dma_wait3A_36 = arith.constant 0 : i32
    %dma_wait3A_37 = tpu.memref_slice %arg4[%add3A, %dma_wait3A_35, %dma_wait3A_36] : memref<32x80x128xi32, #tpu.memory_space<hbm>> -> memref<1x80x128xi32, #tpu.memory_space<hbm>>
    %dma_wait3A_38 = tpu.memref_squeeze %dma_wait3A_37 : memref<1x80x128xi32, #tpu.memory_space<hbm>> -> memref<80x128xi32, #tpu.memory_space<hbm>>
    tpu.wait_dma2 semaphore(%arg14 : memref<!tpu.dma_semaphore, #tpu.memory_space<semaphore_mem>>) src(%dma_wait3A_38 : memref<80x128xi32, #tpu.memory_space<hbm>>) dst(%arg8 : memref<80x128xi32, #tpu.memory_space<vmem>>)
    %barrier3A = arith.constant 0 : index
    tpu.barrier barrier_id(%barrier3A)
    %dma_start3A_39 = arith.constant 0 : i32
    %dma_start3A_40 = arith.constant 0 : i32
    %dma_start3A_41 = tpu.memref_slice %arg7[%dma_start3A_39, %dma_start3A_40] : memref<80x128xi32, #tpu.memory_space<vmem>> -> memref<1x128xi32, #tpu.memory_space<vmem>>
    %dma_start3A_42 = tpu.memref_squeeze %dma_start3A_41 : memref<1x128xi32, #tpu.memory_space<vmem>> -> memref<128xi32, #tpu.memory_space<vmem>>
    %dma_start3A_43 = arith.constant 0 : i32
    %dma_start3A_44 = arith.constant 0 : i32
    %dma_start3A_45 = tpu.memref_slice %arg6[%dma_start3A_43, %dma_start3A_44] : memref<10000x64xi32, #tpu.memory_space<vmem_shared>> -> memref<10000x64xi32, #tpu.memory_space<vmem_shared>>
    tpu.enqueue_indirect_dma source(%dma_start3A_45 : memref<10000x64xi32, #tpu.memory_space<vmem_shared>>) target(%arg9 : memref<128x64xi32, #tpu.memory_space<vmem>>) offsets(%dma_start3A_42 : memref<128xi32, #tpu.memory_space<vmem>>) semaphore(%arg15 : memref<!tpu.dma_semaphore, #tpu.memory_space<semaphore_mem>>)
    %dma_start3A_46 = arith.constant 0 : i32
    %dma_start3A_47 = arith.constant 0 : i32
    %dma_start3A_48 = tpu.memref_slice %arg8[%dma_start3A_46, %dma_start3A_47] : memref<80x128xi32, #tpu.memory_space<vmem>> -> memref<1x128xi32, #tpu.memory_space<vmem>>
    %dma_start3A_49 = tpu.memref_squeeze %dma_start3A_48 : memref<1x128xi32, #tpu.memory_space<vmem>> -> memref<128xi32, #tpu.memory_space<vmem>>
    %dma_start3A_50 = arith.constant 0 : i32
    %dma_start3A_51 = arith.constant 0 : i32
    %dma_start3A_52 = tpu.memref_slice %arg6[%dma_start3A_50, %dma_start3A_51] : memref<10000x64xi32, #tpu.memory_space<vmem_shared>> -> memref<10000x64xi32, #tpu.memory_space<vmem_shared>>
    tpu.enqueue_indirect_dma source(%dma_start3A_52 : memref<10000x64xi32, #tpu.memory_space<vmem_shared>>) target(%arg10 : memref<128x64xi32, #tpu.memory_space<vmem>>) offsets(%dma_start3A_49 : memref<128xi32, #tpu.memory_space<vmem>>) semaphore(%arg16 : memref<!tpu.dma_semaphore, #tpu.memory_space<semaphore_mem>>)
    %scan3A = arith.constant 0 : i32
    %scan3A_53 = arith.constant 40 : i32
    %scan3A_54 = arith.addi %scan3A, %scan3A_53 : i32
    %scan3A_55 = arith.constant 1 : i32
    scf.for %scan3A_57 = %scan3A to %scan3A_54 step %scan3A_55  : i32 {
      %mul3A_58 = arith.constant 2 : i32
      %mul3A_59 = arith.muli %scan3A_57, %mul3A_58 : i32
      %add3A_60 = arith.constant 0 : i32
      %add3A_61 = arith.addi %add3A_60, %mul3A_59 : i32
      %add3A_62 = arith.constant 1 : i32
      %add3A_63 = arith.addi %add3A_61, %add3A_62 : i32
      %dma_start3A_64 = arith.constant 0 : i32
      %dma_start3A_65 = tpu.memref_slice %arg7[%add3A_63, %dma_start3A_64] : memref<80x128xi32, #tpu.memory_space<vmem>> -> memref<1x128xi32, #tpu.memory_space<vmem>>
      %dma_start3A_66 = tpu.memref_squeeze %dma_start3A_65 : memref<1x128xi32, #tpu.memory_space<vmem>> -> memref<128xi32, #tpu.memory_space<vmem>>
      %dma_start3A_67 = arith.constant 0 : i32
      %dma_start3A_68 = arith.constant 0 : i32
      %dma_start3A_69 = tpu.memref_slice %arg6[%dma_start3A_67, %dma_start3A_68] : memref<10000x64xi32, #tpu.memory_space<vmem_shared>> -> memref<10000x64xi32, #tpu.memory_space<vmem_shared>>
      tpu.enqueue_indirect_dma source(%dma_start3A_69 : memref<10000x64xi32, #tpu.memory_space<vmem_shared>>) target(%arg11 : memref<128x64xi32, #tpu.memory_space<vmem>>) offsets(%dma_start3A_66 : memref<128xi32, #tpu.memory_space<vmem>>) semaphore(%arg17 : memref<!tpu.dma_semaphore, #tpu.memory_space<semaphore_mem>>)
      %dma_start3A_70 = arith.constant 0 : i32
      %dma_start3A_71 = tpu.memref_slice %arg8[%add3A_63, %dma_start3A_70] : memref<80x128xi32, #tpu.memory_space<vmem>> -> memref<1x128xi32, #tpu.memory_space<vmem>>
      %dma_start3A_72 = tpu.memref_squeeze %dma_start3A_71 : memref<1x128xi32, #tpu.memory_space<vmem>> -> memref<128xi32, #tpu.memory_space<vmem>>
      %dma_start3A_73 = arith.constant 0 : i32
      %dma_start3A_74 = arith.constant 0 : i32
      %dma_start3A_75 = tpu.memref_slice %arg6[%dma_start3A_73, %dma_start3A_74] : memref<10000x64xi32, #tpu.memory_space<vmem_shared>> -> memref<10000x64xi32, #tpu.memory_space<vmem_shared>>
      tpu.enqueue_indirect_dma source(%dma_start3A_75 : memref<10000x64xi32, #tpu.memory_space<vmem_shared>>) target(%arg12 : memref<128x64xi32, #tpu.memory_space<vmem>>) offsets(%dma_start3A_72 : memref<128xi32, #tpu.memory_space<vmem>>) semaphore(%arg18 : memref<!tpu.dma_semaphore, #tpu.memory_space<semaphore_mem>>)
      %dma_wait3A_76 = arith.constant 0 : i32
      %dma_wait3A_77 = tpu.memref_slice %arg7[%add3A_61, %dma_wait3A_76] : memref<80x128xi32, #tpu.memory_space<vmem>> -> memref<1x128xi32, #tpu.memory_space<vmem>>
      %dma_wait3A_78 = tpu.memref_squeeze %dma_wait3A_77 : memref<1x128xi32, #tpu.memory_space<vmem>> -> memref<128xi32, #tpu.memory_space<vmem>>
      %dma_wait3A_79 = arith.constant 0 : i32
      %dma_wait3A_80 = arith.constant 0 : i32
      %dma_wait3A_81 = tpu.memref_slice %arg6[%dma_wait3A_79, %dma_wait3A_80] : memref<10000x64xi32, #tpu.memory_space<vmem_shared>> -> memref<10000x64xi32, #tpu.memory_space<vmem_shared>>
      tpu.wait_indirect_dma semaphore(%arg15 : memref<!tpu.dma_semaphore, #tpu.memory_space<semaphore_mem>>) src(%dma_wait3A_81 : memref<10000x64xi32, #tpu.memory_space<vmem_shared>>) dst(%arg9 : memref<128x64xi32, #tpu.memory_space<vmem>>)
      %dma_wait3A_82 = arith.constant 0 : i32
      %dma_wait3A_83 = tpu.memref_slice %arg8[%add3A_61, %dma_wait3A_82] : memref<80x128xi32, #tpu.memory_space<vmem>> -> memref<1x128xi32, #tpu.memory_space<vmem>>
      %dma_wait3A_84 = tpu.memref_squeeze %dma_wait3A_83 : memref<1x128xi32, #tpu.memory_space<vmem>> -> memref<128xi32, #tpu.memory_space<vmem>>
      %dma_wait3A_85 = arith.constant 0 : i32
      %dma_wait3A_86 = arith.constant 0 : i32
      %dma_wait3A_87 = tpu.memref_slice %arg6[%dma_wait3A_85, %dma_wait3A_86] : memref<10000x64xi32, #tpu.memory_space<vmem_shared>> -> memref<10000x64xi32, #tpu.memory_space<vmem_shared>>
      tpu.wait_indirect_dma semaphore(%arg16 : memref<!tpu.dma_semaphore, #tpu.memory_space<semaphore_mem>>) src(%dma_wait3A_87 : memref<10000x64xi32, #tpu.memory_space<vmem_shared>>) dst(%arg10 : memref<128x64xi32, #tpu.memory_space<vmem>>)
      %iota3A = tpu.iota {dimensions = array<i32: 0>} : vector<16xi32>
      %eq3A_88 = arith.constant 15 : i32
      %eq3A_89 = vector.broadcast %eq3A_88 : i32 to vector<16xi32>
      %eq3A_90 = arith.cmpi eq, %iota3A, %eq3A_89 : vector<16xi32>
      %parallel_loop3A = arith.constant 0 : i32
      %parallel_loop3A_91 = arith.constant 8 : i32
      %parallel_loop3A_92 = arith.constant 1 : i32
      scf.for %parallel_loop3A_123 = %parallel_loop3A to %parallel_loop3A_91 step %parallel_loop3A_92  : i32 {
        %parallel_loop3A_124 = arith.constant 128 : i32
        %parallel_loop3A_125 = arith.muli %add3A_61, %parallel_loop3A_124 : i32
        %parallel_loop3A_126 = arith.constant 16 : i32
        %parallel_loop3A_127 = arith.muli %parallel_loop3A_123, %parallel_loop3A_126 : i32
        %parallel_loop3A_128 = arith.addi %parallel_loop3A_125, %parallel_loop3A_127 : i32
        %parallel_loop3A_129 = arith.constant 0 : i32
        %parallel_loop3A_130 = vector.broadcast %parallel_loop3A_129 : i32 to vector<16xi32>
        %parallel_loop3A_131 = vector.broadcast %parallel_loop3A_128 : i32 to vector<16xi32>
        %parallel_loop3A_132 = arith.addi %parallel_loop3A_130, %parallel_loop3A_131 : vector<16xi32>
        %parallel_loop3A_133 = arith.constant 16 : i32
        %parallel_loop3A_134 = arith.muli %parallel_loop3A_123, %parallel_loop3A_133 : i32
        %parallel_loop3A_135 = arith.constant 0 : i32
        %parallel_loop3A_136 = arith.addi %parallel_loop3A_134, %parallel_loop3A_135 : i32
        %parallel_loop3A_137 = arith.index_cast %parallel_loop3A_136 : i32 to index
        %parallel_loop3A_138 = arith.constant 0 : index
        %parallel_loop3A_139 = tpu.vector_load %arg9[%parallel_loop3A_137, %parallel_loop3A_138] {strides = array<i32>} : memref<128x64xi32, #tpu.memory_space<vmem>>, vector<16xi32>,
        %parallel_loop3A_140 = vector.bitcast %parallel_loop3A_139 : vector<16xi32> to vector<32xbf16>
        %parallel_loop3A_141 = arith.index_cast %parallel_loop3A_136 : i32 to index
        %parallel_loop3A_142 = arith.constant 0 : index
        %parallel_loop3A_143 = tpu.vector_load %arg10[%parallel_loop3A_141, %parallel_loop3A_142] {strides = array<i32>} : memref<128x64xi32, #tpu.memory_space<vmem>>, vector<16xi32>,
        %parallel_loop3A_144 = vector.bitcast %parallel_loop3A_143 : vector<16xi32> to vector<32xbf16>
        %parallel_loop3A_145 = tpu.unpack_subelements %parallel_loop3A_140, 0 {pack_format = #tpu.pack_format<interleaved>} : vector<32xbf16> -> vector<16xf32>
        %parallel_loop3A_146 = tpu.unpack_subelements %parallel_loop3A_140, 1 {pack_format = #tpu.pack_format<interleaved>} : vector<32xbf16> -> vector<16xf32>
        %parallel_loop3A_147 = tpu.unpack_subelements %parallel_loop3A_144, 0 {pack_format = #tpu.pack_format<interleaved>} : vector<32xbf16> -> vector<16xf32>
        %parallel_loop3A_148 = tpu.unpack_subelements %parallel_loop3A_144, 1 {pack_format = #tpu.pack_format<interleaved>} : vector<32xbf16> -> vector<16xf32>
        %parallel_loop3A_149 = arith.mulf %parallel_loop3A_145, %parallel_loop3A_147 : vector<16xf32>
        %parallel_loop3A_150 = arith.mulf %parallel_loop3A_146, %parallel_loop3A_148 : vector<16xf32>
        %parallel_loop3A_151 = arith.addf %parallel_loop3A_149, %parallel_loop3A_150 : vector<16xf32>
        %parallel_loop3A_152 = arith.index_cast %parallel_loop3A_136 : i32 to index
        %parallel_loop3A_153 = arith.constant 16 : index
        %parallel_loop3A_154 = tpu.vector_load %arg9[%parallel_loop3A_152, %parallel_loop3A_153] {strides = array<i32>} : memref<128x64xi32, #tpu.memory_space<vmem>>, vector<16xi32>,
        %parallel_loop3A_155 = vector.bitcast %parallel_loop3A_154 : vector<16xi32> to vector<32xbf16>
        %parallel_loop3A_156 = arith.index_cast %parallel_loop3A_136 : i32 to index
        %parallel_loop3A_157 = arith.constant 16 : index
        %parallel_loop3A_158 = tpu.vector_load %arg10[%parallel_loop3A_156, %parallel_loop3A_157] {strides = array<i32>} : memref<128x64xi32, #tpu.memory_space<vmem>>, vector<16xi32>,
        %parallel_loop3A_159 = vector.bitcast %parallel_loop3A_158 : vector<16xi32> to vector<32xbf16>
        %parallel_loop3A_160 = tpu.unpack_subelements %parallel_loop3A_155, 0 {pack_format = #tpu.pack_format<interleaved>} : vector<32xbf16> -> vector<16xf32>
        %parallel_loop3A_161 = tpu.unpack_subelements %parallel_loop3A_155, 1 {pack_format = #tpu.pack_format<interleaved>} : vector<32xbf16> -> vector<16xf32>
        %parallel_loop3A_162 = tpu.unpack_subelements %parallel_loop3A_159, 0 {pack_format = #tpu.pack_format<interleaved>} : vector<32xbf16> -> vector<16xf32>
        %parallel_loop3A_163 = tpu.unpack_subelements %parallel_loop3A_159, 1 {pack_format = #tpu.pack_format<interleaved>} : vector<32xbf16> -> vector<16xf32>
        %parallel_loop3A_164 = arith.mulf %parallel_loop3A_160, %parallel_loop3A_162 : vector<16xf32>
        %parallel_loop3A_165 = arith.mulf %parallel_loop3A_161, %parallel_loop3A_163 : vector<16xf32>
        %parallel_loop3A_166 = arith.addf %parallel_loop3A_164, %parallel_loop3A_165 : vector<16xf32>
        %parallel_loop3A_167 = arith.addf %parallel_loop3A_151, %parallel_loop3A_166 : vector<16xf32>
        %parallel_loop3A_168 = arith.index_cast %parallel_loop3A_136 : i32 to index
        %parallel_loop3A_169 = arith.constant 32 : index
        %parallel_loop3A_170 = tpu.vector_load %arg9[%parallel_loop3A_168, %parallel_loop3A_169] {strides = array<i32>} : memref<128x64xi32, #tpu.memory_space<vmem>>, vector<16xi32>,
        %parallel_loop3A_171 = vector.bitcast %parallel_loop3A_170 : vector<16xi32> to vector<32xbf16>
        %parallel_loop3A_172 = arith.index_cast %parallel_loop3A_136 : i32 to index
        %parallel_loop3A_173 = arith.constant 32 : index
        %parallel_loop3A_174 = tpu.vector_load %arg10[%parallel_loop3A_172, %parallel_loop3A_173] {strides = array<i32>} : memref<128x64xi32, #tpu.memory_space<vmem>>, vector<16xi32>,
        %parallel_loop3A_175 = vector.bitcast %parallel_loop3A_174 : vector<16xi32> to vector<32xbf16>
        %parallel_loop3A_176 = tpu.unpack_subelements %parallel_loop3A_171, 0 {pack_format = #tpu.pack_format<interleaved>} : vector<32xbf16> -> vector<16xf32>
        %parallel_loop3A_177 = tpu.unpack_subelements %parallel_loop3A_171, 1 {pack_format = #tpu.pack_format<interleaved>} : vector<32xbf16> -> vector<16xf32>
        %parallel_loop3A_178 = tpu.unpack_subelements %parallel_loop3A_175, 0 {pack_format = #tpu.pack_format<interleaved>} : vector<32xbf16> -> vector<16xf32>
        %parallel_loop3A_179 = tpu.unpack_subelements %parallel_loop3A_175, 1 {pack_format = #tpu.pack_format<interleaved>} : vector<32xbf16> -> vector<16xf32>
        %parallel_loop3A_180 = arith.mulf %parallel_loop3A_176, %parallel_loop3A_178 : vector<16xf32>
        %parallel_loop3A_181 = arith.mulf %parallel_loop3A_177, %parallel_loop3A_179 : vector<16xf32>
        %parallel_loop3A_182 = arith.addf %parallel_loop3A_180, %parallel_loop3A_181 : vector<16xf32>
        %parallel_loop3A_183 = arith.addf %parallel_loop3A_167, %parallel_loop3A_182 : vector<16xf32>
        %parallel_loop3A_184 = arith.index_cast %parallel_loop3A_136 : i32 to index
        %parallel_loop3A_185 = arith.constant 48 : index
        %parallel_loop3A_186 = tpu.vector_load %arg9[%parallel_loop3A_184, %parallel_loop3A_185] {strides = array<i32>} : memref<128x64xi32, #tpu.memory_space<vmem>>, vector<16xi32>,
        %parallel_loop3A_187 = vector.bitcast %parallel_loop3A_186 : vector<16xi32> to vector<32xbf16>
        %parallel_loop3A_188 = arith.index_cast %parallel_loop3A_136 : i32 to index
        %parallel_loop3A_189 = arith.constant 48 : index
        %parallel_loop3A_190 = tpu.vector_load %arg10[%parallel_loop3A_188, %parallel_loop3A_189] {strides = array<i32>} : memref<128x64xi32, #tpu.memory_space<vmem>>, vector<16xi32>,
        %parallel_loop3A_191 = vector.bitcast %parallel_loop3A_190 : vector<16xi32> to vector<32xbf16>
        %parallel_loop3A_192 = tpu.unpack_subelements %parallel_loop3A_187, 0 {pack_format = #tpu.pack_format<interleaved>} : vector<32xbf16> -> vector<16xf32>
        %parallel_loop3A_193 = tpu.unpack_subelements %parallel_loop3A_187, 1 {pack_format = #tpu.pack_format<interleaved>} : vector<32xbf16> -> vector<16xf32>
        %parallel_loop3A_194 = tpu.unpack_subelements %parallel_loop3A_191, 0 {pack_format = #tpu.pack_format<interleaved>} : vector<32xbf16> -> vector<16xf32>
        %parallel_loop3A_195 = tpu.unpack_subelements %parallel_loop3A_191, 1 {pack_format = #tpu.pack_format<interleaved>} : vector<32xbf16> -> vector<16xf32>
        %parallel_loop3A_196 = arith.mulf %parallel_loop3A_192, %parallel_loop3A_194 : vector<16xf32>
        %parallel_loop3A_197 = arith.mulf %parallel_loop3A_193, %parallel_loop3A_195 : vector<16xf32>
        %parallel_loop3A_198 = arith.addf %parallel_loop3A_196, %parallel_loop3A_197 : vector<16xf32>
        %parallel_loop3A_199 = arith.addf %parallel_loop3A_183, %parallel_loop3A_198 : vector<16xf32>
        %parallel_loop3A_200 = arith.constant true
        %parallel_loop3A_201 = vector.broadcast %parallel_loop3A_200 : i1 to vector<16xi1>
        %parallel_loop3A_202 = tpu.scan <sum>, %parallel_loop3A_199 masked %parallel_loop3A_201 : vector<16xf32>, vector<16xi1> -> vector<16xf32>
        %parallel_loop3A_203 = arith.constant 0 : i32
        %parallel_loop3A_204 = vector.broadcast %parallel_loop3A_203 : i32 to vector<16xi32>
        %parallel_loop3A_205 = arith.addi %parallel_loop3A_132, %parallel_loop3A_204 : vector<16xi32>
        tpu.vector_store_idx %arg13[%parallel_loop3A_205], %parallel_loop3A_202 masked %eq3A_90 : memref<10240xf32, #tpu.memory_space<vmem>>[vector<16xi32>], vector<16xf32>, vector<16xi1>
        %parallel_loop3A_206 = arith.constant 16 : i32
        %parallel_loop3A_207 = arith.muli %parallel_loop3A_123, %parallel_loop3A_206 : i32
        %parallel_loop3A_208 = arith.constant 1 : i32
        %parallel_loop3A_209 = arith.addi %parallel_loop3A_207, %parallel_loop3A_208 : i32
        %parallel_loop3A_210 = arith.index_cast %parallel_loop3A_209 : i32 to index
        %parallel_loop3A_211 = arith.constant 0 : index
        %parallel_loop3A_212 = tpu.vector_load %arg9[%parallel_loop3A_210, %parallel_loop3A_211] {strides = array<i32>} : memref<128x64xi32, #tpu.memory_space<vmem>>, vector<16xi32>,
        %parallel_loop3A_213 = vector.bitcast %parallel_loop3A_212 : vector<16xi32> to vector<32xbf16>
        %parallel_loop3A_214 = arith.index_cast %parallel_loop3A_209 : i32 to index
        %parallel_loop3A_215 = arith.constant 0 : index
        %parallel_loop3A_216 = tpu.vector_load %arg10[%parallel_loop3A_214, %parallel_loop3A_215] {strides = array<i32>} : memref<128x64xi32, #tpu.memory_space<vmem>>, vector<16xi32>,
        %parallel_loop3A_217 = vector.bitcast %parallel_loop3A_216 : vector<16xi32> to vector<32xbf16>
        %parallel_loop3A_218 = tpu.unpack_subelements %parallel_loop3A_213, 0 {pack_format = #tpu.pack_format<interleaved>} : vector<32xbf16> -> vector<16xf32>
        %parallel_loop3A_219 = tpu.unpack_subelements %parallel_loop3A_213, 1 {pack_format = #tpu.pack_format<interleaved>} : vector<32xbf16> -> vector<16xf32>
        %parallel_loop3A_220 = tpu.unpack_subelements %parallel_loop3A_217, 0 {pack_format = #tpu.pack_format<interleaved>} : vector<32xbf16> -> vector<16xf32>
        %parallel_loop3A_221 = tpu.unpack_subelements %parallel_loop3A_217, 1 {pack_format = #tpu.pack_format<interleaved>} : vector<32xbf16> -> vector<16xf32>
        %parallel_loop3A_222 = arith.mulf %parallel_loop3A_218, %parallel_loop3A_220 : vector<16xf32>
        %parallel_loop3A_223 = arith.mulf %parallel_loop3A_219, %parallel_loop3A_221 : vector<16xf32>
        %parallel_loop3A_224 = arith.addf %parallel_loop3A_222, %parallel_loop3A_223 : vector<16xf32>
        %parallel_loop3A_225 = arith.index_cast %parallel_loop3A_209 : i32 to index
        %parallel_loop3A_226 = arith.constant 16 : index
        %parallel_loop3A_227 = tpu.vector_load %arg9[%parallel_loop3A_225, %parallel_loop3A_226] {strides = array<i32>} : memref<128x64xi32, #tpu.memory_space<vmem>>, vector<16xi32>,
        %parallel_loop3A_228 = vector.bitcast %parallel_loop3A_227 : vector<16xi32> to vector<32xbf16>
        %parallel_loop3A_229 = arith.index_cast %parallel_loop3A_209 : i32 to index
        %parallel_loop3A_230 = arith.constant 16 : index
        %parallel_loop3A_231 = tpu.vector_load %arg10[%parallel_loop3A_229, %parallel_loop3A_230] {strides = array<i32>} : memref<128x64xi32, #tpu.memory_space<vmem>>, vector<16xi32>,
        %parallel_loop3A_232 = vector.bitcast %parallel_loop3A_231 : vector<16xi32> to vector<32xbf16>
        %parallel_loop3A_233 = tpu.unpack_subelements %parallel_loop3A_228, 0 {pack_format = #tpu.pack_format<interleaved>} : vector<32xbf16> -> vector<16xf32>
        %parallel_loop3A_234 = tpu.unpack_subelements %parallel_loop3A_228, 1 {pack_format = #tpu.pack_format<interleaved>} : vector<32xbf16> -> vector<16xf32>
        %parallel_loop3A_235 = tpu.unpack_subelements %parallel_loop3A_232, 0 {pack_format = #tpu.pack_format<interleaved>} : vector<32xbf16> -> vector<16xf32>
        %parallel_loop3A_236 = tpu.unpack_subelements %parallel_loop3A_232, 1 {pack_format = #tpu.pack_format<interleaved>} : vector<32xbf16> -> vector<16xf32>
        %parallel_loop3A_237 = arith.mulf %parallel_loop3A_233, %parallel_loop3A_235 : vector<16xf32>
        %parallel_loop3A_238 = arith.mulf %parallel_loop3A_234, %parallel_loop3A_236 : vector<16xf32>
        %parallel_loop3A_239 = arith.addf %parallel_loop3A_237, %parallel_loop3A_238 : vector<16xf32>
        %parallel_loop3A_240 = arith.addf %parallel_loop3A_224, %parallel_loop3A_239 : vector<16xf32>
        %parallel_loop3A_241 = arith.index_cast %parallel_loop3A_209 : i32 to index
        %parallel_loop3A_242 = arith.constant 32 : index
        %parallel_loop3A_243 = tpu.vector_load %arg9[%parallel_loop3A_241, %parallel_loop3A_242] {strides = array<i32>} : memref<128x64xi32, #tpu.memory_space<vmem>>, vector<16xi32>,
        %parallel_loop3A_244 = vector.bitcast %parallel_loop3A_243 : vector<16xi32> to vector<32xbf16>
        %parallel_loop3A_245 = arith.index_cast %parallel_loop3A_209 : i32 to index
        %parallel_loop3A_246 = arith.constant 32 : index
        %parallel_loop3A_247 = tpu.vector_load %arg10[%parallel_loop3A_245, %parallel_loop3A_246] {strides = array<i32>} : memref<128x64xi32, #tpu.memory_space<vmem>>, vector<16xi32>,
        %parallel_loop3A_248 = vector.bitcast %parallel_loop3A_247 : vector<16xi32> to vector<32xbf16>
        %parallel_loop3A_249 = tpu.unpack_subelements %parallel_loop3A_244, 0 {pack_format = #tpu.pack_format<interleaved>} : vector<32xbf16> -> vector<16xf32>
        %parallel_loop3A_250 = tpu.unpack_subelements %parallel_loop3A_244, 1 {pack_format = #tpu.pack_format<interleaved>} : vector<32xbf16> -> vector<16xf32>
        %parallel_loop3A_251 = tpu.unpack_subelements %parallel_loop3A_248, 0 {pack_format = #tpu.pack_format<interleaved>} : vector<32xbf16> -> vector<16xf32>
        %parallel_loop3A_252 = tpu.unpack_subelements %parallel_loop3A_248, 1 {pack_format = #tpu.pack_format<interleaved>} : vector<32xbf16> -> vector<16xf32>
        %parallel_loop3A_253 = arith.mulf %parallel_loop3A_249, %parallel_loop3A_251 : vector<16xf32>
        %parallel_loop3A_254 = arith.mulf %parallel_loop3A_250, %parallel_loop3A_252 : vector<16xf32>
        %parallel_loop3A_255 = arith.addf %parallel_loop3A_253, %parallel_loop3A_254 : vector<16xf32>
        %parallel_loop3A_256 = arith.addf %parallel_loop3A_240, %parallel_loop3A_255 : vector<16xf32>
        %parallel_loop3A_257 = arith.index_cast %parallel_loop3A_209 : i32 to index
        %parallel_loop3A_258 = arith.constant 48 : index
        %parallel_loop3A_259 = tpu.vector_load %arg9[%parallel_loop3A_257, %parallel_loop3A_258] {strides = array<i32>} : memref<128x64xi32, #tpu.memory_space<vmem>>, vector<16xi32>,
        %parallel_loop3A_260 = vector.bitcast %parallel_loop3A_259 : vector<16xi32> to vector<32xbf16>
        %parallel_loop3A_261 = arith.index_cast %parallel_loop3A_209 : i32 to index
        %parallel_loop3A_262 = arith.constant 48 : index
        %parallel_loop3A_263 = tpu.vector_load %arg10[%parallel_loop3A_261, %parallel_loop3A_262] {strides = array<i32>} : memref<128x64xi32, #tpu.memory_space<vmem>>, vector<16xi32>,
        %parallel_loop3A_264 = vector.bitcast %parallel_loop3A_263 : vector<16xi32> to vector<32xbf16>
        %parallel_loop3A_265 = tpu.unpack_subelements %parallel_loop3A_260, 0 {pack_format = #tpu.pack_format<interleaved>} : vector<32xbf16> -> vector<16xf32>
        %parallel_loop3A_266 = tpu.unpack_subelements %parallel_loop3A_260, 1 {pack_format = #tpu.pack_format<interleaved>} : vector<32xbf16> -> vector<16xf32>
        %parallel_loop3A_267 = tpu.unpack_subelements %parallel_loop3A_264, 0 {pack_format = #tpu.pack_format<interleaved>} : vector<32xbf16> -> vector<16xf32>
        %parallel_loop3A_268 = tpu.unpack_subelements %parallel_loop3A_264, 1 {pack_format = #tpu.pack_format<interleaved>} : vector<32xbf16> -> vector<16xf32>
        %parallel_loop3A_269 = arith.mulf %parallel_loop3A_265, %parallel_loop3A_267 : vector<16xf32>
        %parallel_loop3A_270 = arith.mulf %parallel_loop3A_266, %parallel_loop3A_268 : vector<16xf32>
        %parallel_loop3A_271 = arith.addf %parallel_loop3A_269, %parallel_loop3A_270 : vector<16xf32>
        %parallel_loop3A_272 = arith.addf %parallel_loop3A_256, %parallel_loop3A_271 : vector<16xf32>
        %parallel_loop3A_273 = arith.constant true
        %parallel_loop3A_274 = vector.broadcast %parallel_loop3A_273 : i1 to vector<16xi1>
        %parallel_loop3A_275 = tpu.scan <sum>, %parallel_loop3A_272 masked %parallel_loop3A_274 : vector<16xf32>, vector<16xi1> -> vector<16xf32>
        %parallel_loop3A_276 = arith.constant 1 : i32
        %parallel_loop3A_277 = vector.broadcast %parallel_loop3A_276 : i32 to vector<16xi32>
        %parallel_loop3A_278 = arith.addi %parallel_loop3A_132, %parallel_loop3A_277 : vector<16xi32>
        tpu.vector_store_idx %arg13[%parallel_loop3A_278], %parallel_loop3A_275 masked %eq3A_90 : memref<10240xf32, #tpu.memory_space<vmem>>[vector<16xi32>], vector<16xf32>, vector<16xi1>
        %parallel_loop3A_279 = arith.constant 16 : i32
        %parallel_loop3A_280 = arith.muli %parallel_loop3A_123, %parallel_loop3A_279 : i32
        %parallel_loop3A_281 = arith.constant 2 : i32
        %parallel_loop3A_282 = arith.addi %parallel_loop3A_280, %parallel_loop3A_281 : i32
        %parallel_loop3A_283 = arith.index_cast %parallel_loop3A_282 : i32 to index
        %parallel_loop3A_284 = arith.constant 0 : index
        %parallel_loop3A_285 = tpu.vector_load %arg9[%parallel_loop3A_283, %parallel_loop3A_284] {strides = array<i32>} : memref<128x64xi32, #tpu.memory_space<vmem>>, vector<16xi32>,
        %parallel_loop3A_286 = vector.bitcast %parallel_loop3A_285 : vector<16xi32> to vector<32xbf16>
        %parallel_loop3A_287 = arith.index_cast %parallel_loop3A_282 : i32 to index
        %parallel_loop3A_288 = arith.constant 0 : index
        %parallel_loop3A_289 = tpu.vector_load %arg10[%parallel_loop3A_287, %parallel_loop3A_288] {strides = array<i32>} : memref<128x64xi32, #tpu.memory_space<vmem>>, vector<16xi32>,
        %parallel_loop3A_290 = vector.bitcast %parallel_loop3A_289 : vector<16xi32> to vector<32xbf16>
        %parallel_loop3A_291 = tpu.unpack_subelements %parallel_loop3A_286, 0 {pack_format = #tpu.pack_format<interleaved>} : vector<32xbf16> -> vector<16xf32>
        %parallel_loop3A_292 = tpu.unpack_subelements %parallel_loop3A_286, 1 {pack_format = #tpu.pack_format<interleaved>} : vector<32xbf16> -> vector<16xf32>
        %parallel_loop3A_293 = tpu.unpack_subelements %parallel_loop3A_290, 0 {pack_format = #tpu.pack_format<interleaved>} : vector<32xbf16> -> vector<16xf32>
        %parallel_loop3A_294 = tpu.unpack_subelements %parallel_loop3A_290, 1 {pack_format = #tpu.pack_format<interleaved>} : vector<32xbf16> -> vector<16xf32>
        %parallel_loop3A_295 = arith.mulf %parallel_loop3A_291, %parallel_loop3A_293 : vector<16xf32>
        %parallel_loop3A_296 = arith.mulf %parallel_loop3A_292, %parallel_loop3A_294 : vector<16xf32>
        %parallel_loop3A_297 = arith.addf %parallel_loop3A_295, %parallel_loop3A_296 : vector<16xf32>
        %parallel_loop3A_298 = arith.index_cast %parallel_loop3A_282 : i32 to index
        %parallel_loop3A_299 = arith.constant 16 : index
        %parallel_loop3A_300 = tpu.vector_load %arg9[%parallel_loop3A_298, %parallel_loop3A_299] {strides = array<i32>} : memref<128x64xi32, #tpu.memory_space<vmem>>, vector<16xi32>,
        %parallel_loop3A_301 = vector.bitcast %parallel_loop3A_300 : vector<16xi32> to vector<32xbf16>
        %parallel_loop3A_302 = arith.index_cast %parallel_loop3A_282 : i32 to index
        %parallel_loop3A_303 = arith.constant 16 : index
        %parallel_loop3A_304 = tpu.vector_load %arg10[%parallel_loop3A_302, %parallel_loop3A_303] {strides = array<i32>} : memref<128x64xi32, #tpu.memory_space<vmem>>, vector<16xi32>,
        %parallel_loop3A_305 = vector.bitcast %parallel_loop3A_304 : vector<16xi32> to vector<32xbf16>
        %parallel_loop3A_306 = tpu.unpack_subelements %parallel_loop3A_301, 0 {pack_format = #tpu.pack_format<interleaved>} : vector<32xbf16> -> vector<16xf32>
        %parallel_loop3A_307 = tpu.unpack_subelements %parallel_loop3A_301, 1 {pack_format = #tpu.pack_format<interleaved>} : vector<32xbf16> -> vector<16xf32>
        %parallel_loop3A_308 = tpu.unpack_subelements %parallel_loop3A_305, 0 {pack_format = #tpu.pack_format<interleaved>} : vector<32xbf16> -> vector<16xf32>
        %parallel_loop3A_309 = tpu.unpack_subelements %parallel_loop3A_305, 1 {pack_format = #tpu.pack_format<interleaved>} : vector<32xbf16> -> vector<16xf32>
        %parallel_loop3A_310 = arith.mulf %parallel_loop3A_306, %parallel_loop3A_308 : vector<16xf32>
        %parallel_loop3A_311 = arith.mulf %parallel_loop3A_307, %parallel_loop3A_309 : vector<16xf32>
        %parallel_loop3A_312 = arith.addf %parallel_loop3A_310, %parallel_loop3A_311 : vector<16xf32>
        %parallel_loop3A_313 = arith.addf %parallel_loop3A_297, %parallel_loop3A_312 : vector<16xf32>
        %parallel_loop3A_314 = arith.index_cast %parallel_loop3A_282 : i32 to index
        %parallel_loop3A_315 = arith.constant 32 : index
        %parallel_loop3A_316 = tpu.vector_load %arg9[%parallel_loop3A_314, %parallel_loop3A_315] {strides = array<i32>} : memref<128x64xi32, #tpu.memory_space<vmem>>, vector<16xi32>,
        %parallel_loop3A_317 = vector.bitcast %parallel_loop3A_316 : vector<16xi32> to vector<32xbf16>
        %parallel_loop3A_318 = arith.index_cast %parallel_loop3A_282 : i32 to index
        %parallel_loop3A_319 = arith.constant 32 : index
        %parallel_loop3A_320 = tpu.vector_load %arg10[%parallel_loop3A_318, %parallel_loop3A_319] {strides = array<i32>} : memref<128x64xi32, #tpu.memory_space<vmem>>, vector<16xi32>,
        %parallel_loop3A_321 = vector.bitcast %parallel_loop3A_320 : vector<16xi32> to vector<32xbf16>
        %parallel_loop3A_322 = tpu.unpack_subelements %parallel_loop3A_317, 0 {pack_format = #tpu.pack_format<interleaved>} : vector<32xbf16> -> vector<16xf32>
        %parallel_loop3A_323 = tpu.unpack_subelements %parallel_loop3A_317, 1 {pack_format = #tpu.pack_format<interleaved>} : vector<32xbf16> -> vector<16xf32>
        %parallel_loop3A_324 = tpu.unpack_subelements %parallel_loop3A_321, 0 {pack_format = #tpu.pack_format<interleaved>} : vector<32xbf16> -> vector<16xf32>
        %parallel_loop3A_325 = tpu.unpack_subelements %parallel_loop3A_321, 1 {pack_format = #tpu.pack_format<interleaved>} : vector<32xbf16> -> vector<16xf32>
        %parallel_loop3A_326 = arith.mulf %parallel_loop3A_322, %parallel_loop3A_324 : vector<16xf32>
        %parallel_loop3A_327 = arith.mulf %parallel_loop3A_323, %parallel_loop3A_325 : vector<16xf32>
        %parallel_loop3A_328 = arith.addf %parallel_loop3A_326, %parallel_loop3A_327 : vector<16xf32>
        %parallel_loop3A_329 = arith.addf %parallel_loop3A_313, %parallel_loop3A_328 : vector<16xf32>
        %parallel_loop3A_330 = arith.index_cast %parallel_loop3A_282 : i32 to index
        %parallel_loop3A_331 = arith.constant 48 : index
        %parallel_loop3A_332 = tpu.vector_load %arg9[%parallel_loop3A_330, %parallel_loop3A_331] {strides = array<i32>} : memref<128x64xi32, #tpu.memory_space<vmem>>, vector<16xi32>,
        %parallel_loop3A_333 = vector.bitcast %parallel_loop3A_332 : vector<16xi32> to vector<32xbf16>
        %parallel_loop3A_334 = arith.index_cast %parallel_loop3A_282 : i32 to index
        %parallel_loop3A_335 = arith.constant 48 : index
        %parallel_loop3A_336 = tpu.vector_load %arg10[%parallel_loop3A_334, %parallel_loop3A_335] {strides = array<i32>} : memref<128x64xi32, #tpu.memory_space<vmem>>, vector<16xi32>,
        %parallel_loop3A_337 = vector.bitcast %parallel_loop3A_336 : vector<16xi32> to vector<32xbf16>
        %parallel_loop3A_338 = tpu.unpack_subelements %parallel_loop3A_333, 0 {pack_format = #tpu.pack_format<interleaved>} : vector<32xbf16> -> vector<16xf32>
        %parallel_loop3A_339 = tpu.unpack_subelements %parallel_loop3A_333, 1 {pack_format = #tpu.pack_format<interleaved>} : vector<32xbf16> -> vector<16xf32>
        %parallel_loop3A_340 = tpu.unpack_subelements %parallel_loop3A_337, 0 {pack_format = #tpu.pack_format<interleaved>} : vector<32xbf16> -> vector<16xf32>
        %parallel_loop3A_341 = tpu.unpack_subelements %parallel_loop3A_337, 1 {pack_format = #tpu.pack_format<interleaved>} : vector<32xbf16> -> vector<16xf32>
        %parallel_loop3A_342 = arith.mulf %parallel_loop3A_338, %parallel_loop3A_340 : vector<16xf32>
        %parallel_loop3A_343 = arith.mulf %parallel_loop3A_339, %parallel_loop3A_341 : vector<16xf32>
        %parallel_loop3A_344 = arith.addf %parallel_loop3A_342, %parallel_loop3A_343 : vector<16xf32>
        %parallel_loop3A_345 = arith.addf %parallel_loop3A_329, %parallel_loop3A_344 : vector<16xf32>
        %parallel_loop3A_346 = arith.constant true
        %parallel_loop3A_347 = vector.broadcast %parallel_loop3A_346 : i1 to vector<16xi1>
        %parallel_loop3A_348 = tpu.scan <sum>, %parallel_loop3A_345 masked %parallel_loop3A_347 : vector<16xf32>, vector<16xi1> -> vector<16xf32>
        %parallel_loop3A_349 = arith.constant 2 : i32
        %parallel_loop3A_350 = vector.broadcast %parallel_loop3A_349 : i32 to vector<16xi32>
        %parallel_loop3A_351 = arith.addi %parallel_loop3A_132, %parallel_loop3A_350 : vector<16xi32>
        tpu.vector_store_idx %arg13[%parallel_loop3A_351], %parallel_loop3A_348 masked %eq3A_90 : memref<10240xf32, #tpu.memory_space<vmem>>[vector<16xi32>], vector<16xf32>, vector<16xi1>
        %parallel_loop3A_352 = arith.constant 16 : i32
        %parallel_loop3A_353 = arith.muli %parallel_loop3A_123, %parallel_loop3A_352 : i32
        %parallel_loop3A_354 = arith.constant 3 : i32
        %parallel_loop3A_355 = arith.addi %parallel_loop3A_353, %parallel_loop3A_354 : i32
        %parallel_loop3A_356 = arith.index_cast %parallel_loop3A_355 : i32 to index
        %parallel_loop3A_357 = arith.constant 0 : index
        %parallel_loop3A_358 = tpu.vector_load %arg9[%parallel_loop3A_356, %parallel_loop3A_357] {strides = array<i32>} : memref<128x64xi32, #tpu.memory_space<vmem>>, vector<16xi32>,
        %parallel_loop3A_359 = vector.bitcast %parallel_loop3A_358 : vector<16xi32> to vector<32xbf16>
        %parallel_loop3A_360 = arith.index_cast %parallel_loop3A_355 : i32 to index
        %parallel_loop3A_361 = arith.constant 0 : index
        %parallel_loop3A_362 = tpu.vector_load %arg10[%parallel_loop3A_360, %parallel_loop3A_361] {strides = array<i32>} : memref<128x64xi32, #tpu.memory_space<vmem>>, vector<16xi32>,
        %parallel_loop3A_363 = vector.bitcast %parallel_loop3A_362 : vector<16xi32> to vector<32xbf16>
        %parallel_loop3A_364 = tpu.unpack_subelements %parallel_loop3A_359, 0 {pack_format = #tpu.pack_format<interleaved>} : vector<32xbf16> -> vector<16xf32>
        %parallel_loop3A_365 = tpu.unpack_subelements %parallel_loop3A_359, 1 {pack_format = #tpu.pack_format<interleaved>} : vector<32xbf16> -> vector<16xf32>
        %parallel_loop3A_366 = tpu.unpack_subelements %parallel_loop3A_363, 0 {pack_format = #tpu.pack_format<interleaved>} : vector<32xbf16> -> vector<16xf32>
        %parallel_loop3A_367 = tpu.unpack_subelements %parallel_loop3A_363, 1 {pack_format = #tpu.pack_format<interleaved>} : vector<32xbf16> -> vector<16xf32>
        %parallel_loop3A_368 = arith.mulf %parallel_loop3A_364, %parallel_loop3A_366 : vector<16xf32>
        %parallel_loop3A_369 = arith.mulf %parallel_loop3A_365, %parallel_loop3A_367 : vector<16xf32>
        %parallel_loop3A_370 = arith.addf %parallel_loop3A_368, %parallel_loop3A_369 : vector<16xf32>
        %parallel_loop3A_371 = arith.index_cast %parallel_loop3A_355 : i32 to index
        %parallel_loop3A_372 = arith.constant 16 : index
        %parallel_loop3A_373 = tpu.vector_load %arg9[%parallel_loop3A_371, %parallel_loop3A_372] {strides = array<i32>} : memref<128x64xi32, #tpu.memory_space<vmem>>, vector<16xi32>,
        %parallel_loop3A_374 = vector.bitcast %parallel_loop3A_373 : vector<16xi32> to vector<32xbf16>
        %parallel_loop3A_375 = arith.index_cast %parallel_loop3A_355 : i32 to index
        %parallel_loop3A_376 = arith.constant 16 : index
        %parallel_loop3A_377 = tpu.vector_load %arg10[%parallel_loop3A_375, %parallel_loop3A_376] {strides = array<i32>} : memref<128x64xi32, #tpu.memory_space<vmem>>, vector<16xi32>,
        %parallel_loop3A_378 = vector.bitcast %parallel_loop3A_377 : vector<16xi32> to vector<32xbf16>
        %parallel_loop3A_379 = tpu.unpack_subelements %parallel_loop3A_374, 0 {pack_format = #tpu.pack_format<interleaved>} : vector<32xbf16> -> vector<16xf32>
        %parallel_loop3A_380 = tpu.unpack_subelements %parallel_loop3A_374, 1 {pack_format = #tpu.pack_format<interleaved>} : vector<32xbf16> -> vector<16xf32>
        %parallel_loop3A_381 = tpu.unpack_subelements %parallel_loop3A_378, 0 {pack_format = #tpu.pack_format<interleaved>} : vector<32xbf16> -> vector<16xf32>
        %parallel_loop3A_382 = tpu.unpack_subelements %parallel_loop3A_378, 1 {pack_format = #tpu.pack_format<interleaved>} : vector<32xbf16> -> vector<16xf32>
        %parallel_loop3A_383 = arith.mulf %parallel_loop3A_379, %parallel_loop3A_381 : vector<16xf32>
        %parallel_loop3A_384 = arith.mulf %parallel_loop3A_380, %parallel_loop3A_382 : vector<16xf32>
        %parallel_loop3A_385 = arith.addf %parallel_loop3A_383, %parallel_loop3A_384 : vector<16xf32>
        %parallel_loop3A_386 = arith.addf %parallel_loop3A_370, %parallel_loop3A_385 : vector<16xf32>
        %parallel_loop3A_387 = arith.index_cast %parallel_loop3A_355 : i32 to index
        %parallel_loop3A_388 = arith.constant 32 : index
        %parallel_loop3A_389 = tpu.vector_load %arg9[%parallel_loop3A_387, %parallel_loop3A_388] {strides = array<i32>} : memref<128x64xi32, #tpu.memory_space<vmem>>, vector<16xi32>,
        %parallel_loop3A_390 = vector.bitcast %parallel_loop3A_389 : vector<16xi32> to vector<32xbf16>
        %parallel_loop3A_391 = arith.index_cast %parallel_loop3A_355 : i32 to index
        %parallel_loop3A_392 = arith.constant 32 : index
        %parallel_loop3A_393 = tpu.vector_load %arg10[%parallel_loop3A_391, %parallel_loop3A_392] {strides = array<i32>} : memref<128x64xi32, #tpu.memory_space<vmem>>, vector<16xi32>,
        %parallel_loop3A_394 = vector.bitcast %parallel_loop3A_393 : vector<16xi32> to vector<32xbf16>
        %parallel_loop3A_395 = tpu.unpack_subelements %parallel_loop3A_390, 0 {pack_format = #tpu.pack_format<interleaved>} : vector<32xbf16> -> vector<16xf32>
        %parallel_loop3A_396 = tpu.unpack_subelements %parallel_loop3A_390, 1 {pack_format = #tpu.pack_format<interleaved>} : vector<32xbf16> -> vector<16xf32>
        %parallel_loop3A_397 = tpu.unpack_subelements %parallel_loop3A_394, 0 {pack_format = #tpu.pack_format<interleaved>} : vector<32xbf16> -> vector<16xf32>
        %parallel_loop3A_398 = tpu.unpack_subelements %parallel_loop3A_394, 1 {pack_format = #tpu.pack_format<interleaved>} : vector<32xbf16> -> vector<16xf32>
        %parallel_loop3A_399 = arith.mulf %parallel_loop3A_395, %parallel_loop3A_397 : vector<16xf32>
        %parallel_loop3A_400 = arith.mulf %parallel_loop3A_396, %parallel_loop3A_398 : vector<16xf32>
        %parallel_loop3A_401 = arith.addf %parallel_loop3A_399, %parallel_loop3A_400 : vector<16xf32>
        %parallel_loop3A_402 = arith.addf %parallel_loop3A_386, %parallel_loop3A_401 : vector<16xf32>
        %parallel_loop3A_403 = arith.index_cast %parallel_loop3A_355 : i32 to index
        %parallel_loop3A_404 = arith.constant 48 : index
        %parallel_loop3A_405 = tpu.vector_load %arg9[%parallel_loop3A_403, %parallel_loop3A_404] {strides = array<i32>} : memref<128x64xi32, #tpu.memory_space<vmem>>, vector<16xi32>,
        %parallel_loop3A_406 = vector.bitcast %parallel_loop3A_405 : vector<16xi32> to vector<32xbf16>
        %parallel_loop3A_407 = arith.index_cast %parallel_loop3A_355 : i32 to index
        %parallel_loop3A_408 = arith.constant 48 : index
        %parallel_loop3A_409 = tpu.vector_load %arg10[%parallel_loop3A_407, %parallel_loop3A_408] {strides = array<i32>} : memref<128x64xi32, #tpu.memory_space<vmem>>, vector<16xi32>,
        %parallel_loop3A_410 = vector.bitcast %parallel_loop3A_409 : vector<16xi32> to vector<32xbf16>
        %parallel_loop3A_411 = tpu.unpack_subelements %parallel_loop3A_406, 0 {pack_format = #tpu.pack_format<interleaved>} : vector<32xbf16> -> vector<16xf32>
        %parallel_loop3A_412 = tpu.unpack_subelements %parallel_loop3A_406, 1 {pack_format = #tpu.pack_format<interleaved>} : vector<32xbf16> -> vector<16xf32>
        %parallel_loop3A_413 = tpu.unpack_subelements %parallel_loop3A_410, 0 {pack_format = #tpu.pack_format<interleaved>} : vector<32xbf16> -> vector<16xf32>
        %parallel_loop3A_414 = tpu.unpack_subelements %parallel_loop3A_410, 1 {pack_format = #tpu.pack_format<interleaved>} : vector<32xbf16> -> vector<16xf32>
        %parallel_loop3A_415 = arith.mulf %parallel_loop3A_411, %parallel_loop3A_413 : vector<16xf32>
        %parallel_loop3A_416 = arith.mulf %parallel_loop3A_412, %parallel_loop3A_414 : vector<16xf32>
        %parallel_loop3A_417 = arith.addf %parallel_loop3A_415, %parallel_loop3A_416 : vector<16xf32>
        %parallel_loop3A_418 = arith.addf %parallel_loop3A_402, %parallel_loop3A_417 : vector<16xf32>
        %parallel_loop3A_419 = arith.constant true
        %parallel_loop3A_420 = vector.broadcast %parallel_loop3A_419 : i1 to vector<16xi1>
        %parallel_loop3A_421 = tpu.scan <sum>, %parallel_loop3A_418 masked %parallel_loop3A_420 : vector<16xf32>, vector<16xi1> -> vector<16xf32>
        %parallel_loop3A_422 = arith.constant 3 : i32
        %parallel_loop3A_423 = vector.broadcast %parallel_loop3A_422 : i32 to vector<16xi32>
        %parallel_loop3A_424 = arith.addi %parallel_loop3A_132, %parallel_loop3A_423 : vector<16xi32>
        tpu.vector_store_idx %arg13[%parallel_loop3A_424], %parallel_loop3A_421 masked %eq3A_90 : memref<10240xf32, #tpu.memory_space<vmem>>[vector<16xi32>], vector<16xf32>, vector<16xi1>
        %parallel_loop3A_425 = arith.constant 16 : i32
        %parallel_loop3A_426 = arith.muli %parallel_loop3A_123, %parallel_loop3A_425 : i32
        %parallel_loop3A_427 = arith.constant 4 : i32
        %parallel_loop3A_428 = arith.addi %parallel_loop3A_426, %parallel_loop3A_427 : i32
        %parallel_loop3A_429 = arith.index_cast %parallel_loop3A_428 : i32 to index
        %parallel_loop3A_430 = arith.constant 0 : index
        %parallel_loop3A_431 = tpu.vector_load %arg9[%parallel_loop3A_429, %parallel_loop3A_430] {strides = array<i32>} : memref<128x64xi32, #tpu.memory_space<vmem>>, vector<16xi32>,
        %parallel_loop3A_432 = vector.bitcast %parallel_loop3A_431 : vector<16xi32> to vector<32xbf16>
        %parallel_loop3A_433 = arith.index_cast %parallel_loop3A_428 : i32 to index
        %parallel_loop3A_434 = arith.constant 0 : index
        %parallel_loop3A_435 = tpu.vector_load %arg10[%parallel_loop3A_433, %parallel_loop3A_434] {strides = array<i32>} : memref<128x64xi32, #tpu.memory_space<vmem>>, vector<16xi32>,
        %parallel_loop3A_436 = vector.bitcast %parallel_loop3A_435 : vector<16xi32> to vector<32xbf16>
        %parallel_loop3A_437 = tpu.unpack_subelements %parallel_loop3A_432, 0 {pack_format = #tpu.pack_format<interleaved>} : vector<32xbf16> -> vector<16xf32>
        %parallel_loop3A_438 = tpu.unpack_subelements %parallel_loop3A_432, 1 {pack_format = #tpu.pack_format<interleaved>} : vector<32xbf16> -> vector<16xf32>
        %parallel_loop3A_439 = tpu.unpack_subelements %parallel_loop3A_436, 0 {pack_format = #tpu.pack_format<interleaved>} : vector<32xbf16> -> vector<16xf32>
        %parallel_loop3A_440 = tpu.unpack_subelements %parallel_loop3A_436, 1 {pack_format = #tpu.pack_format<interleaved>} : vector<32xbf16> -> vector<16xf32>
        %parallel_loop3A_441 = arith.mulf %parallel_loop3A_437, %parallel_loop3A_439 : vector<16xf32>
        %parallel_loop3A_442 = arith.mulf %parallel_loop3A_438, %parallel_loop3A_440 : vector<16xf32>
        %parallel_loop3A_443 = arith.addf %parallel_loop3A_441, %parallel_loop3A_442 : vector<16xf32>
        %parallel_loop3A_444 = arith.index_cast %parallel_loop3A_428 : i32 to index
        %parallel_loop3A_445 = arith.constant 16 : index
        %parallel_loop3A_446 = tpu.vector_load %arg9[%parallel_loop3A_444, %parallel_loop3A_445] {strides = array<i32>} : memref<128x64xi32, #tpu.memory_space<vmem>>, vector<16xi32>,
        %parallel_loop3A_447 = vector.bitcast %parallel_loop3A_446 : vector<16xi32> to vector<32xbf16>
        %parallel_loop3A_448 = arith.index_cast %parallel_loop3A_428 : i32 to index
        %parallel_loop3A_449 = arith.constant 16 : index
        %parallel_loop3A_450 = tpu.vector_load %arg10[%parallel_loop3A_448, %parallel_loop3A_449] {strides = array<i32>} : memref<128x64xi32, #tpu.memory_space<vmem>>, vector<16xi32>,
        %parallel_loop3A_451 = vector.bitcast %parallel_loop3A_450 : vector<16xi32> to vector<32xbf16>
        %parallel_loop3A_452 = tpu.unpack_subelements %parallel_loop3A_447, 0 {pack_format = #tpu.pack_format<interleaved>} : vector<32xbf16> -> vector<16xf32>
        %parallel_loop3A_453 = tpu.unpack_subelements %parallel_loop3A_447, 1 {pack_format = #tpu.pack_format<interleaved>} : vector<32xbf16> -> vector<16xf32>
        %parallel_loop3A_454 = tpu.unpack_subelements %parallel_loop3A_451, 0 {pack_format = #tpu.pack_format<interleaved>} : vector<32xbf16> -> vector<16xf32>
        %parallel_loop3A_455 = tpu.unpack_subelements %parallel_loop3A_451, 1 {pack_format = #tpu.pack_format<interleaved>} : vector<32xbf16> -> vector<16xf32>
        %parallel_loop3A_456 = arith.mulf %parallel_loop3A_452, %parallel_loop3A_454 : vector<16xf32>
        %parallel_loop3A_457 = arith.mulf %parallel_loop3A_453, %parallel_loop3A_455 : vector<16xf32>
        %parallel_loop3A_458 = arith.addf %parallel_loop3A_456, %parallel_loop3A_457 : vector<16xf32>
        %parallel_loop3A_459 = arith.addf %parallel_loop3A_443, %parallel_loop3A_458 : vector<16xf32>
        %parallel_loop3A_460 = arith.index_cast %parallel_loop3A_428 : i32 to index
        %parallel_loop3A_461 = arith.constant 32 : index
        %parallel_loop3A_462 = tpu.vector_load %arg9[%parallel_loop3A_460, %parallel_loop3A_461] {strides = array<i32>} : memref<128x64xi32, #tpu.memory_space<vmem>>, vector<16xi32>,
        %parallel_loop3A_463 = vector.bitcast %parallel_loop3A_462 : vector<16xi32> to vector<32xbf16>
        %parallel_loop3A_464 = arith.index_cast %parallel_loop3A_428 : i32 to index
        %parallel_loop3A_465 = arith.constant 32 : index
        %parallel_loop3A_466 = tpu.vector_load %arg10[%parallel_loop3A_464, %parallel_loop3A_465] {strides = array<i32>} : memref<128x64xi32, #tpu.memory_space<vmem>>, vector<16xi32>,
        %parallel_loop3A_467 = vector.bitcast %parallel_loop3A_466 : vector<16xi32> to vector<32xbf16>
        %parallel_loop3A_468 = tpu.unpack_subelements %parallel_loop3A_463, 0 {pack_format = #tpu.pack_format<interleaved>} : vector<32xbf16> -> vector<16xf32>
        %parallel_loop3A_469 = tpu.unpack_subelements %parallel_loop3A_463, 1 {pack_format = #tpu.pack_format<interleaved>} : vector<32xbf16> -> vector<16xf32>
        %parallel_loop3A_470 = tpu.unpack_subelements %parallel_loop3A_467, 0 {pack_format = #tpu.pack_format<interleaved>} : vector<32xbf16> -> vector<16xf32>
        %parallel_loop3A_471 = tpu.unpack_subelements %parallel_loop3A_467, 1 {pack_format = #tpu.pack_format<interleaved>} : vector<32xbf16> -> vector<16xf32>
        %parallel_loop3A_472 = arith.mulf %parallel_loop3A_468, %parallel_loop3A_470 : vector<16xf32>
        %parallel_loop3A_473 = arith.mulf %parallel_loop3A_469, %parallel_loop3A_471 : vector<16xf32>
        %parallel_loop3A_474 = arith.addf %parallel_loop3A_472, %parallel_loop3A_473 : vector<16xf32>
        %parallel_loop3A_475 = arith.addf %parallel_loop3A_459, %parallel_loop3A_474 : vector<16xf32>
        %parallel_loop3A_476 = arith.index_cast %parallel_loop3A_428 : i32 to index
        %parallel_loop3A_477 = arith.constant 48 : index
        %parallel_loop3A_478 = tpu.vector_load %arg9[%parallel_loop3A_476, %parallel_loop3A_477] {strides = array<i32>} : memref<128x64xi32, #tpu.memory_space<vmem>>, vector<16xi32>,
        %parallel_loop3A_479 = vector.bitcast %parallel_loop3A_478 : vector<16xi32> to vector<32xbf16>
        %parallel_loop3A_480 = arith.index_cast %parallel_loop3A_428 : i32 to index
        %parallel_loop3A_481 = arith.constant 48 : index
        %parallel_loop3A_482 = tpu.vector_load %arg10[%parallel_loop3A_480, %parallel_loop3A_481] {strides = array<i32>} : memref<128x64xi32, #tpu.memory_space<vmem>>, vector<16xi32>,
        %parallel_loop3A_483 = vector.bitcast %parallel_loop3A_482 : vector<16xi32> to vector<32xbf16>
        %parallel_loop3A_484 = tpu.unpack_subelements %parallel_loop3A_479, 0 {pack_format = #tpu.pack_format<interleaved>} : vector<32xbf16> -> vector<16xf32>
        %parallel_loop3A_485 = tpu.unpack_subelements %parallel_loop3A_479, 1 {pack_format = #tpu.pack_format<interleaved>} : vector<32xbf16> -> vector<16xf32>
        %parallel_loop3A_486 = tpu.unpack_subelements %parallel_loop3A_483, 0 {pack_format = #tpu.pack_format<interleaved>} : vector<32xbf16> -> vector<16xf32>
        %parallel_loop3A_487 = tpu.unpack_subelements %parallel_loop3A_483, 1 {pack_format = #tpu.pack_format<interleaved>} : vector<32xbf16> -> vector<16xf32>
        %parallel_loop3A_488 = arith.mulf %parallel_loop3A_484, %parallel_loop3A_486 : vector<16xf32>
        %parallel_loop3A_489 = arith.mulf %parallel_loop3A_485, %parallel_loop3A_487 : vector<16xf32>
        %parallel_loop3A_490 = arith.addf %parallel_loop3A_488, %parallel_loop3A_489 : vector<16xf32>
        %parallel_loop3A_491 = arith.addf %parallel_loop3A_475, %parallel_loop3A_490 : vector<16xf32>
        %parallel_loop3A_492 = arith.constant true
        %parallel_loop3A_493 = vector.broadcast %parallel_loop3A_492 : i1 to vector<16xi1>
        %parallel_loop3A_494 = tpu.scan <sum>, %parallel_loop3A_491 masked %parallel_loop3A_493 : vector<16xf32>, vector<16xi1> -> vector<16xf32>
        %parallel_loop3A_495 = arith.constant 4 : i32
        %parallel_loop3A_496 = vector.broadcast %parallel_loop3A_495 : i32 to vector<16xi32>
        %parallel_loop3A_497 = arith.addi %parallel_loop3A_132, %parallel_loop3A_496 : vector<16xi32>
        tpu.vector_store_idx %arg13[%parallel_loop3A_497], %parallel_loop3A_494 masked %eq3A_90 : memref<10240xf32, #tpu.memory_space<vmem>>[vector<16xi32>], vector<16xf32>, vector<16xi1>
        %parallel_loop3A_498 = arith.constant 16 : i32
        %parallel_loop3A_499 = arith.muli %parallel_loop3A_123, %parallel_loop3A_498 : i32
        %parallel_loop3A_500 = arith.constant 5 : i32
        %parallel_loop3A_501 = arith.addi %parallel_loop3A_499, %parallel_loop3A_500 : i32
        %parallel_loop3A_502 = arith.index_cast %parallel_loop3A_501 : i32 to index
        %parallel_loop3A_503 = arith.constant 0 : index
        %parallel_loop3A_504 = tpu.vector_load %arg9[%parallel_loop3A_502, %parallel_loop3A_503] {strides = array<i32>} : memref<128x64xi32, #tpu.memory_space<vmem>>, vector<16xi32>,
        %parallel_loop3A_505 = vector.bitcast %parallel_loop3A_504 : vector<16xi32> to vector<32xbf16>
        %parallel_loop3A_506 = arith.index_cast %parallel_loop3A_501 : i32 to index
        %parallel_loop3A_507 = arith.constant 0 : index
        %parallel_loop3A_508 = tpu.vector_load %arg10[%parallel_loop3A_506, %parallel_loop3A_507] {strides = array<i32>} : memref<128x64xi32, #tpu.memory_space<vmem>>, vector<16xi32>,
        %parallel_loop3A_509 = vector.bitcast %parallel_loop3A_508 : vector<16xi32> to vector<32xbf16>
        %parallel_loop3A_510 = tpu.unpack_subelements %parallel_loop3A_505, 0 {pack_format = #tpu.pack_format<interleaved>} : vector<32xbf16> -> vector<16xf32>
        %parallel_loop3A_511 = tpu.unpack_subelements %parallel_loop3A_505, 1 {pack_format = #tpu.pack_format<interleaved>} : vector<32xbf16> -> vector<16xf32>
        %parallel_loop3A_512 = tpu.unpack_subelements %parallel_loop3A_509, 0 {pack_format = #tpu.pack_format<interleaved>} : vector<32xbf16> -> vector<16xf32>
        %parallel_loop3A_513 = tpu.unpack_subelements %parallel_loop3A_509, 1 {pack_format = #tpu.pack_format<interleaved>} : vector<32xbf16> -> vector<16xf32>
        %parallel_loop3A_514 = arith.mulf %parallel_loop3A_510, %parallel_loop3A_512 : vector<16xf32>
        %parallel_loop3A_515 = arith.mulf %parallel_loop3A_511, %parallel_loop3A_513 : vector<16xf32>
        %parallel_loop3A_516 = arith.addf %parallel_loop3A_514, %parallel_loop3A_515 : vector<16xf32>
        %parallel_loop3A_517 = arith.index_cast %parallel_loop3A_501 : i32 to index
        %parallel_loop3A_518 = arith.constant 16 : index
        %parallel_loop3A_519 = tpu.vector_load %arg9[%parallel_loop3A_517, %parallel_loop3A_518] {strides = array<i32>} : memref<128x64xi32, #tpu.memory_space<vmem>>, vector<16xi32>,
        %parallel_loop3A_520 = vector.bitcast %parallel_loop3A_519 : vector<16xi32> to vector<32xbf16>
        %parallel_loop3A_521 = arith.index_cast %parallel_loop3A_501 : i32 to index
        %parallel_loop3A_522 = arith.constant 16 : index
        %parallel_loop3A_523 = tpu.vector_load %arg10[%parallel_loop3A_521, %parallel_loop3A_522] {strides = array<i32>} : memref<128x64xi32, #tpu.memory_space<vmem>>, vector<16xi32>,
        %parallel_loop3A_524 = vector.bitcast %parallel_loop3A_523 : vector<16xi32> to vector<32xbf16>
        %parallel_loop3A_525 = tpu.unpack_subelements %parallel_loop3A_520, 0 {pack_format = #tpu.pack_format<interleaved>} : vector<32xbf16> -> vector<16xf32>
        %parallel_loop3A_526 = tpu.unpack_subelements %parallel_loop3A_520, 1 {pack_format = #tpu.pack_format<interleaved>} : vector<32xbf16> -> vector<16xf32>
        %parallel_loop3A_527 = tpu.unpack_subelements %parallel_loop3A_524, 0 {pack_format = #tpu.pack_format<interleaved>} : vector<32xbf16> -> vector<16xf32>
        %parallel_loop3A_528 = tpu.unpack_subelements %parallel_loop3A_524, 1 {pack_format = #tpu.pack_format<interleaved>} : vector<32xbf16> -> vector<16xf32>
        %parallel_loop3A_529 = arith.mulf %parallel_loop3A_525, %parallel_loop3A_527 : vector<16xf32>
        %parallel_loop3A_530 = arith.mulf %parallel_loop3A_526, %parallel_loop3A_528 : vector<16xf32>
        %parallel_loop3A_531 = arith.addf %parallel_loop3A_529, %parallel_loop3A_530 : vector<16xf32>
        %parallel_loop3A_532 = arith.addf %parallel_loop3A_516, %parallel_loop3A_531 : vector<16xf32>
        %parallel_loop3A_533 = arith.index_cast %parallel_loop3A_501 : i32 to index
        %parallel_loop3A_534 = arith.constant 32 : index
        %parallel_loop3A_535 = tpu.vector_load %arg9[%parallel_loop3A_533, %parallel_loop3A_534] {strides = array<i32>} : memref<128x64xi32, #tpu.memory_space<vmem>>, vector<16xi32>,
        %parallel_loop3A_536 = vector.bitcast %parallel_loop3A_535 : vector<16xi32> to vector<32xbf16>
        %parallel_loop3A_537 = arith.index_cast %parallel_loop3A_501 : i32 to index
        %parallel_loop3A_538 = arith.constant 32 : index
        %parallel_loop3A_539 = tpu.vector_load %arg10[%parallel_loop3A_537, %parallel_loop3A_538] {strides = array<i32>} : memref<128x64xi32, #tpu.memory_space<vmem>>, vector<16xi32>,
        %parallel_loop3A_540 = vector.bitcast %parallel_loop3A_539 : vector<16xi32> to vector<32xbf16>
        %parallel_loop3A_541 = tpu.unpack_subelements %parallel_loop3A_536, 0 {pack_format = #tpu.pack_format<interleaved>} : vector<32xbf16> -> vector<16xf32>
        %parallel_loop3A_542 = tpu.unpack_subelements %parallel_loop3A_536, 1 {pack_format = #tpu.pack_format<interleaved>} : vector<32xbf16> -> vector<16xf32>
        %parallel_loop3A_543 = tpu.unpack_subelements %parallel_loop3A_540, 0 {pack_format = #tpu.pack_format<interleaved>} : vector<32xbf16> -> vector<16xf32>
        %parallel_loop3A_544 = tpu.unpack_subelements %parallel_loop3A_540, 1 {pack_format = #tpu.pack_format<interleaved>} : vector<32xbf16> -> vector<16xf32>
        %parallel_loop3A_545 = arith.mulf %parallel_loop3A_541, %parallel_loop3A_543 : vector<16xf32>
        %parallel_loop3A_546 = arith.mulf %parallel_loop3A_542, %parallel_loop3A_544 : vector<16xf32>
        %parallel_loop3A_547 = arith.addf %parallel_loop3A_545, %parallel_loop3A_546 : vector<16xf32>
        %parallel_loop3A_548 = arith.addf %parallel_loop3A_532, %parallel_loop3A_547 : vector<16xf32>
        %parallel_loop3A_549 = arith.index_cast %parallel_loop3A_501 : i32 to index
        %parallel_loop3A_550 = arith.constant 48 : index
        %parallel_loop3A_551 = tpu.vector_load %arg9[%parallel_loop3A_549, %parallel_loop3A_550] {strides = array<i32>} : memref<128x64xi32, #tpu.memory_space<vmem>>, vector<16xi32>,
        %parallel_loop3A_552 = vector.bitcast %parallel_loop3A_551 : vector<16xi32> to vector<32xbf16>
        %parallel_loop3A_553 = arith.index_cast %parallel_loop3A_501 : i32 to index
        %parallel_loop3A_554 = arith.constant 48 : index
        %parallel_loop3A_555 = tpu.vector_load %arg10[%parallel_loop3A_553, %parallel_loop3A_554] {strides = array<i32>} : memref<128x64xi32, #tpu.memory_space<vmem>>, vector<16xi32>,
        %parallel_loop3A_556 = vector.bitcast %parallel_loop3A_555 : vector<16xi32> to vector<32xbf16>
        %parallel_loop3A_557 = tpu.unpack_subelements %parallel_loop3A_552, 0 {pack_format = #tpu.pack_format<interleaved>} : vector<32xbf16> -> vector<16xf32>
        %parallel_loop3A_558 = tpu.unpack_subelements %parallel_loop3A_552, 1 {pack_format = #tpu.pack_format<interleaved>} : vector<32xbf16> -> vector<16xf32>
        %parallel_loop3A_559 = tpu.unpack_subelements %parallel_loop3A_556, 0 {pack_format = #tpu.pack_format<interleaved>} : vector<32xbf16> -> vector<16xf32>
        %parallel_loop3A_560 = tpu.unpack_subelements %parallel_loop3A_556, 1 {pack_format = #tpu.pack_format<interleaved>} : vector<32xbf16> -> vector<16xf32>
        %parallel_loop3A_561 = arith.mulf %parallel_loop3A_557, %parallel_loop3A_559 : vector<16xf32>
        %parallel_loop3A_562 = arith.mulf %parallel_loop3A_558, %parallel_loop3A_560 : vector<16xf32>
        %parallel_loop3A_563 = arith.addf %parallel_loop3A_561, %parallel_loop3A_562 : vector<16xf32>
        %parallel_loop3A_564 = arith.addf %parallel_loop3A_548, %parallel_loop3A_563 : vector<16xf32>
        %parallel_loop3A_565 = arith.constant true
        %parallel_loop3A_566 = vector.broadcast %parallel_loop3A_565 : i1 to vector<16xi1>
        %parallel_loop3A_567 = tpu.scan <sum>, %parallel_loop3A_564 masked %parallel_loop3A_566 : vector<16xf32>, vector<16xi1> -> vector<16xf32>
        %parallel_loop3A_568 = arith.constant 5 : i32
        %parallel_loop3A_569 = vector.broadcast %parallel_loop3A_568 : i32 to vector<16xi32>
        %parallel_loop3A_570 = arith.addi %parallel_loop3A_132, %parallel_loop3A_569 : vector<16xi32>
        tpu.vector_store_idx %arg13[%parallel_loop3A_570], %parallel_loop3A_567 masked %eq3A_90 : memref<10240xf32, #tpu.memory_space<vmem>>[vector<16xi32>], vector<16xf32>, vector<16xi1>
        %parallel_loop3A_571 = arith.constant 16 : i32
        %parallel_loop3A_572 = arith.muli %parallel_loop3A_123, %parallel_loop3A_571 : i32
        %parallel_loop3A_573 = arith.constant 6 : i32
        %parallel_loop3A_574 = arith.addi %parallel_loop3A_572, %parallel_loop3A_573 : i32
        %parallel_loop3A_575 = arith.index_cast %parallel_loop3A_574 : i32 to index
        %parallel_loop3A_576 = arith.constant 0 : index
        %parallel_loop3A_577 = tpu.vector_load %arg9[%parallel_loop3A_575, %parallel_loop3A_576] {strides = array<i32>} : memref<128x64xi32, #tpu.memory_space<vmem>>, vector<16xi32>,
        %parallel_loop3A_578 = vector.bitcast %parallel_loop3A_577 : vector<16xi32> to vector<32xbf16>
        %parallel_loop3A_579 = arith.index_cast %parallel_loop3A_574 : i32 to index
        %parallel_loop3A_580 = arith.constant 0 : index
        %parallel_loop3A_581 = tpu.vector_load %arg10[%parallel_loop3A_579, %parallel_loop3A_580] {strides = array<i32>} : memref<128x64xi32, #tpu.memory_space<vmem>>, vector<16xi32>,
        %parallel_loop3A_582 = vector.bitcast %parallel_loop3A_581 : vector<16xi32> to vector<32xbf16>
        %parallel_loop3A_583 = tpu.unpack_subelements %parallel_loop3A_578, 0 {pack_format = #tpu.pack_format<interleaved>} : vector<32xbf16> -> vector<16xf32>
        %parallel_loop3A_584 = tpu.unpack_subelements %parallel_loop3A_578, 1 {pack_format = #tpu.pack_format<interleaved>} : vector<32xbf16> -> vector<16xf32>
        %parallel_loop3A_585 = tpu.unpack_subelements %parallel_loop3A_582, 0 {pack_format = #tpu.pack_format<interleaved>} : vector<32xbf16> -> vector<16xf32>
        %parallel_loop3A_586 = tpu.unpack_subelements %parallel_loop3A_582, 1 {pack_format = #tpu.pack_format<interleaved>} : vector<32xbf16> -> vector<16xf32>
        %parallel_loop3A_587 = arith.mulf %parallel_loop3A_583, %parallel_loop3A_585 : vector<16xf32>
        %parallel_loop3A_588 = arith.mulf %parallel_loop3A_584, %parallel_loop3A_586 : vector<16xf32>
        %parallel_loop3A_589 = arith.addf %parallel_loop3A_587, %parallel_loop3A_588 : vector<16xf32>
        %parallel_loop3A_590 = arith.index_cast %parallel_loop3A_574 : i32 to index
        %parallel_loop3A_591 = arith.constant 16 : index
        %parallel_loop3A_592 = tpu.vector_load %arg9[%parallel_loop3A_590, %parallel_loop3A_591] {strides = array<i32>} : memref<128x64xi32, #tpu.memory_space<vmem>>, vector<16xi32>,
        %parallel_loop3A_593 = vector.bitcast %parallel_loop3A_592 : vector<16xi32> to vector<32xbf16>
        %parallel_loop3A_594 = arith.index_cast %parallel_loop3A_574 : i32 to index
        %parallel_loop3A_595 = arith.constant 16 : index
        %parallel_loop3A_596 = tpu.vector_load %arg10[%parallel_loop3A_594, %parallel_loop3A_595] {strides = array<i32>} : memref<128x64xi32, #tpu.memory_space<vmem>>, vector<16xi32>,
        %parallel_loop3A_597 = vector.bitcast %parallel_loop3A_596 : vector<16xi32> to vector<32xbf16>
        %parallel_loop3A_598 = tpu.unpack_subelements %parallel_loop3A_593, 0 {pack_format = #tpu.pack_format<interleaved>} : vector<32xbf16> -> vector<16xf32>
        %parallel_loop3A_599 = tpu.unpack_subelements %parallel_loop3A_593, 1 {pack_format = #tpu.pack_format<interleaved>} : vector<32xbf16> -> vector<16xf32>
        %parallel_loop3A_600 = tpu.unpack_subelements %parallel_loop3A_597, 0 {pack_format = #tpu.pack_format<interleaved>} : vector<32xbf16> -> vector<16xf32>
        %parallel_loop3A_601 = tpu.unpack_subelements %parallel_loop3A_597, 1 {pack_format = #tpu.pack_format<interleaved>} : vector<32xbf16> -> vector<16xf32>
        %parallel_loop3A_602 = arith.mulf %parallel_loop3A_598, %parallel_loop3A_600 : vector<16xf32>
        %parallel_loop3A_603 = arith.mulf %parallel_loop3A_599, %parallel_loop3A_601 : vector<16xf32>
        %parallel_loop3A_604 = arith.addf %parallel_loop3A_602, %parallel_loop3A_603 : vector<16xf32>
        %parallel_loop3A_605 = arith.addf %parallel_loop3A_589, %parallel_loop3A_604 : vector<16xf32>
        %parallel_loop3A_606 = arith.index_cast %parallel_loop3A_574 : i32 to index
        %parallel_loop3A_607 = arith.constant 32 : index
        %parallel_loop3A_608 = tpu.vector_load %arg9[%parallel_loop3A_606, %parallel_loop3A_607] {strides = array<i32>} : memref<128x64xi32, #tpu.memory_space<vmem>>, vector<16xi32>,
        %parallel_loop3A_609 = vector.bitcast %parallel_loop3A_608 : vector<16xi32> to vector<32xbf16>
        %parallel_loop3A_610 = arith.index_cast %parallel_loop3A_574 : i32 to index
        %parallel_loop3A_611 = arith.constant 32 : index
        %parallel_loop3A_612 = tpu.vector_load %arg10[%parallel_loop3A_610, %parallel_loop3A_611] {strides = array<i32>} : memref<128x64xi32, #tpu.memory_space<vmem>>, vector<16xi32>,
        %parallel_loop3A_613 = vector.bitcast %parallel_loop3A_612 : vector<16xi32> to vector<32xbf16>
        %parallel_loop3A_614 = tpu.unpack_subelements %parallel_loop3A_609, 0 {pack_format = #tpu.pack_format<interleaved>} : vector<32xbf16> -> vector<16xf32>
        %parallel_loop3A_615 = tpu.unpack_subelements %parallel_loop3A_609, 1 {pack_format = #tpu.pack_format<interleaved>} : vector<32xbf16> -> vector<16xf32>
        %parallel_loop3A_616 = tpu.unpack_subelements %parallel_loop3A_613, 0 {pack_format = #tpu.pack_format<interleaved>} : vector<32xbf16> -> vector<16xf32>
        %parallel_loop3A_617 = tpu.unpack_subelements %parallel_loop3A_613, 1 {pack_format = #tpu.pack_format<interleaved>} : vector<32xbf16> -> vector<16xf32>
        %parallel_loop3A_618 = arith.mulf %parallel_loop3A_614, %parallel_loop3A_616 : vector<16xf32>
        %parallel_loop3A_619 = arith.mulf %parallel_loop3A_615, %parallel_loop3A_617 : vector<16xf32>
        %parallel_loop3A_620 = arith.addf %parallel_loop3A_618, %parallel_loop3A_619 : vector<16xf32>
        %parallel_loop3A_621 = arith.addf %parallel_loop3A_605, %parallel_loop3A_620 : vector<16xf32>
        %parallel_loop3A_622 = arith.index_cast %parallel_loop3A_574 : i32 to index
        %parallel_loop3A_623 = arith.constant 48 : index
        %parallel_loop3A_624 = tpu.vector_load %arg9[%parallel_loop3A_622, %parallel_loop3A_623] {strides = array<i32>} : memref<128x64xi32, #tpu.memory_space<vmem>>, vector<16xi32>,
        %parallel_loop3A_625 = vector.bitcast %parallel_loop3A_624 : vector<16xi32> to vector<32xbf16>
        %parallel_loop3A_626 = arith.index_cast %parallel_loop3A_574 : i32 to index
        %parallel_loop3A_627 = arith.constant 48 : index
        %parallel_loop3A_628 = tpu.vector_load %arg10[%parallel_loop3A_626, %parallel_loop3A_627] {strides = array<i32>} : memref<128x64xi32, #tpu.memory_space<vmem>>, vector<16xi32>,
        %parallel_loop3A_629 = vector.bitcast %parallel_loop3A_628 : vector<16xi32> to vector<32xbf16>
        %parallel_loop3A_630 = tpu.unpack_subelements %parallel_loop3A_625, 0 {pack_format = #tpu.pack_format<interleaved>} : vector<32xbf16> -> vector<16xf32>
        %parallel_loop3A_631 = tpu.unpack_subelements %parallel_loop3A_625, 1 {pack_format = #tpu.pack_format<interleaved>} : vector<32xbf16> -> vector<16xf32>
        %parallel_loop3A_632 = tpu.unpack_subelements %parallel_loop3A_629, 0 {pack_format = #tpu.pack_format<interleaved>} : vector<32xbf16> -> vector<16xf32>
        %parallel_loop3A_633 = tpu.unpack_subelements %parallel_loop3A_629, 1 {pack_format = #tpu.pack_format<interleaved>} : vector<32xbf16> -> vector<16xf32>
        %parallel_loop3A_634 = arith.mulf %parallel_loop3A_630, %parallel_loop3A_632 : vector<16xf32>
        %parallel_loop3A_635 = arith.mulf %parallel_loop3A_631, %parallel_loop3A_633 : vector<16xf32>
        %parallel_loop3A_636 = arith.addf %parallel_loop3A_634, %parallel_loop3A_635 : vector<16xf32>
        %parallel_loop3A_637 = arith.addf %parallel_loop3A_621, %parallel_loop3A_636 : vector<16xf32>
        %parallel_loop3A_638 = arith.constant true
        %parallel_loop3A_639 = vector.broadcast %parallel_loop3A_638 : i1 to vector<16xi1>
        %parallel_loop3A_640 = tpu.scan <sum>, %parallel_loop3A_637 masked %parallel_loop3A_639 : vector<16xf32>, vector<16xi1> -> vector<16xf32>
        %parallel_loop3A_641 = arith.constant 6 : i32
        %parallel_loop3A_642 = vector.broadcast %parallel_loop3A_641 : i32 to vector<16xi32>
        %parallel_loop3A_643 = arith.addi %parallel_loop3A_132, %parallel_loop3A_642 : vector<16xi32>
        tpu.vector_store_idx %arg13[%parallel_loop3A_643], %parallel_loop3A_640 masked %eq3A_90 : memref<10240xf32, #tpu.memory_space<vmem>>[vector<16xi32>], vector<16xf32>, vector<16xi1>
        %parallel_loop3A_644 = arith.constant 16 : i32
        %parallel_loop3A_645 = arith.muli %parallel_loop3A_123, %parallel_loop3A_644 : i32
        %parallel_loop3A_646 = arith.constant 7 : i32
        %parallel_loop3A_647 = arith.addi %parallel_loop3A_645, %parallel_loop3A_646 : i32
        %parallel_loop3A_648 = arith.index_cast %parallel_loop3A_647 : i32 to index
        %parallel_loop3A_649 = arith.constant 0 : index
        %parallel_loop3A_650 = tpu.vector_load %arg9[%parallel_loop3A_648, %parallel_loop3A_649] {strides = array<i32>} : memref<128x64xi32, #tpu.memory_space<vmem>>, vector<16xi32>,
        %parallel_loop3A_651 = vector.bitcast %parallel_loop3A_650 : vector<16xi32> to vector<32xbf16>
        %parallel_loop3A_652 = arith.index_cast %parallel_loop3A_647 : i32 to index
        %parallel_loop3A_653 = arith.constant 0 : index
        %parallel_loop3A_654 = tpu.vector_load %arg10[%parallel_loop3A_652, %parallel_loop3A_653] {strides = array<i32>} : memref<128x64xi32, #tpu.memory_space<vmem>>, vector<16xi32>,
        %parallel_loop3A_655 = vector.bitcast %parallel_loop3A_654 : vector<16xi32> to vector<32xbf16>
        %parallel_loop3A_656 = tpu.unpack_subelements %parallel_loop3A_651, 0 {pack_format = #tpu.pack_format<interleaved>} : vector<32xbf16> -> vector<16xf32>
        %parallel_loop3A_657 = tpu.unpack_subelements %parallel_loop3A_651, 1 {pack_format = #tpu.pack_format<interleaved>} : vector<32xbf16> -> vector<16xf32>
        %parallel_loop3A_658 = tpu.unpack_subelements %parallel_loop3A_655, 0 {pack_format = #tpu.pack_format<interleaved>} : vector<32xbf16> -> vector<16xf32>
        %parallel_loop3A_659 = tpu.unpack_subelements %parallel_loop3A_655, 1 {pack_format = #tpu.pack_format<interleaved>} : vector<32xbf16> -> vector<16xf32>
        %parallel_loop3A_660 = arith.mulf %parallel_loop3A_656, %parallel_loop3A_658 : vector<16xf32>
        %parallel_loop3A_661 = arith.mulf %parallel_loop3A_657, %parallel_loop3A_659 : vector<16xf32>
        %parallel_loop3A_662 = arith.addf %parallel_loop3A_660, %parallel_loop3A_661 : vector<16xf32>
        %parallel_loop3A_663 = arith.index_cast %parallel_loop3A_647 : i32 to index
        %parallel_loop3A_664 = arith.constant 16 : index
        %parallel_loop3A_665 = tpu.vector_load %arg9[%parallel_loop3A_663, %parallel_loop3A_664] {strides = array<i32>} : memref<128x64xi32, #tpu.memory_space<vmem>>, vector<16xi32>,
        %parallel_loop3A_666 = vector.bitcast %parallel_loop3A_665 : vector<16xi32> to vector<32xbf16>
        %parallel_loop3A_667 = arith.index_cast %parallel_loop3A_647 : i32 to index
        %parallel_loop3A_668 = arith.constant 16 : index
        %parallel_loop3A_669 = tpu.vector_load %arg10[%parallel_loop3A_667, %parallel_loop3A_668] {strides = array<i32>} : memref<128x64xi32, #tpu.memory_space<vmem>>, vector<16xi32>,
        %parallel_loop3A_670 = vector.bitcast %parallel_loop3A_669 : vector<16xi32> to vector<32xbf16>
        %parallel_loop3A_671 = tpu.unpack_subelements %parallel_loop3A_666, 0 {pack_format = #tpu.pack_format<interleaved>} : vector<32xbf16> -> vector<16xf32>
        %parallel_loop3A_672 = tpu.unpack_subelements %parallel_loop3A_666, 1 {pack_format = #tpu.pack_format<interleaved>} : vector<32xbf16> -> vector<16xf32>
        %parallel_loop3A_673 = tpu.unpack_subelements %parallel_loop3A_670, 0 {pack_format = #tpu.pack_format<interleaved>} : vector<32xbf16> -> vector<16xf32>
        %parallel_loop3A_674 = tpu.unpack_subelements %parallel_loop3A_670, 1 {pack_format = #tpu.pack_format<interleaved>} : vector<32xbf16> -> vector<16xf32>
        %parallel_loop3A_675 = arith.mulf %parallel_loop3A_671, %parallel_loop3A_673 : vector<16xf32>
        %parallel_loop3A_676 = arith.mulf %parallel_loop3A_672, %parallel_loop3A_674 : vector<16xf32>
        %parallel_loop3A_677 = arith.addf %parallel_loop3A_675, %parallel_loop3A_676 : vector<16xf32>
        %parallel_loop3A_678 = arith.addf %parallel_loop3A_662, %parallel_loop3A_677 : vector<16xf32>
        %parallel_loop3A_679 = arith.index_cast %parallel_loop3A_647 : i32 to index
        %parallel_loop3A_680 = arith.constant 32 : index
        %parallel_loop3A_681 = tpu.vector_load %arg9[%parallel_loop3A_679, %parallel_loop3A_680] {strides = array<i32>} : memref<128x64xi32, #tpu.memory_space<vmem>>, vector<16xi32>,
        %parallel_loop3A_682 = vector.bitcast %parallel_loop3A_681 : vector<16xi32> to vector<32xbf16>
        %parallel_loop3A_683 = arith.index_cast %parallel_loop3A_647 : i32 to index
        %parallel_loop3A_684 = arith.constant 32 : index
        %parallel_loop3A_685 = tpu.vector_load %arg10[%parallel_loop3A_683, %parallel_loop3A_684] {strides = array<i32>} : memref<128x64xi32, #tpu.memory_space<vmem>>, vector<16xi32>,
        %parallel_loop3A_686 = vector.bitcast %parallel_loop3A_685 : vector<16xi32> to vector<32xbf16>
        %parallel_loop3A_687 = tpu.unpack_subelements %parallel_loop3A_682, 0 {pack_format = #tpu.pack_format<interleaved>} : vector<32xbf16> -> vector<16xf32>
        %parallel_loop3A_688 = tpu.unpack_subelements %parallel_loop3A_682, 1 {pack_format = #tpu.pack_format<interleaved>} : vector<32xbf16> -> vector<16xf32>
        %parallel_loop3A_689 = tpu.unpack_subelements %parallel_loop3A_686, 0 {pack_format = #tpu.pack_format<interleaved>} : vector<32xbf16> -> vector<16xf32>
        %parallel_loop3A_690 = tpu.unpack_subelements %parallel_loop3A_686, 1 {pack_format = #tpu.pack_format<interleaved>} : vector<32xbf16> -> vector<16xf32>
        %parallel_loop3A_691 = arith.mulf %parallel_loop3A_687, %parallel_loop3A_689 : vector<16xf32>
        %parallel_loop3A_692 = arith.mulf %parallel_loop3A_688, %parallel_loop3A_690 : vector<16xf32>
        %parallel_loop3A_693 = arith.addf %parallel_loop3A_691, %parallel_loop3A_692 : vector<16xf32>
        %parallel_loop3A_694 = arith.addf %parallel_loop3A_678, %parallel_loop3A_693 : vector<16xf32>
        %parallel_loop3A_695 = arith.index_cast %parallel_loop3A_647 : i32 to index
        %parallel_loop3A_696 = arith.constant 48 : index
        %parallel_loop3A_697 = tpu.vector_load %arg9[%parallel_loop3A_695, %parallel_loop3A_696] {strides = array<i32>} : memref<128x64xi32, #tpu.memory_space<vmem>>, vector<16xi32>,
        %parallel_loop3A_698 = vector.bitcast %parallel_loop3A_697 : vector<16xi32> to vector<32xbf16>
        %parallel_loop3A_699 = arith.index_cast %parallel_loop3A_647 : i32 to index
        %parallel_loop3A_700 = arith.constant 48 : index
        %parallel_loop3A_701 = tpu.vector_load %arg10[%parallel_loop3A_699, %parallel_loop3A_700] {strides = array<i32>} : memref<128x64xi32, #tpu.memory_space<vmem>>, vector<16xi32>,
        %parallel_loop3A_702 = vector.bitcast %parallel_loop3A_701 : vector<16xi32> to vector<32xbf16>
        %parallel_loop3A_703 = tpu.unpack_subelements %parallel_loop3A_698, 0 {pack_format = #tpu.pack_format<interleaved>} : vector<32xbf16> -> vector<16xf32>
        %parallel_loop3A_704 = tpu.unpack_subelements %parallel_loop3A_698, 1 {pack_format = #tpu.pack_format<interleaved>} : vector<32xbf16> -> vector<16xf32>
        %parallel_loop3A_705 = tpu.unpack_subelements %parallel_loop3A_702, 0 {pack_format = #tpu.pack_format<interleaved>} : vector<32xbf16> -> vector<16xf32>
        %parallel_loop3A_706 = tpu.unpack_subelements %parallel_loop3A_702, 1 {pack_format = #tpu.pack_format<interleaved>} : vector<32xbf16> -> vector<16xf32>
        %parallel_loop3A_707 = arith.mulf %parallel_loop3A_703, %parallel_loop3A_705 : vector<16xf32>
        %parallel_loop3A_708 = arith.mulf %parallel_loop3A_704, %parallel_loop3A_706 : vector<16xf32>
        %parallel_loop3A_709 = arith.addf %parallel_loop3A_707, %parallel_loop3A_708 : vector<16xf32>
        %parallel_loop3A_710 = arith.addf %parallel_loop3A_694, %parallel_loop3A_709 : vector<16xf32>
        %parallel_loop3A_711 = arith.constant true
        %parallel_loop3A_712 = vector.broadcast %parallel_loop3A_711 : i1 to vector<16xi1>
        %parallel_loop3A_713 = tpu.scan <sum>, %parallel_loop3A_710 masked %parallel_loop3A_712 : vector<16xf32>, vector<16xi1> -> vector<16xf32>
        %parallel_loop3A_714 = arith.constant 7 : i32
        %parallel_loop3A_715 = vector.broadcast %parallel_loop3A_714 : i32 to vector<16xi32>
        %parallel_loop3A_716 = arith.addi %parallel_loop3A_132, %parallel_loop3A_715 : vector<16xi32>
        tpu.vector_store_idx %arg13[%parallel_loop3A_716], %parallel_loop3A_713 masked %eq3A_90 : memref<10240xf32, #tpu.memory_space<vmem>>[vector<16xi32>], vector<16xf32>, vector<16xi1>
        %parallel_loop3A_717 = arith.constant 16 : i32
        %parallel_loop3A_718 = arith.muli %parallel_loop3A_123, %parallel_loop3A_717 : i32
        %parallel_loop3A_719 = arith.constant 8 : i32
        %parallel_loop3A_720 = arith.addi %parallel_loop3A_718, %parallel_loop3A_719 : i32
        %parallel_loop3A_721 = arith.index_cast %parallel_loop3A_720 : i32 to index
        %parallel_loop3A_722 = arith.constant 0 : index
        %parallel_loop3A_723 = tpu.vector_load %arg9[%parallel_loop3A_721, %parallel_loop3A_722] {strides = array<i32>} : memref<128x64xi32, #tpu.memory_space<vmem>>, vector<16xi32>,
        %parallel_loop3A_724 = vector.bitcast %parallel_loop3A_723 : vector<16xi32> to vector<32xbf16>
        %parallel_loop3A_725 = arith.index_cast %parallel_loop3A_720 : i32 to index
        %parallel_loop3A_726 = arith.constant 0 : index
        %parallel_loop3A_727 = tpu.vector_load %arg10[%parallel_loop3A_725, %parallel_loop3A_726] {strides = array<i32>} : memref<128x64xi32, #tpu.memory_space<vmem>>, vector<16xi32>,
        %parallel_loop3A_728 = vector.bitcast %parallel_loop3A_727 : vector<16xi32> to vector<32xbf16>
        %parallel_loop3A_729 = tpu.unpack_subelements %parallel_loop3A_724, 0 {pack_format = #tpu.pack_format<interleaved>} : vector<32xbf16> -> vector<16xf32>
        %parallel_loop3A_730 = tpu.unpack_subelements %parallel_loop3A_724, 1 {pack_format = #tpu.pack_format<interleaved>} : vector<32xbf16> -> vector<16xf32>
        %parallel_loop3A_731 = tpu.unpack_subelements %parallel_loop3A_728, 0 {pack_format = #tpu.pack_format<interleaved>} : vector<32xbf16> -> vector<16xf32>
        %parallel_loop3A_732 = tpu.unpack_subelements %parallel_loop3A_728, 1 {pack_format = #tpu.pack_format<interleaved>} : vector<32xbf16> -> vector<16xf32>
        %parallel_loop3A_733 = arith.mulf %parallel_loop3A_729, %parallel_loop3A_731 : vector<16xf32>
        %parallel_loop3A_734 = arith.mulf %parallel_loop3A_730, %parallel_loop3A_732 : vector<16xf32>
        %parallel_loop3A_735 = arith.addf %parallel_loop3A_733, %parallel_loop3A_734 : vector<16xf32>
        %parallel_loop3A_736 = arith.index_cast %parallel_loop3A_720 : i32 to index
        %parallel_loop3A_737 = arith.constant 16 : index
        %parallel_loop3A_738 = tpu.vector_load %arg9[%parallel_loop3A_736, %parallel_loop3A_737] {strides = array<i32>} : memref<128x64xi32, #tpu.memory_space<vmem>>, vector<16xi32>,
        %parallel_loop3A_739 = vector.bitcast %parallel_loop3A_738 : vector<16xi32> to vector<32xbf16>
        %parallel_loop3A_740 = arith.index_cast %parallel_loop3A_720 : i32 to index
        %parallel_loop3A_741 = arith.constant 16 : index
        %parallel_loop3A_742 = tpu.vector_load %arg10[%parallel_loop3A_740, %parallel_loop3A_741] {strides = array<i32>} : memref<128x64xi32, #tpu.memory_space<vmem>>, vector<16xi32>,
        %parallel_loop3A_743 = vector.bitcast %parallel_loop3A_742 : vector<16xi32> to vector<32xbf16>
        %parallel_loop3A_744 = tpu.unpack_subelements %parallel_loop3A_739, 0 {pack_format = #tpu.pack_format<interleaved>} : vector<32xbf16> -> vector<16xf32>
        %parallel_loop3A_745 = tpu.unpack_subelements %parallel_loop3A_739, 1 {pack_format = #tpu.pack_format<interleaved>} : vector<32xbf16> -> vector<16xf32>
        %parallel_loop3A_746 = tpu.unpack_subelements %parallel_loop3A_743, 0 {pack_format = #tpu.pack_format<interleaved>} : vector<32xbf16> -> vector<16xf32>
        %parallel_loop3A_747 = tpu.unpack_subelements %parallel_loop3A_743, 1 {pack_format = #tpu.pack_format<interleaved>} : vector<32xbf16> -> vector<16xf32>
        %parallel_loop3A_748 = arith.mulf %parallel_loop3A_744, %parallel_loop3A_746 : vector<16xf32>
        %parallel_loop3A_749 = arith.mulf %parallel_loop3A_745, %parallel_loop3A_747 : vector<16xf32>
        %parallel_loop3A_750 = arith.addf %parallel_loop3A_748, %parallel_loop3A_749 : vector<16xf32>
        %parallel_loop3A_751 = arith.addf %parallel_loop3A_735, %parallel_loop3A_750 : vector<16xf32>
        %parallel_loop3A_752 = arith.index_cast %parallel_loop3A_720 : i32 to index
        %parallel_loop3A_753 = arith.constant 32 : index
        %parallel_loop3A_754 = tpu.vector_load %arg9[%parallel_loop3A_752, %parallel_loop3A_753] {strides = array<i32>} : memref<128x64xi32, #tpu.memory_space<vmem>>, vector<16xi32>,
        %parallel_loop3A_755 = vector.bitcast %parallel_loop3A_754 : vector<16xi32> to vector<32xbf16>
        %parallel_loop3A_756 = arith.index_cast %parallel_loop3A_720 : i32 to index
        %parallel_loop3A_757 = arith.constant 32 : index
        %parallel_loop3A_758 = tpu.vector_load %arg10[%parallel_loop3A_756, %parallel_loop3A_757] {strides = array<i32>} : memref<128x64xi32, #tpu.memory_space<vmem>>, vector<16xi32>,
        %parallel_loop3A_759 = vector.bitcast %parallel_loop3A_758 : vector<16xi32> to vector<32xbf16>
        %parallel_loop3A_760 = tpu.unpack_subelements %parallel_loop3A_755, 0 {pack_format = #tpu.pack_format<interleaved>} : vector<32xbf16> -> vector<16xf32>
        %parallel_loop3A_761 = tpu.unpack_subelements %parallel_loop3A_755, 1 {pack_format = #tpu.pack_format<interleaved>} : vector<32xbf16> -> vector<16xf32>
        %parallel_loop3A_762 = tpu.unpack_subelements %parallel_loop3A_759, 0 {pack_format = #tpu.pack_format<interleaved>} : vector<32xbf16> -> vector<16xf32>
        %parallel_loop3A_763 = tpu.unpack_subelements %parallel_loop3A_759, 1 {pack_format = #tpu.pack_format<interleaved>} : vector<32xbf16> -> vector<16xf32>
        %parallel_loop3A_764 = arith.mulf %parallel_loop3A_760, %parallel_loop3A_762 : vector<16xf32>
        %parallel_loop3A_765 = arith.mulf %parallel_loop3A_761, %parallel_loop3A_763 : vector<16xf32>
        %parallel_loop3A_766 = arith.addf %parallel_loop3A_764, %parallel_loop3A_765 : vector<16xf32>
        %parallel_loop3A_767 = arith.addf %parallel_loop3A_751, %parallel_loop3A_766 : vector<16xf32>
        %parallel_loop3A_768 = arith.index_cast %parallel_loop3A_720 : i32 to index
        %parallel_loop3A_769 = arith.constant 48 : index
        %parallel_loop3A_770 = tpu.vector_load %arg9[%parallel_loop3A_768, %parallel_loop3A_769] {strides = array<i32>} : memref<128x64xi32, #tpu.memory_space<vmem>>, vector<16xi32>,
        %parallel_loop3A_771 = vector.bitcast %parallel_loop3A_770 : vector<16xi32> to vector<32xbf16>
        %parallel_loop3A_772 = arith.index_cast %parallel_loop3A_720 : i32 to index
        %parallel_loop3A_773 = arith.constant 48 : index
        %parallel_loop3A_774 = tpu.vector_load %arg10[%parallel_loop3A_772, %parallel_loop3A_773] {strides = array<i32>} : memref<128x64xi32, #tpu.memory_space<vmem>>, vector<16xi32>,
        %parallel_loop3A_775 = vector.bitcast %parallel_loop3A_774 : vector<16xi32> to vector<32xbf16>
        %parallel_loop3A_776 = tpu.unpack_subelements %parallel_loop3A_771, 0 {pack_format = #tpu.pack_format<interleaved>} : vector<32xbf16> -> vector<16xf32>
        %parallel_loop3A_777 = tpu.unpack_subelements %parallel_loop3A_771, 1 {pack_format = #tpu.pack_format<interleaved>} : vector<32xbf16> -> vector<16xf32>
        %parallel_loop3A_778 = tpu.unpack_subelements %parallel_loop3A_775, 0 {pack_format = #tpu.pack_format<interleaved>} : vector<32xbf16> -> vector<16xf32>
        %parallel_loop3A_779 = tpu.unpack_subelements %parallel_loop3A_775, 1 {pack_format = #tpu.pack_format<interleaved>} : vector<32xbf16> -> vector<16xf32>
        %parallel_loop3A_780 = arith.mulf %parallel_loop3A_776, %parallel_loop3A_778 : vector<16xf32>
        %parallel_loop3A_781 = arith.mulf %parallel_loop3A_777, %parallel_loop3A_779 : vector<16xf32>
        %parallel_loop3A_782 = arith.addf %parallel_loop3A_780, %parallel_loop3A_781 : vector<16xf32>
        %parallel_loop3A_783 = arith.addf %parallel_loop3A_767, %parallel_loop3A_782 : vector<16xf32>
        %parallel_loop3A_784 = arith.constant true
        %parallel_loop3A_785 = vector.broadcast %parallel_loop3A_784 : i1 to vector<16xi1>
        %parallel_loop3A_786 = tpu.scan <sum>, %parallel_loop3A_783 masked %parallel_loop3A_785 : vector<16xf32>, vector<16xi1> -> vector<16xf32>
        %parallel_loop3A_787 = arith.constant 8 : i32
        %parallel_loop3A_788 = vector.broadcast %parallel_loop3A_787 : i32 to vector<16xi32>
        %parallel_loop3A_789 = arith.addi %parallel_loop3A_132, %parallel_loop3A_788 : vector<16xi32>
        tpu.vector_store_idx %arg13[%parallel_loop3A_789], %parallel_loop3A_786 masked %eq3A_90 : memref<10240xf32, #tpu.memory_space<vmem>>[vector<16xi32>], vector<16xf32>, vector<16xi1>
        %parallel_loop3A_790 = arith.constant 16 : i32
        %parallel_loop3A_791 = arith.muli %parallel_loop3A_123, %parallel_loop3A_790 : i32
        %parallel_loop3A_792 = arith.constant 9 : i32
        %parallel_loop3A_793 = arith.addi %parallel_loop3A_791, %parallel_loop3A_792 : i32
        %parallel_loop3A_794 = arith.index_cast %parallel_loop3A_793 : i32 to index
        %parallel_loop3A_795 = arith.constant 0 : index
        %parallel_loop3A_796 = tpu.vector_load %arg9[%parallel_loop3A_794, %parallel_loop3A_795] {strides = array<i32>} : memref<128x64xi32, #tpu.memory_space<vmem>>, vector<16xi32>,
        %parallel_loop3A_797 = vector.bitcast %parallel_loop3A_796 : vector<16xi32> to vector<32xbf16>
        %parallel_loop3A_798 = arith.index_cast %parallel_loop3A_793 : i32 to index
        %parallel_loop3A_799 = arith.constant 0 : index
        %parallel_loop3A_800 = tpu.vector_load %arg10[%parallel_loop3A_798, %parallel_loop3A_799] {strides = array<i32>} : memref<128x64xi32, #tpu.memory_space<vmem>>, vector<16xi32>,
        %parallel_loop3A_801 = vector.bitcast %parallel_loop3A_800 : vector<16xi32> to vector<32xbf16>
        %parallel_loop3A_802 = tpu.unpack_subelements %parallel_loop3A_797, 0 {pack_format = #tpu.pack_format<interleaved>} : vector<32xbf16> -> vector<16xf32>
        %parallel_loop3A_803 = tpu.unpack_subelements %parallel_loop3A_797, 1 {pack_format = #tpu.pack_format<interleaved>} : vector<32xbf16> -> vector<16xf32>
        %parallel_loop3A_804 = tpu.unpack_subelements %parallel_loop3A_801, 0 {pack_format = #tpu.pack_format<interleaved>} : vector<32xbf16> -> vector<16xf32>
        %parallel_loop3A_805 = tpu.unpack_subelements %parallel_loop3A_801, 1 {pack_format = #tpu.pack_format<interleaved>} : vector<32xbf16> -> vector<16xf32>
        %parallel_loop3A_806 = arith.mulf %parallel_loop3A_802, %parallel_loop3A_804 : vector<16xf32>
        %parallel_loop3A_807 = arith.mulf %parallel_loop3A_803, %parallel_loop3A_805 : vector<16xf32>
        %parallel_loop3A_808 = arith.addf %parallel_loop3A_806, %parallel_loop3A_807 : vector<16xf32>
        %parallel_loop3A_809 = arith.index_cast %parallel_loop3A_793 : i32 to index
        %parallel_loop3A_810 = arith.constant 16 : index
        %parallel_loop3A_811 = tpu.vector_load %arg9[%parallel_loop3A_809, %parallel_loop3A_810] {strides = array<i32>} : memref<128x64xi32, #tpu.memory_space<vmem>>, vector<16xi32>,
        %parallel_loop3A_812 = vector.bitcast %parallel_loop3A_811 : vector<16xi32> to vector<32xbf16>
        %parallel_loop3A_813 = arith.index_cast %parallel_loop3A_793 : i32 to index
        %parallel_loop3A_814 = arith.constant 16 : index
        %parallel_loop3A_815 = tpu.vector_load %arg10[%parallel_loop3A_813, %parallel_loop3A_814] {strides = array<i32>} : memref<128x64xi32, #tpu.memory_space<vmem>>, vector<16xi32>,
        %parallel_loop3A_816 = vector.bitcast %parallel_loop3A_815 : vector<16xi32> to vector<32xbf16>
        %parallel_loop3A_817 = tpu.unpack_subelements %parallel_loop3A_812, 0 {pack_format = #tpu.pack_format<interleaved>} : vector<32xbf16> -> vector<16xf32>
        %parallel_loop3A_818 = tpu.unpack_subelements %parallel_loop3A_812, 1 {pack_format = #tpu.pack_format<interleaved>} : vector<32xbf16> -> vector<16xf32>
        %parallel_loop3A_819 = tpu.unpack_subelements %parallel_loop3A_816, 0 {pack_format = #tpu.pack_format<interleaved>} : vector<32xbf16> -> vector<16xf32>
        %parallel_loop3A_820 = tpu.unpack_subelements %parallel_loop3A_816, 1 {pack_format = #tpu.pack_format<interleaved>} : vector<32xbf16> -> vector<16xf32>
        %parallel_loop3A_821 = arith.mulf %parallel_loop3A_817, %parallel_loop3A_819 : vector<16xf32>
        %parallel_loop3A_822 = arith.mulf %parallel_loop3A_818, %parallel_loop3A_820 : vector<16xf32>
        %parallel_loop3A_823 = arith.addf %parallel_loop3A_821, %parallel_loop3A_822 : vector<16xf32>
        %parallel_loop3A_824 = arith.addf %parallel_loop3A_808, %parallel_loop3A_823 : vector<16xf32>
        %parallel_loop3A_825 = arith.index_cast %parallel_loop3A_793 : i32 to index
        %parallel_loop3A_826 = arith.constant 32 : index
        %parallel_loop3A_827 = tpu.vector_load %arg9[%parallel_loop3A_825, %parallel_loop3A_826] {strides = array<i32>} : memref<128x64xi32, #tpu.memory_space<vmem>>, vector<16xi32>,
        %parallel_loop3A_828 = vector.bitcast %parallel_loop3A_827 : vector<16xi32> to vector<32xbf16>
        %parallel_loop3A_829 = arith.index_cast %parallel_loop3A_793 : i32 to index
        %parallel_loop3A_830 = arith.constant 32 : index
        %parallel_loop3A_831 = tpu.vector_load %arg10[%parallel_loop3A_829, %parallel_loop3A_830] {strides = array<i32>} : memref<128x64xi32, #tpu.memory_space<vmem>>, vector<16xi32>,
        %parallel_loop3A_832 = vector.bitcast %parallel_loop3A_831 : vector<16xi32> to vector<32xbf16>
        %parallel_loop3A_833 = tpu.unpack_subelements %parallel_loop3A_828, 0 {pack_format = #tpu.pack_format<interleaved>} : vector<32xbf16> -> vector<16xf32>
        %parallel_loop3A_834 = tpu.unpack_subelements %parallel_loop3A_828, 1 {pack_format = #tpu.pack_format<interleaved>} : vector<32xbf16> -> vector<16xf32>
        %parallel_loop3A_835 = tpu.unpack_subelements %parallel_loop3A_832, 0 {pack_format = #tpu.pack_format<interleaved>} : vector<32xbf16> -> vector<16xf32>
        %parallel_loop3A_836 = tpu.unpack_subelements %parallel_loop3A_832, 1 {pack_format = #tpu.pack_format<interleaved>} : vector<32xbf16> -> vector<16xf32>
        %parallel_loop3A_837 = arith.mulf %parallel_loop3A_833, %parallel_loop3A_835 : vector<16xf32>
        %parallel_loop3A_838 = arith.mulf %parallel_loop3A_834, %parallel_loop3A_836 : vector<16xf32>
        %parallel_loop3A_839 = arith.addf %parallel_loop3A_837, %parallel_loop3A_838 : vector<16xf32>
        %parallel_loop3A_840 = arith.addf %parallel_loop3A_824, %parallel_loop3A_839 : vector<16xf32>
        %parallel_loop3A_841 = arith.index_cast %parallel_loop3A_793 : i32 to index
        %parallel_loop3A_842 = arith.constant 48 : index
        %parallel_loop3A_843 = tpu.vector_load %arg9[%parallel_loop3A_841, %parallel_loop3A_842] {strides = array<i32>} : memref<128x64xi32, #tpu.memory_space<vmem>>, vector<16xi32>,
        %parallel_loop3A_844 = vector.bitcast %parallel_loop3A_843 : vector<16xi32> to vector<32xbf16>
        %parallel_loop3A_845 = arith.index_cast %parallel_loop3A_793 : i32 to index
        %parallel_loop3A_846 = arith.constant 48 : index
        %parallel_loop3A_847 = tpu.vector_load %arg10[%parallel_loop3A_845, %parallel_loop3A_846] {strides = array<i32>} : memref<128x64xi32, #tpu.memory_space<vmem>>, vector<16xi32>,
        %parallel_loop3A_848 = vector.bitcast %parallel_loop3A_847 : vector<16xi32> to vector<32xbf16>
        %parallel_loop3A_849 = tpu.unpack_subelements %parallel_loop3A_844, 0 {pack_format = #tpu.pack_format<interleaved>} : vector<32xbf16> -> vector<16xf32>
        %parallel_loop3A_850 = tpu.unpack_subelements %parallel_loop3A_844, 1 {pack_format = #tpu.pack_format<interleaved>} : vector<32xbf16> -> vector<16xf32>
        %parallel_loop3A_851 = tpu.unpack_subelements %parallel_loop3A_848, 0 {pack_format = #tpu.pack_format<interleaved>} : vector<32xbf16> -> vector<16xf32>
        %parallel_loop3A_852 = tpu.unpack_subelements %parallel_loop3A_848, 1 {pack_format = #tpu.pack_format<interleaved>} : vector<32xbf16> -> vector<16xf32>
        %parallel_loop3A_853 = arith.mulf %parallel_loop3A_849, %parallel_loop3A_851 : vector<16xf32>
        %parallel_loop3A_854 = arith.mulf %parallel_loop3A_850, %parallel_loop3A_852 : vector<16xf32>
        %parallel_loop3A_855 = arith.addf %parallel_loop3A_853, %parallel_loop3A_854 : vector<16xf32>
        %parallel_loop3A_856 = arith.addf %parallel_loop3A_840, %parallel_loop3A_855 : vector<16xf32>
        %parallel_loop3A_857 = arith.constant true
        %parallel_loop3A_858 = vector.broadcast %parallel_loop3A_857 : i1 to vector<16xi1>
        %parallel_loop3A_859 = tpu.scan <sum>, %parallel_loop3A_856 masked %parallel_loop3A_858 : vector<16xf32>, vector<16xi1> -> vector<16xf32>
        %parallel_loop3A_860 = arith.constant 9 : i32
        %parallel_loop3A_861 = vector.broadcast %parallel_loop3A_860 : i32 to vector<16xi32>
        %parallel_loop3A_862 = arith.addi %parallel_loop3A_132, %parallel_loop3A_861 : vector<16xi32>
        tpu.vector_store_idx %arg13[%parallel_loop3A_862], %parallel_loop3A_859 masked %eq3A_90 : memref<10240xf32, #tpu.memory_space<vmem>>[vector<16xi32>], vector<16xf32>, vector<16xi1>
        %parallel_loop3A_863 = arith.constant 16 : i32
        %parallel_loop3A_864 = arith.muli %parallel_loop3A_123, %parallel_loop3A_863 : i32
        %parallel_loop3A_865 = arith.constant 10 : i32
        %parallel_loop3A_866 = arith.addi %parallel_loop3A_864, %parallel_loop3A_865 : i32
        %parallel_loop3A_867 = arith.index_cast %parallel_loop3A_866 : i32 to index
        %parallel_loop3A_868 = arith.constant 0 : index
        %parallel_loop3A_869 = tpu.vector_load %arg9[%parallel_loop3A_867, %parallel_loop3A_868] {strides = array<i32>} : memref<128x64xi32, #tpu.memory_space<vmem>>, vector<16xi32>,
        %parallel_loop3A_870 = vector.bitcast %parallel_loop3A_869 : vector<16xi32> to vector<32xbf16>
        %parallel_loop3A_871 = arith.index_cast %parallel_loop3A_866 : i32 to index
        %parallel_loop3A_872 = arith.constant 0 : index
        %parallel_loop3A_873 = tpu.vector_load %arg10[%parallel_loop3A_871, %parallel_loop3A_872] {strides = array<i32>} : memref<128x64xi32, #tpu.memory_space<vmem>>, vector<16xi32>,
        %parallel_loop3A_874 = vector.bitcast %parallel_loop3A_873 : vector<16xi32> to vector<32xbf16>
        %parallel_loop3A_875 = tpu.unpack_subelements %parallel_loop3A_870, 0 {pack_format = #tpu.pack_format<interleaved>} : vector<32xbf16> -> vector<16xf32>
        %parallel_loop3A_876 = tpu.unpack_subelements %parallel_loop3A_870, 1 {pack_format = #tpu.pack_format<interleaved>} : vector<32xbf16> -> vector<16xf32>
        %parallel_loop3A_877 = tpu.unpack_subelements %parallel_loop3A_874, 0 {pack_format = #tpu.pack_format<interleaved>} : vector<32xbf16> -> vector<16xf32>
        %parallel_loop3A_878 = tpu.unpack_subelements %parallel_loop3A_874, 1 {pack_format = #tpu.pack_format<interleaved>} : vector<32xbf16> -> vector<16xf32>
        %parallel_loop3A_879 = arith.mulf %parallel_loop3A_875, %parallel_loop3A_877 : vector<16xf32>
        %parallel_loop3A_880 = arith.mulf %parallel_loop3A_876, %parallel_loop3A_878 : vector<16xf32>
        %parallel_loop3A_881 = arith.addf %parallel_loop3A_879, %parallel_loop3A_880 : vector<16xf32>
        %parallel_loop3A_882 = arith.index_cast %parallel_loop3A_866 : i32 to index
        %parallel_loop3A_883 = arith.constant 16 : index
        %parallel_loop3A_884 = tpu.vector_load %arg9[%parallel_loop3A_882, %parallel_loop3A_883] {strides = array<i32>} : memref<128x64xi32, #tpu.memory_space<vmem>>, vector<16xi32>,
        %parallel_loop3A_885 = vector.bitcast %parallel_loop3A_884 : vector<16xi32> to vector<32xbf16>
        %parallel_loop3A_886 = arith.index_cast %parallel_loop3A_866 : i32 to index
        %parallel_loop3A_887 = arith.constant 16 : index
        %parallel_loop3A_888 = tpu.vector_load %arg10[%parallel_loop3A_886, %parallel_loop3A_887] {strides = array<i32>} : memref<128x64xi32, #tpu.memory_space<vmem>>, vector<16xi32>,
        %parallel_loop3A_889 = vector.bitcast %parallel_loop3A_888 : vector<16xi32> to vector<32xbf16>
        %parallel_loop3A_890 = tpu.unpack_subelements %parallel_loop3A_885, 0 {pack_format = #tpu.pack_format<interleaved>} : vector<32xbf16> -> vector<16xf32>
        %parallel_loop3A_891 = tpu.unpack_subelements %parallel_loop3A_885, 1 {pack_format = #tpu.pack_format<interleaved>} : vector<32xbf16> -> vector<16xf32>
        %parallel_loop3A_892 = tpu.unpack_subelements %parallel_loop3A_889, 0 {pack_format = #tpu.pack_format<interleaved>} : vector<32xbf16> -> vector<16xf32>
        %parallel_loop3A_893 = tpu.unpack_subelements %parallel_loop3A_889, 1 {pack_format = #tpu.pack_format<interleaved>} : vector<32xbf16> -> vector<16xf32>
        %parallel_loop3A_894 = arith.mulf %parallel_loop3A_890, %parallel_loop3A_892 : vector<16xf32>
        %parallel_loop3A_895 = arith.mulf %parallel_loop3A_891, %parallel_loop3A_893 : vector<16xf32>
        %parallel_loop3A_896 = arith.addf %parallel_loop3A_894, %parallel_loop3A_895 : vector<16xf32>
        %parallel_loop3A_897 = arith.addf %parallel_loop3A_881, %parallel_loop3A_896 : vector<16xf32>
        %parallel_loop3A_898 = arith.index_cast %parallel_loop3A_866 : i32 to index
        %parallel_loop3A_899 = arith.constant 32 : index
        %parallel_loop3A_900 = tpu.vector_load %arg9[%parallel_loop3A_898, %parallel_loop3A_899] {strides = array<i32>} : memref<128x64xi32, #tpu.memory_space<vmem>>, vector<16xi32>,
        %parallel_loop3A_901 = vector.bitcast %parallel_loop3A_900 : vector<16xi32> to vector<32xbf16>
        %parallel_loop3A_902 = arith.index_cast %parallel_loop3A_866 : i32 to index
        %parallel_loop3A_903 = arith.constant 32 : index
        %parallel_loop3A_904 = tpu.vector_load %arg10[%parallel_loop3A_902, %parallel_loop3A_903] {strides = array<i32>} : memref<128x64xi32, #tpu.memory_space<vmem>>, vector<16xi32>,
        %parallel_loop3A_905 = vector.bitcast %parallel_loop3A_904 : vector<16xi32> to vector<32xbf16>
        %parallel_loop3A_906 = tpu.unpack_subelements %parallel_loop3A_901, 0 {pack_format = #tpu.pack_format<interleaved>} : vector<32xbf16> -> vector<16xf32>
        %parallel_loop3A_907 = tpu.unpack_subelements %parallel_loop3A_901, 1 {pack_format = #tpu.pack_format<interleaved>} : vector<32xbf16> -> vector<16xf32>
        %parallel_loop3A_908 = tpu.unpack_subelements %parallel_loop3A_905, 0 {pack_format = #tpu.pack_format<interleaved>} : vector<32xbf16> -> vector<16xf32>
        %parallel_loop3A_909 = tpu.unpack_subelements %parallel_loop3A_905, 1 {pack_format = #tpu.pack_format<interleaved>} : vector<32xbf16> -> vector<16xf32>
        %parallel_loop3A_910 = arith.mulf %parallel_loop3A_906, %parallel_loop3A_908 : vector<16xf32>
        %parallel_loop3A_911 = arith.mulf %parallel_loop3A_907, %parallel_loop3A_909 : vector<16xf32>
        %parallel_loop3A_912 = arith.addf %parallel_loop3A_910, %parallel_loop3A_911 : vector<16xf32>
        %parallel_loop3A_913 = arith.addf %parallel_loop3A_897, %parallel_loop3A_912 : vector<16xf32>
        %parallel_loop3A_914 = arith.index_cast %parallel_loop3A_866 : i32 to index
        %parallel_loop3A_915 = arith.constant 48 : index
        %parallel_loop3A_916 = tpu.vector_load %arg9[%parallel_loop3A_914, %parallel_loop3A_915] {strides = array<i32>} : memref<128x64xi32, #tpu.memory_space<vmem>>, vector<16xi32>,
        %parallel_loop3A_917 = vector.bitcast %parallel_loop3A_916 : vector<16xi32> to vector<32xbf16>
        %parallel_loop3A_918 = arith.index_cast %parallel_loop3A_866 : i32 to index
        %parallel_loop3A_919 = arith.constant 48 : index
        %parallel_loop3A_920 = tpu.vector_load %arg10[%parallel_loop3A_918, %parallel_loop3A_919] {strides = array<i32>} : memref<128x64xi32, #tpu.memory_space<vmem>>, vector<16xi32>,
        %parallel_loop3A_921 = vector.bitcast %parallel_loop3A_920 : vector<16xi32> to vector<32xbf16>
        %parallel_loop3A_922 = tpu.unpack_subelements %parallel_loop3A_917, 0 {pack_format = #tpu.pack_format<interleaved>} : vector<32xbf16> -> vector<16xf32>
        %parallel_loop3A_923 = tpu.unpack_subelements %parallel_loop3A_917, 1 {pack_format = #tpu.pack_format<interleaved>} : vector<32xbf16> -> vector<16xf32>
        %parallel_loop3A_924 = tpu.unpack_subelements %parallel_loop3A_921, 0 {pack_format = #tpu.pack_format<interleaved>} : vector<32xbf16> -> vector<16xf32>
        %parallel_loop3A_925 = tpu.unpack_subelements %parallel_loop3A_921, 1 {pack_format = #tpu.pack_format<interleaved>} : vector<32xbf16> -> vector<16xf32>
        %parallel_loop3A_926 = arith.mulf %parallel_loop3A_922, %parallel_loop3A_924 : vector<16xf32>
        %parallel_loop3A_927 = arith.mulf %parallel_loop3A_923, %parallel_loop3A_925 : vector<16xf32>
        %parallel_loop3A_928 = arith.addf %parallel_loop3A_926, %parallel_loop3A_927 : vector<16xf32>
        %parallel_loop3A_929 = arith.addf %parallel_loop3A_913, %parallel_loop3A_928 : vector<16xf32>
        %parallel_loop3A_930 = arith.constant true
        %parallel_loop3A_931 = vector.broadcast %parallel_loop3A_930 : i1 to vector<16xi1>
        %parallel_loop3A_932 = tpu.scan <sum>, %parallel_loop3A_929 masked %parallel_loop3A_931 : vector<16xf32>, vector<16xi1> -> vector<16xf32>
        %parallel_loop3A_933 = arith.constant 10 : i32
        %parallel_loop3A_934 = vector.broadcast %parallel_loop3A_933 : i32 to vector<16xi32>
        %parallel_loop3A_935 = arith.addi %parallel_loop3A_132, %parallel_loop3A_934 : vector<16xi32>
        tpu.vector_store_idx %arg13[%parallel_loop3A_935], %parallel_loop3A_932 masked %eq3A_90 : memref<10240xf32, #tpu.memory_space<vmem>>[vector<16xi32>], vector<16xf32>, vector<16xi1>
        %parallel_loop3A_936 = arith.constant 16 : i32
        %parallel_loop3A_937 = arith.muli %parallel_loop3A_123, %parallel_loop3A_936 : i32
        %parallel_loop3A_938 = arith.constant 11 : i32
        %parallel_loop3A_939 = arith.addi %parallel_loop3A_937, %parallel_loop3A_938 : i32
        %parallel_loop3A_940 = arith.index_cast %parallel_loop3A_939 : i32 to index
        %parallel_loop3A_941 = arith.constant 0 : index
        %parallel_loop3A_942 = tpu.vector_load %arg9[%parallel_loop3A_940, %parallel_loop3A_941] {strides = array<i32>} : memref<128x64xi32, #tpu.memory_space<vmem>>, vector<16xi32>,
        %parallel_loop3A_943 = vector.bitcast %parallel_loop3A_942 : vector<16xi32> to vector<32xbf16>
        %parallel_loop3A_944 = arith.index_cast %parallel_loop3A_939 : i32 to index
        %parallel_loop3A_945 = arith.constant 0 : index
        %parallel_loop3A_946 = tpu.vector_load %arg10[%parallel_loop3A_944, %parallel_loop3A_945] {strides = array<i32>} : memref<128x64xi32, #tpu.memory_space<vmem>>, vector<16xi32>,
        %parallel_loop3A_947 = vector.bitcast %parallel_loop3A_946 : vector<16xi32> to vector<32xbf16>
        %parallel_loop3A_948 = tpu.unpack_subelements %parallel_loop3A_943, 0 {pack_format = #tpu.pack_format<interleaved>} : vector<32xbf16> -> vector<16xf32>
        %parallel_loop3A_949 = tpu.unpack_subelements %parallel_loop3A_943, 1 {pack_format = #tpu.pack_format<interleaved>} : vector<32xbf16> -> vector<16xf32>
        %parallel_loop3A_950 = tpu.unpack_subelements %parallel_loop3A_947, 0 {pack_format = #tpu.pack_format<interleaved>} : vector<32xbf16> -> vector<16xf32>
        %parallel_loop3A_951 = tpu.unpack_subelements %parallel_loop3A_947, 1 {pack_format = #tpu.pack_format<interleaved>} : vector<32xbf16> -> vector<16xf32>
        %parallel_loop3A_952 = arith.mulf %parallel_loop3A_948, %parallel_loop3A_950 : vector<16xf32>
        %parallel_loop3A_953 = arith.mulf %parallel_loop3A_949, %parallel_loop3A_951 : vector<16xf32>
        %parallel_loop3A_954 = arith.addf %parallel_loop3A_952, %parallel_loop3A_953 : vector<16xf32>
        %parallel_loop3A_955 = arith.index_cast %parallel_loop3A_939 : i32 to index
        %parallel_loop3A_956 = arith.constant 16 : index
        %parallel_loop3A_957 = tpu.vector_load %arg9[%parallel_loop3A_955, %parallel_loop3A_956] {strides = array<i32>} : memref<128x64xi32, #tpu.memory_space<vmem>>, vector<16xi32>,
        %parallel_loop3A_958 = vector.bitcast %parallel_loop3A_957 : vector<16xi32> to vector<32xbf16>
        %parallel_loop3A_959 = arith.index_cast %parallel_loop3A_939 : i32 to index
        %parallel_loop3A_960 = arith.constant 16 : index
        %parallel_loop3A_961 = tpu.vector_load %arg10[%parallel_loop3A_959, %parallel_loop3A_960] {strides = array<i32>} : memref<128x64xi32, #tpu.memory_space<vmem>>, vector<16xi32>,
        %parallel_loop3A_962 = vector.bitcast %parallel_loop3A_961 : vector<16xi32> to vector<32xbf16>
        %parallel_loop3A_963 = tpu.unpack_subelements %parallel_loop3A_958, 0 {pack_format = #tpu.pack_format<interleaved>} : vector<32xbf16> -> vector<16xf32>
        %parallel_loop3A_964 = tpu.unpack_subelements %parallel_loop3A_958, 1 {pack_format = #tpu.pack_format<interleaved>} : vector<32xbf16> -> vector<16xf32>
        %parallel_loop3A_965 = tpu.unpack_subelements %parallel_loop3A_962, 0 {pack_format = #tpu.pack_format<interleaved>} : vector<32xbf16> -> vector<16xf32>
        %parallel_loop3A_966 = tpu.unpack_subelements %parallel_loop3A_962, 1 {pack_format = #tpu.pack_format<interleaved>} : vector<32xbf16> -> vector<16xf32>
        %parallel_loop3A_967 = arith.mulf %parallel_loop3A_963, %parallel_loop3A_965 : vector<16xf32>
        %parallel_loop3A_968 = arith.mulf %parallel_loop3A_964, %parallel_loop3A_966 : vector<16xf32>
        %parallel_loop3A_969 = arith.addf %parallel_loop3A_967, %parallel_loop3A_968 : vector<16xf32>
        %parallel_loop3A_970 = arith.addf %parallel_loop3A_954, %parallel_loop3A_969 : vector<16xf32>
        %parallel_loop3A_971 = arith.index_cast %parallel_loop3A_939 : i32 to index
        %parallel_loop3A_972 = arith.constant 32 : index
        %parallel_loop3A_973 = tpu.vector_load %arg9[%parallel_loop3A_971, %parallel_loop3A_972] {strides = array<i32>} : memref<128x64xi32, #tpu.memory_space<vmem>>, vector<16xi32>,
        %parallel_loop3A_974 = vector.bitcast %parallel_loop3A_973 : vector<16xi32> to vector<32xbf16>
        %parallel_loop3A_975 = arith.index_cast %parallel_loop3A_939 : i32 to index
        %parallel_loop3A_976 = arith.constant 32 : index
        %parallel_loop3A_977 = tpu.vector_load %arg10[%parallel_loop3A_975, %parallel_loop3A_976] {strides = array<i32>} : memref<128x64xi32, #tpu.memory_space<vmem>>, vector<16xi32>,
        %parallel_loop3A_978 = vector.bitcast %parallel_loop3A_977 : vector<16xi32> to vector<32xbf16>
        %parallel_loop3A_979 = tpu.unpack_subelements %parallel_loop3A_974, 0 {pack_format = #tpu.pack_format<interleaved>} : vector<32xbf16> -> vector<16xf32>
        %parallel_loop3A_980 = tpu.unpack_subelements %parallel_loop3A_974, 1 {pack_format = #tpu.pack_format<interleaved>} : vector<32xbf16> -> vector<16xf32>
        %parallel_loop3A_981 = tpu.unpack_subelements %parallel_loop3A_978, 0 {pack_format = #tpu.pack_format<interleaved>} : vector<32xbf16> -> vector<16xf32>
        %parallel_loop3A_982 = tpu.unpack_subelements %parallel_loop3A_978, 1 {pack_format = #tpu.pack_format<interleaved>} : vector<32xbf16> -> vector<16xf32>
        %parallel_loop3A_983 = arith.mulf %parallel_loop3A_979, %parallel_loop3A_981 : vector<16xf32>
        %parallel_loop3A_984 = arith.mulf %parallel_loop3A_980, %parallel_loop3A_982 : vector<16xf32>
        %parallel_loop3A_985 = arith.addf %parallel_loop3A_983, %parallel_loop3A_984 : vector<16xf32>
        %parallel_loop3A_986 = arith.addf %parallel_loop3A_970, %parallel_loop3A_985 : vector<16xf32>
        %parallel_loop3A_987 = arith.index_cast %parallel_loop3A_939 : i32 to index
        %parallel_loop3A_988 = arith.constant 48 : index
        %parallel_loop3A_989 = tpu.vector_load %arg9[%parallel_loop3A_987, %parallel_loop3A_988] {strides = array<i32>} : memref<128x64xi32, #tpu.memory_space<vmem>>, vector<16xi32>,
        %parallel_loop3A_990 = vector.bitcast %parallel_loop3A_989 : vector<16xi32> to vector<32xbf16>
        %parallel_loop3A_991 = arith.index_cast %parallel_loop3A_939 : i32 to index
        %parallel_loop3A_992 = arith.constant 48 : index
        %parallel_loop3A_993 = tpu.vector_load %arg10[%parallel_loop3A_991, %parallel_loop3A_992] {strides = array<i32>} : memref<128x64xi32, #tpu.memory_space<vmem>>, vector<16xi32>,
        %parallel_loop3A_994 = vector.bitcast %parallel_loop3A_993 : vector<16xi32> to vector<32xbf16>
        %parallel_loop3A_995 = tpu.unpack_subelements %parallel_loop3A_990, 0 {pack_format = #tpu.pack_format<interleaved>} : vector<32xbf16> -> vector<16xf32>
        %parallel_loop3A_996 = tpu.unpack_subelements %parallel_loop3A_990, 1 {pack_format = #tpu.pack_format<interleaved>} : vector<32xbf16> -> vector<16xf32>
        %parallel_loop3A_997 = tpu.unpack_subelements %parallel_loop3A_994, 0 {pack_format = #tpu.pack_format<interleaved>} : vector<32xbf16> -> vector<16xf32>
        %parallel_loop3A_998 = tpu.unpack_subelements %parallel_loop3A_994, 1 {pack_format = #tpu.pack_format<interleaved>} : vector<32xbf16> -> vector<16xf32>
        %parallel_loop3A_999 = arith.mulf %parallel_loop3A_995, %parallel_loop3A_997 : vector<16xf32>
        %parallel_loop3A_1000 = arith.mulf %parallel_loop3A_996, %parallel_loop3A_998 : vector<16xf32>
        %parallel_loop3A_1001 = arith.addf %parallel_loop3A_999, %parallel_loop3A_1000 : vector<16xf32>
        %parallel_loop3A_1002 = arith.addf %parallel_loop3A_986, %parallel_loop3A_1001 : vector<16xf32>
        %parallel_loop3A_1003 = arith.constant true
        %parallel_loop3A_1004 = vector.broadcast %parallel_loop3A_1003 : i1 to vector<16xi1>
        %parallel_loop3A_1005 = tpu.scan <sum>, %parallel_loop3A_1002 masked %parallel_loop3A_1004 : vector<16xf32>, vector<16xi1> -> vector<16xf32>
        %parallel_loop3A_1006 = arith.constant 11 : i32
        %parallel_loop3A_1007 = vector.broadcast %parallel_loop3A_1006 : i32 to vector<16xi32>
        %parallel_loop3A_1008 = arith.addi %parallel_loop3A_132, %parallel_loop3A_1007 : vector<16xi32>
        tpu.vector_store_idx %arg13[%parallel_loop3A_1008], %parallel_loop3A_1005 masked %eq3A_90 : memref<10240xf32, #tpu.memory_space<vmem>>[vector<16xi32>], vector<16xf32>, vector<16xi1>
        %parallel_loop3A_1009 = arith.constant 16 : i32
        %parallel_loop3A_1010 = arith.muli %parallel_loop3A_123, %parallel_loop3A_1009 : i32
        %parallel_loop3A_1011 = arith.constant 12 : i32
        %parallel_loop3A_1012 = arith.addi %parallel_loop3A_1010, %parallel_loop3A_1011 : i32
        %parallel_loop3A_1013 = arith.index_cast %parallel_loop3A_1012 : i32 to index
        %parallel_loop3A_1014 = arith.constant 0 : index
        %parallel_loop3A_1015 = tpu.vector_load %arg9[%parallel_loop3A_1013, %parallel_loop3A_1014] {strides = array<i32>} : memref<128x64xi32, #tpu.memory_space<vmem>>, vector<16xi32>,
        %parallel_loop3A_1016 = vector.bitcast %parallel_loop3A_1015 : vector<16xi32> to vector<32xbf16>
        %parallel_loop3A_1017 = arith.index_cast %parallel_loop3A_1012 : i32 to index
        %parallel_loop3A_1018 = arith.constant 0 : index
        %parallel_loop3A_1019 = tpu.vector_load %arg10[%parallel_loop3A_1017, %parallel_loop3A_1018] {strides = array<i32>} : memref<128x64xi32, #tpu.memory_space<vmem>>, vector<16xi32>,
        %parallel_loop3A_1020 = vector.bitcast %parallel_loop3A_1019 : vector<16xi32> to vector<32xbf16>
        %parallel_loop3A_1021 = tpu.unpack_subelements %parallel_loop3A_1016, 0 {pack_format = #tpu.pack_format<interleaved>} : vector<32xbf16> -> vector<16xf32>
        %parallel_loop3A_1022 = tpu.unpack_subelements %parallel_loop3A_1016, 1 {pack_format = #tpu.pack_format<interleaved>} : vector<32xbf16> -> vector<16xf32>
        %parallel_loop3A_1023 = tpu.unpack_subelements %parallel_loop3A_1020, 0 {pack_format = #tpu.pack_format<interleaved>} : vector<32xbf16> -> vector<16xf32>
        %parallel_loop3A_1024 = tpu.unpack_subelements %parallel_loop3A_1020, 1 {pack_format = #tpu.pack_format<interleaved>} : vector<32xbf16> -> vector<16xf32>
        %parallel_loop3A_1025 = arith.mulf %parallel_loop3A_1021, %parallel_loop3A_1023 : vector<16xf32>
        %parallel_loop3A_1026 = arith.mulf %parallel_loop3A_1022, %parallel_loop3A_1024 : vector<16xf32>
        %parallel_loop3A_1027 = arith.addf %parallel_loop3A_1025, %parallel_loop3A_1026 : vector<16xf32>
        %parallel_loop3A_1028 = arith.index_cast %parallel_loop3A_1012 : i32 to index
        %parallel_loop3A_1029 = arith.constant 16 : index
        %parallel_loop3A_1030 = tpu.vector_load %arg9[%parallel_loop3A_1028, %parallel_loop3A_1029] {strides = array<i32>} : memref<128x64xi32, #tpu.memory_space<vmem>>, vector<16xi32>,
        %parallel_loop3A_1031 = vector.bitcast %parallel_loop3A_1030 : vector<16xi32> to vector<32xbf16>
        %parallel_loop3A_1032 = arith.index_cast %parallel_loop3A_1012 : i32 to index
        %parallel_loop3A_1033 = arith.constant 16 : index
        %parallel_loop3A_1034 = tpu.vector_load %arg10[%parallel_loop3A_1032, %parallel_loop3A_1033] {strides = array<i32>} : memref<128x64xi32, #tpu.memory_space<vmem>>, vector<16xi32>,
        %parallel_loop3A_1035 = vector.bitcast %parallel_loop3A_1034 : vector<16xi32> to vector<32xbf16>
        %parallel_loop3A_1036 = tpu.unpack_subelements %parallel_loop3A_1031, 0 {pack_format = #tpu.pack_format<interleaved>} : vector<32xbf16> -> vector<16xf32>
        %parallel_loop3A_1037 = tpu.unpack_subelements %parallel_loop3A_1031, 1 {pack_format = #tpu.pack_format<interleaved>} : vector<32xbf16> -> vector<16xf32>
        %parallel_loop3A_1038 = tpu.unpack_subelements %parallel_loop3A_1035, 0 {pack_format = #tpu.pack_format<interleaved>} : vector<32xbf16> -> vector<16xf32>
        %parallel_loop3A_1039 = tpu.unpack_subelements %parallel_loop3A_1035, 1 {pack_format = #tpu.pack_format<interleaved>} : vector<32xbf16> -> vector<16xf32>
        %parallel_loop3A_1040 = arith.mulf %parallel_loop3A_1036, %parallel_loop3A_1038 : vector<16xf32>
        %parallel_loop3A_1041 = arith.mulf %parallel_loop3A_1037, %parallel_loop3A_1039 : vector<16xf32>
        %parallel_loop3A_1042 = arith.addf %parallel_loop3A_1040, %parallel_loop3A_1041 : vector<16xf32>
        %parallel_loop3A_1043 = arith.addf %parallel_loop3A_1027, %parallel_loop3A_1042 : vector<16xf32>
        %parallel_loop3A_1044 = arith.index_cast %parallel_loop3A_1012 : i32 to index
        %parallel_loop3A_1045 = arith.constant 32 : index
        %parallel_loop3A_1046 = tpu.vector_load %arg9[%parallel_loop3A_1044, %parallel_loop3A_1045] {strides = array<i32>} : memref<128x64xi32, #tpu.memory_space<vmem>>, vector<16xi32>,
        %parallel_loop3A_1047 = vector.bitcast %parallel_loop3A_1046 : vector<16xi32> to vector<32xbf16>
        %parallel_loop3A_1048 = arith.index_cast %parallel_loop3A_1012 : i32 to index
        %parallel_loop3A_1049 = arith.constant 32 : index
        %parallel_loop3A_1050 = tpu.vector_load %arg10[%parallel_loop3A_1048, %parallel_loop3A_1049] {strides = array<i32>} : memref<128x64xi32, #tpu.memory_space<vmem>>, vector<16xi32>,
        %parallel_loop3A_1051 = vector.bitcast %parallel_loop3A_1050 : vector<16xi32> to vector<32xbf16>
        %parallel_loop3A_1052 = tpu.unpack_subelements %parallel_loop3A_1047, 0 {pack_format = #tpu.pack_format<interleaved>} : vector<32xbf16> -> vector<16xf32>
        %parallel_loop3A_1053 = tpu.unpack_subelements %parallel_loop3A_1047, 1 {pack_format = #tpu.pack_format<interleaved>} : vector<32xbf16> -> vector<16xf32>
        %parallel_loop3A_1054 = tpu.unpack_subelements %parallel_loop3A_1051, 0 {pack_format = #tpu.pack_format<interleaved>} : vector<32xbf16> -> vector<16xf32>
        %parallel_loop3A_1055 = tpu.unpack_subelements %parallel_loop3A_1051, 1 {pack_format = #tpu.pack_format<interleaved>} : vector<32xbf16> -> vector<16xf32>
        %parallel_loop3A_1056 = arith.mulf %parallel_loop3A_1052, %parallel_loop3A_1054 : vector<16xf32>
        %parallel_loop3A_1057 = arith.mulf %parallel_loop3A_1053, %parallel_loop3A_1055 : vector<16xf32>
        %parallel_loop3A_1058 = arith.addf %parallel_loop3A_1056, %parallel_loop3A_1057 : vector<16xf32>
        %parallel_loop3A_1059 = arith.addf %parallel_loop3A_1043, %parallel_loop3A_1058 : vector<16xf32>
        %parallel_loop3A_1060 = arith.index_cast %parallel_loop3A_1012 : i32 to index
        %parallel_loop3A_1061 = arith.constant 48 : index
        %parallel_loop3A_1062 = tpu.vector_load %arg9[%parallel_loop3A_1060, %parallel_loop3A_1061] {strides = array<i32>} : memref<128x64xi32, #tpu.memory_space<vmem>>, vector<16xi32>,
        %parallel_loop3A_1063 = vector.bitcast %parallel_loop3A_1062 : vector<16xi32> to vector<32xbf16>
        %parallel_loop3A_1064 = arith.index_cast %parallel_loop3A_1012 : i32 to index
        %parallel_loop3A_1065 = arith.constant 48 : index
        %parallel_loop3A_1066 = tpu.vector_load %arg10[%parallel_loop3A_1064, %parallel_loop3A_1065] {strides = array<i32>} : memref<128x64xi32, #tpu.memory_space<vmem>>, vector<16xi32>,
        %parallel_loop3A_1067 = vector.bitcast %parallel_loop3A_1066 : vector<16xi32> to vector<32xbf16>
        %parallel_loop3A_1068 = tpu.unpack_subelements %parallel_loop3A_1063, 0 {pack_format = #tpu.pack_format<interleaved>} : vector<32xbf16> -> vector<16xf32>
        %parallel_loop3A_1069 = tpu.unpack_subelements %parallel_loop3A_1063, 1 {pack_format = #tpu.pack_format<interleaved>} : vector<32xbf16> -> vector<16xf32>
        %parallel_loop3A_1070 = tpu.unpack_subelements %parallel_loop3A_1067, 0 {pack_format = #tpu.pack_format<interleaved>} : vector<32xbf16> -> vector<16xf32>
        %parallel_loop3A_1071 = tpu.unpack_subelements %parallel_loop3A_1067, 1 {pack_format = #tpu.pack_format<interleaved>} : vector<32xbf16> -> vector<16xf32>
        %parallel_loop3A_1072 = arith.mulf %parallel_loop3A_1068, %parallel_loop3A_1070 : vector<16xf32>
        %parallel_loop3A_1073 = arith.mulf %parallel_loop3A_1069, %parallel_loop3A_1071 : vector<16xf32>
        %parallel_loop3A_1074 = arith.addf %parallel_loop3A_1072, %parallel_loop3A_1073 : vector<16xf32>
        %parallel_loop3A_1075 = arith.addf %parallel_loop3A_1059, %parallel_loop3A_1074 : vector<16xf32>
        %parallel_loop3A_1076 = arith.constant true
        %parallel_loop3A_1077 = vector.broadcast %parallel_loop3A_1076 : i1 to vector<16xi1>
        %parallel_loop3A_1078 = tpu.scan <sum>, %parallel_loop3A_1075 masked %parallel_loop3A_1077 : vector<16xf32>, vector<16xi1> -> vector<16xf32>
        %parallel_loop3A_1079 = arith.constant 12 : i32
        %parallel_loop3A_1080 = vector.broadcast %parallel_loop3A_1079 : i32 to vector<16xi32>
        %parallel_loop3A_1081 = arith.addi %parallel_loop3A_132, %parallel_loop3A_1080 : vector<16xi32>
        tpu.vector_store_idx %arg13[%parallel_loop3A_1081], %parallel_loop3A_1078 masked %eq3A_90 : memref<10240xf32, #tpu.memory_space<vmem>>[vector<16xi32>], vector<16xf32>, vector<16xi1>
        %parallel_loop3A_1082 = arith.constant 16 : i32
        %parallel_loop3A_1083 = arith.muli %parallel_loop3A_123, %parallel_loop3A_1082 : i32
        %parallel_loop3A_1084 = arith.constant 13 : i32
        %parallel_loop3A_1085 = arith.addi %parallel_loop3A_1083, %parallel_loop3A_1084 : i32
        %parallel_loop3A_1086 = arith.index_cast %parallel_loop3A_1085 : i32 to index
        %parallel_loop3A_1087 = arith.constant 0 : index
        %parallel_loop3A_1088 = tpu.vector_load %arg9[%parallel_loop3A_1086, %parallel_loop3A_1087] {strides = array<i32>} : memref<128x64xi32, #tpu.memory_space<vmem>>, vector<16xi32>,
        %parallel_loop3A_1089 = vector.bitcast %parallel_loop3A_1088 : vector<16xi32> to vector<32xbf16>
        %parallel_loop3A_1090 = arith.index_cast %parallel_loop3A_1085 : i32 to index
        %parallel_loop3A_1091 = arith.constant 0 : index
        %parallel_loop3A_1092 = tpu.vector_load %arg10[%parallel_loop3A_1090, %parallel_loop3A_1091] {strides = array<i32>} : memref<128x64xi32, #tpu.memory_space<vmem>>, vector<16xi32>,
        %parallel_loop3A_1093 = vector.bitcast %parallel_loop3A_1092 : vector<16xi32> to vector<32xbf16>
        %parallel_loop3A_1094 = tpu.unpack_subelements %parallel_loop3A_1089, 0 {pack_format = #tpu.pack_format<interleaved>} : vector<32xbf16> -> vector<16xf32>
        %parallel_loop3A_1095 = tpu.unpack_subelements %parallel_loop3A_1089, 1 {pack_format = #tpu.pack_format<interleaved>} : vector<32xbf16> -> vector<16xf32>
        %parallel_loop3A_1096 = tpu.unpack_subelements %parallel_loop3A_1093, 0 {pack_format = #tpu.pack_format<interleaved>} : vector<32xbf16> -> vector<16xf32>
        %parallel_loop3A_1097 = tpu.unpack_subelements %parallel_loop3A_1093, 1 {pack_format = #tpu.pack_format<interleaved>} : vector<32xbf16> -> vector<16xf32>
        %parallel_loop3A_1098 = arith.mulf %parallel_loop3A_1094, %parallel_loop3A_1096 : vector<16xf32>
        %parallel_loop3A_1099 = arith.mulf %parallel_loop3A_1095, %parallel_loop3A_1097 : vector<16xf32>
        %parallel_loop3A_1100 = arith.addf %parallel_loop3A_1098, %parallel_loop3A_1099 : vector<16xf32>
        %parallel_loop3A_1101 = arith.index_cast %parallel_loop3A_1085 : i32 to index
        %parallel_loop3A_1102 = arith.constant 16 : index
        %parallel_loop3A_1103 = tpu.vector_load %arg9[%parallel_loop3A_1101, %parallel_loop3A_1102] {strides = array<i32>} : memref<128x64xi32, #tpu.memory_space<vmem>>, vector<16xi32>,
        %parallel_loop3A_1104 = vector.bitcast %parallel_loop3A_1103 : vector<16xi32> to vector<32xbf16>
        %parallel_loop3A_1105 = arith.index_cast %parallel_loop3A_1085 : i32 to index
        %parallel_loop3A_1106 = arith.constant 16 : index
        %parallel_loop3A_1107 = tpu.vector_load %arg10[%parallel_loop3A_1105, %parallel_loop3A_1106] {strides = array<i32>} : memref<128x64xi32, #tpu.memory_space<vmem>>, vector<16xi32>,
        %parallel_loop3A_1108 = vector.bitcast %parallel_loop3A_1107 : vector<16xi32> to vector<32xbf16>
        %parallel_loop3A_1109 = tpu.unpack_subelements %parallel_loop3A_1104, 0 {pack_format = #tpu.pack_format<interleaved>} : vector<32xbf16> -> vector<16xf32>
        %parallel_loop3A_1110 = tpu.unpack_subelements %parallel_loop3A_1104, 1 {pack_format = #tpu.pack_format<interleaved>} : vector<32xbf16> -> vector<16xf32>
        %parallel_loop3A_1111 = tpu.unpack_subelements %parallel_loop3A_1108, 0 {pack_format = #tpu.pack_format<interleaved>} : vector<32xbf16> -> vector<16xf32>
        %parallel_loop3A_1112 = tpu.unpack_subelements %parallel_loop3A_1108, 1 {pack_format = #tpu.pack_format<interleaved>} : vector<32xbf16> -> vector<16xf32>
        %parallel_loop3A_1113 = arith.mulf %parallel_loop3A_1109, %parallel_loop3A_1111 : vector<16xf32>
        %parallel_loop3A_1114 = arith.mulf %parallel_loop3A_1110, %parallel_loop3A_1112 : vector<16xf32>
        %parallel_loop3A_1115 = arith.addf %parallel_loop3A_1113, %parallel_loop3A_1114 : vector<16xf32>
        %parallel_loop3A_1116 = arith.addf %parallel_loop3A_1100, %parallel_loop3A_1115 : vector<16xf32>
        %parallel_loop3A_1117 = arith.index_cast %parallel_loop3A_1085 : i32 to index
        %parallel_loop3A_1118 = arith.constant 32 : index
        %parallel_loop3A_1119 = tpu.vector_load %arg9[%parallel_loop3A_1117, %parallel_loop3A_1118] {strides = array<i32>} : memref<128x64xi32, #tpu.memory_space<vmem>>, vector<16xi32>,
        %parallel_loop3A_1120 = vector.bitcast %parallel_loop3A_1119 : vector<16xi32> to vector<32xbf16>
        %parallel_loop3A_1121 = arith.index_cast %parallel_loop3A_1085 : i32 to index
        %parallel_loop3A_1122 = arith.constant 32 : index
        %parallel_loop3A_1123 = tpu.vector_load %arg10[%parallel_loop3A_1121, %parallel_loop3A_1122] {strides = array<i32>} : memref<128x64xi32, #tpu.memory_space<vmem>>, vector<16xi32>,
        %parallel_loop3A_1124 = vector.bitcast %parallel_loop3A_1123 : vector<16xi32> to vector<32xbf16>
        %parallel_loop3A_1125 = tpu.unpack_subelements %parallel_loop3A_1120, 0 {pack_format = #tpu.pack_format<interleaved>} : vector<32xbf16> -> vector<16xf32>
        %parallel_loop3A_1126 = tpu.unpack_subelements %parallel_loop3A_1120, 1 {pack_format = #tpu.pack_format<interleaved>} : vector<32xbf16> -> vector<16xf32>
        %parallel_loop3A_1127 = tpu.unpack_subelements %parallel_loop3A_1124, 0 {pack_format = #tpu.pack_format<interleaved>} : vector<32xbf16> -> vector<16xf32>
        %parallel_loop3A_1128 = tpu.unpack_subelements %parallel_loop3A_1124, 1 {pack_format = #tpu.pack_format<interleaved>} : vector<32xbf16> -> vector<16xf32>
        %parallel_loop3A_1129 = arith.mulf %parallel_loop3A_1125, %parallel_loop3A_1127 : vector<16xf32>
        %parallel_loop3A_1130 = arith.mulf %parallel_loop3A_1126, %parallel_loop3A_1128 : vector<16xf32>
        %parallel_loop3A_1131 = arith.addf %parallel_loop3A_1129, %parallel_loop3A_1130 : vector<16xf32>
        %parallel_loop3A_1132 = arith.addf %parallel_loop3A_1116, %parallel_loop3A_1131 : vector<16xf32>
        %parallel_loop3A_1133 = arith.index_cast %parallel_loop3A_1085 : i32 to index
        %parallel_loop3A_1134 = arith.constant 48 : index
        %parallel_loop3A_1135 = tpu.vector_load %arg9[%parallel_loop3A_1133, %parallel_loop3A_1134] {strides = array<i32>} : memref<128x64xi32, #tpu.memory_space<vmem>>, vector<16xi32>,
        %parallel_loop3A_1136 = vector.bitcast %parallel_loop3A_1135 : vector<16xi32> to vector<32xbf16>
        %parallel_loop3A_1137 = arith.index_cast %parallel_loop3A_1085 : i32 to index
        %parallel_loop3A_1138 = arith.constant 48 : index
        %parallel_loop3A_1139 = tpu.vector_load %arg10[%parallel_loop3A_1137, %parallel_loop3A_1138] {strides = array<i32>} : memref<128x64xi32, #tpu.memory_space<vmem>>, vector<16xi32>,
        %parallel_loop3A_1140 = vector.bitcast %parallel_loop3A_1139 : vector<16xi32> to vector<32xbf16>
        %parallel_loop3A_1141 = tpu.unpack_subelements %parallel_loop3A_1136, 0 {pack_format = #tpu.pack_format<interleaved>} : vector<32xbf16> -> vector<16xf32>
        %parallel_loop3A_1142 = tpu.unpack_subelements %parallel_loop3A_1136, 1 {pack_format = #tpu.pack_format<interleaved>} : vector<32xbf16> -> vector<16xf32>
        %parallel_loop3A_1143 = tpu.unpack_subelements %parallel_loop3A_1140, 0 {pack_format = #tpu.pack_format<interleaved>} : vector<32xbf16> -> vector<16xf32>
        %parallel_loop3A_1144 = tpu.unpack_subelements %parallel_loop3A_1140, 1 {pack_format = #tpu.pack_format<interleaved>} : vector<32xbf16> -> vector<16xf32>
        %parallel_loop3A_1145 = arith.mulf %parallel_loop3A_1141, %parallel_loop3A_1143 : vector<16xf32>
        %parallel_loop3A_1146 = arith.mulf %parallel_loop3A_1142, %parallel_loop3A_1144 : vector<16xf32>
        %parallel_loop3A_1147 = arith.addf %parallel_loop3A_1145, %parallel_loop3A_1146 : vector<16xf32>
        %parallel_loop3A_1148 = arith.addf %parallel_loop3A_1132, %parallel_loop3A_1147 : vector<16xf32>
        %parallel_loop3A_1149 = arith.constant true
        %parallel_loop3A_1150 = vector.broadcast %parallel_loop3A_1149 : i1 to vector<16xi1>
        %parallel_loop3A_1151 = tpu.scan <sum>, %parallel_loop3A_1148 masked %parallel_loop3A_1150 : vector<16xf32>, vector<16xi1> -> vector<16xf32>
        %parallel_loop3A_1152 = arith.constant 13 : i32
        %parallel_loop3A_1153 = vector.broadcast %parallel_loop3A_1152 : i32 to vector<16xi32>
        %parallel_loop3A_1154 = arith.addi %parallel_loop3A_132, %parallel_loop3A_1153 : vector<16xi32>
        tpu.vector_store_idx %arg13[%parallel_loop3A_1154], %parallel_loop3A_1151 masked %eq3A_90 : memref<10240xf32, #tpu.memory_space<vmem>>[vector<16xi32>], vector<16xf32>, vector<16xi1>
        %parallel_loop3A_1155 = arith.constant 16 : i32
        %parallel_loop3A_1156 = arith.muli %parallel_loop3A_123, %parallel_loop3A_1155 : i32
        %parallel_loop3A_1157 = arith.constant 14 : i32
        %parallel_loop3A_1158 = arith.addi %parallel_loop3A_1156, %parallel_loop3A_1157 : i32
        %parallel_loop3A_1159 = arith.index_cast %parallel_loop3A_1158 : i32 to index
        %parallel_loop3A_1160 = arith.constant 0 : index
        %parallel_loop3A_1161 = tpu.vector_load %arg9[%parallel_loop3A_1159, %parallel_loop3A_1160] {strides = array<i32>} : memref<128x64xi32, #tpu.memory_space<vmem>>, vector<16xi32>,
        %parallel_loop3A_1162 = vector.bitcast %parallel_loop3A_1161 : vector<16xi32> to vector<32xbf16>
        %parallel_loop3A_1163 = arith.index_cast %parallel_loop3A_1158 : i32 to index
        %parallel_loop3A_1164 = arith.constant 0 : index
        %parallel_loop3A_1165 = tpu.vector_load %arg10[%parallel_loop3A_1163, %parallel_loop3A_1164] {strides = array<i32>} : memref<128x64xi32, #tpu.memory_space<vmem>>, vector<16xi32>,
        %parallel_loop3A_1166 = vector.bitcast %parallel_loop3A_1165 : vector<16xi32> to vector<32xbf16>
        %parallel_loop3A_1167 = tpu.unpack_subelements %parallel_loop3A_1162, 0 {pack_format = #tpu.pack_format<interleaved>} : vector<32xbf16> -> vector<16xf32>
        %parallel_loop3A_1168 = tpu.unpack_subelements %parallel_loop3A_1162, 1 {pack_format = #tpu.pack_format<interleaved>} : vector<32xbf16> -> vector<16xf32>
        %parallel_loop3A_1169 = tpu.unpack_subelements %parallel_loop3A_1166, 0 {pack_format = #tpu.pack_format<interleaved>} : vector<32xbf16> -> vector<16xf32>
        %parallel_loop3A_1170 = tpu.unpack_subelements %parallel_loop3A_1166, 1 {pack_format = #tpu.pack_format<interleaved>} : vector<32xbf16> -> vector<16xf32>
        %parallel_loop3A_1171 = arith.mulf %parallel_loop3A_1167, %parallel_loop3A_1169 : vector<16xf32>
        %parallel_loop3A_1172 = arith.mulf %parallel_loop3A_1168, %parallel_loop3A_1170 : vector<16xf32>
        %parallel_loop3A_1173 = arith.addf %parallel_loop3A_1171, %parallel_loop3A_1172 : vector<16xf32>
        %parallel_loop3A_1174 = arith.index_cast %parallel_loop3A_1158 : i32 to index
        %parallel_loop3A_1175 = arith.constant 16 : index
        %parallel_loop3A_1176 = tpu.vector_load %arg9[%parallel_loop3A_1174, %parallel_loop3A_1175] {strides = array<i32>} : memref<128x64xi32, #tpu.memory_space<vmem>>, vector<16xi32>,
        %parallel_loop3A_1177 = vector.bitcast %parallel_loop3A_1176 : vector<16xi32> to vector<32xbf16>
        %parallel_loop3A_1178 = arith.index_cast %parallel_loop3A_1158 : i32 to index
        %parallel_loop3A_1179 = arith.constant 16 : index
        %parallel_loop3A_1180 = tpu.vector_load %arg10[%parallel_loop3A_1178, %parallel_loop3A_1179] {strides = array<i32>} : memref<128x64xi32, #tpu.memory_space<vmem>>, vector<16xi32>,
        %parallel_loop3A_1181 = vector.bitcast %parallel_loop3A_1180 : vector<16xi32> to vector<32xbf16>
        %parallel_loop3A_1182 = tpu.unpack_subelements %parallel_loop3A_1177, 0 {pack_format = #tpu.pack_format<interleaved>} : vector<32xbf16> -> vector<16xf32>
        %parallel_loop3A_1183 = tpu.unpack_subelements %parallel_loop3A_1177, 1 {pack_format = #tpu.pack_format<interleaved>} : vector<32xbf16> -> vector<16xf32>
        %parallel_loop3A_1184 = tpu.unpack_subelements %parallel_loop3A_1181, 0 {pack_format = #tpu.pack_format<interleaved>} : vector<32xbf16> -> vector<16xf32>
        %parallel_loop3A_1185 = tpu.unpack_subelements %parallel_loop3A_1181, 1 {pack_format = #tpu.pack_format<interleaved>} : vector<32xbf16> -> vector<16xf32>
        %parallel_loop3A_1186 = arith.mulf %parallel_loop3A_1182, %parallel_loop3A_1184 : vector<16xf32>
        %parallel_loop3A_1187 = arith.mulf %parallel_loop3A_1183, %parallel_loop3A_1185 : vector<16xf32>
        %parallel_loop3A_1188 = arith.addf %parallel_loop3A_1186, %parallel_loop3A_1187 : vector<16xf32>
        %parallel_loop3A_1189 = arith.addf %parallel_loop3A_1173, %parallel_loop3A_1188 : vector<16xf32>
        %parallel_loop3A_1190 = arith.index_cast %parallel_loop3A_1158 : i32 to index
        %parallel_loop3A_1191 = arith.constant 32 : index
        %parallel_loop3A_1192 = tpu.vector_load %arg9[%parallel_loop3A_1190, %parallel_loop3A_1191] {strides = array<i32>} : memref<128x64xi32, #tpu.memory_space<vmem>>, vector<16xi32>,
        %parallel_loop3A_1193 = vector.bitcast %parallel_loop3A_1192 : vector<16xi32> to vector<32xbf16>
        %parallel_loop3A_1194 = arith.index_cast %parallel_loop3A_1158 : i32 to index
        %parallel_loop3A_1195 = arith.constant 32 : index
        %parallel_loop3A_1196 = tpu.vector_load %arg10[%parallel_loop3A_1194, %parallel_loop3A_1195] {strides = array<i32>} : memref<128x64xi32, #tpu.memory_space<vmem>>, vector<16xi32>,
        %parallel_loop3A_1197 = vector.bitcast %parallel_loop3A_1196 : vector<16xi32> to vector<32xbf16>
        %parallel_loop3A_1198 = tpu.unpack_subelements %parallel_loop3A_1193, 0 {pack_format = #tpu.pack_format<interleaved>} : vector<32xbf16> -> vector<16xf32>
        %parallel_loop3A_1199 = tpu.unpack_subelements %parallel_loop3A_1193, 1 {pack_format = #tpu.pack_format<interleaved>} : vector<32xbf16> -> vector<16xf32>
        %parallel_loop3A_1200 = tpu.unpack_subelements %parallel_loop3A_1197, 0 {pack_format = #tpu.pack_format<interleaved>} : vector<32xbf16> -> vector<16xf32>
        %parallel_loop3A_1201 = tpu.unpack_subelements %parallel_loop3A_1197, 1 {pack_format = #tpu.pack_format<interleaved>} : vector<32xbf16> -> vector<16xf32>
        %parallel_loop3A_1202 = arith.mulf %parallel_loop3A_1198, %parallel_loop3A_1200 : vector<16xf32>
        %parallel_loop3A_1203 = arith.mulf %parallel_loop3A_1199, %parallel_loop3A_1201 : vector<16xf32>
        %parallel_loop3A_1204 = arith.addf %parallel_loop3A_1202, %parallel_loop3A_1203 : vector<16xf32>
        %parallel_loop3A_1205 = arith.addf %parallel_loop3A_1189, %parallel_loop3A_1204 : vector<16xf32>
        %parallel_loop3A_1206 = arith.index_cast %parallel_loop3A_1158 : i32 to index
        %parallel_loop3A_1207 = arith.constant 48 : index
        %parallel_loop3A_1208 = tpu.vector_load %arg9[%parallel_loop3A_1206, %parallel_loop3A_1207] {strides = array<i32>} : memref<128x64xi32, #tpu.memory_space<vmem>>, vector<16xi32>,
        %parallel_loop3A_1209 = vector.bitcast %parallel_loop3A_1208 : vector<16xi32> to vector<32xbf16>
        %parallel_loop3A_1210 = arith.index_cast %parallel_loop3A_1158 : i32 to index
        %parallel_loop3A_1211 = arith.constant 48 : index
        %parallel_loop3A_1212 = tpu.vector_load %arg10[%parallel_loop3A_1210, %parallel_loop3A_1211] {strides = array<i32>} : memref<128x64xi32, #tpu.memory_space<vmem>>, vector<16xi32>,
        %parallel_loop3A_1213 = vector.bitcast %parallel_loop3A_1212 : vector<16xi32> to vector<32xbf16>
        %parallel_loop3A_1214 = tpu.unpack_subelements %parallel_loop3A_1209, 0 {pack_format = #tpu.pack_format<interleaved>} : vector<32xbf16> -> vector<16xf32>
        %parallel_loop3A_1215 = tpu.unpack_subelements %parallel_loop3A_1209, 1 {pack_format = #tpu.pack_format<interleaved>} : vector<32xbf16> -> vector<16xf32>
        %parallel_loop3A_1216 = tpu.unpack_subelements %parallel_loop3A_1213, 0 {pack_format = #tpu.pack_format<interleaved>} : vector<32xbf16> -> vector<16xf32>
        %parallel_loop3A_1217 = tpu.unpack_subelements %parallel_loop3A_1213, 1 {pack_format = #tpu.pack_format<interleaved>} : vector<32xbf16> -> vector<16xf32>
        %parallel_loop3A_1218 = arith.mulf %parallel_loop3A_1214, %parallel_loop3A_1216 : vector<16xf32>
        %parallel_loop3A_1219 = arith.mulf %parallel_loop3A_1215, %parallel_loop3A_1217 : vector<16xf32>
        %parallel_loop3A_1220 = arith.addf %parallel_loop3A_1218, %parallel_loop3A_1219 : vector<16xf32>
        %parallel_loop3A_1221 = arith.addf %parallel_loop3A_1205, %parallel_loop3A_1220 : vector<16xf32>
        %parallel_loop3A_1222 = arith.constant true
        %parallel_loop3A_1223 = vector.broadcast %parallel_loop3A_1222 : i1 to vector<16xi1>
        %parallel_loop3A_1224 = tpu.scan <sum>, %parallel_loop3A_1221 masked %parallel_loop3A_1223 : vector<16xf32>, vector<16xi1> -> vector<16xf32>
        %parallel_loop3A_1225 = arith.constant 14 : i32
        %parallel_loop3A_1226 = vector.broadcast %parallel_loop3A_1225 : i32 to vector<16xi32>
        %parallel_loop3A_1227 = arith.addi %parallel_loop3A_132, %parallel_loop3A_1226 : vector<16xi32>
        tpu.vector_store_idx %arg13[%parallel_loop3A_1227], %parallel_loop3A_1224 masked %eq3A_90 : memref<10240xf32, #tpu.memory_space<vmem>>[vector<16xi32>], vector<16xf32>, vector<16xi1>
        %parallel_loop3A_1228 = arith.constant 16 : i32
        %parallel_loop3A_1229 = arith.muli %parallel_loop3A_123, %parallel_loop3A_1228 : i32
        %parallel_loop3A_1230 = arith.constant 15 : i32
        %parallel_loop3A_1231 = arith.addi %parallel_loop3A_1229, %parallel_loop3A_1230 : i32
        %parallel_loop3A_1232 = arith.index_cast %parallel_loop3A_1231 : i32 to index
        %parallel_loop3A_1233 = arith.constant 0 : index
        %parallel_loop3A_1234 = tpu.vector_load %arg9[%parallel_loop3A_1232, %parallel_loop3A_1233] {strides = array<i32>} : memref<128x64xi32, #tpu.memory_space<vmem>>, vector<16xi32>,
        %parallel_loop3A_1235 = vector.bitcast %parallel_loop3A_1234 : vector<16xi32> to vector<32xbf16>
        %parallel_loop3A_1236 = arith.index_cast %parallel_loop3A_1231 : i32 to index
        %parallel_loop3A_1237 = arith.constant 0 : index
        %parallel_loop3A_1238 = tpu.vector_load %arg10[%parallel_loop3A_1236, %parallel_loop3A_1237] {strides = array<i32>} : memref<128x64xi32, #tpu.memory_space<vmem>>, vector<16xi32>,
        %parallel_loop3A_1239 = vector.bitcast %parallel_loop3A_1238 : vector<16xi32> to vector<32xbf16>
        %parallel_loop3A_1240 = tpu.unpack_subelements %parallel_loop3A_1235, 0 {pack_format = #tpu.pack_format<interleaved>} : vector<32xbf16> -> vector<16xf32>
        %parallel_loop3A_1241 = tpu.unpack_subelements %parallel_loop3A_1235, 1 {pack_format = #tpu.pack_format<interleaved>} : vector<32xbf16> -> vector<16xf32>
        %parallel_loop3A_1242 = tpu.unpack_subelements %parallel_loop3A_1239, 0 {pack_format = #tpu.pack_format<interleaved>} : vector<32xbf16> -> vector<16xf32>
        %parallel_loop3A_1243 = tpu.unpack_subelements %parallel_loop3A_1239, 1 {pack_format = #tpu.pack_format<interleaved>} : vector<32xbf16> -> vector<16xf32>
        %parallel_loop3A_1244 = arith.mulf %parallel_loop3A_1240, %parallel_loop3A_1242 : vector<16xf32>
        %parallel_loop3A_1245 = arith.mulf %parallel_loop3A_1241, %parallel_loop3A_1243 : vector<16xf32>
        %parallel_loop3A_1246 = arith.addf %parallel_loop3A_1244, %parallel_loop3A_1245 : vector<16xf32>
        %parallel_loop3A_1247 = arith.index_cast %parallel_loop3A_1231 : i32 to index
        %parallel_loop3A_1248 = arith.constant 16 : index
        %parallel_loop3A_1249 = tpu.vector_load %arg9[%parallel_loop3A_1247, %parallel_loop3A_1248] {strides = array<i32>} : memref<128x64xi32, #tpu.memory_space<vmem>>, vector<16xi32>,
        %parallel_loop3A_1250 = vector.bitcast %parallel_loop3A_1249 : vector<16xi32> to vector<32xbf16>
        %parallel_loop3A_1251 = arith.index_cast %parallel_loop3A_1231 : i32 to index
        %parallel_loop3A_1252 = arith.constant 16 : index
        %parallel_loop3A_1253 = tpu.vector_load %arg10[%parallel_loop3A_1251, %parallel_loop3A_1252] {strides = array<i32>} : memref<128x64xi32, #tpu.memory_space<vmem>>, vector<16xi32>,
        %parallel_loop3A_1254 = vector.bitcast %parallel_loop3A_1253 : vector<16xi32> to vector<32xbf16>
        %parallel_loop3A_1255 = tpu.unpack_subelements %parallel_loop3A_1250, 0 {pack_format = #tpu.pack_format<interleaved>} : vector<32xbf16> -> vector<16xf32>
        %parallel_loop3A_1256 = tpu.unpack_subelements %parallel_loop3A_1250, 1 {pack_format = #tpu.pack_format<interleaved>} : vector<32xbf16> -> vector<16xf32>
        %parallel_loop3A_1257 = tpu.unpack_subelements %parallel_loop3A_1254, 0 {pack_format = #tpu.pack_format<interleaved>} : vector<32xbf16> -> vector<16xf32>
        %parallel_loop3A_1258 = tpu.unpack_subelements %parallel_loop3A_1254, 1 {pack_format = #tpu.pack_format<interleaved>} : vector<32xbf16> -> vector<16xf32>
        %parallel_loop3A_1259 = arith.mulf %parallel_loop3A_1255, %parallel_loop3A_1257 : vector<16xf32>
        %parallel_loop3A_1260 = arith.mulf %parallel_loop3A_1256, %parallel_loop3A_1258 : vector<16xf32>
        %parallel_loop3A_1261 = arith.addf %parallel_loop3A_1259, %parallel_loop3A_1260 : vector<16xf32>
        %parallel_loop3A_1262 = arith.addf %parallel_loop3A_1246, %parallel_loop3A_1261 : vector<16xf32>
        %parallel_loop3A_1263 = arith.index_cast %parallel_loop3A_1231 : i32 to index
        %parallel_loop3A_1264 = arith.constant 32 : index
        %parallel_loop3A_1265 = tpu.vector_load %arg9[%parallel_loop3A_1263, %parallel_loop3A_1264] {strides = array<i32>} : memref<128x64xi32, #tpu.memory_space<vmem>>, vector<16xi32>,
        %parallel_loop3A_1266 = vector.bitcast %parallel_loop3A_1265 : vector<16xi32> to vector<32xbf16>
        %parallel_loop3A_1267 = arith.index_cast %parallel_loop3A_1231 : i32 to index
        %parallel_loop3A_1268 = arith.constant 32 : index
        %parallel_loop3A_1269 = tpu.vector_load %arg10[%parallel_loop3A_1267, %parallel_loop3A_1268] {strides = array<i32>} : memref<128x64xi32, #tpu.memory_space<vmem>>, vector<16xi32>,
        %parallel_loop3A_1270 = vector.bitcast %parallel_loop3A_1269 : vector<16xi32> to vector<32xbf16>
        %parallel_loop3A_1271 = tpu.unpack_subelements %parallel_loop3A_1266, 0 {pack_format = #tpu.pack_format<interleaved>} : vector<32xbf16> -> vector<16xf32>
        %parallel_loop3A_1272 = tpu.unpack_subelements %parallel_loop3A_1266, 1 {pack_format = #tpu.pack_format<interleaved>} : vector<32xbf16> -> vector<16xf32>
        %parallel_loop3A_1273 = tpu.unpack_subelements %parallel_loop3A_1270, 0 {pack_format = #tpu.pack_format<interleaved>} : vector<32xbf16> -> vector<16xf32>
        %parallel_loop3A_1274 = tpu.unpack_subelements %parallel_loop3A_1270, 1 {pack_format = #tpu.pack_format<interleaved>} : vector<32xbf16> -> vector<16xf32>
        %parallel_loop3A_1275 = arith.mulf %parallel_loop3A_1271, %parallel_loop3A_1273 : vector<16xf32>
        %parallel_loop3A_1276 = arith.mulf %parallel_loop3A_1272, %parallel_loop3A_1274 : vector<16xf32>
        %parallel_loop3A_1277 = arith.addf %parallel_loop3A_1275, %parallel_loop3A_1276 : vector<16xf32>
        %parallel_loop3A_1278 = arith.addf %parallel_loop3A_1262, %parallel_loop3A_1277 : vector<16xf32>
        %parallel_loop3A_1279 = arith.index_cast %parallel_loop3A_1231 : i32 to index
        %parallel_loop3A_1280 = arith.constant 48 : index
        %parallel_loop3A_1281 = tpu.vector_load %arg9[%parallel_loop3A_1279, %parallel_loop3A_1280] {strides = array<i32>} : memref<128x64xi32, #tpu.memory_space<vmem>>, vector<16xi32>,
        %parallel_loop3A_1282 = vector.bitcast %parallel_loop3A_1281 : vector<16xi32> to vector<32xbf16>
        %parallel_loop3A_1283 = arith.index_cast %parallel_loop3A_1231 : i32 to index
        %parallel_loop3A_1284 = arith.constant 48 : index
        %parallel_loop3A_1285 = tpu.vector_load %arg10[%parallel_loop3A_1283, %parallel_loop3A_1284] {strides = array<i32>} : memref<128x64xi32, #tpu.memory_space<vmem>>, vector<16xi32>,
        %parallel_loop3A_1286 = vector.bitcast %parallel_loop3A_1285 : vector<16xi32> to vector<32xbf16>
        %parallel_loop3A_1287 = tpu.unpack_subelements %parallel_loop3A_1282, 0 {pack_format = #tpu.pack_format<interleaved>} : vector<32xbf16> -> vector<16xf32>
        %parallel_loop3A_1288 = tpu.unpack_subelements %parallel_loop3A_1282, 1 {pack_format = #tpu.pack_format<interleaved>} : vector<32xbf16> -> vector<16xf32>
        %parallel_loop3A_1289 = tpu.unpack_subelements %parallel_loop3A_1286, 0 {pack_format = #tpu.pack_format<interleaved>} : vector<32xbf16> -> vector<16xf32>
        %parallel_loop3A_1290 = tpu.unpack_subelements %parallel_loop3A_1286, 1 {pack_format = #tpu.pack_format<interleaved>} : vector<32xbf16> -> vector<16xf32>
        %parallel_loop3A_1291 = arith.mulf %parallel_loop3A_1287, %parallel_loop3A_1289 : vector<16xf32>
        %parallel_loop3A_1292 = arith.mulf %parallel_loop3A_1288, %parallel_loop3A_1290 : vector<16xf32>
        %parallel_loop3A_1293 = arith.addf %parallel_loop3A_1291, %parallel_loop3A_1292 : vector<16xf32>
        %parallel_loop3A_1294 = arith.addf %parallel_loop3A_1278, %parallel_loop3A_1293 : vector<16xf32>
        %parallel_loop3A_1295 = arith.constant true
        %parallel_loop3A_1296 = vector.broadcast %parallel_loop3A_1295 : i1 to vector<16xi1>
        %parallel_loop3A_1297 = tpu.scan <sum>, %parallel_loop3A_1294 masked %parallel_loop3A_1296 : vector<16xf32>, vector<16xi1> -> vector<16xf32>
        %parallel_loop3A_1298 = arith.constant 15 : i32
        %parallel_loop3A_1299 = vector.broadcast %parallel_loop3A_1298 : i32 to vector<16xi32>
        %parallel_loop3A_1300 = arith.addi %parallel_loop3A_132, %parallel_loop3A_1299 : vector<16xi32>
        tpu.vector_store_idx %arg13[%parallel_loop3A_1300], %parallel_loop3A_1297 masked %eq3A_90 : memref<10240xf32, #tpu.memory_space<vmem>>[vector<16xi32>], vector<16xf32>, vector<16xi1>
      } {sc.loop_unroll_factor = 2 : i64, sc.parallel_access}
      %add3A_93 = arith.constant 2 : i32
      %add3A_94 = arith.addi %add3A_61, %add3A_93 : i32
      %lt3A_95 = arith.constant 80 : i32
      %lt3A_96 = arith.cmpi slt, %add3A_94, %lt3A_95 : i32
      %convert_element_type3A_97 = arith.extui %lt3A_96 : i1 to i32
      %cond3A_98 = arith.constant 0 : i32
      %cond3A_99 = arith.cmpi ne, %convert_element_type3A_97, %cond3A_98 : i32
      scf.if %cond3A_99 {
        %add3A_123 = arith.constant 2 : i32
        %add3A_124 = arith.addi %add3A_61, %add3A_123 : i32
        %dma_start3A_125 = arith.constant 0 : i32
        %dma_start3A_126 = tpu.memref_slice %arg7[%add3A_124, %dma_start3A_125] : memref<80x128xi32, #tpu.memory_space<vmem>> -> memref<1x128xi32, #tpu.memory_space<vmem>>
        %dma_start3A_127 = tpu.memref_squeeze %dma_start3A_126 : memref<1x128xi32, #tpu.memory_space<vmem>> -> memref<128xi32, #tpu.memory_space<vmem>>
        %dma_start3A_128 = arith.constant 0 : i32
        %dma_start3A_129 = arith.constant 0 : i32
        %dma_start3A_130 = tpu.memref_slice %arg6[%dma_start3A_128, %dma_start3A_129] : memref<10000x64xi32, #tpu.memory_space<vmem_shared>> -> memref<10000x64xi32, #tpu.memory_space<vmem_shared>>
        tpu.enqueue_indirect_dma source(%dma_start3A_130 : memref<10000x64xi32, #tpu.memory_space<vmem_shared>>) target(%arg9 : memref<128x64xi32, #tpu.memory_space<vmem>>) offsets(%dma_start3A_127 : memref<128xi32, #tpu.memory_space<vmem>>) semaphore(%arg15 : memref<!tpu.dma_semaphore, #tpu.memory_space<semaphore_mem>>)
        %dma_start3A_131 = arith.constant 0 : i32
        %dma_start3A_132 = tpu.memref_slice %arg8[%add3A_124, %dma_start3A_131] : memref<80x128xi32, #tpu.memory_space<vmem>> -> memref<1x128xi32, #tpu.memory_space<vmem>>
        %dma_start3A_133 = tpu.memref_squeeze %dma_start3A_132 : memref<1x128xi32, #tpu.memory_space<vmem>> -> memref<128xi32, #tpu.memory_space<vmem>>
        %dma_start3A_134 = arith.constant 0 : i32
        %dma_start3A_135 = arith.constant 0 : i32
        %dma_start3A_136 = tpu.memref_slice %arg6[%dma_start3A_134, %dma_start3A_135] : memref<10000x64xi32, #tpu.memory_space<vmem_shared>> -> memref<10000x64xi32, #tpu.memory_space<vmem_shared>>
        tpu.enqueue_indirect_dma source(%dma_start3A_136 : memref<10000x64xi32, #tpu.memory_space<vmem_shared>>) target(%arg10 : memref<128x64xi32, #tpu.memory_space<vmem>>) offsets(%dma_start3A_133 : memref<128xi32, #tpu.memory_space<vmem>>) semaphore(%arg16 : memref<!tpu.dma_semaphore, #tpu.memory_space<semaphore_mem>>)
      } else {
      }
      %add3A_100 = arith.constant 1 : i32
      %add3A_101 = arith.addi %add3A_61, %add3A_100 : i32
      %dma_wait3A_102 = arith.constant 0 : i32
      %dma_wait3A_103 = tpu.memref_slice %arg7[%add3A_101, %dma_wait3A_102] : memref<80x128xi32, #tpu.memory_space<vmem>> -> memref<1x128xi32, #tpu.memory_space<vmem>>
      %dma_wait3A_104 = tpu.memref_squeeze %dma_wait3A_103 : memref<1x128xi32, #tpu.memory_space<vmem>> -> memref<128xi32, #tpu.memory_space<vmem>>
      %dma_wait3A_105 = arith.constant 0 : i32
      %dma_wait3A_106 = arith.constant 0 : i32
      %dma_wait3A_107 = tpu.memref_slice %arg6[%dma_wait3A_105, %dma_wait3A_106] : memref<10000x64xi32, #tpu.memory_space<vmem_shared>> -> memref<10000x64xi32, #tpu.memory_space<vmem_shared>>
      tpu.wait_indirect_dma semaphore(%arg17 : memref<!tpu.dma_semaphore, #tpu.memory_space<semaphore_mem>>) src(%dma_wait3A_107 : memref<10000x64xi32, #tpu.memory_space<vmem_shared>>) dst(%arg11 : memref<128x64xi32, #tpu.memory_space<vmem>>)
      %dma_wait3A_108 = arith.constant 0 : i32
      %dma_wait3A_109 = tpu.memref_slice %arg8[%add3A_101, %dma_wait3A_108] : memref<80x128xi32, #tpu.memory_space<vmem>> -> memref<1x128xi32, #tpu.memory_space<vmem>>
      %dma_wait3A_110 = tpu.memref_squeeze %dma_wait3A_109 : memref<1x128xi32, #tpu.memory_space<vmem>> -> memref<128xi32, #tpu.memory_space<vmem>>
      %dma_wait3A_111 = arith.constant 0 : i32
      %dma_wait3A_112 = arith.constant 0 : i32
      %dma_wait3A_113 = tpu.memref_slice %arg6[%dma_wait3A_111, %dma_wait3A_112] : memref<10000x64xi32, #tpu.memory_space<vmem_shared>> -> memref<10000x64xi32, #tpu.memory_space<vmem_shared>>
      tpu.wait_indirect_dma semaphore(%arg18 : memref<!tpu.dma_semaphore, #tpu.memory_space<semaphore_mem>>) src(%dma_wait3A_113 : memref<10000x64xi32, #tpu.memory_space<vmem_shared>>) dst(%arg12 : memref<128x64xi32, #tpu.memory_space<vmem>>)
      %add3A_114 = arith.constant 1 : i32
      %add3A_115 = arith.addi %add3A_61, %add3A_114 : i32
      %iota3A_116 = tpu.iota {dimensions = array<i32: 0>} : vector<16xi32>
      %eq3A_117 = arith.constant 15 : i32
      %eq3A_118 = vector.broadcast %eq3A_117 : i32 to vector<16xi32>
      %eq3A_119 = arith.cmpi eq, %iota3A_116, %eq3A_118 : vector<16xi32>
      %parallel_loop3A_120 = arith.constant 0 : i32
      %parallel_loop3A_121 = arith.constant 8 : i32
      %parallel_loop3A_122 = arith.constant 1 : i32
      scf.for %parallel_loop3A_123 = %parallel_loop3A_120 to %parallel_loop3A_121 step %parallel_loop3A_122  : i32 {
        %parallel_loop3A_124 = arith.constant 128 : i32
        %parallel_loop3A_125 = arith.muli %add3A_115, %parallel_loop3A_124 : i32
        %parallel_loop3A_126 = arith.constant 16 : i32
        %parallel_loop3A_127 = arith.muli %parallel_loop3A_123, %parallel_loop3A_126 : i32
        %parallel_loop3A_128 = arith.addi %parallel_loop3A_125, %parallel_loop3A_127 : i32
        %parallel_loop3A_129 = arith.constant 0 : i32
        %parallel_loop3A_130 = vector.broadcast %parallel_loop3A_129 : i32 to vector<16xi32>
        %parallel_loop3A_131 = vector.broadcast %parallel_loop3A_128 : i32 to vector<16xi32>
        %parallel_loop3A_132 = arith.addi %parallel_loop3A_130, %parallel_loop3A_131 : vector<16xi32>
        %parallel_loop3A_133 = arith.constant 16 : i32
        %parallel_loop3A_134 = arith.muli %parallel_loop3A_123, %parallel_loop3A_133 : i32
        %parallel_loop3A_135 = arith.constant 0 : i32
        %parallel_loop3A_136 = arith.addi %parallel_loop3A_134, %parallel_loop3A_135 : i32
        %parallel_loop3A_137 = arith.index_cast %parallel_loop3A_136 : i32 to index
        %parallel_loop3A_138 = arith.constant 0 : index
        %parallel_loop3A_139 = tpu.vector_load %arg11[%parallel_loop3A_137, %parallel_loop3A_138] {strides = array<i32>} : memref<128x64xi32, #tpu.memory_space<vmem>>, vector<16xi32>,
        %parallel_loop3A_140 = vector.bitcast %parallel_loop3A_139 : vector<16xi32> to vector<32xbf16>
        %parallel_loop3A_141 = arith.index_cast %parallel_loop3A_136 : i32 to index
        %parallel_loop3A_142 = arith.constant 0 : index
        %parallel_loop3A_143 = tpu.vector_load %arg12[%parallel_loop3A_141, %parallel_loop3A_142] {strides = array<i32>} : memref<128x64xi32, #tpu.memory_space<vmem>>, vector<16xi32>,
        %parallel_loop3A_144 = vector.bitcast %parallel_loop3A_143 : vector<16xi32> to vector<32xbf16>
        %parallel_loop3A_145 = tpu.unpack_subelements %parallel_loop3A_140, 0 {pack_format = #tpu.pack_format<interleaved>} : vector<32xbf16> -> vector<16xf32>
        %parallel_loop3A_146 = tpu.unpack_subelements %parallel_loop3A_140, 1 {pack_format = #tpu.pack_format<interleaved>} : vector<32xbf16> -> vector<16xf32>
        %parallel_loop3A_147 = tpu.unpack_subelements %parallel_loop3A_144, 0 {pack_format = #tpu.pack_format<interleaved>} : vector<32xbf16> -> vector<16xf32>
        %parallel_loop3A_148 = tpu.unpack_subelements %parallel_loop3A_144, 1 {pack_format = #tpu.pack_format<interleaved>} : vector<32xbf16> -> vector<16xf32>
        %parallel_loop3A_149 = arith.mulf %parallel_loop3A_145, %parallel_loop3A_147 : vector<16xf32>
        %parallel_loop3A_150 = arith.mulf %parallel_loop3A_146, %parallel_loop3A_148 : vector<16xf32>
        %parallel_loop3A_151 = arith.addf %parallel_loop3A_149, %parallel_loop3A_150 : vector<16xf32>
        %parallel_loop3A_152 = arith.index_cast %parallel_loop3A_136 : i32 to index
        %parallel_loop3A_153 = arith.constant 16 : index
        %parallel_loop3A_154 = tpu.vector_load %arg11[%parallel_loop3A_152, %parallel_loop3A_153] {strides = array<i32>} : memref<128x64xi32, #tpu.memory_space<vmem>>, vector<16xi32>,
        %parallel_loop3A_155 = vector.bitcast %parallel_loop3A_154 : vector<16xi32> to vector<32xbf16>
        %parallel_loop3A_156 = arith.index_cast %parallel_loop3A_136 : i32 to index
        %parallel_loop3A_157 = arith.constant 16 : index
        %parallel_loop3A_158 = tpu.vector_load %arg12[%parallel_loop3A_156, %parallel_loop3A_157] {strides = array<i32>} : memref<128x64xi32, #tpu.memory_space<vmem>>, vector<16xi32>,
        %parallel_loop3A_159 = vector.bitcast %parallel_loop3A_158 : vector<16xi32> to vector<32xbf16>
        %parallel_loop3A_160 = tpu.unpack_subelements %parallel_loop3A_155, 0 {pack_format = #tpu.pack_format<interleaved>} : vector<32xbf16> -> vector<16xf32>
        %parallel_loop3A_161 = tpu.unpack_subelements %parallel_loop3A_155, 1 {pack_format = #tpu.pack_format<interleaved>} : vector<32xbf16> -> vector<16xf32>
        %parallel_loop3A_162 = tpu.unpack_subelements %parallel_loop3A_159, 0 {pack_format = #tpu.pack_format<interleaved>} : vector<32xbf16> -> vector<16xf32>
        %parallel_loop3A_163 = tpu.unpack_subelements %parallel_loop3A_159, 1 {pack_format = #tpu.pack_format<interleaved>} : vector<32xbf16> -> vector<16xf32>
        %parallel_loop3A_164 = arith.mulf %parallel_loop3A_160, %parallel_loop3A_162 : vector<16xf32>
        %parallel_loop3A_165 = arith.mulf %parallel_loop3A_161, %parallel_loop3A_163 : vector<16xf32>
        %parallel_loop3A_166 = arith.addf %parallel_loop3A_164, %parallel_loop3A_165 : vector<16xf32>
        %parallel_loop3A_167 = arith.addf %parallel_loop3A_151, %parallel_loop3A_166 : vector<16xf32>
        %parallel_loop3A_168 = arith.index_cast %parallel_loop3A_136 : i32 to index
        %parallel_loop3A_169 = arith.constant 32 : index
        %parallel_loop3A_170 = tpu.vector_load %arg11[%parallel_loop3A_168, %parallel_loop3A_169] {strides = array<i32>} : memref<128x64xi32, #tpu.memory_space<vmem>>, vector<16xi32>,
        %parallel_loop3A_171 = vector.bitcast %parallel_loop3A_170 : vector<16xi32> to vector<32xbf16>
        %parallel_loop3A_172 = arith.index_cast %parallel_loop3A_136 : i32 to index
        %parallel_loop3A_173 = arith.constant 32 : index
        %parallel_loop3A_174 = tpu.vector_load %arg12[%parallel_loop3A_172, %parallel_loop3A_173] {strides = array<i32>} : memref<128x64xi32, #tpu.memory_space<vmem>>, vector<16xi32>,
        %parallel_loop3A_175 = vector.bitcast %parallel_loop3A_174 : vector<16xi32> to vector<32xbf16>
        %parallel_loop3A_176 = tpu.unpack_subelements %parallel_loop3A_171, 0 {pack_format = #tpu.pack_format<interleaved>} : vector<32xbf16> -> vector<16xf32>
        %parallel_loop3A_177 = tpu.unpack_subelements %parallel_loop3A_171, 1 {pack_format = #tpu.pack_format<interleaved>} : vector<32xbf16> -> vector<16xf32>
        %parallel_loop3A_178 = tpu.unpack_subelements %parallel_loop3A_175, 0 {pack_format = #tpu.pack_format<interleaved>} : vector<32xbf16> -> vector<16xf32>
        %parallel_loop3A_179 = tpu.unpack_subelements %parallel_loop3A_175, 1 {pack_format = #tpu.pack_format<interleaved>} : vector<32xbf16> -> vector<16xf32>
        %parallel_loop3A_180 = arith.mulf %parallel_loop3A_176, %parallel_loop3A_178 : vector<16xf32>
        %parallel_loop3A_181 = arith.mulf %parallel_loop3A_177, %parallel_loop3A_179 : vector<16xf32>
        %parallel_loop3A_182 = arith.addf %parallel_loop3A_180, %parallel_loop3A_181 : vector<16xf32>
        %parallel_loop3A_183 = arith.addf %parallel_loop3A_167, %parallel_loop3A_182 : vector<16xf32>
        %parallel_loop3A_184 = arith.index_cast %parallel_loop3A_136 : i32 to index
        %parallel_loop3A_185 = arith.constant 48 : index
        %parallel_loop3A_186 = tpu.vector_load %arg11[%parallel_loop3A_184, %parallel_loop3A_185] {strides = array<i32>} : memref<128x64xi32, #tpu.memory_space<vmem>>, vector<16xi32>,
        %parallel_loop3A_187 = vector.bitcast %parallel_loop3A_186 : vector<16xi32> to vector<32xbf16>
        %parallel_loop3A_188 = arith.index_cast %parallel_loop3A_136 : i32 to index
        %parallel_loop3A_189 = arith.constant 48 : index
        %parallel_loop3A_190 = tpu.vector_load %arg12[%parallel_loop3A_188, %parallel_loop3A_189] {strides = array<i32>} : memref<128x64xi32, #tpu.memory_space<vmem>>, vector<16xi32>,
        %parallel_loop3A_191 = vector.bitcast %parallel_loop3A_190 : vector<16xi32> to vector<32xbf16>
        %parallel_loop3A_192 = tpu.unpack_subelements %parallel_loop3A_187, 0 {pack_format = #tpu.pack_format<interleaved>} : vector<32xbf16> -> vector<16xf32>
        %parallel_loop3A_193 = tpu.unpack_subelements %parallel_loop3A_187, 1 {pack_format = #tpu.pack_format<interleaved>} : vector<32xbf16> -> vector<16xf32>
        %parallel_loop3A_194 = tpu.unpack_subelements %parallel_loop3A_191, 0 {pack_format = #tpu.pack_format<interleaved>} : vector<32xbf16> -> vector<16xf32>
        %parallel_loop3A_195 = tpu.unpack_subelements %parallel_loop3A_191, 1 {pack_format = #tpu.pack_format<interleaved>} : vector<32xbf16> -> vector<16xf32>
        %parallel_loop3A_196 = arith.mulf %parallel_loop3A_192, %parallel_loop3A_194 : vector<16xf32>
        %parallel_loop3A_197 = arith.mulf %parallel_loop3A_193, %parallel_loop3A_195 : vector<16xf32>
        %parallel_loop3A_198 = arith.addf %parallel_loop3A_196, %parallel_loop3A_197 : vector<16xf32>
        %parallel_loop3A_199 = arith.addf %parallel_loop3A_183, %parallel_loop3A_198 : vector<16xf32>
        %parallel_loop3A_200 = arith.constant true
        %parallel_loop3A_201 = vector.broadcast %parallel_loop3A_200 : i1 to vector<16xi1>
        %parallel_loop3A_202 = tpu.scan <sum>, %parallel_loop3A_199 masked %parallel_loop3A_201 : vector<16xf32>, vector<16xi1> -> vector<16xf32>
        %parallel_loop3A_203 = arith.constant 0 : i32
        %parallel_loop3A_204 = vector.broadcast %parallel_loop3A_203 : i32 to vector<16xi32>
        %parallel_loop3A_205 = arith.addi %parallel_loop3A_132, %parallel_loop3A_204 : vector<16xi32>
        tpu.vector_store_idx %arg13[%parallel_loop3A_205], %parallel_loop3A_202 masked %eq3A_119 : memref<10240xf32, #tpu.memory_space<vmem>>[vector<16xi32>], vector<16xf32>, vector<16xi1>
        %parallel_loop3A_206 = arith.constant 16 : i32
        %parallel_loop3A_207 = arith.muli %parallel_loop3A_123, %parallel_loop3A_206 : i32
        %parallel_loop3A_208 = arith.constant 1 : i32
        %parallel_loop3A_209 = arith.addi %parallel_loop3A_207, %parallel_loop3A_208 : i32
        %parallel_loop3A_210 = arith.index_cast %parallel_loop3A_209 : i32 to index
        %parallel_loop3A_211 = arith.constant 0 : index
        %parallel_loop3A_212 = tpu.vector_load %arg11[%parallel_loop3A_210, %parallel_loop3A_211] {strides = array<i32>} : memref<128x64xi32, #tpu.memory_space<vmem>>, vector<16xi32>,
        %parallel_loop3A_213 = vector.bitcast %parallel_loop3A_212 : vector<16xi32> to vector<32xbf16>
        %parallel_loop3A_214 = arith.index_cast %parallel_loop3A_209 : i32 to index
        %parallel_loop3A_215 = arith.constant 0 : index
        %parallel_loop3A_216 = tpu.vector_load %arg12[%parallel_loop3A_214, %parallel_loop3A_215] {strides = array<i32>} : memref<128x64xi32, #tpu.memory_space<vmem>>, vector<16xi32>,
        %parallel_loop3A_217 = vector.bitcast %parallel_loop3A_216 : vector<16xi32> to vector<32xbf16>
        %parallel_loop3A_218 = tpu.unpack_subelements %parallel_loop3A_213, 0 {pack_format = #tpu.pack_format<interleaved>} : vector<32xbf16> -> vector<16xf32>
        %parallel_loop3A_219 = tpu.unpack_subelements %parallel_loop3A_213, 1 {pack_format = #tpu.pack_format<interleaved>} : vector<32xbf16> -> vector<16xf32>
        %parallel_loop3A_220 = tpu.unpack_subelements %parallel_loop3A_217, 0 {pack_format = #tpu.pack_format<interleaved>} : vector<32xbf16> -> vector<16xf32>
        %parallel_loop3A_221 = tpu.unpack_subelements %parallel_loop3A_217, 1 {pack_format = #tpu.pack_format<interleaved>} : vector<32xbf16> -> vector<16xf32>
        %parallel_loop3A_222 = arith.mulf %parallel_loop3A_218, %parallel_loop3A_220 : vector<16xf32>
        %parallel_loop3A_223 = arith.mulf %parallel_loop3A_219, %parallel_loop3A_221 : vector<16xf32>
        %parallel_loop3A_224 = arith.addf %parallel_loop3A_222, %parallel_loop3A_223 : vector<16xf32>
        %parallel_loop3A_225 = arith.index_cast %parallel_loop3A_209 : i32 to index
        %parallel_loop3A_226 = arith.constant 16 : index
        %parallel_loop3A_227 = tpu.vector_load %arg11[%parallel_loop3A_225, %parallel_loop3A_226] {strides = array<i32>} : memref<128x64xi32, #tpu.memory_space<vmem>>, vector<16xi32>,
        %parallel_loop3A_228 = vector.bitcast %parallel_loop3A_227 : vector<16xi32> to vector<32xbf16>
        %parallel_loop3A_229 = arith.index_cast %parallel_loop3A_209 : i32 to index
        %parallel_loop3A_230 = arith.constant 16 : index
        %parallel_loop3A_231 = tpu.vector_load %arg12[%parallel_loop3A_229, %parallel_loop3A_230] {strides = array<i32>} : memref<128x64xi32, #tpu.memory_space<vmem>>, vector<16xi32>,
        %parallel_loop3A_232 = vector.bitcast %parallel_loop3A_231 : vector<16xi32> to vector<32xbf16>
        %parallel_loop3A_233 = tpu.unpack_subelements %parallel_loop3A_228, 0 {pack_format = #tpu.pack_format<interleaved>} : vector<32xbf16> -> vector<16xf32>
        %parallel_loop3A_234 = tpu.unpack_subelements %parallel_loop3A_228, 1 {pack_format = #tpu.pack_format<interleaved>} : vector<32xbf16> -> vector<16xf32>
        %parallel_loop3A_235 = tpu.unpack_subelements %parallel_loop3A_232, 0 {pack_format = #tpu.pack_format<interleaved>} : vector<32xbf16> -> vector<16xf32>
        %parallel_loop3A_236 = tpu.unpack_subelements %parallel_loop3A_232, 1 {pack_format = #tpu.pack_format<interleaved>} : vector<32xbf16> -> vector<16xf32>
        %parallel_loop3A_237 = arith.mulf %parallel_loop3A_233, %parallel_loop3A_235 : vector<16xf32>
        %parallel_loop3A_238 = arith.mulf %parallel_loop3A_234, %parallel_loop3A_236 : vector<16xf32>
        %parallel_loop3A_239 = arith.addf %parallel_loop3A_237, %parallel_loop3A_238 : vector<16xf32>
        %parallel_loop3A_240 = arith.addf %parallel_loop3A_224, %parallel_loop3A_239 : vector<16xf32>
        %parallel_loop3A_241 = arith.index_cast %parallel_loop3A_209 : i32 to index
        %parallel_loop3A_242 = arith.constant 32 : index
        %parallel_loop3A_243 = tpu.vector_load %arg11[%parallel_loop3A_241, %parallel_loop3A_242] {strides = array<i32>} : memref<128x64xi32, #tpu.memory_space<vmem>>, vector<16xi32>,
        %parallel_loop3A_244 = vector.bitcast %parallel_loop3A_243 : vector<16xi32> to vector<32xbf16>
        %parallel_loop3A_245 = arith.index_cast %parallel_loop3A_209 : i32 to index
        %parallel_loop3A_246 = arith.constant 32 : index
        %parallel_loop3A_247 = tpu.vector_load %arg12[%parallel_loop3A_245, %parallel_loop3A_246] {strides = array<i32>} : memref<128x64xi32, #tpu.memory_space<vmem>>, vector<16xi32>,
        %parallel_loop3A_248 = vector.bitcast %parallel_loop3A_247 : vector<16xi32> to vector<32xbf16>
        %parallel_loop3A_249 = tpu.unpack_subelements %parallel_loop3A_244, 0 {pack_format = #tpu.pack_format<interleaved>} : vector<32xbf16> -> vector<16xf32>
        %parallel_loop3A_250 = tpu.unpack_subelements %parallel_loop3A_244, 1 {pack_format = #tpu.pack_format<interleaved>} : vector<32xbf16> -> vector<16xf32>
        %parallel_loop3A_251 = tpu.unpack_subelements %parallel_loop3A_248, 0 {pack_format = #tpu.pack_format<interleaved>} : vector<32xbf16> -> vector<16xf32>
        %parallel_loop3A_252 = tpu.unpack_subelements %parallel_loop3A_248, 1 {pack_format = #tpu.pack_format<interleaved>} : vector<32xbf16> -> vector<16xf32>
        %parallel_loop3A_253 = arith.mulf %parallel_loop3A_249, %parallel_loop3A_251 : vector<16xf32>
        %parallel_loop3A_254 = arith.mulf %parallel_loop3A_250, %parallel_loop3A_252 : vector<16xf32>
        %parallel_loop3A_255 = arith.addf %parallel_loop3A_253, %parallel_loop3A_254 : vector<16xf32>
        %parallel_loop3A_256 = arith.addf %parallel_loop3A_240, %parallel_loop3A_255 : vector<16xf32>
        %parallel_loop3A_257 = arith.index_cast %parallel_loop3A_209 : i32 to index
        %parallel_loop3A_258 = arith.constant 48 : index
        %parallel_loop3A_259 = tpu.vector_load %arg11[%parallel_loop3A_257, %parallel_loop3A_258] {strides = array<i32>} : memref<128x64xi32, #tpu.memory_space<vmem>>, vector<16xi32>,
        %parallel_loop3A_260 = vector.bitcast %parallel_loop3A_259 : vector<16xi32> to vector<32xbf16>
        %parallel_loop3A_261 = arith.index_cast %parallel_loop3A_209 : i32 to index
        %parallel_loop3A_262 = arith.constant 48 : index
        %parallel_loop3A_263 = tpu.vector_load %arg12[%parallel_loop3A_261, %parallel_loop3A_262] {strides = array<i32>} : memref<128x64xi32, #tpu.memory_space<vmem>>, vector<16xi32>,
        %parallel_loop3A_264 = vector.bitcast %parallel_loop3A_263 : vector<16xi32> to vector<32xbf16>
        %parallel_loop3A_265 = tpu.unpack_subelements %parallel_loop3A_260, 0 {pack_format = #tpu.pack_format<interleaved>} : vector<32xbf16> -> vector<16xf32>
        %parallel_loop3A_266 = tpu.unpack_subelements %parallel_loop3A_260, 1 {pack_format = #tpu.pack_format<interleaved>} : vector<32xbf16> -> vector<16xf32>
        %parallel_loop3A_267 = tpu.unpack_subelements %parallel_loop3A_264, 0 {pack_format = #tpu.pack_format<interleaved>} : vector<32xbf16> -> vector<16xf32>
        %parallel_loop3A_268 = tpu.unpack_subelements %parallel_loop3A_264, 1 {pack_format = #tpu.pack_format<interleaved>} : vector<32xbf16> -> vector<16xf32>
        %parallel_loop3A_269 = arith.mulf %parallel_loop3A_265, %parallel_loop3A_267 : vector<16xf32>
        %parallel_loop3A_270 = arith.mulf %parallel_loop3A_266, %parallel_loop3A_268 : vector<16xf32>
        %parallel_loop3A_271 = arith.addf %parallel_loop3A_269, %parallel_loop3A_270 : vector<16xf32>
        %parallel_loop3A_272 = arith.addf %parallel_loop3A_256, %parallel_loop3A_271 : vector<16xf32>
        %parallel_loop3A_273 = arith.constant true
        %parallel_loop3A_274 = vector.broadcast %parallel_loop3A_273 : i1 to vector<16xi1>
        %parallel_loop3A_275 = tpu.scan <sum>, %parallel_loop3A_272 masked %parallel_loop3A_274 : vector<16xf32>, vector<16xi1> -> vector<16xf32>
        %parallel_loop3A_276 = arith.constant 1 : i32
        %parallel_loop3A_277 = vector.broadcast %parallel_loop3A_276 : i32 to vector<16xi32>
        %parallel_loop3A_278 = arith.addi %parallel_loop3A_132, %parallel_loop3A_277 : vector<16xi32>
        tpu.vector_store_idx %arg13[%parallel_loop3A_278], %parallel_loop3A_275 masked %eq3A_119 : memref<10240xf32, #tpu.memory_space<vmem>>[vector<16xi32>], vector<16xf32>, vector<16xi1>
        %parallel_loop3A_279 = arith.constant 16 : i32
        %parallel_loop3A_280 = arith.muli %parallel_loop3A_123, %parallel_loop3A_279 : i32
        %parallel_loop3A_281 = arith.constant 2 : i32
        %parallel_loop3A_282 = arith.addi %parallel_loop3A_280, %parallel_loop3A_281 : i32
        %parallel_loop3A_283 = arith.index_cast %parallel_loop3A_282 : i32 to index
        %parallel_loop3A_284 = arith.constant 0 : index
        %parallel_loop3A_285 = tpu.vector_load %arg11[%parallel_loop3A_283, %parallel_loop3A_284] {strides = array<i32>} : memref<128x64xi32, #tpu.memory_space<vmem>>, vector<16xi32>,
        %parallel_loop3A_286 = vector.bitcast %parallel_loop3A_285 : vector<16xi32> to vector<32xbf16>
        %parallel_loop3A_287 = arith.index_cast %parallel_loop3A_282 : i32 to index
        %parallel_loop3A_288 = arith.constant 0 : index
        %parallel_loop3A_289 = tpu.vector_load %arg12[%parallel_loop3A_287, %parallel_loop3A_288] {strides = array<i32>} : memref<128x64xi32, #tpu.memory_space<vmem>>, vector<16xi32>,
        %parallel_loop3A_290 = vector.bitcast %parallel_loop3A_289 : vector<16xi32> to vector<32xbf16>
        %parallel_loop3A_291 = tpu.unpack_subelements %parallel_loop3A_286, 0 {pack_format = #tpu.pack_format<interleaved>} : vector<32xbf16> -> vector<16xf32>
        %parallel_loop3A_292 = tpu.unpack_subelements %parallel_loop3A_286, 1 {pack_format = #tpu.pack_format<interleaved>} : vector<32xbf16> -> vector<16xf32>
        %parallel_loop3A_293 = tpu.unpack_subelements %parallel_loop3A_290, 0 {pack_format = #tpu.pack_format<interleaved>} : vector<32xbf16> -> vector<16xf32>
        %parallel_loop3A_294 = tpu.unpack_subelements %parallel_loop3A_290, 1 {pack_format = #tpu.pack_format<interleaved>} : vector<32xbf16> -> vector<16xf32>
        %parallel_loop3A_295 = arith.mulf %parallel_loop3A_291, %parallel_loop3A_293 : vector<16xf32>
        %parallel_loop3A_296 = arith.mulf %parallel_loop3A_292, %parallel_loop3A_294 : vector<16xf32>
        %parallel_loop3A_297 = arith.addf %parallel_loop3A_295, %parallel_loop3A_296 : vector<16xf32>
        %parallel_loop3A_298 = arith.index_cast %parallel_loop3A_282 : i32 to index
        %parallel_loop3A_299 = arith.constant 16 : index
        %parallel_loop3A_300 = tpu.vector_load %arg11[%parallel_loop3A_298, %parallel_loop3A_299] {strides = array<i32>} : memref<128x64xi32, #tpu.memory_space<vmem>>, vector<16xi32>,
        %parallel_loop3A_301 = vector.bitcast %parallel_loop3A_300 : vector<16xi32> to vector<32xbf16>
        %parallel_loop3A_302 = arith.index_cast %parallel_loop3A_282 : i32 to index
        %parallel_loop3A_303 = arith.constant 16 : index
        %parallel_loop3A_304 = tpu.vector_load %arg12[%parallel_loop3A_302, %parallel_loop3A_303] {strides = array<i32>} : memref<128x64xi32, #tpu.memory_space<vmem>>, vector<16xi32>,
        %parallel_loop3A_305 = vector.bitcast %parallel_loop3A_304 : vector<16xi32> to vector<32xbf16>
        %parallel_loop3A_306 = tpu.unpack_subelements %parallel_loop3A_301, 0 {pack_format = #tpu.pack_format<interleaved>} : vector<32xbf16> -> vector<16xf32>
        %parallel_loop3A_307 = tpu.unpack_subelements %parallel_loop3A_301, 1 {pack_format = #tpu.pack_format<interleaved>} : vector<32xbf16> -> vector<16xf32>
        %parallel_loop3A_308 = tpu.unpack_subelements %parallel_loop3A_305, 0 {pack_format = #tpu.pack_format<interleaved>} : vector<32xbf16> -> vector<16xf32>
        %parallel_loop3A_309 = tpu.unpack_subelements %parallel_loop3A_305, 1 {pack_format = #tpu.pack_format<interleaved>} : vector<32xbf16> -> vector<16xf32>
        %parallel_loop3A_310 = arith.mulf %parallel_loop3A_306, %parallel_loop3A_308 : vector<16xf32>
        %parallel_loop3A_311 = arith.mulf %parallel_loop3A_307, %parallel_loop3A_309 : vector<16xf32>
        %parallel_loop3A_312 = arith.addf %parallel_loop3A_310, %parallel_loop3A_311 : vector<16xf32>
        %parallel_loop3A_313 = arith.addf %parallel_loop3A_297, %parallel_loop3A_312 : vector<16xf32>
        %parallel_loop3A_314 = arith.index_cast %parallel_loop3A_282 : i32 to index
        %parallel_loop3A_315 = arith.constant 32 : index
        %parallel_loop3A_316 = tpu.vector_load %arg11[%parallel_loop3A_314, %parallel_loop3A_315] {strides = array<i32>} : memref<128x64xi32, #tpu.memory_space<vmem>>, vector<16xi32>,
        %parallel_loop3A_317 = vector.bitcast %parallel_loop3A_316 : vector<16xi32> to vector<32xbf16>
        %parallel_loop3A_318 = arith.index_cast %parallel_loop3A_282 : i32 to index
        %parallel_loop3A_319 = arith.constant 32 : index
        %parallel_loop3A_320 = tpu.vector_load %arg12[%parallel_loop3A_318, %parallel_loop3A_319] {strides = array<i32>} : memref<128x64xi32, #tpu.memory_space<vmem>>, vector<16xi32>,
        %parallel_loop3A_321 = vector.bitcast %parallel_loop3A_320 : vector<16xi32> to vector<32xbf16>
        %parallel_loop3A_322 = tpu.unpack_subelements %parallel_loop3A_317, 0 {pack_format = #tpu.pack_format<interleaved>} : vector<32xbf16> -> vector<16xf32>
        %parallel_loop3A_323 = tpu.unpack_subelements %parallel_loop3A_317, 1 {pack_format = #tpu.pack_format<interleaved>} : vector<32xbf16> -> vector<16xf32>
        %parallel_loop3A_324 = tpu.unpack_subelements %parallel_loop3A_321, 0 {pack_format = #tpu.pack_format<interleaved>} : vector<32xbf16> -> vector<16xf32>
        %parallel_loop3A_325 = tpu.unpack_subelements %parallel_loop3A_321, 1 {pack_format = #tpu.pack_format<interleaved>} : vector<32xbf16> -> vector<16xf32>
        %parallel_loop3A_326 = arith.mulf %parallel_loop3A_322, %parallel_loop3A_324 : vector<16xf32>
        %parallel_loop3A_327 = arith.mulf %parallel_loop3A_323, %parallel_loop3A_325 : vector<16xf32>
        %parallel_loop3A_328 = arith.addf %parallel_loop3A_326, %parallel_loop3A_327 : vector<16xf32>
        %parallel_loop3A_329 = arith.addf %parallel_loop3A_313, %parallel_loop3A_328 : vector<16xf32>
        %parallel_loop3A_330 = arith.index_cast %parallel_loop3A_282 : i32 to index
        %parallel_loop3A_331 = arith.constant 48 : index
        %parallel_loop3A_332 = tpu.vector_load %arg11[%parallel_loop3A_330, %parallel_loop3A_331] {strides = array<i32>} : memref<128x64xi32, #tpu.memory_space<vmem>>, vector<16xi32>,
        %parallel_loop3A_333 = vector.bitcast %parallel_loop3A_332 : vector<16xi32> to vector<32xbf16>
        %parallel_loop3A_334 = arith.index_cast %parallel_loop3A_282 : i32 to index
        %parallel_loop3A_335 = arith.constant 48 : index
        %parallel_loop3A_336 = tpu.vector_load %arg12[%parallel_loop3A_334, %parallel_loop3A_335] {strides = array<i32>} : memref<128x64xi32, #tpu.memory_space<vmem>>, vector<16xi32>,
        %parallel_loop3A_337 = vector.bitcast %parallel_loop3A_336 : vector<16xi32> to vector<32xbf16>
        %parallel_loop3A_338 = tpu.unpack_subelements %parallel_loop3A_333, 0 {pack_format = #tpu.pack_format<interleaved>} : vector<32xbf16> -> vector<16xf32>
        %parallel_loop3A_339 = tpu.unpack_subelements %parallel_loop3A_333, 1 {pack_format = #tpu.pack_format<interleaved>} : vector<32xbf16> -> vector<16xf32>
        %parallel_loop3A_340 = tpu.unpack_subelements %parallel_loop3A_337, 0 {pack_format = #tpu.pack_format<interleaved>} : vector<32xbf16> -> vector<16xf32>
        %parallel_loop3A_341 = tpu.unpack_subelements %parallel_loop3A_337, 1 {pack_format = #tpu.pack_format<interleaved>} : vector<32xbf16> -> vector<16xf32>
        %parallel_loop3A_342 = arith.mulf %parallel_loop3A_338, %parallel_loop3A_340 : vector<16xf32>
        %parallel_loop3A_343 = arith.mulf %parallel_loop3A_339, %parallel_loop3A_341 : vector<16xf32>
        %parallel_loop3A_344 = arith.addf %parallel_loop3A_342, %parallel_loop3A_343 : vector<16xf32>
        %parallel_loop3A_345 = arith.addf %parallel_loop3A_329, %parallel_loop3A_344 : vector<16xf32>
        %parallel_loop3A_346 = arith.constant true
        %parallel_loop3A_347 = vector.broadcast %parallel_loop3A_346 : i1 to vector<16xi1>
        %parallel_loop3A_348 = tpu.scan <sum>, %parallel_loop3A_345 masked %parallel_loop3A_347 : vector<16xf32>, vector<16xi1> -> vector<16xf32>
        %parallel_loop3A_349 = arith.constant 2 : i32
        %parallel_loop3A_350 = vector.broadcast %parallel_loop3A_349 : i32 to vector<16xi32>
        %parallel_loop3A_351 = arith.addi %parallel_loop3A_132, %parallel_loop3A_350 : vector<16xi32>
        tpu.vector_store_idx %arg13[%parallel_loop3A_351], %parallel_loop3A_348 masked %eq3A_119 : memref<10240xf32, #tpu.memory_space<vmem>>[vector<16xi32>], vector<16xf32>, vector<16xi1>
        %parallel_loop3A_352 = arith.constant 16 : i32
        %parallel_loop3A_353 = arith.muli %parallel_loop3A_123, %parallel_loop3A_352 : i32
        %parallel_loop3A_354 = arith.constant 3 : i32
        %parallel_loop3A_355 = arith.addi %parallel_loop3A_353, %parallel_loop3A_354 : i32
        %parallel_loop3A_356 = arith.index_cast %parallel_loop3A_355 : i32 to index
        %parallel_loop3A_357 = arith.constant 0 : index
        %parallel_loop3A_358 = tpu.vector_load %arg11[%parallel_loop3A_356, %parallel_loop3A_357] {strides = array<i32>} : memref<128x64xi32, #tpu.memory_space<vmem>>, vector<16xi32>,
        %parallel_loop3A_359 = vector.bitcast %parallel_loop3A_358 : vector<16xi32> to vector<32xbf16>
        %parallel_loop3A_360 = arith.index_cast %parallel_loop3A_355 : i32 to index
        %parallel_loop3A_361 = arith.constant 0 : index
        %parallel_loop3A_362 = tpu.vector_load %arg12[%parallel_loop3A_360, %parallel_loop3A_361] {strides = array<i32>} : memref<128x64xi32, #tpu.memory_space<vmem>>, vector<16xi32>,
        %parallel_loop3A_363 = vector.bitcast %parallel_loop3A_362 : vector<16xi32> to vector<32xbf16>
        %parallel_loop3A_364 = tpu.unpack_subelements %parallel_loop3A_359, 0 {pack_format = #tpu.pack_format<interleaved>} : vector<32xbf16> -> vector<16xf32>
        %parallel_loop3A_365 = tpu.unpack_subelements %parallel_loop3A_359, 1 {pack_format = #tpu.pack_format<interleaved>} : vector<32xbf16> -> vector<16xf32>
        %parallel_loop3A_366 = tpu.unpack_subelements %parallel_loop3A_363, 0 {pack_format = #tpu.pack_format<interleaved>} : vector<32xbf16> -> vector<16xf32>
        %parallel_loop3A_367 = tpu.unpack_subelements %parallel_loop3A_363, 1 {pack_format = #tpu.pack_format<interleaved>} : vector<32xbf16> -> vector<16xf32>
        %parallel_loop3A_368 = arith.mulf %parallel_loop3A_364, %parallel_loop3A_366 : vector<16xf32>
        %parallel_loop3A_369 = arith.mulf %parallel_loop3A_365, %parallel_loop3A_367 : vector<16xf32>
        %parallel_loop3A_370 = arith.addf %parallel_loop3A_368, %parallel_loop3A_369 : vector<16xf32>
        %parallel_loop3A_371 = arith.index_cast %parallel_loop3A_355 : i32 to index
        %parallel_loop3A_372 = arith.constant 16 : index
        %parallel_loop3A_373 = tpu.vector_load %arg11[%parallel_loop3A_371, %parallel_loop3A_372] {strides = array<i32>} : memref<128x64xi32, #tpu.memory_space<vmem>>, vector<16xi32>,
        %parallel_loop3A_374 = vector.bitcast %parallel_loop3A_373 : vector<16xi32> to vector<32xbf16>
        %parallel_loop3A_375 = arith.index_cast %parallel_loop3A_355 : i32 to index
        %parallel_loop3A_376 = arith.constant 16 : index
        %parallel_loop3A_377 = tpu.vector_load %arg12[%parallel_loop3A_375, %parallel_loop3A_376] {strides = array<i32>} : memref<128x64xi32, #tpu.memory_space<vmem>>, vector<16xi32>,
        %parallel_loop3A_378 = vector.bitcast %parallel_loop3A_377 : vector<16xi32> to vector<32xbf16>
        %parallel_loop3A_379 = tpu.unpack_subelements %parallel_loop3A_374, 0 {pack_format = #tpu.pack_format<interleaved>} : vector<32xbf16> -> vector<16xf32>
        %parallel_loop3A_380 = tpu.unpack_subelements %parallel_loop3A_374, 1 {pack_format = #tpu.pack_format<interleaved>} : vector<32xbf16> -> vector<16xf32>
        %parallel_loop3A_381 = tpu.unpack_subelements %parallel_loop3A_378, 0 {pack_format = #tpu.pack_format<interleaved>} : vector<32xbf16> -> vector<16xf32>
        %parallel_loop3A_382 = tpu.unpack_subelements %parallel_loop3A_378, 1 {pack_format = #tpu.pack_format<interleaved>} : vector<32xbf16> -> vector<16xf32>
        %parallel_loop3A_383 = arith.mulf %parallel_loop3A_379, %parallel_loop3A_381 : vector<16xf32>
        %parallel_loop3A_384 = arith.mulf %parallel_loop3A_380, %parallel_loop3A_382 : vector<16xf32>
        %parallel_loop3A_385 = arith.addf %parallel_loop3A_383, %parallel_loop3A_384 : vector<16xf32>
        %parallel_loop3A_386 = arith.addf %parallel_loop3A_370, %parallel_loop3A_385 : vector<16xf32>
        %parallel_loop3A_387 = arith.index_cast %parallel_loop3A_355 : i32 to index
        %parallel_loop3A_388 = arith.constant 32 : index
        %parallel_loop3A_389 = tpu.vector_load %arg11[%parallel_loop3A_387, %parallel_loop3A_388] {strides = array<i32>} : memref<128x64xi32, #tpu.memory_space<vmem>>, vector<16xi32>,
        %parallel_loop3A_390 = vector.bitcast %parallel_loop3A_389 : vector<16xi32> to vector<32xbf16>
        %parallel_loop3A_391 = arith.index_cast %parallel_loop3A_355 : i32 to index
        %parallel_loop3A_392 = arith.constant 32 : index
        %parallel_loop3A_393 = tpu.vector_load %arg12[%parallel_loop3A_391, %parallel_loop3A_392] {strides = array<i32>} : memref<128x64xi32, #tpu.memory_space<vmem>>, vector<16xi32>,
        %parallel_loop3A_394 = vector.bitcast %parallel_loop3A_393 : vector<16xi32> to vector<32xbf16>
        %parallel_loop3A_395 = tpu.unpack_subelements %parallel_loop3A_390, 0 {pack_format = #tpu.pack_format<interleaved>} : vector<32xbf16> -> vector<16xf32>
        %parallel_loop3A_396 = tpu.unpack_subelements %parallel_loop3A_390, 1 {pack_format = #tpu.pack_format<interleaved>} : vector<32xbf16> -> vector<16xf32>
        %parallel_loop3A_397 = tpu.unpack_subelements %parallel_loop3A_394, 0 {pack_format = #tpu.pack_format<interleaved>} : vector<32xbf16> -> vector<16xf32>
        %parallel_loop3A_398 = tpu.unpack_subelements %parallel_loop3A_394, 1 {pack_format = #tpu.pack_format<interleaved>} : vector<32xbf16> -> vector<16xf32>
        %parallel_loop3A_399 = arith.mulf %parallel_loop3A_395, %parallel_loop3A_397 : vector<16xf32>
        %parallel_loop3A_400 = arith.mulf %parallel_loop3A_396, %parallel_loop3A_398 : vector<16xf32>
        %parallel_loop3A_401 = arith.addf %parallel_loop3A_399, %parallel_loop3A_400 : vector<16xf32>
        %parallel_loop3A_402 = arith.addf %parallel_loop3A_386, %parallel_loop3A_401 : vector<16xf32>
        %parallel_loop3A_403 = arith.index_cast %parallel_loop3A_355 : i32 to index
        %parallel_loop3A_404 = arith.constant 48 : index
        %parallel_loop3A_405 = tpu.vector_load %arg11[%parallel_loop3A_403, %parallel_loop3A_404] {strides = array<i32>} : memref<128x64xi32, #tpu.memory_space<vmem>>, vector<16xi32>,
        %parallel_loop3A_406 = vector.bitcast %parallel_loop3A_405 : vector<16xi32> to vector<32xbf16>
        %parallel_loop3A_407 = arith.index_cast %parallel_loop3A_355 : i32 to index
        %parallel_loop3A_408 = arith.constant 48 : index
        %parallel_loop3A_409 = tpu.vector_load %arg12[%parallel_loop3A_407, %parallel_loop3A_408] {strides = array<i32>} : memref<128x64xi32, #tpu.memory_space<vmem>>, vector<16xi32>,
        %parallel_loop3A_410 = vector.bitcast %parallel_loop3A_409 : vector<16xi32> to vector<32xbf16>
        %parallel_loop3A_411 = tpu.unpack_subelements %parallel_loop3A_406, 0 {pack_format = #tpu.pack_format<interleaved>} : vector<32xbf16> -> vector<16xf32>
        %parallel_loop3A_412 = tpu.unpack_subelements %parallel_loop3A_406, 1 {pack_format = #tpu.pack_format<interleaved>} : vector<32xbf16> -> vector<16xf32>
        %parallel_loop3A_413 = tpu.unpack_subelements %parallel_loop3A_410, 0 {pack_format = #tpu.pack_format<interleaved>} : vector<32xbf16> -> vector<16xf32>
        %parallel_loop3A_414 = tpu.unpack_subelements %parallel_loop3A_410, 1 {pack_format = #tpu.pack_format<interleaved>} : vector<32xbf16> -> vector<16xf32>
        %parallel_loop3A_415 = arith.mulf %parallel_loop3A_411, %parallel_loop3A_413 : vector<16xf32>
        %parallel_loop3A_416 = arith.mulf %parallel_loop3A_412, %parallel_loop3A_414 : vector<16xf32>
        %parallel_loop3A_417 = arith.addf %parallel_loop3A_415, %parallel_loop3A_416 : vector<16xf32>
        %parallel_loop3A_418 = arith.addf %parallel_loop3A_402, %parallel_loop3A_417 : vector<16xf32>
        %parallel_loop3A_419 = arith.constant true
        %parallel_loop3A_420 = vector.broadcast %parallel_loop3A_419 : i1 to vector<16xi1>
        %parallel_loop3A_421 = tpu.scan <sum>, %parallel_loop3A_418 masked %parallel_loop3A_420 : vector<16xf32>, vector<16xi1> -> vector<16xf32>
        %parallel_loop3A_422 = arith.constant 3 : i32
        %parallel_loop3A_423 = vector.broadcast %parallel_loop3A_422 : i32 to vector<16xi32>
        %parallel_loop3A_424 = arith.addi %parallel_loop3A_132, %parallel_loop3A_423 : vector<16xi32>
        tpu.vector_store_idx %arg13[%parallel_loop3A_424], %parallel_loop3A_421 masked %eq3A_119 : memref<10240xf32, #tpu.memory_space<vmem>>[vector<16xi32>], vector<16xf32>, vector<16xi1>
        %parallel_loop3A_425 = arith.constant 16 : i32
        %parallel_loop3A_426 = arith.muli %parallel_loop3A_123, %parallel_loop3A_425 : i32
        %parallel_loop3A_427 = arith.constant 4 : i32
        %parallel_loop3A_428 = arith.addi %parallel_loop3A_426, %parallel_loop3A_427 : i32
        %parallel_loop3A_429 = arith.index_cast %parallel_loop3A_428 : i32 to index
        %parallel_loop3A_430 = arith.constant 0 : index
        %parallel_loop3A_431 = tpu.vector_load %arg11[%parallel_loop3A_429, %parallel_loop3A_430] {strides = array<i32>} : memref<128x64xi32, #tpu.memory_space<vmem>>, vector<16xi32>,
        %parallel_loop3A_432 = vector.bitcast %parallel_loop3A_431 : vector<16xi32> to vector<32xbf16>
        %parallel_loop3A_433 = arith.index_cast %parallel_loop3A_428 : i32 to index
        %parallel_loop3A_434 = arith.constant 0 : index
        %parallel_loop3A_435 = tpu.vector_load %arg12[%parallel_loop3A_433, %parallel_loop3A_434] {strides = array<i32>} : memref<128x64xi32, #tpu.memory_space<vmem>>, vector<16xi32>,
        %parallel_loop3A_436 = vector.bitcast %parallel_loop3A_435 : vector<16xi32> to vector<32xbf16>
        %parallel_loop3A_437 = tpu.unpack_subelements %parallel_loop3A_432, 0 {pack_format = #tpu.pack_format<interleaved>} : vector<32xbf16> -> vector<16xf32>
        %parallel_loop3A_438 = tpu.unpack_subelements %parallel_loop3A_432, 1 {pack_format = #tpu.pack_format<interleaved>} : vector<32xbf16> -> vector<16xf32>
        %parallel_loop3A_439 = tpu.unpack_subelements %parallel_loop3A_436, 0 {pack_format = #tpu.pack_format<interleaved>} : vector<32xbf16> -> vector<16xf32>
        %parallel_loop3A_440 = tpu.unpack_subelements %parallel_loop3A_436, 1 {pack_format = #tpu.pack_format<interleaved>} : vector<32xbf16> -> vector<16xf32>
        %parallel_loop3A_441 = arith.mulf %parallel_loop3A_437, %parallel_loop3A_439 : vector<16xf32>
        %parallel_loop3A_442 = arith.mulf %parallel_loop3A_438, %parallel_loop3A_440 : vector<16xf32>
        %parallel_loop3A_443 = arith.addf %parallel_loop3A_441, %parallel_loop3A_442 : vector<16xf32>
        %parallel_loop3A_444 = arith.index_cast %parallel_loop3A_428 : i32 to index
        %parallel_loop3A_445 = arith.constant 16 : index
        %parallel_loop3A_446 = tpu.vector_load %arg11[%parallel_loop3A_444, %parallel_loop3A_445] {strides = array<i32>} : memref<128x64xi32, #tpu.memory_space<vmem>>, vector<16xi32>,
        %parallel_loop3A_447 = vector.bitcast %parallel_loop3A_446 : vector<16xi32> to vector<32xbf16>
        %parallel_loop3A_448 = arith.index_cast %parallel_loop3A_428 : i32 to index
        %parallel_loop3A_449 = arith.constant 16 : index
        %parallel_loop3A_450 = tpu.vector_load %arg12[%parallel_loop3A_448, %parallel_loop3A_449] {strides = array<i32>} : memref<128x64xi32, #tpu.memory_space<vmem>>, vector<16xi32>,
        %parallel_loop3A_451 = vector.bitcast %parallel_loop3A_450 : vector<16xi32> to vector<32xbf16>
        %parallel_loop3A_452 = tpu.unpack_subelements %parallel_loop3A_447, 0 {pack_format = #tpu.pack_format<interleaved>} : vector<32xbf16> -> vector<16xf32>
        %parallel_loop3A_453 = tpu.unpack_subelements %parallel_loop3A_447, 1 {pack_format = #tpu.pack_format<interleaved>} : vector<32xbf16> -> vector<16xf32>
        %parallel_loop3A_454 = tpu.unpack_subelements %parallel_loop3A_451, 0 {pack_format = #tpu.pack_format<interleaved>} : vector<32xbf16> -> vector<16xf32>
        %parallel_loop3A_455 = tpu.unpack_subelements %parallel_loop3A_451, 1 {pack_format = #tpu.pack_format<interleaved>} : vector<32xbf16> -> vector<16xf32>
        %parallel_loop3A_456 = arith.mulf %parallel_loop3A_452, %parallel_loop3A_454 : vector<16xf32>
        %parallel_loop3A_457 = arith.mulf %parallel_loop3A_453, %parallel_loop3A_455 : vector<16xf32>
        %parallel_loop3A_458 = arith.addf %parallel_loop3A_456, %parallel_loop3A_457 : vector<16xf32>
        %parallel_loop3A_459 = arith.addf %parallel_loop3A_443, %parallel_loop3A_458 : vector<16xf32>
        %parallel_loop3A_460 = arith.index_cast %parallel_loop3A_428 : i32 to index
        %parallel_loop3A_461 = arith.constant 32 : index
        %parallel_loop3A_462 = tpu.vector_load %arg11[%parallel_loop3A_460, %parallel_loop3A_461] {strides = array<i32>} : memref<128x64xi32, #tpu.memory_space<vmem>>, vector<16xi32>,
        %parallel_loop3A_463 = vector.bitcast %parallel_loop3A_462 : vector<16xi32> to vector<32xbf16>
        %parallel_loop3A_464 = arith.index_cast %parallel_loop3A_428 : i32 to index
        %parallel_loop3A_465 = arith.constant 32 : index
        %parallel_loop3A_466 = tpu.vector_load %arg12[%parallel_loop3A_464, %parallel_loop3A_465] {strides = array<i32>} : memref<128x64xi32, #tpu.memory_space<vmem>>, vector<16xi32>,
        %parallel_loop3A_467 = vector.bitcast %parallel_loop3A_466 : vector<16xi32> to vector<32xbf16>
        %parallel_loop3A_468 = tpu.unpack_subelements %parallel_loop3A_463, 0 {pack_format = #tpu.pack_format<interleaved>} : vector<32xbf16> -> vector<16xf32>
        %parallel_loop3A_469 = tpu.unpack_subelements %parallel_loop3A_463, 1 {pack_format = #tpu.pack_format<interleaved>} : vector<32xbf16> -> vector<16xf32>
        %parallel_loop3A_470 = tpu.unpack_subelements %parallel_loop3A_467, 0 {pack_format = #tpu.pack_format<interleaved>} : vector<32xbf16> -> vector<16xf32>
        %parallel_loop3A_471 = tpu.unpack_subelements %parallel_loop3A_467, 1 {pack_format = #tpu.pack_format<interleaved>} : vector<32xbf16> -> vector<16xf32>
        %parallel_loop3A_472 = arith.mulf %parallel_loop3A_468, %parallel_loop3A_470 : vector<16xf32>
        %parallel_loop3A_473 = arith.mulf %parallel_loop3A_469, %parallel_loop3A_471 : vector<16xf32>
        %parallel_loop3A_474 = arith.addf %parallel_loop3A_472, %parallel_loop3A_473 : vector<16xf32>
        %parallel_loop3A_475 = arith.addf %parallel_loop3A_459, %parallel_loop3A_474 : vector<16xf32>
        %parallel_loop3A_476 = arith.index_cast %parallel_loop3A_428 : i32 to index
        %parallel_loop3A_477 = arith.constant 48 : index
        %parallel_loop3A_478 = tpu.vector_load %arg11[%parallel_loop3A_476, %parallel_loop3A_477] {strides = array<i32>} : memref<128x64xi32, #tpu.memory_space<vmem>>, vector<16xi32>,
        %parallel_loop3A_479 = vector.bitcast %parallel_loop3A_478 : vector<16xi32> to vector<32xbf16>
        %parallel_loop3A_480 = arith.index_cast %parallel_loop3A_428 : i32 to index
        %parallel_loop3A_481 = arith.constant 48 : index
        %parallel_loop3A_482 = tpu.vector_load %arg12[%parallel_loop3A_480, %parallel_loop3A_481] {strides = array<i32>} : memref<128x64xi32, #tpu.memory_space<vmem>>, vector<16xi32>,
        %parallel_loop3A_483 = vector.bitcast %parallel_loop3A_482 : vector<16xi32> to vector<32xbf16>
        %parallel_loop3A_484 = tpu.unpack_subelements %parallel_loop3A_479, 0 {pack_format = #tpu.pack_format<interleaved>} : vector<32xbf16> -> vector<16xf32>
        %parallel_loop3A_485 = tpu.unpack_subelements %parallel_loop3A_479, 1 {pack_format = #tpu.pack_format<interleaved>} : vector<32xbf16> -> vector<16xf32>
        %parallel_loop3A_486 = tpu.unpack_subelements %parallel_loop3A_483, 0 {pack_format = #tpu.pack_format<interleaved>} : vector<32xbf16> -> vector<16xf32>
        %parallel_loop3A_487 = tpu.unpack_subelements %parallel_loop3A_483, 1 {pack_format = #tpu.pack_format<interleaved>} : vector<32xbf16> -> vector<16xf32>
        %parallel_loop3A_488 = arith.mulf %parallel_loop3A_484, %parallel_loop3A_486 : vector<16xf32>
        %parallel_loop3A_489 = arith.mulf %parallel_loop3A_485, %parallel_loop3A_487 : vector<16xf32>
        %parallel_loop3A_490 = arith.addf %parallel_loop3A_488, %parallel_loop3A_489 : vector<16xf32>
        %parallel_loop3A_491 = arith.addf %parallel_loop3A_475, %parallel_loop3A_490 : vector<16xf32>
        %parallel_loop3A_492 = arith.constant true
        %parallel_loop3A_493 = vector.broadcast %parallel_loop3A_492 : i1 to vector<16xi1>
        %parallel_loop3A_494 = tpu.scan <sum>, %parallel_loop3A_491 masked %parallel_loop3A_493 : vector<16xf32>, vector<16xi1> -> vector<16xf32>
        %parallel_loop3A_495 = arith.constant 4 : i32
        %parallel_loop3A_496 = vector.broadcast %parallel_loop3A_495 : i32 to vector<16xi32>
        %parallel_loop3A_497 = arith.addi %parallel_loop3A_132, %parallel_loop3A_496 : vector<16xi32>
        tpu.vector_store_idx %arg13[%parallel_loop3A_497], %parallel_loop3A_494 masked %eq3A_119 : memref<10240xf32, #tpu.memory_space<vmem>>[vector<16xi32>], vector<16xf32>, vector<16xi1>
        %parallel_loop3A_498 = arith.constant 16 : i32
        %parallel_loop3A_499 = arith.muli %parallel_loop3A_123, %parallel_loop3A_498 : i32
        %parallel_loop3A_500 = arith.constant 5 : i32
        %parallel_loop3A_501 = arith.addi %parallel_loop3A_499, %parallel_loop3A_500 : i32
        %parallel_loop3A_502 = arith.index_cast %parallel_loop3A_501 : i32 to index
        %parallel_loop3A_503 = arith.constant 0 : index
        %parallel_loop3A_504 = tpu.vector_load %arg11[%parallel_loop3A_502, %parallel_loop3A_503] {strides = array<i32>} : memref<128x64xi32, #tpu.memory_space<vmem>>, vector<16xi32>,
        %parallel_loop3A_505 = vector.bitcast %parallel_loop3A_504 : vector<16xi32> to vector<32xbf16>
        %parallel_loop3A_506 = arith.index_cast %parallel_loop3A_501 : i32 to index
        %parallel_loop3A_507 = arith.constant 0 : index
        %parallel_loop3A_508 = tpu.vector_load %arg12[%parallel_loop3A_506, %parallel_loop3A_507] {strides = array<i32>} : memref<128x64xi32, #tpu.memory_space<vmem>>, vector<16xi32>,
        %parallel_loop3A_509 = vector.bitcast %parallel_loop3A_508 : vector<16xi32> to vector<32xbf16>
        %parallel_loop3A_510 = tpu.unpack_subelements %parallel_loop3A_505, 0 {pack_format = #tpu.pack_format<interleaved>} : vector<32xbf16> -> vector<16xf32>
        %parallel_loop3A_511 = tpu.unpack_subelements %parallel_loop3A_505, 1 {pack_format = #tpu.pack_format<interleaved>} : vector<32xbf16> -> vector<16xf32>
        %parallel_loop3A_512 = tpu.unpack_subelements %parallel_loop3A_509, 0 {pack_format = #tpu.pack_format<interleaved>} : vector<32xbf16> -> vector<16xf32>
        %parallel_loop3A_513 = tpu.unpack_subelements %parallel_loop3A_509, 1 {pack_format = #tpu.pack_format<interleaved>} : vector<32xbf16> -> vector<16xf32>
        %parallel_loop3A_514 = arith.mulf %parallel_loop3A_510, %parallel_loop3A_512 : vector<16xf32>
        %parallel_loop3A_515 = arith.mulf %parallel_loop3A_511, %parallel_loop3A_513 : vector<16xf32>
        %parallel_loop3A_516 = arith.addf %parallel_loop3A_514, %parallel_loop3A_515 : vector<16xf32>
        %parallel_loop3A_517 = arith.index_cast %parallel_loop3A_501 : i32 to index
        %parallel_loop3A_518 = arith.constant 16 : index
        %parallel_loop3A_519 = tpu.vector_load %arg11[%parallel_loop3A_517, %parallel_loop3A_518] {strides = array<i32>} : memref<128x64xi32, #tpu.memory_space<vmem>>, vector<16xi32>,
        %parallel_loop3A_520 = vector.bitcast %parallel_loop3A_519 : vector<16xi32> to vector<32xbf16>
        %parallel_loop3A_521 = arith.index_cast %parallel_loop3A_501 : i32 to index
        %parallel_loop3A_522 = arith.constant 16 : index
        %parallel_loop3A_523 = tpu.vector_load %arg12[%parallel_loop3A_521, %parallel_loop3A_522] {strides = array<i32>} : memref<128x64xi32, #tpu.memory_space<vmem>>, vector<16xi32>,
        %parallel_loop3A_524 = vector.bitcast %parallel_loop3A_523 : vector<16xi32> to vector<32xbf16>
        %parallel_loop3A_525 = tpu.unpack_subelements %parallel_loop3A_520, 0 {pack_format = #tpu.pack_format<interleaved>} : vector<32xbf16> -> vector<16xf32>
        %parallel_loop3A_526 = tpu.unpack_subelements %parallel_loop3A_520, 1 {pack_format = #tpu.pack_format<interleaved>} : vector<32xbf16> -> vector<16xf32>
        %parallel_loop3A_527 = tpu.unpack_subelements %parallel_loop3A_524, 0 {pack_format = #tpu.pack_format<interleaved>} : vector<32xbf16> -> vector<16xf32>
        %parallel_loop3A_528 = tpu.unpack_subelements %parallel_loop3A_524, 1 {pack_format = #tpu.pack_format<interleaved>} : vector<32xbf16> -> vector<16xf32>
        %parallel_loop3A_529 = arith.mulf %parallel_loop3A_525, %parallel_loop3A_527 : vector<16xf32>
        %parallel_loop3A_530 = arith.mulf %parallel_loop3A_526, %parallel_loop3A_528 : vector<16xf32>
        %parallel_loop3A_531 = arith.addf %parallel_loop3A_529, %parallel_loop3A_530 : vector<16xf32>
        %parallel_loop3A_532 = arith.addf %parallel_loop3A_516, %parallel_loop3A_531 : vector<16xf32>
        %parallel_loop3A_533 = arith.index_cast %parallel_loop3A_501 : i32 to index
        %parallel_loop3A_534 = arith.constant 32 : index
        %parallel_loop3A_535 = tpu.vector_load %arg11[%parallel_loop3A_533, %parallel_loop3A_534] {strides = array<i32>} : memref<128x64xi32, #tpu.memory_space<vmem>>, vector<16xi32>,
        %parallel_loop3A_536 = vector.bitcast %parallel_loop3A_535 : vector<16xi32> to vector<32xbf16>
        %parallel_loop3A_537 = arith.index_cast %parallel_loop3A_501 : i32 to index
        %parallel_loop3A_538 = arith.constant 32 : index
        %parallel_loop3A_539 = tpu.vector_load %arg12[%parallel_loop3A_537, %parallel_loop3A_538] {strides = array<i32>} : memref<128x64xi32, #tpu.memory_space<vmem>>, vector<16xi32>,
        %parallel_loop3A_540 = vector.bitcast %parallel_loop3A_539 : vector<16xi32> to vector<32xbf16>
        %parallel_loop3A_541 = tpu.unpack_subelements %parallel_loop3A_536, 0 {pack_format = #tpu.pack_format<interleaved>} : vector<32xbf16> -> vector<16xf32>
        %parallel_loop3A_542 = tpu.unpack_subelements %parallel_loop3A_536, 1 {pack_format = #tpu.pack_format<interleaved>} : vector<32xbf16> -> vector<16xf32>
        %parallel_loop3A_543 = tpu.unpack_subelements %parallel_loop3A_540, 0 {pack_format = #tpu.pack_format<interleaved>} : vector<32xbf16> -> vector<16xf32>
        %parallel_loop3A_544 = tpu.unpack_subelements %parallel_loop3A_540, 1 {pack_format = #tpu.pack_format<interleaved>} : vector<32xbf16> -> vector<16xf32>
        %parallel_loop3A_545 = arith.mulf %parallel_loop3A_541, %parallel_loop3A_543 : vector<16xf32>
        %parallel_loop3A_546 = arith.mulf %parallel_loop3A_542, %parallel_loop3A_544 : vector<16xf32>
        %parallel_loop3A_547 = arith.addf %parallel_loop3A_545, %parallel_loop3A_546 : vector<16xf32>
        %parallel_loop3A_548 = arith.addf %parallel_loop3A_532, %parallel_loop3A_547 : vector<16xf32>
        %parallel_loop3A_549 = arith.index_cast %parallel_loop3A_501 : i32 to index
        %parallel_loop3A_550 = arith.constant 48 : index
        %parallel_loop3A_551 = tpu.vector_load %arg11[%parallel_loop3A_549, %parallel_loop3A_550] {strides = array<i32>} : memref<128x64xi32, #tpu.memory_space<vmem>>, vector<16xi32>,
        %parallel_loop3A_552 = vector.bitcast %parallel_loop3A_551 : vector<16xi32> to vector<32xbf16>
        %parallel_loop3A_553 = arith.index_cast %parallel_loop3A_501 : i32 to index
        %parallel_loop3A_554 = arith.constant 48 : index
        %parallel_loop3A_555 = tpu.vector_load %arg12[%parallel_loop3A_553, %parallel_loop3A_554] {strides = array<i32>} : memref<128x64xi32, #tpu.memory_space<vmem>>, vector<16xi32>,
        %parallel_loop3A_556 = vector.bitcast %parallel_loop3A_555 : vector<16xi32> to vector<32xbf16>
        %parallel_loop3A_557 = tpu.unpack_subelements %parallel_loop3A_552, 0 {pack_format = #tpu.pack_format<interleaved>} : vector<32xbf16> -> vector<16xf32>
        %parallel_loop3A_558 = tpu.unpack_subelements %parallel_loop3A_552, 1 {pack_format = #tpu.pack_format<interleaved>} : vector<32xbf16> -> vector<16xf32>
        %parallel_loop3A_559 = tpu.unpack_subelements %parallel_loop3A_556, 0 {pack_format = #tpu.pack_format<interleaved>} : vector<32xbf16> -> vector<16xf32>
        %parallel_loop3A_560 = tpu.unpack_subelements %parallel_loop3A_556, 1 {pack_format = #tpu.pack_format<interleaved>} : vector<32xbf16> -> vector<16xf32>
        %parallel_loop3A_561 = arith.mulf %parallel_loop3A_557, %parallel_loop3A_559 : vector<16xf32>
        %parallel_loop3A_562 = arith.mulf %parallel_loop3A_558, %parallel_loop3A_560 : vector<16xf32>
        %parallel_loop3A_563 = arith.addf %parallel_loop3A_561, %parallel_loop3A_562 : vector<16xf32>
        %parallel_loop3A_564 = arith.addf %parallel_loop3A_548, %parallel_loop3A_563 : vector<16xf32>
        %parallel_loop3A_565 = arith.constant true
        %parallel_loop3A_566 = vector.broadcast %parallel_loop3A_565 : i1 to vector<16xi1>
        %parallel_loop3A_567 = tpu.scan <sum>, %parallel_loop3A_564 masked %parallel_loop3A_566 : vector<16xf32>, vector<16xi1> -> vector<16xf32>
        %parallel_loop3A_568 = arith.constant 5 : i32
        %parallel_loop3A_569 = vector.broadcast %parallel_loop3A_568 : i32 to vector<16xi32>
        %parallel_loop3A_570 = arith.addi %parallel_loop3A_132, %parallel_loop3A_569 : vector<16xi32>
        tpu.vector_store_idx %arg13[%parallel_loop3A_570], %parallel_loop3A_567 masked %eq3A_119 : memref<10240xf32, #tpu.memory_space<vmem>>[vector<16xi32>], vector<16xf32>, vector<16xi1>
        %parallel_loop3A_571 = arith.constant 16 : i32
        %parallel_loop3A_572 = arith.muli %parallel_loop3A_123, %parallel_loop3A_571 : i32
        %parallel_loop3A_573 = arith.constant 6 : i32
        %parallel_loop3A_574 = arith.addi %parallel_loop3A_572, %parallel_loop3A_573 : i32
        %parallel_loop3A_575 = arith.index_cast %parallel_loop3A_574 : i32 to index
        %parallel_loop3A_576 = arith.constant 0 : index
        %parallel_loop3A_577 = tpu.vector_load %arg11[%parallel_loop3A_575, %parallel_loop3A_576] {strides = array<i32>} : memref<128x64xi32, #tpu.memory_space<vmem>>, vector<16xi32>,
        %parallel_loop3A_578 = vector.bitcast %parallel_loop3A_577 : vector<16xi32> to vector<32xbf16>
        %parallel_loop3A_579 = arith.index_cast %parallel_loop3A_574 : i32 to index
        %parallel_loop3A_580 = arith.constant 0 : index
        %parallel_loop3A_581 = tpu.vector_load %arg12[%parallel_loop3A_579, %parallel_loop3A_580] {strides = array<i32>} : memref<128x64xi32, #tpu.memory_space<vmem>>, vector<16xi32>,
        %parallel_loop3A_582 = vector.bitcast %parallel_loop3A_581 : vector<16xi32> to vector<32xbf16>
        %parallel_loop3A_583 = tpu.unpack_subelements %parallel_loop3A_578, 0 {pack_format = #tpu.pack_format<interleaved>} : vector<32xbf16> -> vector<16xf32>
        %parallel_loop3A_584 = tpu.unpack_subelements %parallel_loop3A_578, 1 {pack_format = #tpu.pack_format<interleaved>} : vector<32xbf16> -> vector<16xf32>
        %parallel_loop3A_585 = tpu.unpack_subelements %parallel_loop3A_582, 0 {pack_format = #tpu.pack_format<interleaved>} : vector<32xbf16> -> vector<16xf32>
        %parallel_loop3A_586 = tpu.unpack_subelements %parallel_loop3A_582, 1 {pack_format = #tpu.pack_format<interleaved>} : vector<32xbf16> -> vector<16xf32>
        %parallel_loop3A_587 = arith.mulf %parallel_loop3A_583, %parallel_loop3A_585 : vector<16xf32>
        %parallel_loop3A_588 = arith.mulf %parallel_loop3A_584, %parallel_loop3A_586 : vector<16xf32>
        %parallel_loop3A_589 = arith.addf %parallel_loop3A_587, %parallel_loop3A_588 : vector<16xf32>
        %parallel_loop3A_590 = arith.index_cast %parallel_loop3A_574 : i32 to index
        %parallel_loop3A_591 = arith.constant 16 : index
        %parallel_loop3A_592 = tpu.vector_load %arg11[%parallel_loop3A_590, %parallel_loop3A_591] {strides = array<i32>} : memref<128x64xi32, #tpu.memory_space<vmem>>, vector<16xi32>,
        %parallel_loop3A_593 = vector.bitcast %parallel_loop3A_592 : vector<16xi32> to vector<32xbf16>
        %parallel_loop3A_594 = arith.index_cast %parallel_loop3A_574 : i32 to index
        %parallel_loop3A_595 = arith.constant 16 : index
        %parallel_loop3A_596 = tpu.vector_load %arg12[%parallel_loop3A_594, %parallel_loop3A_595] {strides = array<i32>} : memref<128x64xi32, #tpu.memory_space<vmem>>, vector<16xi32>,
        %parallel_loop3A_597 = vector.bitcast %parallel_loop3A_596 : vector<16xi32> to vector<32xbf16>
        %parallel_loop3A_598 = tpu.unpack_subelements %parallel_loop3A_593, 0 {pack_format = #tpu.pack_format<interleaved>} : vector<32xbf16> -> vector<16xf32>
        %parallel_loop3A_599 = tpu.unpack_subelements %parallel_loop3A_593, 1 {pack_format = #tpu.pack_format<interleaved>} : vector<32xbf16> -> vector<16xf32>
        %parallel_loop3A_600 = tpu.unpack_subelements %parallel_loop3A_597, 0 {pack_format = #tpu.pack_format<interleaved>} : vector<32xbf16> -> vector<16xf32>
        %parallel_loop3A_601 = tpu.unpack_subelements %parallel_loop3A_597, 1 {pack_format = #tpu.pack_format<interleaved>} : vector<32xbf16> -> vector<16xf32>
        %parallel_loop3A_602 = arith.mulf %parallel_loop3A_598, %parallel_loop3A_600 : vector<16xf32>
        %parallel_loop3A_603 = arith.mulf %parallel_loop3A_599, %parallel_loop3A_601 : vector<16xf32>
        %parallel_loop3A_604 = arith.addf %parallel_loop3A_602, %parallel_loop3A_603 : vector<16xf32>
        %parallel_loop3A_605 = arith.addf %parallel_loop3A_589, %parallel_loop3A_604 : vector<16xf32>
        %parallel_loop3A_606 = arith.index_cast %parallel_loop3A_574 : i32 to index
        %parallel_loop3A_607 = arith.constant 32 : index
        %parallel_loop3A_608 = tpu.vector_load %arg11[%parallel_loop3A_606, %parallel_loop3A_607] {strides = array<i32>} : memref<128x64xi32, #tpu.memory_space<vmem>>, vector<16xi32>,
        %parallel_loop3A_609 = vector.bitcast %parallel_loop3A_608 : vector<16xi32> to vector<32xbf16>
        %parallel_loop3A_610 = arith.index_cast %parallel_loop3A_574 : i32 to index
        %parallel_loop3A_611 = arith.constant 32 : index
        %parallel_loop3A_612 = tpu.vector_load %arg12[%parallel_loop3A_610, %parallel_loop3A_611] {strides = array<i32>} : memref<128x64xi32, #tpu.memory_space<vmem>>, vector<16xi32>,
        %parallel_loop3A_613 = vector.bitcast %parallel_loop3A_612 : vector<16xi32> to vector<32xbf16>
        %parallel_loop3A_614 = tpu.unpack_subelements %parallel_loop3A_609, 0 {pack_format = #tpu.pack_format<interleaved>} : vector<32xbf16> -> vector<16xf32>
        %parallel_loop3A_615 = tpu.unpack_subelements %parallel_loop3A_609, 1 {pack_format = #tpu.pack_format<interleaved>} : vector<32xbf16> -> vector<16xf32>
        %parallel_loop3A_616 = tpu.unpack_subelements %parallel_loop3A_613, 0 {pack_format = #tpu.pack_format<interleaved>} : vector<32xbf16> -> vector<16xf32>
        %parallel_loop3A_617 = tpu.unpack_subelements %parallel_loop3A_613, 1 {pack_format = #tpu.pack_format<interleaved>} : vector<32xbf16> -> vector<16xf32>
        %parallel_loop3A_618 = arith.mulf %parallel_loop3A_614, %parallel_loop3A_616 : vector<16xf32>
        %parallel_loop3A_619 = arith.mulf %parallel_loop3A_615, %parallel_loop3A_617 : vector<16xf32>
        %parallel_loop3A_620 = arith.addf %parallel_loop3A_618, %parallel_loop3A_619 : vector<16xf32>
        %parallel_loop3A_621 = arith.addf %parallel_loop3A_605, %parallel_loop3A_620 : vector<16xf32>
        %parallel_loop3A_622 = arith.index_cast %parallel_loop3A_574 : i32 to index
        %parallel_loop3A_623 = arith.constant 48 : index
        %parallel_loop3A_624 = tpu.vector_load %arg11[%parallel_loop3A_622, %parallel_loop3A_623] {strides = array<i32>} : memref<128x64xi32, #tpu.memory_space<vmem>>, vector<16xi32>,
        %parallel_loop3A_625 = vector.bitcast %parallel_loop3A_624 : vector<16xi32> to vector<32xbf16>
        %parallel_loop3A_626 = arith.index_cast %parallel_loop3A_574 : i32 to index
        %parallel_loop3A_627 = arith.constant 48 : index
        %parallel_loop3A_628 = tpu.vector_load %arg12[%parallel_loop3A_626, %parallel_loop3A_627] {strides = array<i32>} : memref<128x64xi32, #tpu.memory_space<vmem>>, vector<16xi32>,
        %parallel_loop3A_629 = vector.bitcast %parallel_loop3A_628 : vector<16xi32> to vector<32xbf16>
        %parallel_loop3A_630 = tpu.unpack_subelements %parallel_loop3A_625, 0 {pack_format = #tpu.pack_format<interleaved>} : vector<32xbf16> -> vector<16xf32>
        %parallel_loop3A_631 = tpu.unpack_subelements %parallel_loop3A_625, 1 {pack_format = #tpu.pack_format<interleaved>} : vector<32xbf16> -> vector<16xf32>
        %parallel_loop3A_632 = tpu.unpack_subelements %parallel_loop3A_629, 0 {pack_format = #tpu.pack_format<interleaved>} : vector<32xbf16> -> vector<16xf32>
        %parallel_loop3A_633 = tpu.unpack_subelements %parallel_loop3A_629, 1 {pack_format = #tpu.pack_format<interleaved>} : vector<32xbf16> -> vector<16xf32>
        %parallel_loop3A_634 = arith.mulf %parallel_loop3A_630, %parallel_loop3A_632 : vector<16xf32>
        %parallel_loop3A_635 = arith.mulf %parallel_loop3A_631, %parallel_loop3A_633 : vector<16xf32>
        %parallel_loop3A_636 = arith.addf %parallel_loop3A_634, %parallel_loop3A_635 : vector<16xf32>
        %parallel_loop3A_637 = arith.addf %parallel_loop3A_621, %parallel_loop3A_636 : vector<16xf32>
        %parallel_loop3A_638 = arith.constant true
        %parallel_loop3A_639 = vector.broadcast %parallel_loop3A_638 : i1 to vector<16xi1>
        %parallel_loop3A_640 = tpu.scan <sum>, %parallel_loop3A_637 masked %parallel_loop3A_639 : vector<16xf32>, vector<16xi1> -> vector<16xf32>
        %parallel_loop3A_641 = arith.constant 6 : i32
        %parallel_loop3A_642 = vector.broadcast %parallel_loop3A_641 : i32 to vector<16xi32>
        %parallel_loop3A_643 = arith.addi %parallel_loop3A_132, %parallel_loop3A_642 : vector<16xi32>
        tpu.vector_store_idx %arg13[%parallel_loop3A_643], %parallel_loop3A_640 masked %eq3A_119 : memref<10240xf32, #tpu.memory_space<vmem>>[vector<16xi32>], vector<16xf32>, vector<16xi1>
        %parallel_loop3A_644 = arith.constant 16 : i32
        %parallel_loop3A_645 = arith.muli %parallel_loop3A_123, %parallel_loop3A_644 : i32
        %parallel_loop3A_646 = arith.constant 7 : i32
        %parallel_loop3A_647 = arith.addi %parallel_loop3A_645, %parallel_loop3A_646 : i32
        %parallel_loop3A_648 = arith.index_cast %parallel_loop3A_647 : i32 to index
        %parallel_loop3A_649 = arith.constant 0 : index
        %parallel_loop3A_650 = tpu.vector_load %arg11[%parallel_loop3A_648, %parallel_loop3A_649] {strides = array<i32>} : memref<128x64xi32, #tpu.memory_space<vmem>>, vector<16xi32>,
        %parallel_loop3A_651 = vector.bitcast %parallel_loop3A_650 : vector<16xi32> to vector<32xbf16>
        %parallel_loop3A_652 = arith.index_cast %parallel_loop3A_647 : i32 to index
        %parallel_loop3A_653 = arith.constant 0 : index
        %parallel_loop3A_654 = tpu.vector_load %arg12[%parallel_loop3A_652, %parallel_loop3A_653] {strides = array<i32>} : memref<128x64xi32, #tpu.memory_space<vmem>>, vector<16xi32>,
        %parallel_loop3A_655 = vector.bitcast %parallel_loop3A_654 : vector<16xi32> to vector<32xbf16>
        %parallel_loop3A_656 = tpu.unpack_subelements %parallel_loop3A_651, 0 {pack_format = #tpu.pack_format<interleaved>} : vector<32xbf16> -> vector<16xf32>
        %parallel_loop3A_657 = tpu.unpack_subelements %parallel_loop3A_651, 1 {pack_format = #tpu.pack_format<interleaved>} : vector<32xbf16> -> vector<16xf32>
        %parallel_loop3A_658 = tpu.unpack_subelements %parallel_loop3A_655, 0 {pack_format = #tpu.pack_format<interleaved>} : vector<32xbf16> -> vector<16xf32>
        %parallel_loop3A_659 = tpu.unpack_subelements %parallel_loop3A_655, 1 {pack_format = #tpu.pack_format<interleaved>} : vector<32xbf16> -> vector<16xf32>
        %parallel_loop3A_660 = arith.mulf %parallel_loop3A_656, %parallel_loop3A_658 : vector<16xf32>
        %parallel_loop3A_661 = arith.mulf %parallel_loop3A_657, %parallel_loop3A_659 : vector<16xf32>
        %parallel_loop3A_662 = arith.addf %parallel_loop3A_660, %parallel_loop3A_661 : vector<16xf32>
        %parallel_loop3A_663 = arith.index_cast %parallel_loop3A_647 : i32 to index
        %parallel_loop3A_664 = arith.constant 16 : index
        %parallel_loop3A_665 = tpu.vector_load %arg11[%parallel_loop3A_663, %parallel_loop3A_664] {strides = array<i32>} : memref<128x64xi32, #tpu.memory_space<vmem>>, vector<16xi32>,
        %parallel_loop3A_666 = vector.bitcast %parallel_loop3A_665 : vector<16xi32> to vector<32xbf16>
        %parallel_loop3A_667 = arith.index_cast %parallel_loop3A_647 : i32 to index
        %parallel_loop3A_668 = arith.constant 16 : index
        %parallel_loop3A_669 = tpu.vector_load %arg12[%parallel_loop3A_667, %parallel_loop3A_668] {strides = array<i32>} : memref<128x64xi32, #tpu.memory_space<vmem>>, vector<16xi32>,
        %parallel_loop3A_670 = vector.bitcast %parallel_loop3A_669 : vector<16xi32> to vector<32xbf16>
        %parallel_loop3A_671 = tpu.unpack_subelements %parallel_loop3A_666, 0 {pack_format = #tpu.pack_format<interleaved>} : vector<32xbf16> -> vector<16xf32>
        %parallel_loop3A_672 = tpu.unpack_subelements %parallel_loop3A_666, 1 {pack_format = #tpu.pack_format<interleaved>} : vector<32xbf16> -> vector<16xf32>
        %parallel_loop3A_673 = tpu.unpack_subelements %parallel_loop3A_670, 0 {pack_format = #tpu.pack_format<interleaved>} : vector<32xbf16> -> vector<16xf32>
        %parallel_loop3A_674 = tpu.unpack_subelements %parallel_loop3A_670, 1 {pack_format = #tpu.pack_format<interleaved>} : vector<32xbf16> -> vector<16xf32>
        %parallel_loop3A_675 = arith.mulf %parallel_loop3A_671, %parallel_loop3A_673 : vector<16xf32>
        %parallel_loop3A_676 = arith.mulf %parallel_loop3A_672, %parallel_loop3A_674 : vector<16xf32>
        %parallel_loop3A_677 = arith.addf %parallel_loop3A_675, %parallel_loop3A_676 : vector<16xf32>
        %parallel_loop3A_678 = arith.addf %parallel_loop3A_662, %parallel_loop3A_677 : vector<16xf32>
        %parallel_loop3A_679 = arith.index_cast %parallel_loop3A_647 : i32 to index
        %parallel_loop3A_680 = arith.constant 32 : index
        %parallel_loop3A_681 = tpu.vector_load %arg11[%parallel_loop3A_679, %parallel_loop3A_680] {strides = array<i32>} : memref<128x64xi32, #tpu.memory_space<vmem>>, vector<16xi32>,
        %parallel_loop3A_682 = vector.bitcast %parallel_loop3A_681 : vector<16xi32> to vector<32xbf16>
        %parallel_loop3A_683 = arith.index_cast %parallel_loop3A_647 : i32 to index
        %parallel_loop3A_684 = arith.constant 32 : index
        %parallel_loop3A_685 = tpu.vector_load %arg12[%parallel_loop3A_683, %parallel_loop3A_684] {strides = array<i32>} : memref<128x64xi32, #tpu.memory_space<vmem>>, vector<16xi32>,
        %parallel_loop3A_686 = vector.bitcast %parallel_loop3A_685 : vector<16xi32> to vector<32xbf16>
        %parallel_loop3A_687 = tpu.unpack_subelements %parallel_loop3A_682, 0 {pack_format = #tpu.pack_format<interleaved>} : vector<32xbf16> -> vector<16xf32>
        %parallel_loop3A_688 = tpu.unpack_subelements %parallel_loop3A_682, 1 {pack_format = #tpu.pack_format<interleaved>} : vector<32xbf16> -> vector<16xf32>
        %parallel_loop3A_689 = tpu.unpack_subelements %parallel_loop3A_686, 0 {pack_format = #tpu.pack_format<interleaved>} : vector<32xbf16> -> vector<16xf32>
        %parallel_loop3A_690 = tpu.unpack_subelements %parallel_loop3A_686, 1 {pack_format = #tpu.pack_format<interleaved>} : vector<32xbf16> -> vector<16xf32>
        %parallel_loop3A_691 = arith.mulf %parallel_loop3A_687, %parallel_loop3A_689 : vector<16xf32>
        %parallel_loop3A_692 = arith.mulf %parallel_loop3A_688, %parallel_loop3A_690 : vector<16xf32>
        %parallel_loop3A_693 = arith.addf %parallel_loop3A_691, %parallel_loop3A_692 : vector<16xf32>
        %parallel_loop3A_694 = arith.addf %parallel_loop3A_678, %parallel_loop3A_693 : vector<16xf32>
        %parallel_loop3A_695 = arith.index_cast %parallel_loop3A_647 : i32 to index
        %parallel_loop3A_696 = arith.constant 48 : index
        %parallel_loop3A_697 = tpu.vector_load %arg11[%parallel_loop3A_695, %parallel_loop3A_696] {strides = array<i32>} : memref<128x64xi32, #tpu.memory_space<vmem>>, vector<16xi32>,
        %parallel_loop3A_698 = vector.bitcast %parallel_loop3A_697 : vector<16xi32> to vector<32xbf16>
        %parallel_loop3A_699 = arith.index_cast %parallel_loop3A_647 : i32 to index
        %parallel_loop3A_700 = arith.constant 48 : index
        %parallel_loop3A_701 = tpu.vector_load %arg12[%parallel_loop3A_699, %parallel_loop3A_700] {strides = array<i32>} : memref<128x64xi32, #tpu.memory_space<vmem>>, vector<16xi32>,
        %parallel_loop3A_702 = vector.bitcast %parallel_loop3A_701 : vector<16xi32> to vector<32xbf16>
        %parallel_loop3A_703 = tpu.unpack_subelements %parallel_loop3A_698, 0 {pack_format = #tpu.pack_format<interleaved>} : vector<32xbf16> -> vector<16xf32>
        %parallel_loop3A_704 = tpu.unpack_subelements %parallel_loop3A_698, 1 {pack_format = #tpu.pack_format<interleaved>} : vector<32xbf16> -> vector<16xf32>
        %parallel_loop3A_705 = tpu.unpack_subelements %parallel_loop3A_702, 0 {pack_format = #tpu.pack_format<interleaved>} : vector<32xbf16> -> vector<16xf32>
        %parallel_loop3A_706 = tpu.unpack_subelements %parallel_loop3A_702, 1 {pack_format = #tpu.pack_format<interleaved>} : vector<32xbf16> -> vector<16xf32>
        %parallel_loop3A_707 = arith.mulf %parallel_loop3A_703, %parallel_loop3A_705 : vector<16xf32>
        %parallel_loop3A_708 = arith.mulf %parallel_loop3A_704, %parallel_loop3A_706 : vector<16xf32>
        %parallel_loop3A_709 = arith.addf %parallel_loop3A_707, %parallel_loop3A_708 : vector<16xf32>
        %parallel_loop3A_710 = arith.addf %parallel_loop3A_694, %parallel_loop3A_709 : vector<16xf32>
        %parallel_loop3A_711 = arith.constant true
        %parallel_loop3A_712 = vector.broadcast %parallel_loop3A_711 : i1 to vector<16xi1>
        %parallel_loop3A_713 = tpu.scan <sum>, %parallel_loop3A_710 masked %parallel_loop3A_712 : vector<16xf32>, vector<16xi1> -> vector<16xf32>
        %parallel_loop3A_714 = arith.constant 7 : i32
        %parallel_loop3A_715 = vector.broadcast %parallel_loop3A_714 : i32 to vector<16xi32>
        %parallel_loop3A_716 = arith.addi %parallel_loop3A_132, %parallel_loop3A_715 : vector<16xi32>
        tpu.vector_store_idx %arg13[%parallel_loop3A_716], %parallel_loop3A_713 masked %eq3A_119 : memref<10240xf32, #tpu.memory_space<vmem>>[vector<16xi32>], vector<16xf32>, vector<16xi1>
        %parallel_loop3A_717 = arith.constant 16 : i32
        %parallel_loop3A_718 = arith.muli %parallel_loop3A_123, %parallel_loop3A_717 : i32
        %parallel_loop3A_719 = arith.constant 8 : i32
        %parallel_loop3A_720 = arith.addi %parallel_loop3A_718, %parallel_loop3A_719 : i32
        %parallel_loop3A_721 = arith.index_cast %parallel_loop3A_720 : i32 to index
        %parallel_loop3A_722 = arith.constant 0 : index
        %parallel_loop3A_723 = tpu.vector_load %arg11[%parallel_loop3A_721, %parallel_loop3A_722] {strides = array<i32>} : memref<128x64xi32, #tpu.memory_space<vmem>>, vector<16xi32>,
        %parallel_loop3A_724 = vector.bitcast %parallel_loop3A_723 : vector<16xi32> to vector<32xbf16>
        %parallel_loop3A_725 = arith.index_cast %parallel_loop3A_720 : i32 to index
        %parallel_loop3A_726 = arith.constant 0 : index
        %parallel_loop3A_727 = tpu.vector_load %arg12[%parallel_loop3A_725, %parallel_loop3A_726] {strides = array<i32>} : memref<128x64xi32, #tpu.memory_space<vmem>>, vector<16xi32>,
        %parallel_loop3A_728 = vector.bitcast %parallel_loop3A_727 : vector<16xi32> to vector<32xbf16>
        %parallel_loop3A_729 = tpu.unpack_subelements %parallel_loop3A_724, 0 {pack_format = #tpu.pack_format<interleaved>} : vector<32xbf16> -> vector<16xf32>
        %parallel_loop3A_730 = tpu.unpack_subelements %parallel_loop3A_724, 1 {pack_format = #tpu.pack_format<interleaved>} : vector<32xbf16> -> vector<16xf32>
        %parallel_loop3A_731 = tpu.unpack_subelements %parallel_loop3A_728, 0 {pack_format = #tpu.pack_format<interleaved>} : vector<32xbf16> -> vector<16xf32>
        %parallel_loop3A_732 = tpu.unpack_subelements %parallel_loop3A_728, 1 {pack_format = #tpu.pack_format<interleaved>} : vector<32xbf16> -> vector<16xf32>
        %parallel_loop3A_733 = arith.mulf %parallel_loop3A_729, %parallel_loop3A_731 : vector<16xf32>
        %parallel_loop3A_734 = arith.mulf %parallel_loop3A_730, %parallel_loop3A_732 : vector<16xf32>
        %parallel_loop3A_735 = arith.addf %parallel_loop3A_733, %parallel_loop3A_734 : vector<16xf32>
        %parallel_loop3A_736 = arith.index_cast %parallel_loop3A_720 : i32 to index
        %parallel_loop3A_737 = arith.constant 16 : index
        %parallel_loop3A_738 = tpu.vector_load %arg11[%parallel_loop3A_736, %parallel_loop3A_737] {strides = array<i32>} : memref<128x64xi32, #tpu.memory_space<vmem>>, vector<16xi32>,
        %parallel_loop3A_739 = vector.bitcast %parallel_loop3A_738 : vector<16xi32> to vector<32xbf16>
        %parallel_loop3A_740 = arith.index_cast %parallel_loop3A_720 : i32 to index
        %parallel_loop3A_741 = arith.constant 16 : index
        %parallel_loop3A_742 = tpu.vector_load %arg12[%parallel_loop3A_740, %parallel_loop3A_741] {strides = array<i32>} : memref<128x64xi32, #tpu.memory_space<vmem>>, vector<16xi32>,
        %parallel_loop3A_743 = vector.bitcast %parallel_loop3A_742 : vector<16xi32> to vector<32xbf16>
        %parallel_loop3A_744 = tpu.unpack_subelements %parallel_loop3A_739, 0 {pack_format = #tpu.pack_format<interleaved>} : vector<32xbf16> -> vector<16xf32>
        %parallel_loop3A_745 = tpu.unpack_subelements %parallel_loop3A_739, 1 {pack_format = #tpu.pack_format<interleaved>} : vector<32xbf16> -> vector<16xf32>
        %parallel_loop3A_746 = tpu.unpack_subelements %parallel_loop3A_743, 0 {pack_format = #tpu.pack_format<interleaved>} : vector<32xbf16> -> vector<16xf32>
        %parallel_loop3A_747 = tpu.unpack_subelements %parallel_loop3A_743, 1 {pack_format = #tpu.pack_format<interleaved>} : vector<32xbf16> -> vector<16xf32>
        %parallel_loop3A_748 = arith.mulf %parallel_loop3A_744, %parallel_loop3A_746 : vector<16xf32>
        %parallel_loop3A_749 = arith.mulf %parallel_loop3A_745, %parallel_loop3A_747 : vector<16xf32>
        %parallel_loop3A_750 = arith.addf %parallel_loop3A_748, %parallel_loop3A_749 : vector<16xf32>
        %parallel_loop3A_751 = arith.addf %parallel_loop3A_735, %parallel_loop3A_750 : vector<16xf32>
        %parallel_loop3A_752 = arith.index_cast %parallel_loop3A_720 : i32 to index
        %parallel_loop3A_753 = arith.constant 32 : index
        %parallel_loop3A_754 = tpu.vector_load %arg11[%parallel_loop3A_752, %parallel_loop3A_753] {strides = array<i32>} : memref<128x64xi32, #tpu.memory_space<vmem>>, vector<16xi32>,
        %parallel_loop3A_755 = vector.bitcast %parallel_loop3A_754 : vector<16xi32> to vector<32xbf16>
        %parallel_loop3A_756 = arith.index_cast %parallel_loop3A_720 : i32 to index
        %parallel_loop3A_757 = arith.constant 32 : index
        %parallel_loop3A_758 = tpu.vector_load %arg12[%parallel_loop3A_756, %parallel_loop3A_757] {strides = array<i32>} : memref<128x64xi32, #tpu.memory_space<vmem>>, vector<16xi32>,
        %parallel_loop3A_759 = vector.bitcast %parallel_loop3A_758 : vector<16xi32> to vector<32xbf16>
        %parallel_loop3A_760 = tpu.unpack_subelements %parallel_loop3A_755, 0 {pack_format = #tpu.pack_format<interleaved>} : vector<32xbf16> -> vector<16xf32>
        %parallel_loop3A_761 = tpu.unpack_subelements %parallel_loop3A_755, 1 {pack_format = #tpu.pack_format<interleaved>} : vector<32xbf16> -> vector<16xf32>
        %parallel_loop3A_762 = tpu.unpack_subelements %parallel_loop3A_759, 0 {pack_format = #tpu.pack_format<interleaved>} : vector<32xbf16> -> vector<16xf32>
        %parallel_loop3A_763 = tpu.unpack_subelements %parallel_loop3A_759, 1 {pack_format = #tpu.pack_format<interleaved>} : vector<32xbf16> -> vector<16xf32>
        %parallel_loop3A_764 = arith.mulf %parallel_loop3A_760, %parallel_loop3A_762 : vector<16xf32>
        %parallel_loop3A_765 = arith.mulf %parallel_loop3A_761, %parallel_loop3A_763 : vector<16xf32>
        %parallel_loop3A_766 = arith.addf %parallel_loop3A_764, %parallel_loop3A_765 : vector<16xf32>
        %parallel_loop3A_767 = arith.addf %parallel_loop3A_751, %parallel_loop3A_766 : vector<16xf32>
        %parallel_loop3A_768 = arith.index_cast %parallel_loop3A_720 : i32 to index
        %parallel_loop3A_769 = arith.constant 48 : index
        %parallel_loop3A_770 = tpu.vector_load %arg11[%parallel_loop3A_768, %parallel_loop3A_769] {strides = array<i32>} : memref<128x64xi32, #tpu.memory_space<vmem>>, vector<16xi32>,
        %parallel_loop3A_771 = vector.bitcast %parallel_loop3A_770 : vector<16xi32> to vector<32xbf16>
        %parallel_loop3A_772 = arith.index_cast %parallel_loop3A_720 : i32 to index
        %parallel_loop3A_773 = arith.constant 48 : index
        %parallel_loop3A_774 = tpu.vector_load %arg12[%parallel_loop3A_772, %parallel_loop3A_773] {strides = array<i32>} : memref<128x64xi32, #tpu.memory_space<vmem>>, vector<16xi32>,
        %parallel_loop3A_775 = vector.bitcast %parallel_loop3A_774 : vector<16xi32> to vector<32xbf16>
        %parallel_loop3A_776 = tpu.unpack_subelements %parallel_loop3A_771, 0 {pack_format = #tpu.pack_format<interleaved>} : vector<32xbf16> -> vector<16xf32>
        %parallel_loop3A_777 = tpu.unpack_subelements %parallel_loop3A_771, 1 {pack_format = #tpu.pack_format<interleaved>} : vector<32xbf16> -> vector<16xf32>
        %parallel_loop3A_778 = tpu.unpack_subelements %parallel_loop3A_775, 0 {pack_format = #tpu.pack_format<interleaved>} : vector<32xbf16> -> vector<16xf32>
        %parallel_loop3A_779 = tpu.unpack_subelements %parallel_loop3A_775, 1 {pack_format = #tpu.pack_format<interleaved>} : vector<32xbf16> -> vector<16xf32>
        %parallel_loop3A_780 = arith.mulf %parallel_loop3A_776, %parallel_loop3A_778 : vector<16xf32>
        %parallel_loop3A_781 = arith.mulf %parallel_loop3A_777, %parallel_loop3A_779 : vector<16xf32>
        %parallel_loop3A_782 = arith.addf %parallel_loop3A_780, %parallel_loop3A_781 : vector<16xf32>
        %parallel_loop3A_783 = arith.addf %parallel_loop3A_767, %parallel_loop3A_782 : vector<16xf32>
        %parallel_loop3A_784 = arith.constant true
        %parallel_loop3A_785 = vector.broadcast %parallel_loop3A_784 : i1 to vector<16xi1>
        %parallel_loop3A_786 = tpu.scan <sum>, %parallel_loop3A_783 masked %parallel_loop3A_785 : vector<16xf32>, vector<16xi1> -> vector<16xf32>
        %parallel_loop3A_787 = arith.constant 8 : i32
        %parallel_loop3A_788 = vector.broadcast %parallel_loop3A_787 : i32 to vector<16xi32>
        %parallel_loop3A_789 = arith.addi %parallel_loop3A_132, %parallel_loop3A_788 : vector<16xi32>
        tpu.vector_store_idx %arg13[%parallel_loop3A_789], %parallel_loop3A_786 masked %eq3A_119 : memref<10240xf32, #tpu.memory_space<vmem>>[vector<16xi32>], vector<16xf32>, vector<16xi1>
        %parallel_loop3A_790 = arith.constant 16 : i32
        %parallel_loop3A_791 = arith.muli %parallel_loop3A_123, %parallel_loop3A_790 : i32
        %parallel_loop3A_792 = arith.constant 9 : i32
        %parallel_loop3A_793 = arith.addi %parallel_loop3A_791, %parallel_loop3A_792 : i32
        %parallel_loop3A_794 = arith.index_cast %parallel_loop3A_793 : i32 to index
        %parallel_loop3A_795 = arith.constant 0 : index
        %parallel_loop3A_796 = tpu.vector_load %arg11[%parallel_loop3A_794, %parallel_loop3A_795] {strides = array<i32>} : memref<128x64xi32, #tpu.memory_space<vmem>>, vector<16xi32>,
        %parallel_loop3A_797 = vector.bitcast %parallel_loop3A_796 : vector<16xi32> to vector<32xbf16>
        %parallel_loop3A_798 = arith.index_cast %parallel_loop3A_793 : i32 to index
        %parallel_loop3A_799 = arith.constant 0 : index
        %parallel_loop3A_800 = tpu.vector_load %arg12[%parallel_loop3A_798, %parallel_loop3A_799] {strides = array<i32>} : memref<128x64xi32, #tpu.memory_space<vmem>>, vector<16xi32>,
        %parallel_loop3A_801 = vector.bitcast %parallel_loop3A_800 : vector<16xi32> to vector<32xbf16>
        %parallel_loop3A_802 = tpu.unpack_subelements %parallel_loop3A_797, 0 {pack_format = #tpu.pack_format<interleaved>} : vector<32xbf16> -> vector<16xf32>
        %parallel_loop3A_803 = tpu.unpack_subelements %parallel_loop3A_797, 1 {pack_format = #tpu.pack_format<interleaved>} : vector<32xbf16> -> vector<16xf32>
        %parallel_loop3A_804 = tpu.unpack_subelements %parallel_loop3A_801, 0 {pack_format = #tpu.pack_format<interleaved>} : vector<32xbf16> -> vector<16xf32>
        %parallel_loop3A_805 = tpu.unpack_subelements %parallel_loop3A_801, 1 {pack_format = #tpu.pack_format<interleaved>} : vector<32xbf16> -> vector<16xf32>
        %parallel_loop3A_806 = arith.mulf %parallel_loop3A_802, %parallel_loop3A_804 : vector<16xf32>
        %parallel_loop3A_807 = arith.mulf %parallel_loop3A_803, %parallel_loop3A_805 : vector<16xf32>
        %parallel_loop3A_808 = arith.addf %parallel_loop3A_806, %parallel_loop3A_807 : vector<16xf32>
        %parallel_loop3A_809 = arith.index_cast %parallel_loop3A_793 : i32 to index
        %parallel_loop3A_810 = arith.constant 16 : index
        %parallel_loop3A_811 = tpu.vector_load %arg11[%parallel_loop3A_809, %parallel_loop3A_810] {strides = array<i32>} : memref<128x64xi32, #tpu.memory_space<vmem>>, vector<16xi32>,
        %parallel_loop3A_812 = vector.bitcast %parallel_loop3A_811 : vector<16xi32> to vector<32xbf16>
        %parallel_loop3A_813 = arith.index_cast %parallel_loop3A_793 : i32 to index
        %parallel_loop3A_814 = arith.constant 16 : index
        %parallel_loop3A_815 = tpu.vector_load %arg12[%parallel_loop3A_813, %parallel_loop3A_814] {strides = array<i32>} : memref<128x64xi32, #tpu.memory_space<vmem>>, vector<16xi32>,
        %parallel_loop3A_816 = vector.bitcast %parallel_loop3A_815 : vector<16xi32> to vector<32xbf16>
        %parallel_loop3A_817 = tpu.unpack_subelements %parallel_loop3A_812, 0 {pack_format = #tpu.pack_format<interleaved>} : vector<32xbf16> -> vector<16xf32>
        %parallel_loop3A_818 = tpu.unpack_subelements %parallel_loop3A_812, 1 {pack_format = #tpu.pack_format<interleaved>} : vector<32xbf16> -> vector<16xf32>
        %parallel_loop3A_819 = tpu.unpack_subelements %parallel_loop3A_816, 0 {pack_format = #tpu.pack_format<interleaved>} : vector<32xbf16> -> vector<16xf32>
        %parallel_loop3A_820 = tpu.unpack_subelements %parallel_loop3A_816, 1 {pack_format = #tpu.pack_format<interleaved>} : vector<32xbf16> -> vector<16xf32>
        %parallel_loop3A_821 = arith.mulf %parallel_loop3A_817, %parallel_loop3A_819 : vector<16xf32>
        %parallel_loop3A_822 = arith.mulf %parallel_loop3A_818, %parallel_loop3A_820 : vector<16xf32>
        %parallel_loop3A_823 = arith.addf %parallel_loop3A_821, %parallel_loop3A_822 : vector<16xf32>
        %parallel_loop3A_824 = arith.addf %parallel_loop3A_808, %parallel_loop3A_823 : vector<16xf32>
        %parallel_loop3A_825 = arith.index_cast %parallel_loop3A_793 : i32 to index
        %parallel_loop3A_826 = arith.constant 32 : index
        %parallel_loop3A_827 = tpu.vector_load %arg11[%parallel_loop3A_825, %parallel_loop3A_826] {strides = array<i32>} : memref<128x64xi32, #tpu.memory_space<vmem>>, vector<16xi32>,
        %parallel_loop3A_828 = vector.bitcast %parallel_loop3A_827 : vector<16xi32> to vector<32xbf16>
        %parallel_loop3A_829 = arith.index_cast %parallel_loop3A_793 : i32 to index
        %parallel_loop3A_830 = arith.constant 32 : index
        %parallel_loop3A_831 = tpu.vector_load %arg12[%parallel_loop3A_829, %parallel_loop3A_830] {strides = array<i32>} : memref<128x64xi32, #tpu.memory_space<vmem>>, vector<16xi32>,
        %parallel_loop3A_832 = vector.bitcast %parallel_loop3A_831 : vector<16xi32> to vector<32xbf16>
        %parallel_loop3A_833 = tpu.unpack_subelements %parallel_loop3A_828, 0 {pack_format = #tpu.pack_format<interleaved>} : vector<32xbf16> -> vector<16xf32>
        %parallel_loop3A_834 = tpu.unpack_subelements %parallel_loop3A_828, 1 {pack_format = #tpu.pack_format<interleaved>} : vector<32xbf16> -> vector<16xf32>
        %parallel_loop3A_835 = tpu.unpack_subelements %parallel_loop3A_832, 0 {pack_format = #tpu.pack_format<interleaved>} : vector<32xbf16> -> vector<16xf32>
        %parallel_loop3A_836 = tpu.unpack_subelements %parallel_loop3A_832, 1 {pack_format = #tpu.pack_format<interleaved>} : vector<32xbf16> -> vector<16xf32>
        %parallel_loop3A_837 = arith.mulf %parallel_loop3A_833, %parallel_loop3A_835 : vector<16xf32>
        %parallel_loop3A_838 = arith.mulf %parallel_loop3A_834, %parallel_loop3A_836 : vector<16xf32>
        %parallel_loop3A_839 = arith.addf %parallel_loop3A_837, %parallel_loop3A_838 : vector<16xf32>
        %parallel_loop3A_840 = arith.addf %parallel_loop3A_824, %parallel_loop3A_839 : vector<16xf32>
        %parallel_loop3A_841 = arith.index_cast %parallel_loop3A_793 : i32 to index
        %parallel_loop3A_842 = arith.constant 48 : index
        %parallel_loop3A_843 = tpu.vector_load %arg11[%parallel_loop3A_841, %parallel_loop3A_842] {strides = array<i32>} : memref<128x64xi32, #tpu.memory_space<vmem>>, vector<16xi32>,
        %parallel_loop3A_844 = vector.bitcast %parallel_loop3A_843 : vector<16xi32> to vector<32xbf16>
        %parallel_loop3A_845 = arith.index_cast %parallel_loop3A_793 : i32 to index
        %parallel_loop3A_846 = arith.constant 48 : index
        %parallel_loop3A_847 = tpu.vector_load %arg12[%parallel_loop3A_845, %parallel_loop3A_846] {strides = array<i32>} : memref<128x64xi32, #tpu.memory_space<vmem>>, vector<16xi32>,
        %parallel_loop3A_848 = vector.bitcast %parallel_loop3A_847 : vector<16xi32> to vector<32xbf16>
        %parallel_loop3A_849 = tpu.unpack_subelements %parallel_loop3A_844, 0 {pack_format = #tpu.pack_format<interleaved>} : vector<32xbf16> -> vector<16xf32>
        %parallel_loop3A_850 = tpu.unpack_subelements %parallel_loop3A_844, 1 {pack_format = #tpu.pack_format<interleaved>} : vector<32xbf16> -> vector<16xf32>
        %parallel_loop3A_851 = tpu.unpack_subelements %parallel_loop3A_848, 0 {pack_format = #tpu.pack_format<interleaved>} : vector<32xbf16> -> vector<16xf32>
        %parallel_loop3A_852 = tpu.unpack_subelements %parallel_loop3A_848, 1 {pack_format = #tpu.pack_format<interleaved>} : vector<32xbf16> -> vector<16xf32>
        %parallel_loop3A_853 = arith.mulf %parallel_loop3A_849, %parallel_loop3A_851 : vector<16xf32>
        %parallel_loop3A_854 = arith.mulf %parallel_loop3A_850, %parallel_loop3A_852 : vector<16xf32>
        %parallel_loop3A_855 = arith.addf %parallel_loop3A_853, %parallel_loop3A_854 : vector<16xf32>
        %parallel_loop3A_856 = arith.addf %parallel_loop3A_840, %parallel_loop3A_855 : vector<16xf32>
        %parallel_loop3A_857 = arith.constant true
        %parallel_loop3A_858 = vector.broadcast %parallel_loop3A_857 : i1 to vector<16xi1>
        %parallel_loop3A_859 = tpu.scan <sum>, %parallel_loop3A_856 masked %parallel_loop3A_858 : vector<16xf32>, vector<16xi1> -> vector<16xf32>
        %parallel_loop3A_860 = arith.constant 9 : i32
        %parallel_loop3A_861 = vector.broadcast %parallel_loop3A_860 : i32 to vector<16xi32>
        %parallel_loop3A_862 = arith.addi %parallel_loop3A_132, %parallel_loop3A_861 : vector<16xi32>
        tpu.vector_store_idx %arg13[%parallel_loop3A_862], %parallel_loop3A_859 masked %eq3A_119 : memref<10240xf32, #tpu.memory_space<vmem>>[vector<16xi32>], vector<16xf32>, vector<16xi1>
        %parallel_loop3A_863 = arith.constant 16 : i32
        %parallel_loop3A_864 = arith.muli %parallel_loop3A_123, %parallel_loop3A_863 : i32
        %parallel_loop3A_865 = arith.constant 10 : i32
        %parallel_loop3A_866 = arith.addi %parallel_loop3A_864, %parallel_loop3A_865 : i32
        %parallel_loop3A_867 = arith.index_cast %parallel_loop3A_866 : i32 to index
        %parallel_loop3A_868 = arith.constant 0 : index
        %parallel_loop3A_869 = tpu.vector_load %arg11[%parallel_loop3A_867, %parallel_loop3A_868] {strides = array<i32>} : memref<128x64xi32, #tpu.memory_space<vmem>>, vector<16xi32>,
        %parallel_loop3A_870 = vector.bitcast %parallel_loop3A_869 : vector<16xi32> to vector<32xbf16>
        %parallel_loop3A_871 = arith.index_cast %parallel_loop3A_866 : i32 to index
        %parallel_loop3A_872 = arith.constant 0 : index
        %parallel_loop3A_873 = tpu.vector_load %arg12[%parallel_loop3A_871, %parallel_loop3A_872] {strides = array<i32>} : memref<128x64xi32, #tpu.memory_space<vmem>>, vector<16xi32>,
        %parallel_loop3A_874 = vector.bitcast %parallel_loop3A_873 : vector<16xi32> to vector<32xbf16>
        %parallel_loop3A_875 = tpu.unpack_subelements %parallel_loop3A_870, 0 {pack_format = #tpu.pack_format<interleaved>} : vector<32xbf16> -> vector<16xf32>
        %parallel_loop3A_876 = tpu.unpack_subelements %parallel_loop3A_870, 1 {pack_format = #tpu.pack_format<interleaved>} : vector<32xbf16> -> vector<16xf32>
        %parallel_loop3A_877 = tpu.unpack_subelements %parallel_loop3A_874, 0 {pack_format = #tpu.pack_format<interleaved>} : vector<32xbf16> -> vector<16xf32>
        %parallel_loop3A_878 = tpu.unpack_subelements %parallel_loop3A_874, 1 {pack_format = #tpu.pack_format<interleaved>} : vector<32xbf16> -> vector<16xf32>
        %parallel_loop3A_879 = arith.mulf %parallel_loop3A_875, %parallel_loop3A_877 : vector<16xf32>
        %parallel_loop3A_880 = arith.mulf %parallel_loop3A_876, %parallel_loop3A_878 : vector<16xf32>
        %parallel_loop3A_881 = arith.addf %parallel_loop3A_879, %parallel_loop3A_880 : vector<16xf32>
        %parallel_loop3A_882 = arith.index_cast %parallel_loop3A_866 : i32 to index
        %parallel_loop3A_883 = arith.constant 16 : index
        %parallel_loop3A_884 = tpu.vector_load %arg11[%parallel_loop3A_882, %parallel_loop3A_883] {strides = array<i32>} : memref<128x64xi32, #tpu.memory_space<vmem>>, vector<16xi32>,
        %parallel_loop3A_885 = vector.bitcast %parallel_loop3A_884 : vector<16xi32> to vector<32xbf16>
        %parallel_loop3A_886 = arith.index_cast %parallel_loop3A_866 : i32 to index
        %parallel_loop3A_887 = arith.constant 16 : index
        %parallel_loop3A_888 = tpu.vector_load %arg12[%parallel_loop3A_886, %parallel_loop3A_887] {strides = array<i32>} : memref<128x64xi32, #tpu.memory_space<vmem>>, vector<16xi32>,
        %parallel_loop3A_889 = vector.bitcast %parallel_loop3A_888 : vector<16xi32> to vector<32xbf16>
        %parallel_loop3A_890 = tpu.unpack_subelements %parallel_loop3A_885, 0 {pack_format = #tpu.pack_format<interleaved>} : vector<32xbf16> -> vector<16xf32>
        %parallel_loop3A_891 = tpu.unpack_subelements %parallel_loop3A_885, 1 {pack_format = #tpu.pack_format<interleaved>} : vector<32xbf16> -> vector<16xf32>
        %parallel_loop3A_892 = tpu.unpack_subelements %parallel_loop3A_889, 0 {pack_format = #tpu.pack_format<interleaved>} : vector<32xbf16> -> vector<16xf32>
        %parallel_loop3A_893 = tpu.unpack_subelements %parallel_loop3A_889, 1 {pack_format = #tpu.pack_format<interleaved>} : vector<32xbf16> -> vector<16xf32>
        %parallel_loop3A_894 = arith.mulf %parallel_loop3A_890, %parallel_loop3A_892 : vector<16xf32>
        %parallel_loop3A_895 = arith.mulf %parallel_loop3A_891, %parallel_loop3A_893 : vector<16xf32>
        %parallel_loop3A_896 = arith.addf %parallel_loop3A_894, %parallel_loop3A_895 : vector<16xf32>
        %parallel_loop3A_897 = arith.addf %parallel_loop3A_881, %parallel_loop3A_896 : vector<16xf32>
        %parallel_loop3A_898 = arith.index_cast %parallel_loop3A_866 : i32 to index
        %parallel_loop3A_899 = arith.constant 32 : index
        %parallel_loop3A_900 = tpu.vector_load %arg11[%parallel_loop3A_898, %parallel_loop3A_899] {strides = array<i32>} : memref<128x64xi32, #tpu.memory_space<vmem>>, vector<16xi32>,
        %parallel_loop3A_901 = vector.bitcast %parallel_loop3A_900 : vector<16xi32> to vector<32xbf16>
        %parallel_loop3A_902 = arith.index_cast %parallel_loop3A_866 : i32 to index
        %parallel_loop3A_903 = arith.constant 32 : index
        %parallel_loop3A_904 = tpu.vector_load %arg12[%parallel_loop3A_902, %parallel_loop3A_903] {strides = array<i32>} : memref<128x64xi32, #tpu.memory_space<vmem>>, vector<16xi32>,
        %parallel_loop3A_905 = vector.bitcast %parallel_loop3A_904 : vector<16xi32> to vector<32xbf16>
        %parallel_loop3A_906 = tpu.unpack_subelements %parallel_loop3A_901, 0 {pack_format = #tpu.pack_format<interleaved>} : vector<32xbf16> -> vector<16xf32>
        %parallel_loop3A_907 = tpu.unpack_subelements %parallel_loop3A_901, 1 {pack_format = #tpu.pack_format<interleaved>} : vector<32xbf16> -> vector<16xf32>
        %parallel_loop3A_908 = tpu.unpack_subelements %parallel_loop3A_905, 0 {pack_format = #tpu.pack_format<interleaved>} : vector<32xbf16> -> vector<16xf32>
        %parallel_loop3A_909 = tpu.unpack_subelements %parallel_loop3A_905, 1 {pack_format = #tpu.pack_format<interleaved>} : vector<32xbf16> -> vector<16xf32>
        %parallel_loop3A_910 = arith.mulf %parallel_loop3A_906, %parallel_loop3A_908 : vector<16xf32>
        %parallel_loop3A_911 = arith.mulf %parallel_loop3A_907, %parallel_loop3A_909 : vector<16xf32>
        %parallel_loop3A_912 = arith.addf %parallel_loop3A_910, %parallel_loop3A_911 : vector<16xf32>
        %parallel_loop3A_913 = arith.addf %parallel_loop3A_897, %parallel_loop3A_912 : vector<16xf32>
        %parallel_loop3A_914 = arith.index_cast %parallel_loop3A_866 : i32 to index
        %parallel_loop3A_915 = arith.constant 48 : index
        %parallel_loop3A_916 = tpu.vector_load %arg11[%parallel_loop3A_914, %parallel_loop3A_915] {strides = array<i32>} : memref<128x64xi32, #tpu.memory_space<vmem>>, vector<16xi32>,
        %parallel_loop3A_917 = vector.bitcast %parallel_loop3A_916 : vector<16xi32> to vector<32xbf16>
        %parallel_loop3A_918 = arith.index_cast %parallel_loop3A_866 : i32 to index
        %parallel_loop3A_919 = arith.constant 48 : index
        %parallel_loop3A_920 = tpu.vector_load %arg12[%parallel_loop3A_918, %parallel_loop3A_919] {strides = array<i32>} : memref<128x64xi32, #tpu.memory_space<vmem>>, vector<16xi32>,
        %parallel_loop3A_921 = vector.bitcast %parallel_loop3A_920 : vector<16xi32> to vector<32xbf16>
        %parallel_loop3A_922 = tpu.unpack_subelements %parallel_loop3A_917, 0 {pack_format = #tpu.pack_format<interleaved>} : vector<32xbf16> -> vector<16xf32>
        %parallel_loop3A_923 = tpu.unpack_subelements %parallel_loop3A_917, 1 {pack_format = #tpu.pack_format<interleaved>} : vector<32xbf16> -> vector<16xf32>
        %parallel_loop3A_924 = tpu.unpack_subelements %parallel_loop3A_921, 0 {pack_format = #tpu.pack_format<interleaved>} : vector<32xbf16> -> vector<16xf32>
        %parallel_loop3A_925 = tpu.unpack_subelements %parallel_loop3A_921, 1 {pack_format = #tpu.pack_format<interleaved>} : vector<32xbf16> -> vector<16xf32>
        %parallel_loop3A_926 = arith.mulf %parallel_loop3A_922, %parallel_loop3A_924 : vector<16xf32>
        %parallel_loop3A_927 = arith.mulf %parallel_loop3A_923, %parallel_loop3A_925 : vector<16xf32>
        %parallel_loop3A_928 = arith.addf %parallel_loop3A_926, %parallel_loop3A_927 : vector<16xf32>
        %parallel_loop3A_929 = arith.addf %parallel_loop3A_913, %parallel_loop3A_928 : vector<16xf32>
        %parallel_loop3A_930 = arith.constant true
        %parallel_loop3A_931 = vector.broadcast %parallel_loop3A_930 : i1 to vector<16xi1>
        %parallel_loop3A_932 = tpu.scan <sum>, %parallel_loop3A_929 masked %parallel_loop3A_931 : vector<16xf32>, vector<16xi1> -> vector<16xf32>
        %parallel_loop3A_933 = arith.constant 10 : i32
        %parallel_loop3A_934 = vector.broadcast %parallel_loop3A_933 : i32 to vector<16xi32>
        %parallel_loop3A_935 = arith.addi %parallel_loop3A_132, %parallel_loop3A_934 : vector<16xi32>
        tpu.vector_store_idx %arg13[%parallel_loop3A_935], %parallel_loop3A_932 masked %eq3A_119 : memref<10240xf32, #tpu.memory_space<vmem>>[vector<16xi32>], vector<16xf32>, vector<16xi1>
        %parallel_loop3A_936 = arith.constant 16 : i32
        %parallel_loop3A_937 = arith.muli %parallel_loop3A_123, %parallel_loop3A_936 : i32
        %parallel_loop3A_938 = arith.constant 11 : i32
        %parallel_loop3A_939 = arith.addi %parallel_loop3A_937, %parallel_loop3A_938 : i32
        %parallel_loop3A_940 = arith.index_cast %parallel_loop3A_939 : i32 to index
        %parallel_loop3A_941 = arith.constant 0 : index
        %parallel_loop3A_942 = tpu.vector_load %arg11[%parallel_loop3A_940, %parallel_loop3A_941] {strides = array<i32>} : memref<128x64xi32, #tpu.memory_space<vmem>>, vector<16xi32>,
        %parallel_loop3A_943 = vector.bitcast %parallel_loop3A_942 : vector<16xi32> to vector<32xbf16>
        %parallel_loop3A_944 = arith.index_cast %parallel_loop3A_939 : i32 to index
        %parallel_loop3A_945 = arith.constant 0 : index
        %parallel_loop3A_946 = tpu.vector_load %arg12[%parallel_loop3A_944, %parallel_loop3A_945] {strides = array<i32>} : memref<128x64xi32, #tpu.memory_space<vmem>>, vector<16xi32>,
        %parallel_loop3A_947 = vector.bitcast %parallel_loop3A_946 : vector<16xi32> to vector<32xbf16>
        %parallel_loop3A_948 = tpu.unpack_subelements %parallel_loop3A_943, 0 {pack_format = #tpu.pack_format<interleaved>} : vector<32xbf16> -> vector<16xf32>
        %parallel_loop3A_949 = tpu.unpack_subelements %parallel_loop3A_943, 1 {pack_format = #tpu.pack_format<interleaved>} : vector<32xbf16> -> vector<16xf32>
        %parallel_loop3A_950 = tpu.unpack_subelements %parallel_loop3A_947, 0 {pack_format = #tpu.pack_format<interleaved>} : vector<32xbf16> -> vector<16xf32>
        %parallel_loop3A_951 = tpu.unpack_subelements %parallel_loop3A_947, 1 {pack_format = #tpu.pack_format<interleaved>} : vector<32xbf16> -> vector<16xf32>
        %parallel_loop3A_952 = arith.mulf %parallel_loop3A_948, %parallel_loop3A_950 : vector<16xf32>
        %parallel_loop3A_953 = arith.mulf %parallel_loop3A_949, %parallel_loop3A_951 : vector<16xf32>
        %parallel_loop3A_954 = arith.addf %parallel_loop3A_952, %parallel_loop3A_953 : vector<16xf32>
        %parallel_loop3A_955 = arith.index_cast %parallel_loop3A_939 : i32 to index
        %parallel_loop3A_956 = arith.constant 16 : index
        %parallel_loop3A_957 = tpu.vector_load %arg11[%parallel_loop3A_955, %parallel_loop3A_956] {strides = array<i32>} : memref<128x64xi32, #tpu.memory_space<vmem>>, vector<16xi32>,
        %parallel_loop3A_958 = vector.bitcast %parallel_loop3A_957 : vector<16xi32> to vector<32xbf16>
        %parallel_loop3A_959 = arith.index_cast %parallel_loop3A_939 : i32 to index
        %parallel_loop3A_960 = arith.constant 16 : index
        %parallel_loop3A_961 = tpu.vector_load %arg12[%parallel_loop3A_959, %parallel_loop3A_960] {strides = array<i32>} : memref<128x64xi32, #tpu.memory_space<vmem>>, vector<16xi32>,
        %parallel_loop3A_962 = vector.bitcast %parallel_loop3A_961 : vector<16xi32> to vector<32xbf16>
        %parallel_loop3A_963 = tpu.unpack_subelements %parallel_loop3A_958, 0 {pack_format = #tpu.pack_format<interleaved>} : vector<32xbf16> -> vector<16xf32>
        %parallel_loop3A_964 = tpu.unpack_subelements %parallel_loop3A_958, 1 {pack_format = #tpu.pack_format<interleaved>} : vector<32xbf16> -> vector<16xf32>
        %parallel_loop3A_965 = tpu.unpack_subelements %parallel_loop3A_962, 0 {pack_format = #tpu.pack_format<interleaved>} : vector<32xbf16> -> vector<16xf32>
        %parallel_loop3A_966 = tpu.unpack_subelements %parallel_loop3A_962, 1 {pack_format = #tpu.pack_format<interleaved>} : vector<32xbf16> -> vector<16xf32>
        %parallel_loop3A_967 = arith.mulf %parallel_loop3A_963, %parallel_loop3A_965 : vector<16xf32>
        %parallel_loop3A_968 = arith.mulf %parallel_loop3A_964, %parallel_loop3A_966 : vector<16xf32>
        %parallel_loop3A_969 = arith.addf %parallel_loop3A_967, %parallel_loop3A_968 : vector<16xf32>
        %parallel_loop3A_970 = arith.addf %parallel_loop3A_954, %parallel_loop3A_969 : vector<16xf32>
        %parallel_loop3A_971 = arith.index_cast %parallel_loop3A_939 : i32 to index
        %parallel_loop3A_972 = arith.constant 32 : index
        %parallel_loop3A_973 = tpu.vector_load %arg11[%parallel_loop3A_971, %parallel_loop3A_972] {strides = array<i32>} : memref<128x64xi32, #tpu.memory_space<vmem>>, vector<16xi32>,
        %parallel_loop3A_974 = vector.bitcast %parallel_loop3A_973 : vector<16xi32> to vector<32xbf16>
        %parallel_loop3A_975 = arith.index_cast %parallel_loop3A_939 : i32 to index
        %parallel_loop3A_976 = arith.constant 32 : index
        %parallel_loop3A_977 = tpu.vector_load %arg12[%parallel_loop3A_975, %parallel_loop3A_976] {strides = array<i32>} : memref<128x64xi32, #tpu.memory_space<vmem>>, vector<16xi32>,
        %parallel_loop3A_978 = vector.bitcast %parallel_loop3A_977 : vector<16xi32> to vector<32xbf16>
        %parallel_loop3A_979 = tpu.unpack_subelements %parallel_loop3A_974, 0 {pack_format = #tpu.pack_format<interleaved>} : vector<32xbf16> -> vector<16xf32>
        %parallel_loop3A_980 = tpu.unpack_subelements %parallel_loop3A_974, 1 {pack_format = #tpu.pack_format<interleaved>} : vector<32xbf16> -> vector<16xf32>
        %parallel_loop3A_981 = tpu.unpack_subelements %parallel_loop3A_978, 0 {pack_format = #tpu.pack_format<interleaved>} : vector<32xbf16> -> vector<16xf32>
        %parallel_loop3A_982 = tpu.unpack_subelements %parallel_loop3A_978, 1 {pack_format = #tpu.pack_format<interleaved>} : vector<32xbf16> -> vector<16xf32>
        %parallel_loop3A_983 = arith.mulf %parallel_loop3A_979, %parallel_loop3A_981 : vector<16xf32>
        %parallel_loop3A_984 = arith.mulf %parallel_loop3A_980, %parallel_loop3A_982 : vector<16xf32>
        %parallel_loop3A_985 = arith.addf %parallel_loop3A_983, %parallel_loop3A_984 : vector<16xf32>
        %parallel_loop3A_986 = arith.addf %parallel_loop3A_970, %parallel_loop3A_985 : vector<16xf32>
        %parallel_loop3A_987 = arith.index_cast %parallel_loop3A_939 : i32 to index
        %parallel_loop3A_988 = arith.constant 48 : index
        %parallel_loop3A_989 = tpu.vector_load %arg11[%parallel_loop3A_987, %parallel_loop3A_988] {strides = array<i32>} : memref<128x64xi32, #tpu.memory_space<vmem>>, vector<16xi32>,
        %parallel_loop3A_990 = vector.bitcast %parallel_loop3A_989 : vector<16xi32> to vector<32xbf16>
        %parallel_loop3A_991 = arith.index_cast %parallel_loop3A_939 : i32 to index
        %parallel_loop3A_992 = arith.constant 48 : index
        %parallel_loop3A_993 = tpu.vector_load %arg12[%parallel_loop3A_991, %parallel_loop3A_992] {strides = array<i32>} : memref<128x64xi32, #tpu.memory_space<vmem>>, vector<16xi32>,
        %parallel_loop3A_994 = vector.bitcast %parallel_loop3A_993 : vector<16xi32> to vector<32xbf16>
        %parallel_loop3A_995 = tpu.unpack_subelements %parallel_loop3A_990, 0 {pack_format = #tpu.pack_format<interleaved>} : vector<32xbf16> -> vector<16xf32>
        %parallel_loop3A_996 = tpu.unpack_subelements %parallel_loop3A_990, 1 {pack_format = #tpu.pack_format<interleaved>} : vector<32xbf16> -> vector<16xf32>
        %parallel_loop3A_997 = tpu.unpack_subelements %parallel_loop3A_994, 0 {pack_format = #tpu.pack_format<interleaved>} : vector<32xbf16> -> vector<16xf32>
        %parallel_loop3A_998 = tpu.unpack_subelements %parallel_loop3A_994, 1 {pack_format = #tpu.pack_format<interleaved>} : vector<32xbf16> -> vector<16xf32>
        %parallel_loop3A_999 = arith.mulf %parallel_loop3A_995, %parallel_loop3A_997 : vector<16xf32>
        %parallel_loop3A_1000 = arith.mulf %parallel_loop3A_996, %parallel_loop3A_998 : vector<16xf32>
        %parallel_loop3A_1001 = arith.addf %parallel_loop3A_999, %parallel_loop3A_1000 : vector<16xf32>
        %parallel_loop3A_1002 = arith.addf %parallel_loop3A_986, %parallel_loop3A_1001 : vector<16xf32>
        %parallel_loop3A_1003 = arith.constant true
        %parallel_loop3A_1004 = vector.broadcast %parallel_loop3A_1003 : i1 to vector<16xi1>
        %parallel_loop3A_1005 = tpu.scan <sum>, %parallel_loop3A_1002 masked %parallel_loop3A_1004 : vector<16xf32>, vector<16xi1> -> vector<16xf32>
        %parallel_loop3A_1006 = arith.constant 11 : i32
        %parallel_loop3A_1007 = vector.broadcast %parallel_loop3A_1006 : i32 to vector<16xi32>
        %parallel_loop3A_1008 = arith.addi %parallel_loop3A_132, %parallel_loop3A_1007 : vector<16xi32>
        tpu.vector_store_idx %arg13[%parallel_loop3A_1008], %parallel_loop3A_1005 masked %eq3A_119 : memref<10240xf32, #tpu.memory_space<vmem>>[vector<16xi32>], vector<16xf32>, vector<16xi1>
        %parallel_loop3A_1009 = arith.constant 16 : i32
        %parallel_loop3A_1010 = arith.muli %parallel_loop3A_123, %parallel_loop3A_1009 : i32
        %parallel_loop3A_1011 = arith.constant 12 : i32
        %parallel_loop3A_1012 = arith.addi %parallel_loop3A_1010, %parallel_loop3A_1011 : i32
        %parallel_loop3A_1013 = arith.index_cast %parallel_loop3A_1012 : i32 to index
        %parallel_loop3A_1014 = arith.constant 0 : index
        %parallel_loop3A_1015 = tpu.vector_load %arg11[%parallel_loop3A_1013, %parallel_loop3A_1014] {strides = array<i32>} : memref<128x64xi32, #tpu.memory_space<vmem>>, vector<16xi32>,
        %parallel_loop3A_1016 = vector.bitcast %parallel_loop3A_1015 : vector<16xi32> to vector<32xbf16>
        %parallel_loop3A_1017 = arith.index_cast %parallel_loop3A_1012 : i32 to index
        %parallel_loop3A_1018 = arith.constant 0 : index
        %parallel_loop3A_1019 = tpu.vector_load %arg12[%parallel_loop3A_1017, %parallel_loop3A_1018] {strides = array<i32>} : memref<128x64xi32, #tpu.memory_space<vmem>>, vector<16xi32>,
        %parallel_loop3A_1020 = vector.bitcast %parallel_loop3A_1019 : vector<16xi32> to vector<32xbf16>
        %parallel_loop3A_1021 = tpu.unpack_subelements %parallel_loop3A_1016, 0 {pack_format = #tpu.pack_format<interleaved>} : vector<32xbf16> -> vector<16xf32>
        %parallel_loop3A_1022 = tpu.unpack_subelements %parallel_loop3A_1016, 1 {pack_format = #tpu.pack_format<interleaved>} : vector<32xbf16> -> vector<16xf32>
        %parallel_loop3A_1023 = tpu.unpack_subelements %parallel_loop3A_1020, 0 {pack_format = #tpu.pack_format<interleaved>} : vector<32xbf16> -> vector<16xf32>
        %parallel_loop3A_1024 = tpu.unpack_subelements %parallel_loop3A_1020, 1 {pack_format = #tpu.pack_format<interleaved>} : vector<32xbf16> -> vector<16xf32>
        %parallel_loop3A_1025 = arith.mulf %parallel_loop3A_1021, %parallel_loop3A_1023 : vector<16xf32>
        %parallel_loop3A_1026 = arith.mulf %parallel_loop3A_1022, %parallel_loop3A_1024 : vector<16xf32>
        %parallel_loop3A_1027 = arith.addf %parallel_loop3A_1025, %parallel_loop3A_1026 : vector<16xf32>
        %parallel_loop3A_1028 = arith.index_cast %parallel_loop3A_1012 : i32 to index
        %parallel_loop3A_1029 = arith.constant 16 : index
        %parallel_loop3A_1030 = tpu.vector_load %arg11[%parallel_loop3A_1028, %parallel_loop3A_1029] {strides = array<i32>} : memref<128x64xi32, #tpu.memory_space<vmem>>, vector<16xi32>,
        %parallel_loop3A_1031 = vector.bitcast %parallel_loop3A_1030 : vector<16xi32> to vector<32xbf16>
        %parallel_loop3A_1032 = arith.index_cast %parallel_loop3A_1012 : i32 to index
        %parallel_loop3A_1033 = arith.constant 16 : index
        %parallel_loop3A_1034 = tpu.vector_load %arg12[%parallel_loop3A_1032, %parallel_loop3A_1033] {strides = array<i32>} : memref<128x64xi32, #tpu.memory_space<vmem>>, vector<16xi32>,
        %parallel_loop3A_1035 = vector.bitcast %parallel_loop3A_1034 : vector<16xi32> to vector<32xbf16>
        %parallel_loop3A_1036 = tpu.unpack_subelements %parallel_loop3A_1031, 0 {pack_format = #tpu.pack_format<interleaved>} : vector<32xbf16> -> vector<16xf32>
        %parallel_loop3A_1037 = tpu.unpack_subelements %parallel_loop3A_1031, 1 {pack_format = #tpu.pack_format<interleaved>} : vector<32xbf16> -> vector<16xf32>
        %parallel_loop3A_1038 = tpu.unpack_subelements %parallel_loop3A_1035, 0 {pack_format = #tpu.pack_format<interleaved>} : vector<32xbf16> -> vector<16xf32>
        %parallel_loop3A_1039 = tpu.unpack_subelements %parallel_loop3A_1035, 1 {pack_format = #tpu.pack_format<interleaved>} : vector<32xbf16> -> vector<16xf32>
        %parallel_loop3A_1040 = arith.mulf %parallel_loop3A_1036, %parallel_loop3A_1038 : vector<16xf32>
        %parallel_loop3A_1041 = arith.mulf %parallel_loop3A_1037, %parallel_loop3A_1039 : vector<16xf32>
        %parallel_loop3A_1042 = arith.addf %parallel_loop3A_1040, %parallel_loop3A_1041 : vector<16xf32>
        %parallel_loop3A_1043 = arith.addf %parallel_loop3A_1027, %parallel_loop3A_1042 : vector<16xf32>
        %parallel_loop3A_1044 = arith.index_cast %parallel_loop3A_1012 : i32 to index
        %parallel_loop3A_1045 = arith.constant 32 : index
        %parallel_loop3A_1046 = tpu.vector_load %arg11[%parallel_loop3A_1044, %parallel_loop3A_1045] {strides = array<i32>} : memref<128x64xi32, #tpu.memory_space<vmem>>, vector<16xi32>,
        %parallel_loop3A_1047 = vector.bitcast %parallel_loop3A_1046 : vector<16xi32> to vector<32xbf16>
        %parallel_loop3A_1048 = arith.index_cast %parallel_loop3A_1012 : i32 to index
        %parallel_loop3A_1049 = arith.constant 32 : index
        %parallel_loop3A_1050 = tpu.vector_load %arg12[%parallel_loop3A_1048, %parallel_loop3A_1049] {strides = array<i32>} : memref<128x64xi32, #tpu.memory_space<vmem>>, vector<16xi32>,
        %parallel_loop3A_1051 = vector.bitcast %parallel_loop3A_1050 : vector<16xi32> to vector<32xbf16>
        %parallel_loop3A_1052 = tpu.unpack_subelements %parallel_loop3A_1047, 0 {pack_format = #tpu.pack_format<interleaved>} : vector<32xbf16> -> vector<16xf32>
        %parallel_loop3A_1053 = tpu.unpack_subelements %parallel_loop3A_1047, 1 {pack_format = #tpu.pack_format<interleaved>} : vector<32xbf16> -> vector<16xf32>
        %parallel_loop3A_1054 = tpu.unpack_subelements %parallel_loop3A_1051, 0 {pack_format = #tpu.pack_format<interleaved>} : vector<32xbf16> -> vector<16xf32>
        %parallel_loop3A_1055 = tpu.unpack_subelements %parallel_loop3A_1051, 1 {pack_format = #tpu.pack_format<interleaved>} : vector<32xbf16> -> vector<16xf32>
        %parallel_loop3A_1056 = arith.mulf %parallel_loop3A_1052, %parallel_loop3A_1054 : vector<16xf32>
        %parallel_loop3A_1057 = arith.mulf %parallel_loop3A_1053, %parallel_loop3A_1055 : vector<16xf32>
        %parallel_loop3A_1058 = arith.addf %parallel_loop3A_1056, %parallel_loop3A_1057 : vector<16xf32>
        %parallel_loop3A_1059 = arith.addf %parallel_loop3A_1043, %parallel_loop3A_1058 : vector<16xf32>
        %parallel_loop3A_1060 = arith.index_cast %parallel_loop3A_1012 : i32 to index
        %parallel_loop3A_1061 = arith.constant 48 : index
        %parallel_loop3A_1062 = tpu.vector_load %arg11[%parallel_loop3A_1060, %parallel_loop3A_1061] {strides = array<i32>} : memref<128x64xi32, #tpu.memory_space<vmem>>, vector<16xi32>,
        %parallel_loop3A_1063 = vector.bitcast %parallel_loop3A_1062 : vector<16xi32> to vector<32xbf16>
        %parallel_loop3A_1064 = arith.index_cast %parallel_loop3A_1012 : i32 to index
        %parallel_loop3A_1065 = arith.constant 48 : index
        %parallel_loop3A_1066 = tpu.vector_load %arg12[%parallel_loop3A_1064, %parallel_loop3A_1065] {strides = array<i32>} : memref<128x64xi32, #tpu.memory_space<vmem>>, vector<16xi32>,
        %parallel_loop3A_1067 = vector.bitcast %parallel_loop3A_1066 : vector<16xi32> to vector<32xbf16>
        %parallel_loop3A_1068 = tpu.unpack_subelements %parallel_loop3A_1063, 0 {pack_format = #tpu.pack_format<interleaved>} : vector<32xbf16> -> vector<16xf32>
        %parallel_loop3A_1069 = tpu.unpack_subelements %parallel_loop3A_1063, 1 {pack_format = #tpu.pack_format<interleaved>} : vector<32xbf16> -> vector<16xf32>
        %parallel_loop3A_1070 = tpu.unpack_subelements %parallel_loop3A_1067, 0 {pack_format = #tpu.pack_format<interleaved>} : vector<32xbf16> -> vector<16xf32>
        %parallel_loop3A_1071 = tpu.unpack_subelements %parallel_loop3A_1067, 1 {pack_format = #tpu.pack_format<interleaved>} : vector<32xbf16> -> vector<16xf32>
        %parallel_loop3A_1072 = arith.mulf %parallel_loop3A_1068, %parallel_loop3A_1070 : vector<16xf32>
        %parallel_loop3A_1073 = arith.mulf %parallel_loop3A_1069, %parallel_loop3A_1071 : vector<16xf32>
        %parallel_loop3A_1074 = arith.addf %parallel_loop3A_1072, %parallel_loop3A_1073 : vector<16xf32>
        %parallel_loop3A_1075 = arith.addf %parallel_loop3A_1059, %parallel_loop3A_1074 : vector<16xf32>
        %parallel_loop3A_1076 = arith.constant true
        %parallel_loop3A_1077 = vector.broadcast %parallel_loop3A_1076 : i1 to vector<16xi1>
        %parallel_loop3A_1078 = tpu.scan <sum>, %parallel_loop3A_1075 masked %parallel_loop3A_1077 : vector<16xf32>, vector<16xi1> -> vector<16xf32>
        %parallel_loop3A_1079 = arith.constant 12 : i32
        %parallel_loop3A_1080 = vector.broadcast %parallel_loop3A_1079 : i32 to vector<16xi32>
        %parallel_loop3A_1081 = arith.addi %parallel_loop3A_132, %parallel_loop3A_1080 : vector<16xi32>
        tpu.vector_store_idx %arg13[%parallel_loop3A_1081], %parallel_loop3A_1078 masked %eq3A_119 : memref<10240xf32, #tpu.memory_space<vmem>>[vector<16xi32>], vector<16xf32>, vector<16xi1>
        %parallel_loop3A_1082 = arith.constant 16 : i32
        %parallel_loop3A_1083 = arith.muli %parallel_loop3A_123, %parallel_loop3A_1082 : i32
        %parallel_loop3A_1084 = arith.constant 13 : i32
        %parallel_loop3A_1085 = arith.addi %parallel_loop3A_1083, %parallel_loop3A_1084 : i32
        %parallel_loop3A_1086 = arith.index_cast %parallel_loop3A_1085 : i32 to index
        %parallel_loop3A_1087 = arith.constant 0 : index
        %parallel_loop3A_1088 = tpu.vector_load %arg11[%parallel_loop3A_1086, %parallel_loop3A_1087] {strides = array<i32>} : memref<128x64xi32, #tpu.memory_space<vmem>>, vector<16xi32>,
        %parallel_loop3A_1089 = vector.bitcast %parallel_loop3A_1088 : vector<16xi32> to vector<32xbf16>
        %parallel_loop3A_1090 = arith.index_cast %parallel_loop3A_1085 : i32 to index
        %parallel_loop3A_1091 = arith.constant 0 : index
        %parallel_loop3A_1092 = tpu.vector_load %arg12[%parallel_loop3A_1090, %parallel_loop3A_1091] {strides = array<i32>} : memref<128x64xi32, #tpu.memory_space<vmem>>, vector<16xi32>,
        %parallel_loop3A_1093 = vector.bitcast %parallel_loop3A_1092 : vector<16xi32> to vector<32xbf16>
        %parallel_loop3A_1094 = tpu.unpack_subelements %parallel_loop3A_1089, 0 {pack_format = #tpu.pack_format<interleaved>} : vector<32xbf16> -> vector<16xf32>
        %parallel_loop3A_1095 = tpu.unpack_subelements %parallel_loop3A_1089, 1 {pack_format = #tpu.pack_format<interleaved>} : vector<32xbf16> -> vector<16xf32>
        %parallel_loop3A_1096 = tpu.unpack_subelements %parallel_loop3A_1093, 0 {pack_format = #tpu.pack_format<interleaved>} : vector<32xbf16> -> vector<16xf32>
        %parallel_loop3A_1097 = tpu.unpack_subelements %parallel_loop3A_1093, 1 {pack_format = #tpu.pack_format<interleaved>} : vector<32xbf16> -> vector<16xf32>
        %parallel_loop3A_1098 = arith.mulf %parallel_loop3A_1094, %parallel_loop3A_1096 : vector<16xf32>
        %parallel_loop3A_1099 = arith.mulf %parallel_loop3A_1095, %parallel_loop3A_1097 : vector<16xf32>
        %parallel_loop3A_1100 = arith.addf %parallel_loop3A_1098, %parallel_loop3A_1099 : vector<16xf32>
        %parallel_loop3A_1101 = arith.index_cast %parallel_loop3A_1085 : i32 to index
        %parallel_loop3A_1102 = arith.constant 16 : index
        %parallel_loop3A_1103 = tpu.vector_load %arg11[%parallel_loop3A_1101, %parallel_loop3A_1102] {strides = array<i32>} : memref<128x64xi32, #tpu.memory_space<vmem>>, vector<16xi32>,
        %parallel_loop3A_1104 = vector.bitcast %parallel_loop3A_1103 : vector<16xi32> to vector<32xbf16>
        %parallel_loop3A_1105 = arith.index_cast %parallel_loop3A_1085 : i32 to index
        %parallel_loop3A_1106 = arith.constant 16 : index
        %parallel_loop3A_1107 = tpu.vector_load %arg12[%parallel_loop3A_1105, %parallel_loop3A_1106] {strides = array<i32>} : memref<128x64xi32, #tpu.memory_space<vmem>>, vector<16xi32>,
        %parallel_loop3A_1108 = vector.bitcast %parallel_loop3A_1107 : vector<16xi32> to vector<32xbf16>
        %parallel_loop3A_1109 = tpu.unpack_subelements %parallel_loop3A_1104, 0 {pack_format = #tpu.pack_format<interleaved>} : vector<32xbf16> -> vector<16xf32>
        %parallel_loop3A_1110 = tpu.unpack_subelements %parallel_loop3A_1104, 1 {pack_format = #tpu.pack_format<interleaved>} : vector<32xbf16> -> vector<16xf32>
        %parallel_loop3A_1111 = tpu.unpack_subelements %parallel_loop3A_1108, 0 {pack_format = #tpu.pack_format<interleaved>} : vector<32xbf16> -> vector<16xf32>
        %parallel_loop3A_1112 = tpu.unpack_subelements %parallel_loop3A_1108, 1 {pack_format = #tpu.pack_format<interleaved>} : vector<32xbf16> -> vector<16xf32>
        %parallel_loop3A_1113 = arith.mulf %parallel_loop3A_1109, %parallel_loop3A_1111 : vector<16xf32>
        %parallel_loop3A_1114 = arith.mulf %parallel_loop3A_1110, %parallel_loop3A_1112 : vector<16xf32>
        %parallel_loop3A_1115 = arith.addf %parallel_loop3A_1113, %parallel_loop3A_1114 : vector<16xf32>
        %parallel_loop3A_1116 = arith.addf %parallel_loop3A_1100, %parallel_loop3A_1115 : vector<16xf32>
        %parallel_loop3A_1117 = arith.index_cast %parallel_loop3A_1085 : i32 to index
        %parallel_loop3A_1118 = arith.constant 32 : index
        %parallel_loop3A_1119 = tpu.vector_load %arg11[%parallel_loop3A_1117, %parallel_loop3A_1118] {strides = array<i32>} : memref<128x64xi32, #tpu.memory_space<vmem>>, vector<16xi32>,
        %parallel_loop3A_1120 = vector.bitcast %parallel_loop3A_1119 : vector<16xi32> to vector<32xbf16>
        %parallel_loop3A_1121 = arith.index_cast %parallel_loop3A_1085 : i32 to index
        %parallel_loop3A_1122 = arith.constant 32 : index
        %parallel_loop3A_1123 = tpu.vector_load %arg12[%parallel_loop3A_1121, %parallel_loop3A_1122] {strides = array<i32>} : memref<128x64xi32, #tpu.memory_space<vmem>>, vector<16xi32>,
        %parallel_loop3A_1124 = vector.bitcast %parallel_loop3A_1123 : vector<16xi32> to vector<32xbf16>
        %parallel_loop3A_1125 = tpu.unpack_subelements %parallel_loop3A_1120, 0 {pack_format = #tpu.pack_format<interleaved>} : vector<32xbf16> -> vector<16xf32>
        %parallel_loop3A_1126 = tpu.unpack_subelements %parallel_loop3A_1120, 1 {pack_format = #tpu.pack_format<interleaved>} : vector<32xbf16> -> vector<16xf32>
        %parallel_loop3A_1127 = tpu.unpack_subelements %parallel_loop3A_1124, 0 {pack_format = #tpu.pack_format<interleaved>} : vector<32xbf16> -> vector<16xf32>
        %parallel_loop3A_1128 = tpu.unpack_subelements %parallel_loop3A_1124, 1 {pack_format = #tpu.pack_format<interleaved>} : vector<32xbf16> -> vector<16xf32>
        %parallel_loop3A_1129 = arith.mulf %parallel_loop3A_1125, %parallel_loop3A_1127 : vector<16xf32>
        %parallel_loop3A_1130 = arith.mulf %parallel_loop3A_1126, %parallel_loop3A_1128 : vector<16xf32>
        %parallel_loop3A_1131 = arith.addf %parallel_loop3A_1129, %parallel_loop3A_1130 : vector<16xf32>
        %parallel_loop3A_1132 = arith.addf %parallel_loop3A_1116, %parallel_loop3A_1131 : vector<16xf32>
        %parallel_loop3A_1133 = arith.index_cast %parallel_loop3A_1085 : i32 to index
        %parallel_loop3A_1134 = arith.constant 48 : index
        %parallel_loop3A_1135 = tpu.vector_load %arg11[%parallel_loop3A_1133, %parallel_loop3A_1134] {strides = array<i32>} : memref<128x64xi32, #tpu.memory_space<vmem>>, vector<16xi32>,
        %parallel_loop3A_1136 = vector.bitcast %parallel_loop3A_1135 : vector<16xi32> to vector<32xbf16>
        %parallel_loop3A_1137 = arith.index_cast %parallel_loop3A_1085 : i32 to index
        %parallel_loop3A_1138 = arith.constant 48 : index
        %parallel_loop3A_1139 = tpu.vector_load %arg12[%parallel_loop3A_1137, %parallel_loop3A_1138] {strides = array<i32>} : memref<128x64xi32, #tpu.memory_space<vmem>>, vector<16xi32>,
        %parallel_loop3A_1140 = vector.bitcast %parallel_loop3A_1139 : vector<16xi32> to vector<32xbf16>
        %parallel_loop3A_1141 = tpu.unpack_subelements %parallel_loop3A_1136, 0 {pack_format = #tpu.pack_format<interleaved>} : vector<32xbf16> -> vector<16xf32>
        %parallel_loop3A_1142 = tpu.unpack_subelements %parallel_loop3A_1136, 1 {pack_format = #tpu.pack_format<interleaved>} : vector<32xbf16> -> vector<16xf32>
        %parallel_loop3A_1143 = tpu.unpack_subelements %parallel_loop3A_1140, 0 {pack_format = #tpu.pack_format<interleaved>} : vector<32xbf16> -> vector<16xf32>
        %parallel_loop3A_1144 = tpu.unpack_subelements %parallel_loop3A_1140, 1 {pack_format = #tpu.pack_format<interleaved>} : vector<32xbf16> -> vector<16xf32>
        %parallel_loop3A_1145 = arith.mulf %parallel_loop3A_1141, %parallel_loop3A_1143 : vector<16xf32>
        %parallel_loop3A_1146 = arith.mulf %parallel_loop3A_1142, %parallel_loop3A_1144 : vector<16xf32>
        %parallel_loop3A_1147 = arith.addf %parallel_loop3A_1145, %parallel_loop3A_1146 : vector<16xf32>
        %parallel_loop3A_1148 = arith.addf %parallel_loop3A_1132, %parallel_loop3A_1147 : vector<16xf32>
        %parallel_loop3A_1149 = arith.constant true
        %parallel_loop3A_1150 = vector.broadcast %parallel_loop3A_1149 : i1 to vector<16xi1>
        %parallel_loop3A_1151 = tpu.scan <sum>, %parallel_loop3A_1148 masked %parallel_loop3A_1150 : vector<16xf32>, vector<16xi1> -> vector<16xf32>
        %parallel_loop3A_1152 = arith.constant 13 : i32
        %parallel_loop3A_1153 = vector.broadcast %parallel_loop3A_1152 : i32 to vector<16xi32>
        %parallel_loop3A_1154 = arith.addi %parallel_loop3A_132, %parallel_loop3A_1153 : vector<16xi32>
        tpu.vector_store_idx %arg13[%parallel_loop3A_1154], %parallel_loop3A_1151 masked %eq3A_119 : memref<10240xf32, #tpu.memory_space<vmem>>[vector<16xi32>], vector<16xf32>, vector<16xi1>
        %parallel_loop3A_1155 = arith.constant 16 : i32
        %parallel_loop3A_1156 = arith.muli %parallel_loop3A_123, %parallel_loop3A_1155 : i32
        %parallel_loop3A_1157 = arith.constant 14 : i32
        %parallel_loop3A_1158 = arith.addi %parallel_loop3A_1156, %parallel_loop3A_1157 : i32
        %parallel_loop3A_1159 = arith.index_cast %parallel_loop3A_1158 : i32 to index
        %parallel_loop3A_1160 = arith.constant 0 : index
        %parallel_loop3A_1161 = tpu.vector_load %arg11[%parallel_loop3A_1159, %parallel_loop3A_1160] {strides = array<i32>} : memref<128x64xi32, #tpu.memory_space<vmem>>, vector<16xi32>,
        %parallel_loop3A_1162 = vector.bitcast %parallel_loop3A_1161 : vector<16xi32> to vector<32xbf16>
        %parallel_loop3A_1163 = arith.index_cast %parallel_loop3A_1158 : i32 to index
        %parallel_loop3A_1164 = arith.constant 0 : index
        %parallel_loop3A_1165 = tpu.vector_load %arg12[%parallel_loop3A_1163, %parallel_loop3A_1164] {strides = array<i32>} : memref<128x64xi32, #tpu.memory_space<vmem>>, vector<16xi32>,
        %parallel_loop3A_1166 = vector.bitcast %parallel_loop3A_1165 : vector<16xi32> to vector<32xbf16>
        %parallel_loop3A_1167 = tpu.unpack_subelements %parallel_loop3A_1162, 0 {pack_format = #tpu.pack_format<interleaved>} : vector<32xbf16> -> vector<16xf32>
        %parallel_loop3A_1168 = tpu.unpack_subelements %parallel_loop3A_1162, 1 {pack_format = #tpu.pack_format<interleaved>} : vector<32xbf16> -> vector<16xf32>
        %parallel_loop3A_1169 = tpu.unpack_subelements %parallel_loop3A_1166, 0 {pack_format = #tpu.pack_format<interleaved>} : vector<32xbf16> -> vector<16xf32>
        %parallel_loop3A_1170 = tpu.unpack_subelements %parallel_loop3A_1166, 1 {pack_format = #tpu.pack_format<interleaved>} : vector<32xbf16> -> vector<16xf32>
        %parallel_loop3A_1171 = arith.mulf %parallel_loop3A_1167, %parallel_loop3A_1169 : vector<16xf32>
        %parallel_loop3A_1172 = arith.mulf %parallel_loop3A_1168, %parallel_loop3A_1170 : vector<16xf32>
        %parallel_loop3A_1173 = arith.addf %parallel_loop3A_1171, %parallel_loop3A_1172 : vector<16xf32>
        %parallel_loop3A_1174 = arith.index_cast %parallel_loop3A_1158 : i32 to index
        %parallel_loop3A_1175 = arith.constant 16 : index
        %parallel_loop3A_1176 = tpu.vector_load %arg11[%parallel_loop3A_1174, %parallel_loop3A_1175] {strides = array<i32>} : memref<128x64xi32, #tpu.memory_space<vmem>>, vector<16xi32>,
        %parallel_loop3A_1177 = vector.bitcast %parallel_loop3A_1176 : vector<16xi32> to vector<32xbf16>
        %parallel_loop3A_1178 = arith.index_cast %parallel_loop3A_1158 : i32 to index
        %parallel_loop3A_1179 = arith.constant 16 : index
        %parallel_loop3A_1180 = tpu.vector_load %arg12[%parallel_loop3A_1178, %parallel_loop3A_1179] {strides = array<i32>} : memref<128x64xi32, #tpu.memory_space<vmem>>, vector<16xi32>,
        %parallel_loop3A_1181 = vector.bitcast %parallel_loop3A_1180 : vector<16xi32> to vector<32xbf16>
        %parallel_loop3A_1182 = tpu.unpack_subelements %parallel_loop3A_1177, 0 {pack_format = #tpu.pack_format<interleaved>} : vector<32xbf16> -> vector<16xf32>
        %parallel_loop3A_1183 = tpu.unpack_subelements %parallel_loop3A_1177, 1 {pack_format = #tpu.pack_format<interleaved>} : vector<32xbf16> -> vector<16xf32>
        %parallel_loop3A_1184 = tpu.unpack_subelements %parallel_loop3A_1181, 0 {pack_format = #tpu.pack_format<interleaved>} : vector<32xbf16> -> vector<16xf32>
        %parallel_loop3A_1185 = tpu.unpack_subelements %parallel_loop3A_1181, 1 {pack_format = #tpu.pack_format<interleaved>} : vector<32xbf16> -> vector<16xf32>
        %parallel_loop3A_1186 = arith.mulf %parallel_loop3A_1182, %parallel_loop3A_1184 : vector<16xf32>
        %parallel_loop3A_1187 = arith.mulf %parallel_loop3A_1183, %parallel_loop3A_1185 : vector<16xf32>
        %parallel_loop3A_1188 = arith.addf %parallel_loop3A_1186, %parallel_loop3A_1187 : vector<16xf32>
        %parallel_loop3A_1189 = arith.addf %parallel_loop3A_1173, %parallel_loop3A_1188 : vector<16xf32>
        %parallel_loop3A_1190 = arith.index_cast %parallel_loop3A_1158 : i32 to index
        %parallel_loop3A_1191 = arith.constant 32 : index
        %parallel_loop3A_1192 = tpu.vector_load %arg11[%parallel_loop3A_1190, %parallel_loop3A_1191] {strides = array<i32>} : memref<128x64xi32, #tpu.memory_space<vmem>>, vector<16xi32>,
        %parallel_loop3A_1193 = vector.bitcast %parallel_loop3A_1192 : vector<16xi32> to vector<32xbf16>
        %parallel_loop3A_1194 = arith.index_cast %parallel_loop3A_1158 : i32 to index
        %parallel_loop3A_1195 = arith.constant 32 : index
        %parallel_loop3A_1196 = tpu.vector_load %arg12[%parallel_loop3A_1194, %parallel_loop3A_1195] {strides = array<i32>} : memref<128x64xi32, #tpu.memory_space<vmem>>, vector<16xi32>,
        %parallel_loop3A_1197 = vector.bitcast %parallel_loop3A_1196 : vector<16xi32> to vector<32xbf16>
        %parallel_loop3A_1198 = tpu.unpack_subelements %parallel_loop3A_1193, 0 {pack_format = #tpu.pack_format<interleaved>} : vector<32xbf16> -> vector<16xf32>
        %parallel_loop3A_1199 = tpu.unpack_subelements %parallel_loop3A_1193, 1 {pack_format = #tpu.pack_format<interleaved>} : vector<32xbf16> -> vector<16xf32>
        %parallel_loop3A_1200 = tpu.unpack_subelements %parallel_loop3A_1197, 0 {pack_format = #tpu.pack_format<interleaved>} : vector<32xbf16> -> vector<16xf32>
        %parallel_loop3A_1201 = tpu.unpack_subelements %parallel_loop3A_1197, 1 {pack_format = #tpu.pack_format<interleaved>} : vector<32xbf16> -> vector<16xf32>
        %parallel_loop3A_1202 = arith.mulf %parallel_loop3A_1198, %parallel_loop3A_1200 : vector<16xf32>
        %parallel_loop3A_1203 = arith.mulf %parallel_loop3A_1199, %parallel_loop3A_1201 : vector<16xf32>
        %parallel_loop3A_1204 = arith.addf %parallel_loop3A_1202, %parallel_loop3A_1203 : vector<16xf32>
        %parallel_loop3A_1205 = arith.addf %parallel_loop3A_1189, %parallel_loop3A_1204 : vector<16xf32>
        %parallel_loop3A_1206 = arith.index_cast %parallel_loop3A_1158 : i32 to index
        %parallel_loop3A_1207 = arith.constant 48 : index
        %parallel_loop3A_1208 = tpu.vector_load %arg11[%parallel_loop3A_1206, %parallel_loop3A_1207] {strides = array<i32>} : memref<128x64xi32, #tpu.memory_space<vmem>>, vector<16xi32>,
        %parallel_loop3A_1209 = vector.bitcast %parallel_loop3A_1208 : vector<16xi32> to vector<32xbf16>
        %parallel_loop3A_1210 = arith.index_cast %parallel_loop3A_1158 : i32 to index
        %parallel_loop3A_1211 = arith.constant 48 : index
        %parallel_loop3A_1212 = tpu.vector_load %arg12[%parallel_loop3A_1210, %parallel_loop3A_1211] {strides = array<i32>} : memref<128x64xi32, #tpu.memory_space<vmem>>, vector<16xi32>,
        %parallel_loop3A_1213 = vector.bitcast %parallel_loop3A_1212 : vector<16xi32> to vector<32xbf16>
        %parallel_loop3A_1214 = tpu.unpack_subelements %parallel_loop3A_1209, 0 {pack_format = #tpu.pack_format<interleaved>} : vector<32xbf16> -> vector<16xf32>
        %parallel_loop3A_1215 = tpu.unpack_subelements %parallel_loop3A_1209, 1 {pack_format = #tpu.pack_format<interleaved>} : vector<32xbf16> -> vector<16xf32>
        %parallel_loop3A_1216 = tpu.unpack_subelements %parallel_loop3A_1213, 0 {pack_format = #tpu.pack_format<interleaved>} : vector<32xbf16> -> vector<16xf32>
        %parallel_loop3A_1217 = tpu.unpack_subelements %parallel_loop3A_1213, 1 {pack_format = #tpu.pack_format<interleaved>} : vector<32xbf16> -> vector<16xf32>
        %parallel_loop3A_1218 = arith.mulf %parallel_loop3A_1214, %parallel_loop3A_1216 : vector<16xf32>
        %parallel_loop3A_1219 = arith.mulf %parallel_loop3A_1215, %parallel_loop3A_1217 : vector<16xf32>
        %parallel_loop3A_1220 = arith.addf %parallel_loop3A_1218, %parallel_loop3A_1219 : vector<16xf32>
        %parallel_loop3A_1221 = arith.addf %parallel_loop3A_1205, %parallel_loop3A_1220 : vector<16xf32>
        %parallel_loop3A_1222 = arith.constant true
        %parallel_loop3A_1223 = vector.broadcast %parallel_loop3A_1222 : i1 to vector<16xi1>
        %parallel_loop3A_1224 = tpu.scan <sum>, %parallel_loop3A_1221 masked %parallel_loop3A_1223 : vector<16xf32>, vector<16xi1> -> vector<16xf32>
        %parallel_loop3A_1225 = arith.constant 14 : i32
        %parallel_loop3A_1226 = vector.broadcast %parallel_loop3A_1225 : i32 to vector<16xi32>
        %parallel_loop3A_1227 = arith.addi %parallel_loop3A_132, %parallel_loop3A_1226 : vector<16xi32>
        tpu.vector_store_idx %arg13[%parallel_loop3A_1227], %parallel_loop3A_1224 masked %eq3A_119 : memref<10240xf32, #tpu.memory_space<vmem>>[vector<16xi32>], vector<16xf32>, vector<16xi1>
        %parallel_loop3A_1228 = arith.constant 16 : i32
        %parallel_loop3A_1229 = arith.muli %parallel_loop3A_123, %parallel_loop3A_1228 : i32
        %parallel_loop3A_1230 = arith.constant 15 : i32
        %parallel_loop3A_1231 = arith.addi %parallel_loop3A_1229, %parallel_loop3A_1230 : i32
        %parallel_loop3A_1232 = arith.index_cast %parallel_loop3A_1231 : i32 to index
        %parallel_loop3A_1233 = arith.constant 0 : index
        %parallel_loop3A_1234 = tpu.vector_load %arg11[%parallel_loop3A_1232, %parallel_loop3A_1233] {strides = array<i32>} : memref<128x64xi32, #tpu.memory_space<vmem>>, vector<16xi32>,
        %parallel_loop3A_1235 = vector.bitcast %parallel_loop3A_1234 : vector<16xi32> to vector<32xbf16>
        %parallel_loop3A_1236 = arith.index_cast %parallel_loop3A_1231 : i32 to index
        %parallel_loop3A_1237 = arith.constant 0 : index
        %parallel_loop3A_1238 = tpu.vector_load %arg12[%parallel_loop3A_1236, %parallel_loop3A_1237] {strides = array<i32>} : memref<128x64xi32, #tpu.memory_space<vmem>>, vector<16xi32>,
        %parallel_loop3A_1239 = vector.bitcast %parallel_loop3A_1238 : vector<16xi32> to vector<32xbf16>
        %parallel_loop3A_1240 = tpu.unpack_subelements %parallel_loop3A_1235, 0 {pack_format = #tpu.pack_format<interleaved>} : vector<32xbf16> -> vector<16xf32>
        %parallel_loop3A_1241 = tpu.unpack_subelements %parallel_loop3A_1235, 1 {pack_format = #tpu.pack_format<interleaved>} : vector<32xbf16> -> vector<16xf32>
        %parallel_loop3A_1242 = tpu.unpack_subelements %parallel_loop3A_1239, 0 {pack_format = #tpu.pack_format<interleaved>} : vector<32xbf16> -> vector<16xf32>
        %parallel_loop3A_1243 = tpu.unpack_subelements %parallel_loop3A_1239, 1 {pack_format = #tpu.pack_format<interleaved>} : vector<32xbf16> -> vector<16xf32>
        %parallel_loop3A_1244 = arith.mulf %parallel_loop3A_1240, %parallel_loop3A_1242 : vector<16xf32>
        %parallel_loop3A_1245 = arith.mulf %parallel_loop3A_1241, %parallel_loop3A_1243 : vector<16xf32>
        %parallel_loop3A_1246 = arith.addf %parallel_loop3A_1244, %parallel_loop3A_1245 : vector<16xf32>
        %parallel_loop3A_1247 = arith.index_cast %parallel_loop3A_1231 : i32 to index
        %parallel_loop3A_1248 = arith.constant 16 : index
        %parallel_loop3A_1249 = tpu.vector_load %arg11[%parallel_loop3A_1247, %parallel_loop3A_1248] {strides = array<i32>} : memref<128x64xi32, #tpu.memory_space<vmem>>, vector<16xi32>,
        %parallel_loop3A_1250 = vector.bitcast %parallel_loop3A_1249 : vector<16xi32> to vector<32xbf16>
        %parallel_loop3A_1251 = arith.index_cast %parallel_loop3A_1231 : i32 to index
        %parallel_loop3A_1252 = arith.constant 16 : index
        %parallel_loop3A_1253 = tpu.vector_load %arg12[%parallel_loop3A_1251, %parallel_loop3A_1252] {strides = array<i32>} : memref<128x64xi32, #tpu.memory_space<vmem>>, vector<16xi32>,
        %parallel_loop3A_1254 = vector.bitcast %parallel_loop3A_1253 : vector<16xi32> to vector<32xbf16>
        %parallel_loop3A_1255 = tpu.unpack_subelements %parallel_loop3A_1250, 0 {pack_format = #tpu.pack_format<interleaved>} : vector<32xbf16> -> vector<16xf32>
        %parallel_loop3A_1256 = tpu.unpack_subelements %parallel_loop3A_1250, 1 {pack_format = #tpu.pack_format<interleaved>} : vector<32xbf16> -> vector<16xf32>
        %parallel_loop3A_1257 = tpu.unpack_subelements %parallel_loop3A_1254, 0 {pack_format = #tpu.pack_format<interleaved>} : vector<32xbf16> -> vector<16xf32>
        %parallel_loop3A_1258 = tpu.unpack_subelements %parallel_loop3A_1254, 1 {pack_format = #tpu.pack_format<interleaved>} : vector<32xbf16> -> vector<16xf32>
        %parallel_loop3A_1259 = arith.mulf %parallel_loop3A_1255, %parallel_loop3A_1257 : vector<16xf32>
        %parallel_loop3A_1260 = arith.mulf %parallel_loop3A_1256, %parallel_loop3A_1258 : vector<16xf32>
        %parallel_loop3A_1261 = arith.addf %parallel_loop3A_1259, %parallel_loop3A_1260 : vector<16xf32>
        %parallel_loop3A_1262 = arith.addf %parallel_loop3A_1246, %parallel_loop3A_1261 : vector<16xf32>
        %parallel_loop3A_1263 = arith.index_cast %parallel_loop3A_1231 : i32 to index
        %parallel_loop3A_1264 = arith.constant 32 : index
        %parallel_loop3A_1265 = tpu.vector_load %arg11[%parallel_loop3A_1263, %parallel_loop3A_1264] {strides = array<i32>} : memref<128x64xi32, #tpu.memory_space<vmem>>, vector<16xi32>,
        %parallel_loop3A_1266 = vector.bitcast %parallel_loop3A_1265 : vector<16xi32> to vector<32xbf16>
        %parallel_loop3A_1267 = arith.index_cast %parallel_loop3A_1231 : i32 to index
        %parallel_loop3A_1268 = arith.constant 32 : index
        %parallel_loop3A_1269 = tpu.vector_load %arg12[%parallel_loop3A_1267, %parallel_loop3A_1268] {strides = array<i32>} : memref<128x64xi32, #tpu.memory_space<vmem>>, vector<16xi32>,
        %parallel_loop3A_1270 = vector.bitcast %parallel_loop3A_1269 : vector<16xi32> to vector<32xbf16>
        %parallel_loop3A_1271 = tpu.unpack_subelements %parallel_loop3A_1266, 0 {pack_format = #tpu.pack_format<interleaved>} : vector<32xbf16> -> vector<16xf32>
        %parallel_loop3A_1272 = tpu.unpack_subelements %parallel_loop3A_1266, 1 {pack_format = #tpu.pack_format<interleaved>} : vector<32xbf16> -> vector<16xf32>
        %parallel_loop3A_1273 = tpu.unpack_subelements %parallel_loop3A_1270, 0 {pack_format = #tpu.pack_format<interleaved>} : vector<32xbf16> -> vector<16xf32>
        %parallel_loop3A_1274 = tpu.unpack_subelements %parallel_loop3A_1270, 1 {pack_format = #tpu.pack_format<interleaved>} : vector<32xbf16> -> vector<16xf32>
        %parallel_loop3A_1275 = arith.mulf %parallel_loop3A_1271, %parallel_loop3A_1273 : vector<16xf32>
        %parallel_loop3A_1276 = arith.mulf %parallel_loop3A_1272, %parallel_loop3A_1274 : vector<16xf32>
        %parallel_loop3A_1277 = arith.addf %parallel_loop3A_1275, %parallel_loop3A_1276 : vector<16xf32>
        %parallel_loop3A_1278 = arith.addf %parallel_loop3A_1262, %parallel_loop3A_1277 : vector<16xf32>
        %parallel_loop3A_1279 = arith.index_cast %parallel_loop3A_1231 : i32 to index
        %parallel_loop3A_1280 = arith.constant 48 : index
        %parallel_loop3A_1281 = tpu.vector_load %arg11[%parallel_loop3A_1279, %parallel_loop3A_1280] {strides = array<i32>} : memref<128x64xi32, #tpu.memory_space<vmem>>, vector<16xi32>,
        %parallel_loop3A_1282 = vector.bitcast %parallel_loop3A_1281 : vector<16xi32> to vector<32xbf16>
        %parallel_loop3A_1283 = arith.index_cast %parallel_loop3A_1231 : i32 to index
        %parallel_loop3A_1284 = arith.constant 48 : index
        %parallel_loop3A_1285 = tpu.vector_load %arg12[%parallel_loop3A_1283, %parallel_loop3A_1284] {strides = array<i32>} : memref<128x64xi32, #tpu.memory_space<vmem>>, vector<16xi32>,
        %parallel_loop3A_1286 = vector.bitcast %parallel_loop3A_1285 : vector<16xi32> to vector<32xbf16>
        %parallel_loop3A_1287 = tpu.unpack_subelements %parallel_loop3A_1282, 0 {pack_format = #tpu.pack_format<interleaved>} : vector<32xbf16> -> vector<16xf32>
        %parallel_loop3A_1288 = tpu.unpack_subelements %parallel_loop3A_1282, 1 {pack_format = #tpu.pack_format<interleaved>} : vector<32xbf16> -> vector<16xf32>
        %parallel_loop3A_1289 = tpu.unpack_subelements %parallel_loop3A_1286, 0 {pack_format = #tpu.pack_format<interleaved>} : vector<32xbf16> -> vector<16xf32>
        %parallel_loop3A_1290 = tpu.unpack_subelements %parallel_loop3A_1286, 1 {pack_format = #tpu.pack_format<interleaved>} : vector<32xbf16> -> vector<16xf32>
        %parallel_loop3A_1291 = arith.mulf %parallel_loop3A_1287, %parallel_loop3A_1289 : vector<16xf32>
        %parallel_loop3A_1292 = arith.mulf %parallel_loop3A_1288, %parallel_loop3A_1290 : vector<16xf32>
        %parallel_loop3A_1293 = arith.addf %parallel_loop3A_1291, %parallel_loop3A_1292 : vector<16xf32>
        %parallel_loop3A_1294 = arith.addf %parallel_loop3A_1278, %parallel_loop3A_1293 : vector<16xf32>
        %parallel_loop3A_1295 = arith.constant true
        %parallel_loop3A_1296 = vector.broadcast %parallel_loop3A_1295 : i1 to vector<16xi1>
        %parallel_loop3A_1297 = tpu.scan <sum>, %parallel_loop3A_1294 masked %parallel_loop3A_1296 : vector<16xf32>, vector<16xi1> -> vector<16xf32>
        %parallel_loop3A_1298 = arith.constant 15 : i32
        %parallel_loop3A_1299 = vector.broadcast %parallel_loop3A_1298 : i32 to vector<16xi32>
        %parallel_loop3A_1300 = arith.addi %parallel_loop3A_132, %parallel_loop3A_1299 : vector<16xi32>
        tpu.vector_store_idx %arg13[%parallel_loop3A_1300], %parallel_loop3A_1297 masked %eq3A_119 : memref<10240xf32, #tpu.memory_space<vmem>>[vector<16xi32>], vector<16xf32>, vector<16xi1>
      } {sc.loop_unroll_factor = 2 : i64, sc.parallel_access}
    }
    %scan3A_56 = arith.constant 40 : i32
    "tpu.region"() ({
      %run_scoped3A = tpu.sem_alloc : memref<!tpu.dma_semaphore, #tpu.memory_space<semaphore_mem>>
      %dma_start3A_57 = tpu.memref_slice %arg5[%mul3A_2] : memref<327680xf32, #tpu.memory_space<hbm>> -> memref<10240xf32, #tpu.memory_space<hbm>>
      %dma_start3A_58 = tpu.memref_slice %arg5[%mul3A_2] : memref<327680xf32, #tpu.memory_space<hbm>> -> memref<10240xf32, #tpu.memory_space<hbm>>
      tpu.enqueue_dma source(%arg13 : memref<10240xf32, #tpu.memory_space<vmem>>) target(%dma_start3A_58 : memref<10240xf32, #tpu.memory_space<hbm>>) target_semaphore(%run_scoped3A : memref<!tpu.dma_semaphore, #tpu.memory_space<semaphore_mem>>)
      %dma_wait3A_59 = tpu.memref_slice %arg5[%mul3A_2] : memref<327680xf32, #tpu.memory_space<hbm>> -> memref<10240xf32, #tpu.memory_space<hbm>>
      %dma_wait3A_60 = tpu.memref_slice %arg5[%mul3A_2] : memref<327680xf32, #tpu.memory_space<hbm>> -> memref<10240xf32, #tpu.memory_space<hbm>>
      tpu.wait_dma2 semaphore(%run_scoped3A : memref<!tpu.dma_semaphore, #tpu.memory_space<semaphore_mem>>) src(%arg13 : memref<10240xf32, #tpu.memory_space<vmem>>) dst(%dma_wait3A_60 : memref<10240xf32, #tpu.memory_space<hbm>>)
      tpu.yield
    }) : () -> ()
    return
  }
}

</mosaic_0001>

<sc_bundles>
// kernel: kernel.3.cloned.1.call-start
scs
__scs_entry_jumppad:
0x0: {  	(pc) =	sbr.rel $0x88, $3  }
0x1: {  	(tag) =	ssettag $0x0;
	lr =	simm.s32 $0x1  }
0x2: {  	[smem:$0x3F9F] =	sst lr;
	_ =	strace $0xD0000000  }
0x3: {  	_ = 	snop  }
0x4: {  	_ = 	snop  }
0x5: {  	_ = 	snop  }
0x6: {  	_ = 	snop  }
0x7: {  	_ = 	snop  }
__scs_overlays_trampoline_lowered:
0x8: {  	[smem:$0x3FAE] =	sst s0  }
0x9: {  	[smem:$0x3FAF] =	sst s1  }
0xa: {  	[smem:$0x3FB0] =	sst s2  }
0xb: {  	[smem:$0x3FB1] =	sst s3  }
0xc: {  	[smem:$0x3FB2] =	sst s4  }
0xd: {  	[smem:$0x3FB3] =	sst s5  }
0xe: {  	[smem:$0x3FB4] =	sst s6  }
0xf: {  	[smem:$0x3FB5] =	sst s7  }
0x10: {  	[smem:$0x3FB6] =	sst s8  }
0x11: {  	[smem:$0x3FB7] =	sst s9;
	s0 =	simm.s32 @!p0 $0x0  }
0x12: {  	s1 =	sld [smem:$0x3F9D];
	s0 =	simm.s32 @p0 $0x1  }
0x13: {  	[smem:$0x3FB8] =	sst s0;
	s0 =	simm.s32 @!p1 $0x0  }
0x14: {  	s2 =	sld [smem:$0x3F9C];
	s0 =	simm.s32 @p1 $0x1  }
0x15: {  	[smem:$0x3FB9] =	sst s0;
	s0 =	simm.s32 @!p2 $0x0  }
0x16: {  	s3 =	sld [smem:$0x3FDB];
	s0 =	simm.s32 @p2 $0x1  }
0x17: {  	s4 =	simm.s32 $0x1BF5;
	[smem:$0x3FBB] =	sst s0  }
0x18: {  	s0 =	sld [smem:$0x3F9E];
	_ =	swait.ge [sflag:s4], $0x0  }
0x19: {  	s7 =	sld [smem:$0x3F9F]  }
0x1a: {  	s8 =	sadd.s32 $0xFFFFE003, lr  }
0x1b: {  	s9 =	sadd.s32 $0xFFFFFEF7, lr;
	s5 =	simm.s32 $0xFFFFFFFF;
	p2 =	slt.u32 s8, $0xFFFFF086  }
0x1c: {  	p1 =	slt.u32 s9, $0xF7A;
	s5 =	simm.s32 @!p2 $0x0  }
0x1d: {  	s5 =	simm.s32 @p1 $0x1;
	p0 =	seq.s32 s7, s2  }
0x1e: {  	s7 =	smul.u32 @!p0 $0xF7A, s2;
	p2 =	seq.s32 @!p0 s5, $0x0  }
0x1f: {  	s9 =	smul.u32 $0xF7A, s1;
	s8 =	simm.s32 @!p0 $0x1BF5;
	p2 =	por !p2, p0  }
0x20: {  	[sflag:s8] =	ssyncset.s32 @!p0 $0xFFFFF086;
	s6 =	sadd.s32 @!p0 s3, s7;
	s7 =	simm.s32 @!p0 $0x108  }
0x21: {  	s3 =	sadd.s32 s3, s9;
	s6 =	sadd.s32 @!p0 $0x88, s6;
	s7 =	simm.s32 @p2 $0x1082  }
0x22: {  	[simem:s7], [sflag:s8] =	dma.local @!p0 [hbm:s6], $0xF7A  }
0x23: {  	s9 =	sor.u32 $0xD0000000, s2;
	s6 =	simm.s32 $0x108;
	_ =	swait.ge @!p0 [sflag:s8], $0x0  }
0x24: {  	s3 =	sadd.s32 $0x88, s3;
	s6 =	simm.s32 @!p1 $0x1082;
	[sflag:s4] =	ssyncset.s32 $0xFFFFF086  }
0x25: {  	[simem:s6], [sflag:s4] =	dma.local [hbm:s3], $0xF7A  }
0x26: {  	[smem:$0x3F9F] =	sst s1;
	(tag) =	ssettag s2;
	_ =	strace s9  }
0x27: {  	s1 =	sld [smem:$0x3FAF]  }
0x28: {  	s2 =	sld [smem:$0x3FB0]  }
0x29: {  	s4 =	sld [smem:$0x3FB2]  }
0x2a: {  	p0 =	seq.s32 s5, $0x0;
	s5 =	sld [smem:$0x3FB3]  }
0x2b: {  	s6 =	sld [smem:$0x3FB4]  }
0x2c: {  	s7 =	sld [smem:$0x3FB5]  }
0x2d: {  	s3 =	simm.s32 $0x108;
	s8 =	sld [smem:$0x3FB6]  }
0x2e: {  	s3 =	simm.s32 @!p0 $0x1082;
	s9 =	sld [smem:$0x3FB7]  }
0x2f: {  	lr =	sadd.s32 s0, s3;
	s0 =	sld [smem:$0x3FAE]  }
0x30: {  	s3 =	sld [smem:$0x3FB1]  }
0x31: {  	[smem:$0x3FBA] =	sst s10  }
0x32: {  	s10 =	sld [smem:$0x3FB8];
	_ =	sdelay $0x3  }
0x33: {  	p0 =	seq.s32 s10, $0x1;
	s10 =	sld [smem:$0x3FBA];
	_ =	sdelay $0x3  }
0x34: {  	[smem:$0x3FBA] =	sst s10  }
0x35: {  	s10 =	sld [smem:$0x3FB9];
	_ =	sdelay $0x3  }
0x36: {  	p1 =	seq.s32 s10, $0x1;
	s10 =	sld [smem:$0x3FBA];
	_ =	sdelay $0x3  }
0x37: {  	[smem:$0x3FBA] =	sst s10  }
0x38: {  	s10 =	sld [smem:$0x3FBB]  }
0x39: {  	_ = 	snop;
	(pc) =	sbr.ind lr, $3  }
0x3a: {  	_ = 	snop  }
0x3b: {  	_ = 	snop  }
0x3c: {  	p2 =	seq.s32 s10, $0x1;
	s10 =	sld [smem:$0x3FBA]  }
0x3d: {  	_ =	shalt  }
0x3e: {  	_ =	shalt  }
0x3f: {  	_ =	shalt  }
0x40: {  	_ =	shalt  }
0x41: {  	_ =	shalt  }
0x42: {  	_ =	shalt  }
0x43: {  	_ =	shalt  }
0x44: {  	_ =	shalt  }
0x45: {  	_ =	shalt  }
0x46: {  	_ =	shalt  }
0x47: {  	_ =	shalt  }
0x48: {  	_ =	shalt  }
0x49: {  	_ =	shalt  }
0x4a: {  	_ =	shalt  }
0x4b: {  	_ =	shalt  }
0x4c: {  	_ =	shalt  }
0x4d: {  	_ =	shalt  }
0x4e: {  	_ =	shalt  }
0x4f: {  	_ =	shalt  }
0x50: {  	_ =	shalt  }
0x51: {  	_ =	shalt  }
0x52: {  	_ =	shalt  }
0x53: {  	_ =	shalt  }
0x54: {  	_ =	shalt  }
0x55: {  	_ =	shalt  }
0x56: {  	_ =	shalt  }
0x57: {  	_ =	shalt  }
0x58: {  	_ =	shalt  }
0x59: {  	_ =	shalt  }
0x5a: {  	_ =	shalt  }
0x5b: {  	_ =	shalt  }
0x5c: {  	_ =	shalt  }
0x5d: {  	_ =	shalt  }
0x5e: {  	_ =	shalt  }
0x5f: {  	_ =	shalt  }
0x60: {  	_ =	shalt  }
0x61: {  	_ =	shalt  }
0x62: {  	_ =	shalt  }
0x63: {  	_ =	shalt  }
0x64: {  	_ =	shalt  }
0x65: {  	_ =	shalt  }
0x66: {  	_ =	shalt  }
0x67: {  	_ =	shalt  }
0x68: {  	_ =	shalt  }
0x69: {  	_ =	shalt  }
0x6a: {  	_ =	shalt  }
0x6b: {  	_ =	shalt  }
0x6c: {  	_ =	shalt  }
0x6d: {  	_ =	shalt  }
0x6e: {  	_ =	shalt  }
0x6f: {  	_ =	shalt  }
0x70: {  	_ =	shalt  }
0x71: {  	_ =	shalt  }
0x72: {  	_ =	shalt  }
0x73: {  	_ =	shalt  }
0x74: {  	_ =	shalt  }
0x75: {  	_ =	shalt  }
0x76: {  	_ =	shalt  }
0x77: {  	_ =	shalt  }
0x78: {  	_ =	shalt  }
0x79: {  	_ =	shalt  }
0x7a: {  	_ =	shalt  }
0x7b: {  	_ =	shalt  }
0x7c: {  	_ =	shalt  }
0x7d: {  	_ =	shalt  }
0x7e: {  	_ =	shalt  }
0x7f: {  	_ =	shalt  }
0x80: {  	_ =	shalt  }
0x81: {  	_ =	shalt  }
0x82: {  	_ =	shalt  }
0x83: {  	_ =	shalt  }
0x84: {  	_ =	shalt  }
0x85: {  	_ =	shalt  }
0x86: {  	_ =	shalt  }
0x87: {  	_ =	shalt  }
.Lfunc_end0:
.L_simem_size_0:
called_computation_lowered:
.L_overlay_start_0:
0x88: {  	s2 =	sld [smem:$0x3FD9]  }
0x89: {  	s3 =	sld [smem:$0x3FFE];
	_ =	sdelay $0x1  }
0x8a: {  	s1 =	srdreg.scid  }
0x8b: {  	s0 =	sand.u32 $0x1, s1  }
0x8c: {  	s16 =	sshll.u32 s0, $0xA;
	s2 =	sadd.s32 s3, s2  }
0x8d: {  	s2 =	sadd.s32 s2, s16  }
0x8e: {  	[smem:$0x3FC6] =	sst s2  }
0x8f: {  	_ = 	snop  }
0x90: {  	(tm) =	ssettm $0x1  }
0x91: {  	s17 =	sld [smem:$0x3FFB];
	_ =	sdelay $0x3  }
0x92: {  	_ =	strace s17  }
0x93: {  	s2 =	sld [smem:$0x3FFC];
	_ =	sdelay $0x3  }
0x94: {  	_ =	strace s2  }
0x95: {  	s2 =	sld [smem:$0x3FFD];
	_ =	sdelay $0x3  }
0x96: {  	_ =	strace s2  }
0x97: {  	_ =	strace $0x8FFFFFFF  }
0x98: {  	s18 =	sld [smem:$0x3FDB];
	_ =	sdelay $0x1  }
0x99: {  	s19 =	simm.s32 $_scs_section_size  }
0x9a: {  	s4 =	simm.s32 $_size__tile_overlayer_lowered;
	s5 =	simm.s32 $_tile_overlayer_lowered  }
0x9b: {  	s22 =	simm.s32 $0x1BFF;
	s21 =	sshll.u32 s5, $0x1;
	s2 =	sadd.s32 s19, s18  }
0x9c: {  	s6 =	simm.s32 $0x0;
	s20 =	sshll.u32 s4, $0x1;
	s4 =	sadd.s32 s21, s2  }
0x9d: {  	[timem:s6], [sflag:s22] =	dma.local [hbm:s4], s20  }
0x9e: {  	_ =	swait.ge [sflag:s22], s20  }
0x9f: {  	s3 =	ssub.s32 $0x0, s20;
	[sflag:s22] =	ssyncset.done $0x0  }
0xa0: {  	[sflag:s22] =	ssyncadd.s32 s3;
	_ =	sdelay $0x1  }
0xa1: {  	s23 =	simm.s32 $0x1B8B  }
0xa2: {  	_ =	swait.ge [sflag:s23], $0x1  }
0xa3: {  	[sflag:s23] =	ssyncset.done $0x0  }
0xa4: {  	s25 =	simm.s32 $0x1B8E;
	s24 =	sld [smem:$0x3FFE];
	[sflag:s23] =	ssyncadd.s32 $0xFFFFFFFF  }
0xa5: {  	s26 =	simm.s32 $execute0_lowered;
	[smem:$0x3FD2] =	sst s25  }
0xa6: {  	s4 =	sshll.u32 s26, $0x1;
	_ =	strace $0x80000046;
	[dreg:$0x1] =	wrdreg $0xFFFFFFFF  }
0xa7: {  	s28 =	simm.s32 $_size_execute0_lowered;
	s2 =	sadd.s32 s2, s4;
	[dreg:$0x0] =	wrdreg $0x0  }
0xa8: {  	s4 =	sshll.u32 s28, $0x1;
	[dreg:$0x2] =	wrdreg s2  }
0xa9: {  	[dreg:$0x3] =	wrdreg s4  }
0xaa: {  	[dreg:$0x4] =	wrdreg $0xC0  }
0xab: {  	_ =	task [dreg:s6], $0x5FFFF  }
0xac: {  	[dreg:$0x1] =	wrdreg $0xFFFFFFFF  }
0xad: {  	[dreg:$0x0] =	wrdreg $0x60  }
0xae: {  	[dreg:$0x2] =	wrdreg s24  }
0xaf: {  	[dreg:$0x3] =	wrdreg $0x0  }
0xb0: {  	[dreg:$0x4] =	wrdreg $0x9  }
0xb1: {  	_ =	task.clear_ibuf [dreg:s6], $0x5FFFF;
	_ =	strace $0x90000046  }
0xb2: {  	s29 =	simm.s32 $0x9;
	_ =	strace $0x80000048  }
0xb3: {  	_ =	swait.ge [sflag:s29], $0x1  }
0xb4: {  	[sflag:s29] =	ssyncadd.s32 $0xFFFFFFFF  }
0xb5: {  	_ =	strace $0x90000048  }
0xb6: {  	_ =	sfence  }
0xb7: {  	s30 =	sld [smem:$0x0];
	_ =	sdelay $0x2  }
0xb8: {  	s31 =	sshll.u32 s1, $0xD;
	s1 =	sshrl.u32 s1, $0x2  }
0xb9: {  	s3 =	sand.u32 $0x4000, s31;
	s1 =	sadd.s32 s1, s30  }
0xba: {  	s0 =	sor.u32 s3, s0;
	s1 =	sshll.u32 s1, $0x11  }
0xbb: {  	s0 =	sor.u32 s1, s0  }
0xbc: {  	s0 =	sadd.s32 $0x8F2B, s0  }
0xbd: {  	[sflag:s0] =	ssyncadd.remote.s32 $0x1  }
0xbe: {  	_ =	sfence.sel $0xFFFF  }
0xbf: {  	[dreg:$0x0] =	wrdreg $0xFFFFFFFF;
	(pc) =	sbr.abs _section_cstart, $3  }
0xc0: {  	[dreg:$0x1] =	wrdreg $0xFFFFFFFF  }
0xc1: {  	_ =	task.clear_ibuf [dreg:s6], $0x2FFFF;
	_ =	strace $0x9FFFFFFF  }
0xc2: {  	(tm) =	ssettm $0x7FFFFFFF  }
0xc3: {  	_ =	shalt  }
tec
execute0_lowered:
.L_overlay_start_1:
0x0: {  	(tag) =	ssettag $0x1  }
0x1: {  	s0 =	srdreg.scid;
	s1 =	rddreg [dreg:$0x0]  }
0x2: {  	s13 =	stileid.u32;
	s2 =	rddreg [dreg:$0x1]  }
0x3: {  	s10 =	simm.s32 $0x9C40;
	s11 =	simm.s32 $0xC440;
	s15 =	simm.s32 $0x1  }
0x4: {  	s16 =	simm.s32 $0x80;
	s19 =	simm.s32 $0x12C40;
	s20 =	simm.s32 $0x14C40  }
0x5: {  	s21 =	simm.s32 $0x2;
	s22 =	simm.s32 $0x3;
	s23 =	simm.s32 $0x16C40  }
0x6: {  	s24 =	simm.s32 $0x4;
	s25 =	simm.s32 $0x5;
	s26 =	simm.s32 $0x6  }
0x7: {  	s28 =	simm.s32 $0x0;
	s0 =	sand.u32 $0x1, s0;
	s6 =	smul.u32 $0x9C00, s13  }
0x8: {  	s12 =	sadd.s32 $0x92400, s2;
	p0 =	seq.s32 s13, $0xF;
	s3 =	sshll.u32 s0, $0x4  }
0x9: {  	s0 =	ssub.s32 $0x2, s0;
	s12 =	sshrl.u32 @p0 s12, $0x3;
	s4 =	sor.u32 s13, s3  }
0xa: {  	s3 =	simm.s32 $0x0;
	s31 =	sshrl.u32 s0, $0x1;
	s7 =	sshrl.u32 s6, $0x3  }
0xb: {  	s14 =	sadd.s32 s6, s2;
	s4 =	smul.u32 $0x500, s4;
	[smem:$0x7FF] =	sst s3  }
0xc: {  	s0 =	ssub.s32 s0, s31;
	s6 =	sadd.s32 s1, s7;
	s7 =	sadd.s32 $0x12480, s1  }
0xd: {  	s14 =	sshrl.u32 @!p0 s14, $0x3;
	s9 =	smax.u32 s0, $0x1;
	s0 =	sshll.u32 @!p0 s13, $0x6  }
0xe: {  	_ =	strace $0x80000047;
	s8 =	sadd.s32 s4, s1;
	s13 =	sor.u32 @!p0 $0x1C06, s0  }
0xf: {  	vm0 =	vcmask $0x3F3C;
	s4 =	sadd.s32 $0x13A00, s8;
	s5 =	sadd.s32 $0x1DA00, s8;
	s8 =	sadd.s32 $0x27A00, s8  }
.LBB2_1:
0x10: {  	[tilespmem:s10], [sflag:$0x1] =	stream.linear.gather [hbm4b:s4+s3], $0x2800, $0x38;
	[tilespmem:$0x19440] =	vst v63  }
0x11: {  	s0 =	simm.s32 @p0 $0x1FC6  }
0x12: {  	[tilespmem:s11], [sflag:$0x1] =	stream.linear.gather [hbm4b:s5+s3], $0x2800, $0x38;
	[tilespmem:$0x19440] =	vst v63  }
0x13: {  	[spmem:s12], [sflag:s0] =	dma.local @p0 [hbm:s7], $0x1400  }
0x14: {  	s0 =	simm.s32 @p0 $0x6  }
0x15: {  	_ =	swait.ge @p0 [sflag:s0], $0x1400  }
0x16: {  	[sflag:s0] =	ssyncset.done @p0 $0x0  }
0x17: {  	[sflag:s0] =	ssyncadd.s32 @p0 $0xFFFFEC00;
	s0 =	simm.s32 @!p0 $0x6  }
0x18: {  	[spmem:s14], [sflag:s13] =	dma.local @!p0 [hbm:s6], $0x1380  }
0x19: {  	_ =	swait.ge @!p0 [sflag:s0], $0x1380  }
0x1a: {  	[sflag:s0] =	ssyncset.done @!p0 $0x0  }
0x1b: {  	[sflag:s0] =	ssyncadd.s32 @!p0 $0xFFFFEC80  }
0x1c: {  	_ =	swait.ge [sflag:s15], $0x2800  }
0x1d: {  	[sflag:s15] =	ssyncset.done $0x0  }
0x1e: {  	[sflag:s15] =	ssyncadd.s32 $0xFFFFD800  }
0x1f: {  	_ =	swait.ge [sflag:s15], $0x2800  }
0x20: {  	[sflag:s15] =	ssyncset.done $0x0  }
0x21: {  	[sflag:s15] =	ssyncadd.s32 $0xFFFFD800  }
0x22: {  	s30 =	simm.s32 $0xEC40;
	[bflag:$0x0] =	sbarrier.arrive $0xFFFF  }
0x23: {  	[tilespmem:s30], [sflag:$0x2] =	stream.indirect.gather [spmem:s2], $0x40, s10, s16, $0xb8;
	[tilespmem:$0x19440] =	vst v63  }
0x24: {  	s31 =	simm.s32 $0x10C40;
	s29 =	simm.s32 $0x0  }
0x25: {  	[tilespmem:s31], [sflag:$0x3] =	stream.indirect.gather [spmem:s2], $0x40, s11, s16, $0xb8;
	[tilespmem:$0x19440] =	vst v63  }
.LBB2_2:
0x26: {  	s31 =	sshll.u32 s29, $0x8  }
0x27: {  	s0 =	sadd.s32 $0x9CC0, s31  }
0x28: {  	[tilespmem:s19], [sflag:$0x4] =	stream.indirect.gather [spmem:s2], $0x40, s0, s16, $0xb8;
	[tilespmem:$0x19440] =	vst v63  }
0x29: {  	s18 =	sadd.s32 $0xC4C0, s31  }
0x2a: {  	[tilespmem:s20], [sflag:$0x5] =	stream.indirect.gather [spmem:s2], $0x40, s18, s16, $0xb8;
	[tilespmem:$0x19440] =	vst v63  }
0x2b: {  	_ =	swait.ge [sflag:s21], $0x2000  }
0x2c: {  	[sflag:s21] =	ssyncset.done $0x0  }
0x2d: {  	[sflag:s21] =	ssyncadd.s32 $0xFFFFE000  }
0x2e: {  	_ =	swait.ge [sflag:s22], $0x2000  }
0x2f: {  	[sflag:s22] =	ssyncset.done $0x0  }
0x30: {  	s1 =	simm.s32 $0x0;
	s30 =	sor.u32 $0x80, s31;
	[sflag:s22] =	ssyncadd.s32 $0xFFFFE000  }
.LBB2_3:
0x31: {  	s0 =	sshll.u32 s1, $0xA  }
0x32: {  	v0 =	vld [tilespmem:s0+$0xEC40]  }
0x33: {  	v1 =	vld [tilespmem:s0+$0x10C40]  }
0x34: {  	v2 =	vld [tilespmem:s0+$0xEC50]  }
0x35: {  	v3 =	vld [tilespmem:s0+$0x10C50]  }
0x36: {  	v6 =	vld [tilespmem:s0+$0xEC60]  }
0x37: {  	v17 =	vld [tilespmem:s0+$0x10C60]  }
0x38: {  	v18 =	vld [tilespmem:s0+$0xEC70];
	v4 =	vunpack.i.u.bf16.f32 v0  }
0x39: {  	v20 =	vld [tilespmem:s0+$0x10C70];
	v0 =	vunpack.i.l.bf16.f32 v0;
	v5 =	vunpack.i.u.bf16.f32 v1;
	v1 =	vunpack.i.l.bf16.f32 v1  }
0x3a: {  	v14 =	vunpack.i.u.bf16.f32 v2;
	v2 =	vunpack.i.l.bf16.f32 v2;
	v15 =	vunpack.i.u.bf16.f32 v3  }
0x3b: {  	v3 =	vunpack.i.l.bf16.f32 v3;
	v21 =	vunpack.i.u.bf16.f32 v6;
	v22 =	vunpack.i.l.bf16.f32 v6  }
0x3c: {  	v23 =	vunpack.i.u.bf16.f32 v17;
	v0 =	vmul.f32 v1, v0;
	v13 =	vmul.f32 v5, v4  }
0x3d: {  	v24 =	vunpack.i.u.bf16.f32 v18;
	v2 =	vmul.f32 v3, v2;
	v16 =	vmul.f32 v15, v14  }
0x3e: {  	v25 =	vunpack.i.u.bf16.f32 v20;
	v4 =	vunpack.i.l.bf16.f32 v17;
	v1 =	vmul.f32 v23, v21  }
0x3f: {  	v3 =	vmul.f32 v4, v22;
	v0 =	vadd.f32 v0, v13;
	v19 =	vadd.f32 v2, v16  }
0x40: {  	v5 =	vunpack.i.l.bf16.f32 v18;
	v26 =	vmul.f32 v25, v24;
	v2 =	vunpack.i.l.bf16.f32 v20  }
0x41: {  	v1 =	vadd.f32 v3, v1;
	v2 =	vmul.f32 v2, v5;
	v0 =	vadd.f32 v19, v0;
	_ =	sdelay $0x1  }
0x42: {  	v27 =	vadd.f32 v2, v26;
	v0 =	vadd.f32 v1, v0;
	_ =	sdelay $0x1  }
0x43: {  	v0 =	vadd.f32 v27, v0;
	_ =	sdelay $0x1  }
0x44: {  	(xrf2) =	vadd.scan.msk.f32 $0xffff, v0;
	_ =	sdelay $0x3  }
0x45: {  	s17 =	sshll.u32 s1, $0x4  }
0x46: {  	s18 =	sor.u32 s31, s17  }
0x47: {  	v0 =	vmov s18;
	_ =	sdelay $0x3  }
0x48: {  	v28, _, _ =	vpop (xrf2)  }
0x49: {  	[tilespmem:v0+s23+$0x0] =	vst.idx.msk vm0, v28  }
0x4a: {  	v1 =	vld [tilespmem:s0+$0xEC80]  }
0x4b: {  	v29 =	vld [tilespmem:s0+$0x10C80]  }
0x4c: {  	v30 =	vld [tilespmem:s0+$0xEC90]  }
0x4d: {  	v31 =	vld [tilespmem:s0+$0x10C90]  }
0x4e: {  	v7 =	vld [tilespmem:s0+$0xECA0]  }
0x4f: {  	v38 =	vld [tilespmem:s0+$0x10CA0]  }
0x50: {  	v39 =	vld [tilespmem:s0+$0xECB0];
	v32 =	vunpack.i.u.bf16.f32 v1  }
0x51: {  	v41 =	vld [tilespmem:s0+$0x10CB0];
	v1 =	vunpack.i.l.bf16.f32 v1;
	v33 =	vunpack.i.u.bf16.f32 v29;
	v2 =	vunpack.i.l.bf16.f32 v29  }
0x52: {  	v35 =	vunpack.i.u.bf16.f32 v30;
	v3 =	vunpack.i.l.bf16.f32 v30;
	v36 =	vunpack.i.u.bf16.f32 v31  }
0x53: {  	v4 =	vunpack.i.l.bf16.f32 v31;
	v42 =	vunpack.i.u.bf16.f32 v7;
	v43 =	vunpack.i.l.bf16.f32 v7  }
0x54: {  	v44 =	vunpack.i.u.bf16.f32 v38;
	v1 =	vmul.f32 v2, v1;
	v34 =	vmul.f32 v33, v32  }
0x55: {  	v5 =	vunpack.i.l.bf16.f32 v38;
	v3 =	vmul.f32 v4, v3;
	v37 =	vmul.f32 v36, v35  }
0x56: {  	v45 =	vunpack.i.u.bf16.f32 v39;
	v46 =	vunpack.i.u.bf16.f32 v41;
	v4 =	vmul.f32 v5, v43  }
0x57: {  	v2 =	vmul.f32 v44, v42;
	v1 =	vadd.f32 v1, v34;
	v40 =	vadd.f32 v3, v37  }
0x58: {  	v6 =	vunpack.i.l.bf16.f32 v39;
	v47 =	vmul.f32 v46, v45;
	v3 =	vunpack.i.l.bf16.f32 v41  }
0x59: {  	v2 =	vadd.f32 v4, v2;
	v3 =	vmul.f32 v3, v6;
	v1 =	vadd.f32 v40, v1;
	_ =	sdelay $0x1  }
0x5a: {  	v48 =	vadd.f32 v3, v47;
	v1 =	vadd.f32 v2, v1;
	_ =	sdelay $0x1  }
0x5b: {  	v1 =	vadd.f32 v48, v1;
	_ =	sdelay $0x1  }
0x5c: {  	(xrf2) =	vadd.scan.msk.f32 $0xffff, v1;
	_ =	sdelay $0x5  }
0x5d: {  	v49 =	vor.u32 $0x1, v0;
	_ =	sdelay $0x3  }
0x5e: {  	v50, _, _ =	vpop (xrf2)  }
0x5f: {  	[tilespmem:v49+s23+$0x0] =	vst.idx.msk vm0, v50  }
0x60: {  	v1 =	vld [tilespmem:s0+$0xECC0]  }
0x61: {  	v2 =	vld [tilespmem:s0+$0x10CC0]  }
0x62: {  	v51 =	vld [tilespmem:s0+$0xECD0]  }
0x63: {  	v52 =	vld [tilespmem:s0+$0x10CD0]  }
0x64: {  	v58 =	vld [tilespmem:s0+$0xECE0]  }
0x65: {  	v60 =	vld [tilespmem:s0+$0x10CE0]  }
0x66: {  	v61 =	vld [tilespmem:s0+$0xECF0];
	v53 =	vunpack.i.u.bf16.f32 v1  }
0x67: {  	v63 =	vld [tilespmem:s0+$0x10CF0];
	v1 =	vunpack.i.l.bf16.f32 v1;
	v54 =	vunpack.i.u.bf16.f32 v2;
	v2 =	vunpack.i.l.bf16.f32 v2  }
0x68: {  	v56 =	vunpack.i.u.bf16.f32 v51;
	v3 =	vunpack.i.l.bf16.f32 v51;
	v57 =	vunpack.i.u.bf16.f32 v52  }
0x69: {  	v4 =	vunpack.i.l.bf16.f32 v52;
	v9 =	vunpack.i.u.bf16.f32 v58;
	v10 =	vunpack.i.l.bf16.f32 v58  }
0x6a: {  	v11 =	vunpack.i.u.bf16.f32 v60;
	v1 =	vmul.f32 v2, v1;
	v55 =	vmul.f32 v54, v53  }
0x6b: {  	v5 =	vunpack.i.l.bf16.f32 v60;
	v3 =	vmul.f32 v4, v3;
	v59 =	vmul.f32 v57, v56  }
0x6c: {  	v12 =	vunpack.i.u.bf16.f32 v61;
	v13 =	vunpack.i.u.bf16.f32 v63;
	v4 =	vmul.f32 v5, v10  }
0x6d: {  	v2 =	vmul.f32 v11, v9;
	v1 =	vadd.f32 v1, v55;
	v62 =	vadd.f32 v3, v59  }
0x6e: {  	v6 =	vunpack.i.l.bf16.f32 v61;
	v14 =	vmul.f32 v13, v12;
	v3 =	vunpack.i.l.bf16.f32 v63  }
0x6f: {  	v2 =	vadd.f32 v4, v2;
	v3 =	vmul.f32 v3, v6;
	v1 =	vadd.f32 v62, v1;
	_ =	sdelay $0x1  }
0x70: {  	v15 =	vadd.f32 v3, v14;
	v1 =	vadd.f32 v2, v1;
	_ =	sdelay $0x1  }
0x71: {  	v1 =	vadd.f32 v15, v1;
	_ =	sdelay $0x1  }
0x72: {  	(xrf2) =	vadd.scan.msk.f32 $0xffff, v1;
	_ =	sdelay $0x5  }
0x73: {  	v16 =	vor.u32 $0x2, v0;
	_ =	sdelay $0x3  }
0x74: {  	v17, _, _ =	vpop (xrf2)  }
0x75: {  	[tilespmem:v16+s23+$0x0] =	vst.idx.msk vm0, v17  }
0x76: {  	v1 =	vld [tilespmem:s0+$0xED00]  }
0x77: {  	v2 =	vld [tilespmem:s0+$0x10D00]  }
0x78: {  	v18 =	vld [tilespmem:s0+$0xED10]  }
0x79: {  	v19 =	vld [tilespmem:s0+$0x10D10]  }
0x7a: {  	v25 =	vld [tilespmem:s0+$0xED20]  }
0x7b: {  	v27 =	vld [tilespmem:s0+$0x10D20]  }
0x7c: {  	v28 =	vld [tilespmem:s0+$0xED30];
	v20 =	vunpack.i.u.bf16.f32 v1  }
0x7d: {  	v30 =	vld [tilespmem:s0+$0x10D30];
	v1 =	vunpack.i.l.bf16.f32 v1;
	v21 =	vunpack.i.u.bf16.f32 v2;
	v2 =	vunpack.i.l.bf16.f32 v2  }
0x7e: {  	v23 =	vunpack.i.u.bf16.f32 v18;
	v3 =	vunpack.i.l.bf16.f32 v18;
	v24 =	vunpack.i.u.bf16.f32 v19  }
0x7f: {  	v4 =	vunpack.i.l.bf16.f32 v19;
	v31 =	vunpack.i.u.bf16.f32 v25;
	v32 =	vunpack.i.l.bf16.f32 v25  }
0x80: {  	v33 =	vunpack.i.u.bf16.f32 v27;
	v1 =	vmul.f32 v2, v1;
	v22 =	vmul.f32 v21, v20  }
0x81: {  	v5 =	vunpack.i.l.bf16.f32 v27;
	v3 =	vmul.f32 v4, v3;
	v26 =	vmul.f32 v24, v23  }
0x82: {  	v34 =	vunpack.i.u.bf16.f32 v28;
	v35 =	vunpack.i.u.bf16.f32 v30;
	v4 =	vmul.f32 v5, v32  }
0x83: {  	v2 =	vmul.f32 v33, v31;
	v1 =	vadd.f32 v1, v22;
	v29 =	vadd.f32 v3, v26  }
0x84: {  	v6 =	vunpack.i.l.bf16.f32 v28;
	v36 =	vmul.f32 v35, v34;
	v3 =	vunpack.i.l.bf16.f32 v30  }
0x85: {  	v2 =	vadd.f32 v4, v2;
	v3 =	vmul.f32 v3, v6;
	v1 =	vadd.f32 v29, v1;
	_ =	sdelay $0x1  }
0x86: {  	v37 =	vadd.f32 v3, v36;
	v1 =	vadd.f32 v2, v1;
	_ =	sdelay $0x1  }
0x87: {  	v1 =	vadd.f32 v37, v1;
	_ =	sdelay $0x1  }
0x88: {  	(xrf2) =	vadd.scan.msk.f32 $0xffff, v1;
	_ =	sdelay $0x5  }
0x89: {  	v38 =	vor.u32 $0x3, v0;
	_ =	sdelay $0x3  }
0x8a: {  	v39, _, _ =	vpop (xrf2)  }
0x8b: {  	[tilespmem:v38+s23+$0x0] =	vst.idx.msk vm0, v39  }
0x8c: {  	v1 =	vld [tilespmem:s0+$0xED40]  }
0x8d: {  	v2 =	vld [tilespmem:s0+$0x10D40]  }
0x8e: {  	v40 =	vld [tilespmem:s0+$0xED50]  }
0x8f: {  	v41 =	vld [tilespmem:s0+$0x10D50]  }
0x90: {  	v47 =	vld [tilespmem:s0+$0xED60]  }
0x91: {  	v49 =	vld [tilespmem:s0+$0x10D60]  }
0x92: {  	v50 =	vld [tilespmem:s0+$0xED70];
	v42 =	vunpack.i.u.bf16.f32 v1  }
0x93: {  	v52 =	vld [tilespmem:s0+$0x10D70];
	v1 =	vunpack.i.l.bf16.f32 v1;
	v43 =	vunpack.i.u.bf16.f32 v2;
	v2 =	vunpack.i.l.bf16.f32 v2  }
0x94: {  	v45 =	vunpack.i.u.bf16.f32 v40;
	v3 =	vunpack.i.l.bf16.f32 v40;
	v46 =	vunpack.i.u.bf16.f32 v41  }
0x95: {  	v4 =	vunpack.i.l.bf16.f32 v41;
	v53 =	vunpack.i.u.bf16.f32 v47;
	v54 =	vunpack.i.l.bf16.f32 v47  }
0x96: {  	v55 =	vunpack.i.u.bf16.f32 v49;
	v1 =	vmul.f32 v2, v1;
	v44 =	vmul.f32 v43, v42  }
0x97: {  	v5 =	vunpack.i.l.bf16.f32 v49;
	v3 =	vmul.f32 v4, v3;
	v48 =	vmul.f32 v46, v45  }
0x98: {  	v56 =	vunpack.i.u.bf16.f32 v50;
	v57 =	vunpack.i.u.bf16.f32 v52;
	v4 =	vmul.f32 v5, v54  }
0x99: {  	v2 =	vmul.f32 v55, v53;
	v1 =	vadd.f32 v1, v44;
	v51 =	vadd.f32 v3, v48  }
0x9a: {  	v6 =	vunpack.i.l.bf16.f32 v50;
	v58 =	vmul.f32 v57, v56;
	v3 =	vunpack.i.l.bf16.f32 v52  }
0x9b: {  	v2 =	vadd.f32 v4, v2;
	v3 =	vmul.f32 v3, v6;
	v1 =	vadd.f32 v51, v1;
	_ =	sdelay $0x1  }
0x9c: {  	v59 =	vadd.f32 v3, v58;
	v1 =	vadd.f32 v2, v1;
	_ =	sdelay $0x1  }
0x9d: {  	v1 =	vadd.f32 v59, v1;
	_ =	sdelay $0x1  }
0x9e: {  	(xrf2) =	vadd.scan.msk.f32 $0xffff, v1;
	_ =	sdelay $0x5  }
0x9f: {  	v60 =	vor.u32 $0x4, v0;
	_ =	sdelay $0x3  }
0xa0: {  	v61, _, _ =	vpop (xrf2)  }
0xa1: {  	[tilespmem:v60+s23+$0x0] =	vst.idx.msk vm0, v61  }
0xa2: {  	v1 =	vld [tilespmem:s0+$0xED80]  }
0xa3: {  	v2 =	vld [tilespmem:s0+$0x10D80]  }
0xa4: {  	v62 =	vld [tilespmem:s0+$0xED90]  }
0xa5: {  	v63 =	vld [tilespmem:s0+$0x10D90]  }
0xa6: {  	v14 =	vld [tilespmem:s0+$0xEDA0]  }
0xa7: {  	v16 =	vld [tilespmem:s0+$0x10DA0]  }
0xa8: {  	v17 =	vld [tilespmem:s0+$0xEDB0];
	v9 =	vunpack.i.u.bf16.f32 v1  }
0xa9: {  	v19 =	vld [tilespmem:s0+$0x10DB0];
	v1 =	vunpack.i.l.bf16.f32 v1;
	v10 =	vunpack.i.u.bf16.f32 v2;
	v2 =	vunpack.i.l.bf16.f32 v2  }
0xaa: {  	v12 =	vunpack.i.u.bf16.f32 v62;
	v3 =	vunpack.i.l.bf16.f32 v62;
	v13 =	vunpack.i.u.bf16.f32 v63  }
0xab: {  	v4 =	vunpack.i.l.bf16.f32 v63;
	v20 =	vunpack.i.u.bf16.f32 v14;
	v21 =	vunpack.i.l.bf16.f32 v14  }
0xac: {  	v22 =	vunpack.i.u.bf16.f32 v16;
	v1 =	vmul.f32 v2, v1;
	v11 =	vmul.f32 v10, v9  }
0xad: {  	v5 =	vunpack.i.l.bf16.f32 v16;
	v3 =	vmul.f32 v4, v3;
	v15 =	vmul.f32 v13, v12  }
0xae: {  	v23 =	vunpack.i.u.bf16.f32 v17;
	v24 =	vunpack.i.u.bf16.f32 v19;
	v4 =	vmul.f32 v5, v21  }
0xaf: {  	v2 =	vmul.f32 v22, v20;
	v1 =	vadd.f32 v1, v11;
	v18 =	vadd.f32 v3, v15  }
0xb0: {  	v6 =	vunpack.i.l.bf16.f32 v17;
	v25 =	vmul.f32 v24, v23;
	v3 =	vunpack.i.l.bf16.f32 v19  }
0xb1: {  	v2 =	vadd.f32 v4, v2;
	v3 =	vmul.f32 v3, v6;
	v1 =	vadd.f32 v18, v1;
	_ =	sdelay $0x1  }
0xb2: {  	v26 =	vadd.f32 v3, v25;
	v1 =	vadd.f32 v2, v1;
	_ =	sdelay $0x1  }
0xb3: {  	v1 =	vadd.f32 v26, v1;
	_ =	sdelay $0x1  }
0xb4: {  	(xrf2) =	vadd.scan.msk.f32 $0xffff, v1;
	_ =	sdelay $0x5  }
0xb5: {  	v27 =	vor.u32 $0x5, v0;
	_ =	sdelay $0x3  }
0xb6: {  	v28, _, _ =	vpop (xrf2)  }
0xb7: {  	[tilespmem:v27+s23+$0x0] =	vst.idx.msk vm0, v28  }
0xb8: {  	v1 =	vld [tilespmem:s0+$0xEDC0]  }
0xb9: {  	v2 =	vld [tilespmem:s0+$0x10DC0]  }
0xba: {  	v29 =	vld [tilespmem:s0+$0xEDD0]  }
0xbb: {  	v30 =	vld [tilespmem:s0+$0x10DD0]  }
0xbc: {  	v36 =	vld [tilespmem:s0+$0xEDE0]  }
0xbd: {  	v38 =	vld [tilespmem:s0+$0x10DE0]  }
0xbe: {  	v39 =	vld [tilespmem:s0+$0xEDF0];
	v31 =	vunpack.i.u.bf16.f32 v1  }
0xbf: {  	v41 =	vld [tilespmem:s0+$0x10DF0];
	v1 =	vunpack.i.l.bf16.f32 v1;
	v32 =	vunpack.i.u.bf16.f32 v2;
	v2 =	vunpack.i.l.bf16.f32 v2  }
0xc0: {  	v34 =	vunpack.i.u.bf16.f32 v29;
	v3 =	vunpack.i.l.bf16.f32 v29;
	v35 =	vunpack.i.u.bf16.f32 v30  }
0xc1: {  	v4 =	vunpack.i.l.bf16.f32 v30;
	v42 =	vunpack.i.u.bf16.f32 v36;
	v43 =	vunpack.i.l.bf16.f32 v36  }
0xc2: {  	v44 =	vunpack.i.u.bf16.f32 v38;
	v1 =	vmul.f32 v2, v1;
	v33 =	vmul.f32 v32, v31  }
0xc3: {  	v5 =	vunpack.i.l.bf16.f32 v38;
	v3 =	vmul.f32 v4, v3;
	v37 =	vmul.f32 v35, v34  }
0xc4: {  	v45 =	vunpack.i.u.bf16.f32 v39;
	v46 =	vunpack.i.u.bf16.f32 v41;
	v4 =	vmul.f32 v5, v43  }
0xc5: {  	v2 =	vmul.f32 v44, v42;
	v1 =	vadd.f32 v1, v33;
	v40 =	vadd.f32 v3, v37  }
0xc6: {  	v6 =	vunpack.i.l.bf16.f32 v39;
	v47 =	vmul.f32 v46, v45;
	v3 =	vunpack.i.l.bf16.f32 v41  }
0xc7: {  	v2 =	vadd.f32 v4, v2;
	v3 =	vmul.f32 v3, v6;
	v1 =	vadd.f32 v40, v1;
	_ =	sdelay $0x1  }
0xc8: {  	v48 =	vadd.f32 v3, v47;
	v1 =	vadd.f32 v2, v1;
	_ =	sdelay $0x1  }
0xc9: {  	v1 =	vadd.f32 v48, v1;
	_ =	sdelay $0x1  }
0xca: {  	(xrf2) =	vadd.scan.msk.f32 $0xffff, v1;
	_ =	sdelay $0x5  }
0xcb: {  	v49 =	vor.u32 $0x6, v0;
	_ =	sdelay $0x3  }
0xcc: {  	v50, _, _ =	vpop (xrf2)  }
0xcd: {  	[tilespmem:v49+s23+$0x0] =	vst.idx.msk vm0, v50  }
0xce: {  	v1 =	vld [tilespmem:s0+$0xEE00]  }
0xcf: {  	v2 =	vld [tilespmem:s0+$0x10E00]  }
0xd0: {  	v51 =	vld [tilespmem:s0+$0xEE10]  }
0xd1: {  	v52 =	vld [tilespmem:s0+$0x10E10]  }
0xd2: {  	v58 =	vld [tilespmem:s0+$0xEE20]  }
0xd3: {  	v60 =	vld [tilespmem:s0+$0x10E20]  }
0xd4: {  	v61 =	vld [tilespmem:s0+$0xEE30];
	v53 =	vunpack.i.u.bf16.f32 v1  }
0xd5: {  	v63 =	vld [tilespmem:s0+$0x10E30];
	v1 =	vunpack.i.l.bf16.f32 v1;
	v54 =	vunpack.i.u.bf16.f32 v2;
	v2 =	vunpack.i.l.bf16.f32 v2  }
0xd6: {  	v56 =	vunpack.i.u.bf16.f32 v51;
	v3 =	vunpack.i.l.bf16.f32 v51;
	v57 =	vunpack.i.u.bf16.f32 v52  }
0xd7: {  	v4 =	vunpack.i.l.bf16.f32 v52;
	v9 =	vunpack.i.u.bf16.f32 v58;
	v10 =	vunpack.i.l.bf16.f32 v58  }
0xd8: {  	v11 =	vunpack.i.u.bf16.f32 v60;
	v1 =	vmul.f32 v2, v1;
	v55 =	vmul.f32 v54, v53  }
0xd9: {  	v5 =	vunpack.i.l.bf16.f32 v60;
	v3 =	vmul.f32 v4, v3;
	v59 =	vmul.f32 v57, v56  }
0xda: {  	v12 =	vunpack.i.u.bf16.f32 v61;
	v13 =	vunpack.i.u.bf16.f32 v63;
	v4 =	vmul.f32 v5, v10  }
0xdb: {  	v2 =	vmul.f32 v11, v9;
	v1 =	vadd.f32 v1, v55;
	v62 =	vadd.f32 v3, v59  }
0xdc: {  	v6 =	vunpack.i.l.bf16.f32 v61;
	v14 =	vmul.f32 v13, v12;
	v3 =	vunpack.i.l.bf16.f32 v63  }
0xdd: {  	v2 =	vadd.f32 v4, v2;
	v3 =	vmul.f32 v3, v6;
	v1 =	vadd.f32 v62, v1;
	_ =	sdelay $0x1  }
0xde: {  	v15 =	vadd.f32 v3, v14;
	v1 =	vadd.f32 v2, v1;
	_ =	sdelay $0x1  }
0xdf: {  	v1 =	vadd.f32 v15, v1;
	_ =	sdelay $0x1  }
0xe0: {  	(xrf2) =	vadd.scan.msk.f32 $0xffff, v1;
	_ =	sdelay $0x5  }
0xe1: {  	v16 =	vor.u32 $0x7, v0;
	_ =	sdelay $0x3  }
0xe2: {  	v17, _, _ =	vpop (xrf2)  }
0xe3: {  	[tilespmem:v16+s23+$0x0] =	vst.idx.msk vm0, v17  }
0xe4: {  	v1 =	vld [tilespmem:s0+$0xEE40]  }
0xe5: {  	v2 =	vld [tilespmem:s0+$0x10E40]  }
0xe6: {  	v18 =	vld [tilespmem:s0+$0xEE50]  }
0xe7: {  	v19 =	vld [tilespmem:s0+$0x10E50]  }
0xe8: {  	v25 =	vld [tilespmem:s0+$0xEE60]  }
0xe9: {  	v27 =	vld [tilespmem:s0+$0x10E60]  }
0xea: {  	v28 =	vld [tilespmem:s0+$0xEE70];
	v20 =	vunpack.i.u.bf16.f32 v1  }
0xeb: {  	v30 =	vld [tilespmem:s0+$0x10E70];
	v1 =	vunpack.i.l.bf16.f32 v1;
	v21 =	vunpack.i.u.bf16.f32 v2;
	v2 =	vunpack.i.l.bf16.f32 v2  }
0xec: {  	v23 =	vunpack.i.u.bf16.f32 v18;
	v3 =	vunpack.i.l.bf16.f32 v18;
	v24 =	vunpack.i.u.bf16.f32 v19  }
0xed: {  	v4 =	vunpack.i.l.bf16.f32 v19;
	v31 =	vunpack.i.u.bf16.f32 v25;
	v32 =	vunpack.i.l.bf16.f32 v25  }
0xee: {  	v33 =	vunpack.i.u.bf16.f32 v27;
	v1 =	vmul.f32 v2, v1;
	v22 =	vmul.f32 v21, v20  }
0xef: {  	v5 =	vunpack.i.l.bf16.f32 v27;
	v3 =	vmul.f32 v4, v3;
	v26 =	vmul.f32 v24, v23  }
0xf0: {  	v34 =	vunpack.i.u.bf16.f32 v28;
	v35 =	vunpack.i.u.bf16.f32 v30;
	v4 =	vmul.f32 v5, v32  }
0xf1: {  	v2 =	vmul.f32 v33, v31;
	v1 =	vadd.f32 v1, v22;
	v29 =	vadd.f32 v3, v26  }
0xf2: {  	v6 =	vunpack.i.l.bf16.f32 v28;
	v36 =	vmul.f32 v35, v34;
	v3 =	vunpack.i.l.bf16.f32 v30  }
0xf3: {  	v2 =	vadd.f32 v4, v2;
	v3 =	vmul.f32 v3, v6;
	v1 =	vadd.f32 v29, v1;
	_ =	sdelay $0x1  }
0xf4: {  	v37 =	vadd.f32 v3, v36;
	v1 =	vadd.f32 v2, v1;
	_ =	sdelay $0x1  }
0xf5: {  	v1 =	vadd.f32 v37, v1;
	_ =	sdelay $0x1  }
0xf6: {  	(xrf2) =	vadd.scan.msk.f32 $0xffff, v1;
	_ =	sdelay $0x5  }
0xf7: {  	v38 =	vor.u32 $0x8, v0;
	_ =	sdelay $0x3  }
0xf8: {  	v39, _, _ =	vpop (xrf2)  }
0xf9: {  	[tilespmem:v38+s23+$0x0] =	vst.idx.msk vm0, v39  }
0xfa: {  	v1 =	vld [tilespmem:s0+$0xEE80]  }
0xfb: {  	v2 =	vld [tilespmem:s0+$0x10E80]  }
0xfc: {  	v40 =	vld [tilespmem:s0+$0xEE90]  }
0xfd: {  	v41 =	vld [tilespmem:s0+$0x10E90]  }
0xfe: {  	v47 =	vld [tilespmem:s0+$0xEEA0]  }
0xff: {  	v49 =	vld [tilespmem:s0+$0x10EA0]  }
0x100: {  	v50 =	vld [tilespmem:s0+$0xEEB0];
	v42 =	vunpack.i.u.bf16.f32 v1  }
0x101: {  	v52 =	vld [tilespmem:s0+$0x10EB0];
	v1 =	vunpack.i.l.bf16.f32 v1;
	v43 =	vunpack.i.u.bf16.f32 v2;
	v2 =	vunpack.i.l.bf16.f32 v2  }
0x102: {  	v45 =	vunpack.i.u.bf16.f32 v40;
	v3 =	vunpack.i.l.bf16.f32 v40;
	v46 =	vunpack.i.u.bf16.f32 v41  }
0x103: {  	v4 =	vunpack.i.l.bf16.f32 v41;
	v53 =	vunpack.i.u.bf16.f32 v47;
	v54 =	vunpack.i.l.bf16.f32 v47  }
0x104: {  	v55 =	vunpack.i.u.bf16.f32 v49;
	v1 =	vmul.f32 v2, v1;
	v44 =	vmul.f32 v43, v42  }
0x105: {  	v5 =	vunpack.i.l.bf16.f32 v49;
	v3 =	vmul.f32 v4, v3;
	v48 =	vmul.f32 v46, v45  }
0x106: {  	v56 =	vunpack.i.u.bf16.f32 v50;
	v57 =	vunpack.i.u.bf16.f32 v52;
	v4 =	vmul.f32 v5, v54  }
0x107: {  	v2 =	vmul.f32 v55, v53;
	v1 =	vadd.f32 v1, v44;
	v51 =	vadd.f32 v3, v48  }
0x108: {  	v6 =	vunpack.i.l.bf16.f32 v50;
	v58 =	vmul.f32 v57, v56;
	v3 =	vunpack.i.l.bf16.f32 v52  }
0x109: {  	v2 =	vadd.f32 v4, v2;
	v3 =	vmul.f32 v3, v6;
	v1 =	vadd.f32 v51, v1;
	_ =	sdelay $0x1  }
0x10a: {  	v59 =	vadd.f32 v3, v58;
	v1 =	vadd.f32 v2, v1;
	_ =	sdelay $0x1  }
0x10b: {  	v1 =	vadd.f32 v59, v1;
	_ =	sdelay $0x1  }
0x10c: {  	(xrf2) =	vadd.scan.msk.f32 $0xffff, v1;
	_ =	sdelay $0x5  }
0x10d: {  	v60 =	vor.u32 $0x9, v0;
	_ =	sdelay $0x3  }
0x10e: {  	v61, _, _ =	vpop (xrf2)  }
0x10f: {  	[tilespmem:v60+s23+$0x0] =	vst.idx.msk vm0, v61  }
0x110: {  	v1 =	vld [tilespmem:s0+$0xEEC0]  }
0x111: {  	v2 =	vld [tilespmem:s0+$0x10EC0]  }
0x112: {  	v62 =	vld [tilespmem:s0+$0xEED0]  }
0x113: {  	v63 =	vld [tilespmem:s0+$0x10ED0]  }
0x114: {  	v14 =	vld [tilespmem:s0+$0xEEE0]  }
0x115: {  	v16 =	vld [tilespmem:s0+$0x10EE0]  }
0x116: {  	v17 =	vld [tilespmem:s0+$0xEEF0];
	v9 =	vunpack.i.u.bf16.f32 v1  }
0x117: {  	v19 =	vld [tilespmem:s0+$0x10EF0];
	v1 =	vunpack.i.l.bf16.f32 v1;
	v10 =	vunpack.i.u.bf16.f32 v2;
	v2 =	vunpack.i.l.bf16.f32 v2  }
0x118: {  	v12 =	vunpack.i.u.bf16.f32 v62;
	v3 =	vunpack.i.l.bf16.f32 v62;
	v13 =	vunpack.i.u.bf16.f32 v63  }
0x119: {  	v4 =	vunpack.i.l.bf16.f32 v63;
	v20 =	vunpack.i.u.bf16.f32 v14;
	v21 =	vunpack.i.l.bf16.f32 v14  }
0x11a: {  	v22 =	vunpack.i.u.bf16.f32 v16;
	v1 =	vmul.f32 v2, v1;
	v11 =	vmul.f32 v10, v9  }
0x11b: {  	v5 =	vunpack.i.l.bf16.f32 v16;
	v3 =	vmul.f32 v4, v3;
	v15 =	vmul.f32 v13, v12  }
0x11c: {  	v23 =	vunpack.i.u.bf16.f32 v17;
	v24 =	vunpack.i.u.bf16.f32 v19;
	v4 =	vmul.f32 v5, v21  }
0x11d: {  	v2 =	vmul.f32 v22, v20;
	v1 =	vadd.f32 v1, v11;
	v18 =	vadd.f32 v3, v15  }
0x11e: {  	v6 =	vunpack.i.l.bf16.f32 v17;
	v25 =	vmul.f32 v24, v23;
	v3 =	vunpack.i.l.bf16.f32 v19  }
0x11f: {  	v2 =	vadd.f32 v4, v2;
	v3 =	vmul.f32 v3, v6;
	v1 =	vadd.f32 v18, v1;
	_ =	sdelay $0x1  }
0x120: {  	v26 =	vadd.f32 v3, v25;
	v1 =	vadd.f32 v2, v1;
	_ =	sdelay $0x1  }
0x121: {  	v1 =	vadd.f32 v26, v1;
	_ =	sdelay $0x1  }
0x122: {  	(xrf2) =	vadd.scan.msk.f32 $0xffff, v1;
	_ =	sdelay $0x5  }
0x123: {  	v27 =	vor.u32 $0xA, v0;
	_ =	sdelay $0x3  }
0x124: {  	v28, _, _ =	vpop (xrf2)  }
0x125: {  	[tilespmem:v27+s23+$0x0] =	vst.idx.msk vm0, v28  }
0x126: {  	v1 =	vld [tilespmem:s0+$0xEF00]  }
0x127: {  	v2 =	vld [tilespmem:s0+$0x10F00]  }
0x128: {  	v29 =	vld [tilespmem:s0+$0xEF10]  }
0x129: {  	v30 =	vld [tilespmem:s0+$0x10F10]  }
0x12a: {  	v36 =	vld [tilespmem:s0+$0xEF20]  }
0x12b: {  	v38 =	vld [tilespmem:s0+$0x10F20]  }
0x12c: {  	v39 =	vld [tilespmem:s0+$0xEF30];
	v31 =	vunpack.i.u.bf16.f32 v1  }
0x12d: {  	v41 =	vld [tilespmem:s0+$0x10F30];
	v1 =	vunpack.i.l.bf16.f32 v1;
	v32 =	vunpack.i.u.bf16.f32 v2;
	v2 =	vunpack.i.l.bf16.f32 v2  }
0x12e: {  	v34 =	vunpack.i.u.bf16.f32 v29;
	v3 =	vunpack.i.l.bf16.f32 v29;
	v35 =	vunpack.i.u.bf16.f32 v30  }
0x12f: {  	v4 =	vunpack.i.l.bf16.f32 v30;
	v42 =	vunpack.i.u.bf16.f32 v36;
	v43 =	vunpack.i.l.bf16.f32 v36  }
0x130: {  	v44 =	vunpack.i.u.bf16.f32 v38;
	v1 =	vmul.f32 v2, v1;
	v33 =	vmul.f32 v32, v31  }
0x131: {  	v5 =	vunpack.i.l.bf16.f32 v38;
	v3 =	vmul.f32 v4, v3;
	v37 =	vmul.f32 v35, v34  }
0x132: {  	v45 =	vunpack.i.u.bf16.f32 v39;
	v46 =	vunpack.i.u.bf16.f32 v41;
	v4 =	vmul.f32 v5, v43  }
0x133: {  	v2 =	vmul.f32 v44, v42;
	v1 =	vadd.f32 v1, v33;
	v40 =	vadd.f32 v3, v37  }
0x134: {  	v6 =	vunpack.i.l.bf16.f32 v39;
	v47 =	vmul.f32 v46, v45;
	v3 =	vunpack.i.l.bf16.f32 v41  }
0x135: {  	v2 =	vadd.f32 v4, v2;
	v3 =	vmul.f32 v3, v6;
	v1 =	vadd.f32 v40, v1;
	_ =	sdelay $0x1  }
0x136: {  	v48 =	vadd.f32 v3, v47;
	v1 =	vadd.f32 v2, v1;
	_ =	sdelay $0x1  }
0x137: {  	v1 =	vadd.f32 v48, v1;
	_ =	sdelay $0x1  }
0x138: {  	(xrf2) =	vadd.scan.msk.f32 $0xffff, v1;
	_ =	sdelay $0x5  }
0x139: {  	v49 =	vor.u32 $0xB, v0;
	_ =	sdelay $0x3  }
0x13a: {  	v50, _, _ =	vpop (xrf2)  }
0x13b: {  	[tilespmem:v49+s23+$0x0] =	vst.idx.msk vm0, v50  }
0x13c: {  	v1 =	vld [tilespmem:s0+$0xEF40]  }
0x13d: {  	v2 =	vld [tilespmem:s0+$0x10F40]  }
0x13e: {  	v51 =	vld [tilespmem:s0+$0xEF50]  }
0x13f: {  	v52 =	vld [tilespmem:s0+$0x10F50]  }
0x140: {  	v58 =	vld [tilespmem:s0+$0xEF60]  }
0x141: {  	v60 =	vld [tilespmem:s0+$0x10F60]  }
0x142: {  	v61 =	vld [tilespmem:s0+$0xEF70];
	v53 =	vunpack.i.u.bf16.f32 v1  }
0x143: {  	v63 =	vld [tilespmem:s0+$0x10F70];
	v1 =	vunpack.i.l.bf16.f32 v1;
	v54 =	vunpack.i.u.bf16.f32 v2;
	v2 =	vunpack.i.l.bf16.f32 v2  }
0x144: {  	v56 =	vunpack.i.u.bf16.f32 v51;
	v3 =	vunpack.i.l.bf16.f32 v51;
	v57 =	vunpack.i.u.bf16.f32 v52  }
0x145: {  	v4 =	vunpack.i.l.bf16.f32 v52;
	v9 =	vunpack.i.u.bf16.f32 v58;
	v10 =	vunpack.i.l.bf16.f32 v58  }
0x146: {  	v11 =	vunpack.i.u.bf16.f32 v60;
	v1 =	vmul.f32 v2, v1;
	v55 =	vmul.f32 v54, v53  }
0x147: {  	v5 =	vunpack.i.l.bf16.f32 v60;
	v3 =	vmul.f32 v4, v3;
	v59 =	vmul.f32 v57, v56  }
0x148: {  	v12 =	vunpack.i.u.bf16.f32 v61;
	v13 =	vunpack.i.u.bf16.f32 v63;
	v4 =	vmul.f32 v5, v10  }
0x149: {  	v2 =	vmul.f32 v11, v9;
	v1 =	vadd.f32 v1, v55;
	v62 =	vadd.f32 v3, v59  }
0x14a: {  	v6 =	vunpack.i.l.bf16.f32 v61;
	v14 =	vmul.f32 v13, v12;
	v3 =	vunpack.i.l.bf16.f32 v63  }
0x14b: {  	v2 =	vadd.f32 v4, v2;
	v3 =	vmul.f32 v3, v6;
	v1 =	vadd.f32 v62, v1;
	_ =	sdelay $0x1  }
0x14c: {  	v15 =	vadd.f32 v3, v14;
	v1 =	vadd.f32 v2, v1;
	_ =	sdelay $0x1  }
0x14d: {  	v1 =	vadd.f32 v15, v1;
	_ =	sdelay $0x1  }
0x14e: {  	(xrf2) =	vadd.scan.msk.f32 $0xffff, v1;
	_ =	sdelay $0x5  }
0x14f: {  	v16 =	vor.u32 $0xC, v0;
	_ =	sdelay $0x3  }
0x150: {  	v17, _, _ =	vpop (xrf2)  }
0x151: {  	[tilespmem:v16+s23+$0x0] =	vst.idx.msk vm0, v17  }
0x152: {  	v1 =	vld [tilespmem:s0+$0xEF80]  }
0x153: {  	v2 =	vld [tilespmem:s0+$0x10F80]  }
0x154: {  	v18 =	vld [tilespmem:s0+$0xEF90]  }
0x155: {  	v19 =	vld [tilespmem:s0+$0x10F90]  }
0x156: {  	v25 =	vld [tilespmem:s0+$0xEFA0]  }
0x157: {  	v27 =	vld [tilespmem:s0+$0x10FA0]  }
0x158: {  	v28 =	vld [tilespmem:s0+$0xEFB0];
	v20 =	vunpack.i.u.bf16.f32 v1  }
0x159: {  	v30 =	vld [tilespmem:s0+$0x10FB0];
	v1 =	vunpack.i.l.bf16.f32 v1;
	v21 =	vunpack.i.u.bf16.f32 v2;
	v2 =	vunpack.i.l.bf16.f32 v2  }
0x15a: {  	v23 =	vunpack.i.u.bf16.f32 v18;
	v3 =	vunpack.i.l.bf16.f32 v18;
	v24 =	vunpack.i.u.bf16.f32 v19  }
0x15b: {  	v4 =	vunpack.i.l.bf16.f32 v19;
	v31 =	vunpack.i.u.bf16.f32 v25;
	v32 =	vunpack.i.l.bf16.f32 v25  }
0x15c: {  	v33 =	vunpack.i.u.bf16.f32 v27;
	v1 =	vmul.f32 v2, v1;
	v22 =	vmul.f32 v21, v20  }
0x15d: {  	v5 =	vunpack.i.l.bf16.f32 v27;
	v3 =	vmul.f32 v4, v3;
	v26 =	vmul.f32 v24, v23  }
0x15e: {  	v34 =	vunpack.i.u.bf16.f32 v28;
	v35 =	vunpack.i.u.bf16.f32 v30;
	v4 =	vmul.f32 v5, v32  }
0x15f: {  	v2 =	vmul.f32 v33, v31;
	v1 =	vadd.f32 v1, v22;
	v29 =	vadd.f32 v3, v26  }
0x160: {  	v6 =	vunpack.i.l.bf16.f32 v28;
	v36 =	vmul.f32 v35, v34;
	v3 =	vunpack.i.l.bf16.f32 v30  }
0x161: {  	v2 =	vadd.f32 v4, v2;
	v3 =	vmul.f32 v3, v6;
	v1 =	vadd.f32 v29, v1;
	_ =	sdelay $0x1  }
0x162: {  	v37 =	vadd.f32 v3, v36;
	v1 =	vadd.f32 v2, v1;
	_ =	sdelay $0x1  }
0x163: {  	v1 =	vadd.f32 v37, v1;
	_ =	sdelay $0x1  }
0x164: {  	(xrf2) =	vadd.scan.msk.f32 $0xffff, v1;
	_ =	sdelay $0x5  }
0x165: {  	v38 =	vor.u32 $0xD, v0;
	_ =	sdelay $0x3  }
0x166: {  	v39, _, _ =	vpop (xrf2)  }
0x167: {  	[tilespmem:v38+s23+$0x0] =	vst.idx.msk vm0, v39  }
0x168: {  	v1 =	vld [tilespmem:s0+$0xEFC0]  }
0x169: {  	v2 =	vld [tilespmem:s0+$0x10FC0]  }
0x16a: {  	v40 =	vld [tilespmem:s0+$0xEFD0]  }
0x16b: {  	v41 =	vld [tilespmem:s0+$0x10FD0]  }
0x16c: {  	v47 =	vld [tilespmem:s0+$0xEFE0]  }
0x16d: {  	v49 =	vld [tilespmem:s0+$0x10FE0]  }
0x16e: {  	v50 =	vld [tilespmem:s0+$0xEFF0];
	v42 =	vunpack.i.u.bf16.f32 v1  }
0x16f: {  	v52 =	vld [tilespmem:s0+$0x10FF0];
	v1 =	vunpack.i.l.bf16.f32 v1;
	v43 =	vunpack.i.u.bf16.f32 v2;
	v2 =	vunpack.i.l.bf16.f32 v2  }
0x170: {  	v45 =	vunpack.i.u.bf16.f32 v40;
	v3 =	vunpack.i.l.bf16.f32 v40;
	v46 =	vunpack.i.u.bf16.f32 v41  }
0x171: {  	v4 =	vunpack.i.l.bf16.f32 v41;
	v53 =	vunpack.i.u.bf16.f32 v47;
	v54 =	vunpack.i.l.bf16.f32 v47  }
0x172: {  	v55 =	vunpack.i.u.bf16.f32 v49;
	v1 =	vmul.f32 v2, v1;
	v44 =	vmul.f32 v43, v42  }
0x173: {  	v5 =	vunpack.i.l.bf16.f32 v49;
	v3 =	vmul.f32 v4, v3;
	v48 =	vmul.f32 v46, v45  }
0x174: {  	v56 =	vunpack.i.u.bf16.f32 v50;
	v57 =	vunpack.i.u.bf16.f32 v52;
	v4 =	vmul.f32 v5, v54  }
0x175: {  	v2 =	vmul.f32 v55, v53;
	v1 =	vadd.f32 v1, v44;
	v51 =	vadd.f32 v3, v48  }
0x176: {  	v6 =	vunpack.i.l.bf16.f32 v50;
	v58 =	vmul.f32 v57, v56;
	v3 =	vunpack.i.l.bf16.f32 v52  }
0x177: {  	v2 =	vadd.f32 v4, v2;
	v3 =	vmul.f32 v3, v6;
	v1 =	vadd.f32 v51, v1;
	_ =	sdelay $0x1  }
0x178: {  	v59 =	vadd.f32 v3, v58;
	v1 =	vadd.f32 v2, v1;
	_ =	sdelay $0x1  }
0x179: {  	v1 =	vadd.f32 v59, v1;
	_ =	sdelay $0x1  }
0x17a: {  	(xrf2) =	vadd.scan.msk.f32 $0xffff, v1;
	_ =	sdelay $0x2  }
0x17b: {  	s17 =	sor.u32 $0x10, s17  }
0x17c: {  	s18 =	sshll.u32 s17, $0x6  }
0x17d: {  	v9 =	vld [tilespmem:s18+$0xEC40]  }
0x17e: {  	v60 =	vor.u32 $0xE, v0;
	v18 =	vld [tilespmem:s18+$0x10C40]  }
0x17f: {  	v19 =	vld [tilespmem:s18+$0xEC50]  }
0x180: {  	v32 =	vld [tilespmem:s18+$0xEC70]  }
0x181: {  	v34 =	vld [tilespmem:s18+$0x10C70]  }
0x182: {  	v22 =	vld [tilespmem:s18+$0x10C50];
	v61, _, _ =	vpop (xrf2)  }
0x183: {  	v29 =	vld [tilespmem:s18+$0x10C60];
	[tilespmem:v60+s23+$0x0] =	vst.idx.msk vm0, v61  }
0x184: {  	v1 =	vld [tilespmem:s0+$0xF000]  }
0x185: {  	v2 =	vld [tilespmem:s0+$0x11000]  }
0x186: {  	v62 =	vld [tilespmem:s0+$0xF010]  }
0x187: {  	v26 =	vunpack.i.u.bf16.f32 v19;
	v27 =	vunpack.i.u.bf16.f32 v22;
	v63 =	vld [tilespmem:s0+$0x11010]  }
0x188: {  	v24 =	vunpack.i.u.bf16.f32 v9;
	v9 =	vunpack.i.l.bf16.f32 v9;
	v28 =	vmul.f32 v27, v26;
	v13 =	vld [tilespmem:s0+$0xF020]  }
0x189: {  	v38 =	vunpack.i.u.bf16.f32 v29;
	v39 =	vunpack.i.u.bf16.f32 v32;
	v5 =	vunpack.i.l.bf16.f32 v18;
	v16 =	vld [tilespmem:s0+$0x11020]  }
0x18a: {  	v40 =	vunpack.i.u.bf16.f32 v34;
	v5 =	vmul.f32 v5, v9;
	v23 =	vld [tilespmem:s0+$0xF030];
	v11 =	vunpack.i.u.bf16.f32 v1  }
0x18b: {  	v1 =	vunpack.i.l.bf16.f32 v1;
	v12 =	vunpack.i.u.bf16.f32 v2;
	v2 =	vunpack.i.l.bf16.f32 v2  }
0x18c: {  	v15 =	vunpack.i.u.bf16.f32 v62;
	v3 =	vunpack.i.l.bf16.f32 v62;
	v8 =	vunpack.i.u.bf16.f32 v63  }
0x18d: {  	v4 =	vunpack.i.l.bf16.f32 v63;
	v21 =	vunpack.i.u.bf16.f32 v13;
	v7 =	vunpack.i.l.bf16.f32 v13  }
0x18e: {  	v10 =	vunpack.i.u.bf16.f32 v16;
	v6 =	vunpack.i.l.bf16.f32 v16;
	v1 =	vmul.f32 v2, v1  }
0x18f: {  	v31 =	vunpack.i.l.bf16.f32 v23;
	v14 =	vmul.f32 v12, v11;
	v3 =	vmul.f32 v4, v3  }
0x190: {  	v13 =	vld [tilespmem:s18+$0xEC60];
	v17 =	vmul.f32 v8, v15;
	v6 =	vmul.f32 v6, v7;
	v12 =	vunpack.i.u.bf16.f32 v18  }
0x191: {  	v11 =	vld [tilespmem:s0+$0x11030];
	v8 =	vunpack.i.l.bf16.f32 v19;
	v4 =	vunpack.i.l.bf16.f32 v22;
	v7 =	vunpack.i.u.bf16.f32 v23  }
0x192: {  	v25 =	vmul.f32 v12, v24;
	v4 =	vmul.f32 v4, v8;
	v8 =	vunpack.i.l.bf16.f32 v34  }
0x193: {  	v1 =	vadd.f32 v1, v14;
	v20 =	vadd.f32 v3, v17;
	v3 =	vmul.f32 v10, v21  }
0x194: {  	v10 =	vunpack.i.l.bf16.f32 v29;
	v5 =	vadd.f32 v5, v25;
	v4 =	vadd.f32 v4, v28  }
0x195: {  	v1 =	vadd.f32 v20, v1;
	v30 =	vadd.f32 v6, v3;
	v36 =	vunpack.i.u.bf16.f32 v13  }
0x196: {  	v37 =	vunpack.i.l.bf16.f32 v13;
	v33 =	vunpack.i.l.bf16.f32 v11;
	v35 =	vunpack.i.u.bf16.f32 v11  }
0x197: {  	v4 =	vadd.f32 v4, v5;
	v9 =	vmul.f32 v10, v37;
	v5 =	vmul.f32 v38, v36  }
0x198: {  	v6 =	vunpack.i.l.bf16.f32 v32;
	v3 =	vmul.f32 v33, v31;
	v7 =	vmul.f32 v35, v7  }
0x199: {  	v41 =	vmul.f32 v40, v39;
	v6 =	vmul.f32 v8, v6;
	v5 =	vadd.f32 v9, v5  }
0x19a: {  	v1 =	vadd.f32 v30, v1;
	v42 =	vadd.f32 v3, v7  }
0x19b: {  	v44 =	vadd.f32 v6, v41;
	v43 =	vadd.f32 v5, v4  }
0x19c: {  	v1 =	vadd.f32 v42, v1  }
0x19d: {  	v45 =	vadd.f32 v44, v43  }
0x19e: {  	(xrf2) =	vadd.scan.msk.f32 $0xffff, v1  }
0x19f: {  	(xrf2) =	vadd.scan.msk.f32 $0xffff, v45;
	_ =	sdelay $0x4  }
0x1a0: {  	s17 =	sor.u32 s31, s17  }
0x1a1: {  	v2 =	vmov s17;
	_ =	sdelay $0x2  }
0x1a2: {  	v1, _, _ =	vpop (xrf2)  }
0x1a3: {  	v46, _, _ =	vpop (xrf2)  }
0x1a4: {  	[tilespmem:v2+s23+$0x0] =	vst.idx.msk vm0, v46  }
0x1a5: {  	v3 =	vld [tilespmem:s0+$0xF080]  }
0x1a6: {  	v47 =	vld [tilespmem:s0+$0x11080]  }
0x1a7: {  	v48 =	vld [tilespmem:s0+$0xF090]  }
0x1a8: {  	v49 =	vld [tilespmem:s0+$0x11090]  }
0x1a9: {  	v55 =	vld [tilespmem:s0+$0xF0A0]  }
0x1aa: {  	v57 =	vld [tilespmem:s0+$0x110A0]  }
0x1ab: {  	v58 =	vld [tilespmem:s0+$0xF0B0];
	v50 =	vunpack.i.u.bf16.f32 v3  }
0x1ac: {  	v60 =	vld [tilespmem:s0+$0x110B0];
	v3 =	vunpack.i.l.bf16.f32 v3;
	v51 =	vunpack.i.u.bf16.f32 v47;
	v4 =	vunpack.i.l.bf16.f32 v47  }
0x1ad: {  	v53 =	vunpack.i.u.bf16.f32 v48;
	v5 =	vunpack.i.l.bf16.f32 v48;
	v54 =	vunpack.i.u.bf16.f32 v49  }
0x1ae: {  	v6 =	vunpack.i.l.bf16.f32 v49;
	v61 =	vunpack.i.u.bf16.f32 v55;
	v62 =	vunpack.i.l.bf16.f32 v55  }
0x1af: {  	v63 =	vunpack.i.u.bf16.f32 v57;
	v3 =	vmul.f32 v4, v3;
	v52 =	vmul.f32 v51, v50  }
0x1b0: {  	v7 =	vunpack.i.l.bf16.f32 v57;
	v5 =	vmul.f32 v6, v5;
	v56 =	vmul.f32 v54, v53  }
0x1b1: {  	v12 =	vunpack.i.u.bf16.f32 v58;
	v13 =	vunpack.i.u.bf16.f32 v60;
	v6 =	vmul.f32 v7, v62  }
0x1b2: {  	v4 =	vmul.f32 v63, v61;
	v3 =	vadd.f32 v3, v52;
	v59 =	vadd.f32 v5, v56  }
0x1b3: {  	v8 =	vunpack.i.l.bf16.f32 v58;
	v14 =	vmul.f32 v13, v12;
	v5 =	vunpack.i.l.bf16.f32 v60  }
0x1b4: {  	v4 =	vadd.f32 v6, v4;
	v5 =	vmul.f32 v5, v8;
	v3 =	vadd.f32 v59, v3;
	_ =	sdelay $0x1  }
0x1b5: {  	v15 =	vadd.f32 v5, v14;
	v3 =	vadd.f32 v4, v3;
	_ =	sdelay $0x1  }
0x1b6: {  	v3 =	vadd.f32 v15, v3;
	_ =	sdelay $0x1  }
0x1b7: {  	(xrf2) =	vadd.scan.msk.f32 $0xffff, v3;
	_ =	sdelay $0x5  }
0x1b8: {  	v16 =	vor.u32 $0x1, v2;
	_ =	sdelay $0x3  }
0x1b9: {  	v17, _, _ =	vpop (xrf2)  }
0x1ba: {  	[tilespmem:v16+s23+$0x0] =	vst.idx.msk vm0, v17  }
0x1bb: {  	v3 =	vld [tilespmem:s0+$0xF0C0]  }
0x1bc: {  	v4 =	vld [tilespmem:s0+$0x110C0]  }
0x1bd: {  	v18 =	vld [tilespmem:s0+$0xF0D0]  }
0x1be: {  	v19 =	vld [tilespmem:s0+$0x110D0]  }
0x1bf: {  	v25 =	vld [tilespmem:s0+$0xF0E0]  }
0x1c0: {  	v27 =	vld [tilespmem:s0+$0x110E0]  }
0x1c1: {  	v28 =	vld [tilespmem:s0+$0xF0F0];
	v20 =	vunpack.i.u.bf16.f32 v3  }
0x1c2: {  	v30 =	vld [tilespmem:s0+$0x110F0];
	v3 =	vunpack.i.l.bf16.f32 v3;
	v21 =	vunpack.i.u.bf16.f32 v4;
	v4 =	vunpack.i.l.bf16.f32 v4  }
0x1c3: {  	v23 =	vunpack.i.u.bf16.f32 v18;
	v5 =	vunpack.i.l.bf16.f32 v18;
	v24 =	vunpack.i.u.bf16.f32 v19  }
0x1c4: {  	v6 =	vunpack.i.l.bf16.f32 v19;
	v31 =	vunpack.i.u.bf16.f32 v25;
	v32 =	vunpack.i.l.bf16.f32 v25  }
0x1c5: {  	v33 =	vunpack.i.u.bf16.f32 v27;
	v3 =	vmul.f32 v4, v3;
	v22 =	vmul.f32 v21, v20  }
0x1c6: {  	v7 =	vunpack.i.l.bf16.f32 v27;
	v5 =	vmul.f32 v6, v5;
	v26 =	vmul.f32 v24, v23  }
0x1c7: {  	v34 =	vunpack.i.u.bf16.f32 v28;
	v35 =	vunpack.i.u.bf16.f32 v30;
	v6 =	vmul.f32 v7, v32  }
0x1c8: {  	v4 =	vmul.f32 v33, v31;
	v3 =	vadd.f32 v3, v22;
	v29 =	vadd.f32 v5, v26  }
0x1c9: {  	v8 =	vunpack.i.l.bf16.f32 v28;
	v36 =	vmul.f32 v35, v34;
	v5 =	vunpack.i.l.bf16.f32 v30  }
0x1ca: {  	v4 =	vadd.f32 v6, v4;
	v5 =	vmul.f32 v5, v8;
	v3 =	vadd.f32 v29, v3;
	_ =	sdelay $0x1  }
0x1cb: {  	v37 =	vadd.f32 v5, v36;
	v3 =	vadd.f32 v4, v3;
	_ =	sdelay $0x1  }
0x1cc: {  	v3 =	vadd.f32 v37, v3;
	_ =	sdelay $0x1  }
0x1cd: {  	(xrf2) =	vadd.scan.msk.f32 $0xffff, v3;
	_ =	sdelay $0x5  }
0x1ce: {  	v38 =	vor.u32 $0x2, v2;
	_ =	sdelay $0x3  }
0x1cf: {  	v39, _, _ =	vpop (xrf2)  }
0x1d0: {  	[tilespmem:v38+s23+$0x0] =	vst.idx.msk vm0, v39  }
0x1d1: {  	v3 =	vld [tilespmem:s0+$0xF100]  }
0x1d2: {  	v4 =	vld [tilespmem:s0+$0x11100]  }
0x1d3: {  	v40 =	vld [tilespmem:s0+$0xF110]  }
0x1d4: {  	v41 =	vld [tilespmem:s0+$0x11110]  }
0x1d5: {  	v47 =	vld [tilespmem:s0+$0xF120]  }
0x1d6: {  	v49 =	vld [tilespmem:s0+$0x11120]  }
0x1d7: {  	v50 =	vld [tilespmem:s0+$0xF130];
	v42 =	vunpack.i.u.bf16.f32 v3  }
0x1d8: {  	v52 =	vld [tilespmem:s0+$0x11130];
	v3 =	vunpack.i.l.bf16.f32 v3;
	v43 =	vunpack.i.u.bf16.f32 v4;
	v4 =	vunpack.i.l.bf16.f32 v4  }
0x1d9: {  	v45 =	vunpack.i.u.bf16.f32 v40;
	v5 =	vunpack.i.l.bf16.f32 v40;
	v46 =	vunpack.i.u.bf16.f32 v41  }
0x1da: {  	v6 =	vunpack.i.l.bf16.f32 v41;
	v53 =	vunpack.i.u.bf16.f32 v47;
	v54 =	vunpack.i.l.bf16.f32 v47  }
0x1db: {  	v55 =	vunpack.i.u.bf16.f32 v49;
	v3 =	vmul.f32 v4, v3;
	v44 =	vmul.f32 v43, v42  }
0x1dc: {  	v7 =	vunpack.i.l.bf16.f32 v49;
	v5 =	vmul.f32 v6, v5;
	v48 =	vmul.f32 v46, v45  }
0x1dd: {  	v56 =	vunpack.i.u.bf16.f32 v50;
	v57 =	vunpack.i.u.bf16.f32 v52;
	v6 =	vmul.f32 v7, v54  }
0x1de: {  	v4 =	vmul.f32 v55, v53;
	v3 =	vadd.f32 v3, v44;
	v51 =	vadd.f32 v5, v48  }
0x1df: {  	v8 =	vunpack.i.l.bf16.f32 v50;
	v58 =	vmul.f32 v57, v56;
	v5 =	vunpack.i.l.bf16.f32 v52  }
0x1e0: {  	v4 =	vadd.f32 v6, v4;
	v5 =	vmul.f32 v5, v8;
	v3 =	vadd.f32 v51, v3;
	_ =	sdelay $0x1  }
0x1e1: {  	v59 =	vadd.f32 v5, v58;
	v3 =	vadd.f32 v4, v3;
	_ =	sdelay $0x1  }
0x1e2: {  	v3 =	vadd.f32 v59, v3;
	_ =	sdelay $0x1  }
0x1e3: {  	(xrf2) =	vadd.scan.msk.f32 $0xffff, v3;
	_ =	sdelay $0x5  }
0x1e4: {  	v60 =	vor.u32 $0x3, v2;
	_ =	sdelay $0x3  }
0x1e5: {  	v61, _, _ =	vpop (xrf2)  }
0x1e6: {  	[tilespmem:v60+s23+$0x0] =	vst.idx.msk vm0, v61  }
0x1e7: {  	v3 =	vld [tilespmem:s0+$0xF140]  }
0x1e8: {  	v4 =	vld [tilespmem:s0+$0x11140]  }
0x1e9: {  	v62 =	vld [tilespmem:s0+$0xF150]  }
0x1ea: {  	v63 =	vld [tilespmem:s0+$0x11150]  }
0x1eb: {  	v17 =	vld [tilespmem:s0+$0xF160]  }
0x1ec: {  	v19 =	vld [tilespmem:s0+$0x11160]  }
0x1ed: {  	v20 =	vld [tilespmem:s0+$0xF170];
	v12 =	vunpack.i.u.bf16.f32 v3  }
0x1ee: {  	v22 =	vld [tilespmem:s0+$0x11170];
	v3 =	vunpack.i.l.bf16.f32 v3;
	v13 =	vunpack.i.u.bf16.f32 v4;
	v4 =	vunpack.i.l.bf16.f32 v4  }
0x1ef: {  	v15 =	vunpack.i.u.bf16.f32 v62;
	v5 =	vunpack.i.l.bf16.f32 v62;
	v16 =	vunpack.i.u.bf16.f32 v63  }
0x1f0: {  	v6 =	vunpack.i.l.bf16.f32 v63;
	v23 =	vunpack.i.u.bf16.f32 v17;
	v24 =	vunpack.i.l.bf16.f32 v17  }
0x1f1: {  	v25 =	vunpack.i.u.bf16.f32 v19;
	v3 =	vmul.f32 v4, v3;
	v14 =	vmul.f32 v13, v12  }
0x1f2: {  	v7 =	vunpack.i.l.bf16.f32 v19;
	v5 =	vmul.f32 v6, v5;
	v18 =	vmul.f32 v16, v15  }
0x1f3: {  	v26 =	vunpack.i.u.bf16.f32 v20;
	v27 =	vunpack.i.u.bf16.f32 v22;
	v6 =	vmul.f32 v7, v24  }
0x1f4: {  	v4 =	vmul.f32 v25, v23;
	v3 =	vadd.f32 v3, v14;
	v21 =	vadd.f32 v5, v18  }
0x1f5: {  	v8 =	vunpack.i.l.bf16.f32 v20;
	v28 =	vmul.f32 v27, v26;
	v5 =	vunpack.i.l.bf16.f32 v22  }
0x1f6: {  	v4 =	vadd.f32 v6, v4;
	v5 =	vmul.f32 v5, v8;
	v3 =	vadd.f32 v21, v3;
	_ =	sdelay $0x1  }
0x1f7: {  	v29 =	vadd.f32 v5, v28;
	v3 =	vadd.f32 v4, v3;
	_ =	sdelay $0x1  }
0x1f8: {  	v3 =	vadd.f32 v29, v3;
	_ =	sdelay $0x1  }
0x1f9: {  	(xrf2) =	vadd.scan.msk.f32 $0xffff, v3;
	_ =	sdelay $0x5  }
0x1fa: {  	v30 =	vor.u32 $0x4, v2;
	_ =	sdelay $0x3  }
0x1fb: {  	v31, _, _ =	vpop (xrf2)  }
0x1fc: {  	[tilespmem:v30+s23+$0x0] =	vst.idx.msk vm0, v31  }
0x1fd: {  	v3 =	vld [tilespmem:s0+$0xF180]  }
0x1fe: {  	v4 =	vld [tilespmem:s0+$0x11180]  }
0x1ff: {  	v32 =	vld [tilespmem:s0+$0xF190]  }
0x200: {  	v33 =	vld [tilespmem:s0+$0x11190]  }
0x201: {  	v39 =	vld [tilespmem:s0+$0xF1A0]  }
0x202: {  	v41 =	vld [tilespmem:s0+$0x111A0]  }
0x203: {  	v42 =	vld [tilespmem:s0+$0xF1B0];
	v34 =	vunpack.i.u.bf16.f32 v3  }
0x204: {  	v44 =	vld [tilespmem:s0+$0x111B0];
	v3 =	vunpack.i.l.bf16.f32 v3;
	v35 =	vunpack.i.u.bf16.f32 v4;
	v4 =	vunpack.i.l.bf16.f32 v4  }
0x205: {  	v37 =	vunpack.i.u.bf16.f32 v32;
	v5 =	vunpack.i.l.bf16.f32 v32;
	v38 =	vunpack.i.u.bf16.f32 v33  }
0x206: {  	v6 =	vunpack.i.l.bf16.f32 v33;
	v45 =	vunpack.i.u.bf16.f32 v39;
	v46 =	vunpack.i.l.bf16.f32 v39  }
0x207: {  	v47 =	vunpack.i.u.bf16.f32 v41;
	v3 =	vmul.f32 v4, v3;
	v36 =	vmul.f32 v35, v34  }
0x208: {  	v7 =	vunpack.i.l.bf16.f32 v41;
	v5 =	vmul.f32 v6, v5;
	v40 =	vmul.f32 v38, v37  }
0x209: {  	v48 =	vunpack.i.u.bf16.f32 v42;
	v49 =	vunpack.i.u.bf16.f32 v44;
	v6 =	vmul.f32 v7, v46  }
0x20a: {  	v4 =	vmul.f32 v47, v45;
	v3 =	vadd.f32 v3, v36;
	v43 =	vadd.f32 v5, v40  }
0x20b: {  	v8 =	vunpack.i.l.bf16.f32 v42;
	v50 =	vmul.f32 v49, v48;
	v5 =	vunpack.i.l.bf16.f32 v44  }
0x20c: {  	v4 =	vadd.f32 v6, v4;
	v5 =	vmul.f32 v5, v8;
	v3 =	vadd.f32 v43, v3;
	_ =	sdelay $0x1  }
0x20d: {  	v51 =	vadd.f32 v5, v50;
	v3 =	vadd.f32 v4, v3;
	_ =	sdelay $0x1  }
0x20e: {  	v3 =	vadd.f32 v51, v3;
	_ =	sdelay $0x1  }
0x20f: {  	(xrf2) =	vadd.scan.msk.f32 $0xffff, v3;
	_ =	sdelay $0x5  }
0x210: {  	v52 =	vor.u32 $0x5, v2;
	_ =	sdelay $0x3  }
0x211: {  	v53, _, _ =	vpop (xrf2)  }
0x212: {  	[tilespmem:v52+s23+$0x0] =	vst.idx.msk vm0, v53  }
0x213: {  	v3 =	vld [tilespmem:s0+$0xF1C0]  }
0x214: {  	v4 =	vld [tilespmem:s0+$0x111C0]  }
0x215: {  	v54 =	vld [tilespmem:s0+$0xF1D0]  }
0x216: {  	v55 =	vld [tilespmem:s0+$0x111D0]  }
0x217: {  	v61 =	vld [tilespmem:s0+$0xF1E0]  }
0x218: {  	v63 =	vld [tilespmem:s0+$0x111E0]  }
0x219: {  	v12 =	vld [tilespmem:s0+$0xF1F0];
	v56 =	vunpack.i.u.bf16.f32 v3  }
0x21a: {  	v14 =	vld [tilespmem:s0+$0x111F0];
	v3 =	vunpack.i.l.bf16.f32 v3;
	v57 =	vunpack.i.u.bf16.f32 v4;
	v4 =	vunpack.i.l.bf16.f32 v4  }
0x21b: {  	v59 =	vunpack.i.u.bf16.f32 v54;
	v5 =	vunpack.i.l.bf16.f32 v54;
	v60 =	vunpack.i.u.bf16.f32 v55  }
0x21c: {  	v6 =	vunpack.i.l.bf16.f32 v55;
	v15 =	vunpack.i.u.bf16.f32 v61;
	v16 =	vunpack.i.l.bf16.f32 v61  }
0x21d: {  	v17 =	vunpack.i.u.bf16.f32 v63;
	v3 =	vmul.f32 v4, v3;
	v58 =	vmul.f32 v57, v56  }
0x21e: {  	v7 =	vunpack.i.l.bf16.f32 v63;
	v5 =	vmul.f32 v6, v5;
	v62 =	vmul.f32 v60, v59  }
0x21f: {  	v18 =	vunpack.i.u.bf16.f32 v12;
	v19 =	vunpack.i.u.bf16.f32 v14;
	v6 =	vmul.f32 v7, v16  }
0x220: {  	v4 =	vmul.f32 v17, v15;
	v3 =	vadd.f32 v3, v58;
	v13 =	vadd.f32 v5, v62  }
0x221: {  	v8 =	vunpack.i.l.bf16.f32 v12;
	v20 =	vmul.f32 v19, v18;
	v5 =	vunpack.i.l.bf16.f32 v14  }
0x222: {  	v4 =	vadd.f32 v6, v4;
	v5 =	vmul.f32 v5, v8;
	v3 =	vadd.f32 v13, v3;
	_ =	sdelay $0x1  }
0x223: {  	v21 =	vadd.f32 v5, v20;
	v3 =	vadd.f32 v4, v3;
	_ =	sdelay $0x1  }
0x224: {  	v3 =	vadd.f32 v21, v3;
	_ =	sdelay $0x1  }
0x225: {  	(xrf2) =	vadd.scan.msk.f32 $0xffff, v3;
	_ =	sdelay $0x5  }
0x226: {  	v22 =	vor.u32 $0x6, v2;
	_ =	sdelay $0x3  }
0x227: {  	v23, _, _ =	vpop (xrf2)  }
0x228: {  	[tilespmem:v22+s23+$0x0] =	vst.idx.msk vm0, v23  }
0x229: {  	v3 =	vld [tilespmem:s0+$0xF200]  }
0x22a: {  	v4 =	vld [tilespmem:s0+$0x11200]  }
0x22b: {  	v24 =	vld [tilespmem:s0+$0xF210]  }
0x22c: {  	v25 =	vld [tilespmem:s0+$0x11210]  }
0x22d: {  	v31 =	vld [tilespmem:s0+$0xF220]  }
0x22e: {  	v33 =	vld [tilespmem:s0+$0x11220]  }
0x22f: {  	v34 =	vld [tilespmem:s0+$0xF230];
	v26 =	vunpack.i.u.bf16.f32 v3  }
0x230: {  	v36 =	vld [tilespmem:s0+$0x11230];
	v3 =	vunpack.i.l.bf16.f32 v3;
	v27 =	vunpack.i.u.bf16.f32 v4;
	v4 =	vunpack.i.l.bf16.f32 v4  }
0x231: {  	v29 =	vunpack.i.u.bf16.f32 v24;
	v5 =	vunpack.i.l.bf16.f32 v24;
	v30 =	vunpack.i.u.bf16.f32 v25  }
0x232: {  	v6 =	vunpack.i.l.bf16.f32 v25;
	v37 =	vunpack.i.u.bf16.f32 v31;
	v38 =	vunpack.i.l.bf16.f32 v31  }
0x233: {  	v39 =	vunpack.i.u.bf16.f32 v33;
	v3 =	vmul.f32 v4, v3;
	v28 =	vmul.f32 v27, v26  }
0x234: {  	v7 =	vunpack.i.l.bf16.f32 v33;
	v5 =	vmul.f32 v6, v5;
	v32 =	vmul.f32 v30, v29  }
0x235: {  	v40 =	vunpack.i.u.bf16.f32 v34;
	v41 =	vunpack.i.u.bf16.f32 v36;
	v6 =	vmul.f32 v7, v38  }
0x236: {  	v4 =	vmul.f32 v39, v37;
	v3 =	vadd.f32 v3, v28;
	v35 =	vadd.f32 v5, v32  }
0x237: {  	v8 =	vunpack.i.l.bf16.f32 v34;
	v42 =	vmul.f32 v41, v40;
	v5 =	vunpack.i.l.bf16.f32 v36  }
0x238: {  	v4 =	vadd.f32 v6, v4;
	v5 =	vmul.f32 v5, v8;
	v3 =	vadd.f32 v35, v3;
	_ =	sdelay $0x1  }
0x239: {  	v43 =	vadd.f32 v5, v42;
	v3 =	vadd.f32 v4, v3;
	_ =	sdelay $0x1  }
0x23a: {  	v3 =	vadd.f32 v43, v3;
	_ =	sdelay $0x1  }
0x23b: {  	(xrf2) =	vadd.scan.msk.f32 $0xffff, v3;
	_ =	sdelay $0x5  }
0x23c: {  	v44 =	vor.u32 $0x7, v2;
	_ =	sdelay $0x3  }
0x23d: {  	v45, _, _ =	vpop (xrf2)  }
0x23e: {  	[tilespmem:v44+s23+$0x0] =	vst.idx.msk vm0, v45  }
0x23f: {  	v3 =	vld [tilespmem:s0+$0xF240]  }
0x240: {  	v4 =	vld [tilespmem:s0+$0x11240]  }
0x241: {  	v46 =	vld [tilespmem:s0+$0xF250]  }
0x242: {  	v47 =	vld [tilespmem:s0+$0x11250]  }
0x243: {  	v53 =	vld [tilespmem:s0+$0xF260]  }
0x244: {  	v55 =	vld [tilespmem:s0+$0x11260]  }
0x245: {  	v56 =	vld [tilespmem:s0+$0xF270];
	v48 =	vunpack.i.u.bf16.f32 v3  }
0x246: {  	v58 =	vld [tilespmem:s0+$0x11270];
	v3 =	vunpack.i.l.bf16.f32 v3;
	v49 =	vunpack.i.u.bf16.f32 v4;
	v4 =	vunpack.i.l.bf16.f32 v4  }
0x247: {  	v51 =	vunpack.i.u.bf16.f32 v46;
	v5 =	vunpack.i.l.bf16.f32 v46;
	v52 =	vunpack.i.u.bf16.f32 v47  }
0x248: {  	v6 =	vunpack.i.l.bf16.f32 v47;
	v59 =	vunpack.i.u.bf16.f32 v53;
	v60 =	vunpack.i.l.bf16.f32 v53  }
0x249: {  	v61 =	vunpack.i.u.bf16.f32 v55;
	v3 =	vmul.f32 v4, v3;
	v50 =	vmul.f32 v49, v48  }
0x24a: {  	v7 =	vunpack.i.l.bf16.f32 v55;
	v5 =	vmul.f32 v6, v5;
	v54 =	vmul.f32 v52, v51  }
0x24b: {  	v62 =	vunpack.i.u.bf16.f32 v56;
	v63 =	vunpack.i.u.bf16.f32 v58;
	v6 =	vmul.f32 v7, v60  }
0x24c: {  	v4 =	vmul.f32 v61, v59;
	v3 =	vadd.f32 v3, v50;
	v57 =	vadd.f32 v5, v54  }
0x24d: {  	v8 =	vunpack.i.l.bf16.f32 v56;
	v11 =	vmul.f32 v63, v62;
	v5 =	vunpack.i.l.bf16.f32 v58  }
0x24e: {  	v4 =	vadd.f32 v6, v4;
	v5 =	vmul.f32 v5, v8;
	v3 =	vadd.f32 v57, v3;
	_ =	sdelay $0x1  }
0x24f: {  	v12 =	vadd.f32 v5, v11;
	v3 =	vadd.f32 v4, v3;
	_ =	sdelay $0x1  }
0x250: {  	v3 =	vadd.f32 v12, v3;
	_ =	sdelay $0x1  }
0x251: {  	(xrf2) =	vadd.scan.msk.f32 $0xffff, v3;
	_ =	sdelay $0x5  }
0x252: {  	v13 =	vor.u32 $0x8, v2;
	_ =	sdelay $0x3  }
0x253: {  	v14, _, _ =	vpop (xrf2)  }
0x254: {  	[tilespmem:v13+s23+$0x0] =	vst.idx.msk vm0, v14  }
0x255: {  	v3 =	vld [tilespmem:s0+$0xF280]  }
0x256: {  	v4 =	vld [tilespmem:s0+$0x11280]  }
0x257: {  	v15 =	vld [tilespmem:s0+$0xF290]  }
0x258: {  	v16 =	vld [tilespmem:s0+$0x11290]  }
0x259: {  	v22 =	vld [tilespmem:s0+$0xF2A0]  }
0x25a: {  	v24 =	vld [tilespmem:s0+$0x112A0]  }
0x25b: {  	v25 =	vld [tilespmem:s0+$0xF2B0];
	v17 =	vunpack.i.u.bf16.f32 v3  }
0x25c: {  	v27 =	vld [tilespmem:s0+$0x112B0];
	v3 =	vunpack.i.l.bf16.f32 v3;
	v18 =	vunpack.i.u.bf16.f32 v4;
	v4 =	vunpack.i.l.bf16.f32 v4  }
0x25d: {  	v20 =	vunpack.i.u.bf16.f32 v15;
	v5 =	vunpack.i.l.bf16.f32 v15;
	v21 =	vunpack.i.u.bf16.f32 v16  }
0x25e: {  	v6 =	vunpack.i.l.bf16.f32 v16;
	v28 =	vunpack.i.u.bf16.f32 v22;
	v29 =	vunpack.i.l.bf16.f32 v22  }
0x25f: {  	v30 =	vunpack.i.u.bf16.f32 v24;
	v3 =	vmul.f32 v4, v3;
	v19 =	vmul.f32 v18, v17  }
0x260: {  	v7 =	vunpack.i.l.bf16.f32 v24;
	v5 =	vmul.f32 v6, v5;
	v23 =	vmul.f32 v21, v20  }
0x261: {  	v31 =	vunpack.i.u.bf16.f32 v25;
	v32 =	vunpack.i.u.bf16.f32 v27;
	v6 =	vmul.f32 v7, v29  }
0x262: {  	v4 =	vmul.f32 v30, v28;
	v3 =	vadd.f32 v3, v19;
	v26 =	vadd.f32 v5, v23  }
0x263: {  	v8 =	vunpack.i.l.bf16.f32 v25;
	v33 =	vmul.f32 v32, v31;
	v5 =	vunpack.i.l.bf16.f32 v27  }
0x264: {  	v4 =	vadd.f32 v6, v4;
	v5 =	vmul.f32 v5, v8;
	v3 =	vadd.f32 v26, v3;
	_ =	sdelay $0x1  }
0x265: {  	v34 =	vadd.f32 v5, v33;
	v3 =	vadd.f32 v4, v3;
	_ =	sdelay $0x1  }
0x266: {  	v3 =	vadd.f32 v34, v3;
	_ =	sdelay $0x1  }
0x267: {  	(xrf2) =	vadd.scan.msk.f32 $0xffff, v3;
	_ =	sdelay $0x5  }
0x268: {  	v35 =	vor.u32 $0x9, v2;
	_ =	sdelay $0x3  }
0x269: {  	v36, _, _ =	vpop (xrf2)  }
0x26a: {  	[tilespmem:v35+s23+$0x0] =	vst.idx.msk vm0, v36  }
0x26b: {  	v3 =	vld [tilespmem:s0+$0xF2C0]  }
0x26c: {  	v4 =	vld [tilespmem:s0+$0x112C0]  }
0x26d: {  	v37 =	vld [tilespmem:s0+$0xF2D0]  }
0x26e: {  	v38 =	vld [tilespmem:s0+$0x112D0]  }
0x26f: {  	v44 =	vld [tilespmem:s0+$0xF2E0]  }
0x270: {  	v46 =	vld [tilespmem:s0+$0x112E0]  }
0x271: {  	v47 =	vld [tilespmem:s0+$0xF2F0];
	v39 =	vunpack.i.u.bf16.f32 v3  }
0x272: {  	v49 =	vld [tilespmem:s0+$0x112F0];
	v3 =	vunpack.i.l.bf16.f32 v3;
	v40 =	vunpack.i.u.bf16.f32 v4;
	v4 =	vunpack.i.l.bf16.f32 v4  }
0x273: {  	v42 =	vunpack.i.u.bf16.f32 v37;
	v5 =	vunpack.i.l.bf16.f32 v37;
	v43 =	vunpack.i.u.bf16.f32 v38  }
0x274: {  	v6 =	vunpack.i.l.bf16.f32 v38;
	v50 =	vunpack.i.u.bf16.f32 v44;
	v51 =	vunpack.i.l.bf16.f32 v44  }
0x275: {  	v52 =	vunpack.i.u.bf16.f32 v46;
	v3 =	vmul.f32 v4, v3;
	v41 =	vmul.f32 v40, v39  }
0x276: {  	v7 =	vunpack.i.l.bf16.f32 v46;
	v5 =	vmul.f32 v6, v5;
	v45 =	vmul.f32 v43, v42  }
0x277: {  	v53 =	vunpack.i.u.bf16.f32 v47;
	v54 =	vunpack.i.u.bf16.f32 v49;
	v6 =	vmul.f32 v7, v51  }
0x278: {  	v4 =	vmul.f32 v52, v50;
	v3 =	vadd.f32 v3, v41;
	v48 =	vadd.f32 v5, v45  }
0x279: {  	v8 =	vunpack.i.l.bf16.f32 v47;
	v55 =	vmul.f32 v54, v53;
	v5 =	vunpack.i.l.bf16.f32 v49  }
0x27a: {  	v4 =	vadd.f32 v6, v4;
	v5 =	vmul.f32 v5, v8;
	v3 =	vadd.f32 v48, v3;
	_ =	sdelay $0x1  }
0x27b: {  	v56 =	vadd.f32 v5, v55;
	v3 =	vadd.f32 v4, v3;
	_ =	sdelay $0x1  }
0x27c: {  	v3 =	vadd.f32 v56, v3;
	_ =	sdelay $0x1  }
0x27d: {  	(xrf2) =	vadd.scan.msk.f32 $0xffff, v3;
	_ =	sdelay $0x5  }
0x27e: {  	v57 =	vor.u32 $0xA, v2;
	_ =	sdelay $0x3  }
0x27f: {  	v58, _, _ =	vpop (xrf2)  }
0x280: {  	[tilespmem:v57+s23+$0x0] =	vst.idx.msk vm0, v58  }
0x281: {  	v3 =	vld [tilespmem:s0+$0xF300]  }
0x282: {  	v4 =	vld [tilespmem:s0+$0x11300]  }
0x283: {  	v59 =	vld [tilespmem:s0+$0xF310]  }
0x284: {  	v60 =	vld [tilespmem:s0+$0x11310]  }
0x285: {  	v14 =	vld [tilespmem:s0+$0xF320]  }
0x286: {  	v16 =	vld [tilespmem:s0+$0x11320]  }
0x287: {  	v17 =	vld [tilespmem:s0+$0xF330];
	v61 =	vunpack.i.u.bf16.f32 v3  }
0x288: {  	v19 =	vld [tilespmem:s0+$0x11330];
	v3 =	vunpack.i.l.bf16.f32 v3;
	v62 =	vunpack.i.u.bf16.f32 v4;
	v4 =	vunpack.i.l.bf16.f32 v4  }
0x289: {  	v12 =	vunpack.i.u.bf16.f32 v59;
	v5 =	vunpack.i.l.bf16.f32 v59;
	v13 =	vunpack.i.u.bf16.f32 v60  }
0x28a: {  	v6 =	vunpack.i.l.bf16.f32 v60;
	v20 =	vunpack.i.u.bf16.f32 v14;
	v21 =	vunpack.i.l.bf16.f32 v14  }
0x28b: {  	v22 =	vunpack.i.u.bf16.f32 v16;
	v3 =	vmul.f32 v4, v3;
	v63 =	vmul.f32 v62, v61  }
0x28c: {  	v7 =	vunpack.i.l.bf16.f32 v16;
	v5 =	vmul.f32 v6, v5;
	v15 =	vmul.f32 v13, v12  }
0x28d: {  	v23 =	vunpack.i.u.bf16.f32 v17;
	v24 =	vunpack.i.u.bf16.f32 v19;
	v6 =	vmul.f32 v7, v21  }
0x28e: {  	v4 =	vmul.f32 v22, v20;
	v3 =	vadd.f32 v3, v63;
	v18 =	vadd.f32 v5, v15  }
0x28f: {  	v8 =	vunpack.i.l.bf16.f32 v17;
	v25 =	vmul.f32 v24, v23;
	v5 =	vunpack.i.l.bf16.f32 v19  }
0x290: {  	v4 =	vadd.f32 v6, v4;
	v5 =	vmul.f32 v5, v8;
	v3 =	vadd.f32 v18, v3;
	_ =	sdelay $0x1  }
0x291: {  	v26 =	vadd.f32 v5, v25;
	v3 =	vadd.f32 v4, v3;
	_ =	sdelay $0x1  }
0x292: {  	v3 =	vadd.f32 v26, v3;
	_ =	sdelay $0x1  }
0x293: {  	(xrf2) =	vadd.scan.msk.f32 $0xffff, v3;
	_ =	sdelay $0x5  }
0x294: {  	v27 =	vor.u32 $0xB, v2;
	_ =	sdelay $0x3  }
0x295: {  	v28, _, _ =	vpop (xrf2)  }
0x296: {  	[tilespmem:v27+s23+$0x0] =	vst.idx.msk vm0, v28  }
0x297: {  	v3 =	vld [tilespmem:s0+$0xF340]  }
0x298: {  	v4 =	vld [tilespmem:s0+$0x11340]  }
0x299: {  	v29 =	vld [tilespmem:s0+$0xF350]  }
0x29a: {  	v30 =	vld [tilespmem:s0+$0x11350]  }
0x29b: {  	v36 =	vld [tilespmem:s0+$0xF360]  }
0x29c: {  	v38 =	vld [tilespmem:s0+$0x11360]  }
0x29d: {  	v39 =	vld [tilespmem:s0+$0xF370];
	v31 =	vunpack.i.u.bf16.f32 v3  }
0x29e: {  	v41 =	vld [tilespmem:s0+$0x11370];
	v3 =	vunpack.i.l.bf16.f32 v3;
	v32 =	vunpack.i.u.bf16.f32 v4;
	v4 =	vunpack.i.l.bf16.f32 v4  }
0x29f: {  	v34 =	vunpack.i.u.bf16.f32 v29;
	v5 =	vunpack.i.l.bf16.f32 v29;
	v35 =	vunpack.i.u.bf16.f32 v30  }
0x2a0: {  	v6 =	vunpack.i.l.bf16.f32 v30;
	v42 =	vunpack.i.u.bf16.f32 v36;
	v43 =	vunpack.i.l.bf16.f32 v36  }
0x2a1: {  	v44 =	vunpack.i.u.bf16.f32 v38;
	v3 =	vmul.f32 v4, v3;
	v33 =	vmul.f32 v32, v31  }
0x2a2: {  	v7 =	vunpack.i.l.bf16.f32 v38;
	v5 =	vmul.f32 v6, v5;
	v37 =	vmul.f32 v35, v34  }
0x2a3: {  	v45 =	vunpack.i.u.bf16.f32 v39;
	v46 =	vunpack.i.u.bf16.f32 v41;
	v6 =	vmul.f32 v7, v43  }
0x2a4: {  	v4 =	vmul.f32 v44, v42;
	v3 =	vadd.f32 v3, v33;
	v40 =	vadd.f32 v5, v37  }
0x2a5: {  	v8 =	vunpack.i.l.bf16.f32 v39;
	v47 =	vmul.f32 v46, v45;
	v5 =	vunpack.i.l.bf16.f32 v41  }
0x2a6: {  	v4 =	vadd.f32 v6, v4;
	v5 =	vmul.f32 v5, v8;
	v3 =	vadd.f32 v40, v3;
	_ =	sdelay $0x1  }
0x2a7: {  	v48 =	vadd.f32 v5, v47;
	v3 =	vadd.f32 v4, v3;
	_ =	sdelay $0x1  }
0x2a8: {  	v3 =	vadd.f32 v48, v3;
	_ =	sdelay $0x1  }
0x2a9: {  	(xrf2) =	vadd.scan.msk.f32 $0xffff, v3;
	_ =	sdelay $0x5  }
0x2aa: {  	v49 =	vor.u32 $0xC, v2;
	_ =	sdelay $0x3  }
0x2ab: {  	v50, _, _ =	vpop (xrf2)  }
0x2ac: {  	[tilespmem:v49+s23+$0x0] =	vst.idx.msk vm0, v50  }
0x2ad: {  	v3 =	vld [tilespmem:s0+$0xF380]  }
0x2ae: {  	v4 =	vld [tilespmem:s0+$0x11380]  }
0x2af: {  	v51 =	vld [tilespmem:s0+$0xF390]  }
0x2b0: {  	v52 =	vld [tilespmem:s0+$0x11390]  }
0x2b1: {  	v58 =	vld [tilespmem:s0+$0xF3A0]  }
0x2b2: {  	v60 =	vld [tilespmem:s0+$0x113A0]  }
0x2b3: {  	v61 =	vld [tilespmem:s0+$0xF3B0];
	v53 =	vunpack.i.u.bf16.f32 v3  }
0x2b4: {  	v63 =	vld [tilespmem:s0+$0x113B0];
	v3 =	vunpack.i.l.bf16.f32 v3;
	v54 =	vunpack.i.u.bf16.f32 v4;
	v4 =	vunpack.i.l.bf16.f32 v4  }
0x2b5: {  	v56 =	vunpack.i.u.bf16.f32 v51;
	v5 =	vunpack.i.l.bf16.f32 v51;
	v57 =	vunpack.i.u.bf16.f32 v52  }
0x2b6: {  	v6 =	vunpack.i.l.bf16.f32 v52;
	v12 =	vunpack.i.u.bf16.f32 v58;
	v13 =	vunpack.i.l.bf16.f32 v58  }
0x2b7: {  	v14 =	vunpack.i.u.bf16.f32 v60;
	v3 =	vmul.f32 v4, v3;
	v55 =	vmul.f32 v54, v53  }
0x2b8: {  	v7 =	vunpack.i.l.bf16.f32 v60;
	v5 =	vmul.f32 v6, v5;
	v59 =	vmul.f32 v57, v56  }
0x2b9: {  	v15 =	vunpack.i.u.bf16.f32 v61;
	v16 =	vunpack.i.u.bf16.f32 v63;
	v6 =	vmul.f32 v7, v13  }
0x2ba: {  	v4 =	vmul.f32 v14, v12;
	v3 =	vadd.f32 v3, v55;
	v62 =	vadd.f32 v5, v59  }
0x2bb: {  	v8 =	vunpack.i.l.bf16.f32 v61;
	v17 =	vmul.f32 v16, v15;
	v5 =	vunpack.i.l.bf16.f32 v63  }
0x2bc: {  	v4 =	vadd.f32 v6, v4;
	v5 =	vmul.f32 v5, v8;
	v3 =	vadd.f32 v62, v3;
	_ =	sdelay $0x1  }
0x2bd: {  	v18 =	vadd.f32 v5, v17;
	v3 =	vadd.f32 v4, v3;
	_ =	sdelay $0x1  }
0x2be: {  	v3 =	vadd.f32 v18, v3;
	_ =	sdelay $0x1  }
0x2bf: {  	(xrf2) =	vadd.scan.msk.f32 $0xffff, v3;
	_ =	sdelay $0x5  }
0x2c0: {  	v19 =	vor.u32 $0xD, v2;
	_ =	sdelay $0x3  }
0x2c1: {  	v20, _, _ =	vpop (xrf2)  }
0x2c2: {  	[tilespmem:v19+s23+$0x0] =	vst.idx.msk vm0, v20  }
0x2c3: {  	v3 =	vld [tilespmem:s0+$0xF3C0]  }
0x2c4: {  	v4 =	vld [tilespmem:s0+$0x113C0]  }
0x2c5: {  	v21 =	vld [tilespmem:s0+$0xF3D0]  }
0x2c6: {  	v22 =	vld [tilespmem:s0+$0x113D0]  }
0x2c7: {  	v28 =	vld [tilespmem:s0+$0xF3E0]  }
0x2c8: {  	v30 =	vld [tilespmem:s0+$0x113E0]  }
0x2c9: {  	v31 =	vld [tilespmem:s0+$0xF3F0];
	v23 =	vunpack.i.u.bf16.f32 v3  }
0x2ca: {  	v33 =	vld [tilespmem:s0+$0x113F0];
	v3 =	vunpack.i.l.bf16.f32 v3;
	v24 =	vunpack.i.u.bf16.f32 v4;
	v4 =	vunpack.i.l.bf16.f32 v4  }
0x2cb: {  	v26 =	vunpack.i.u.bf16.f32 v21;
	v5 =	vunpack.i.l.bf16.f32 v21;
	v27 =	vunpack.i.u.bf16.f32 v22  }
0x2cc: {  	v6 =	vunpack.i.l.bf16.f32 v22;
	v34 =	vunpack.i.u.bf16.f32 v28;
	v35 =	vunpack.i.l.bf16.f32 v28  }
0x2cd: {  	v36 =	vunpack.i.u.bf16.f32 v30;
	v3 =	vmul.f32 v4, v3;
	v25 =	vmul.f32 v24, v23  }
0x2ce: {  	v7 =	vunpack.i.l.bf16.f32 v30;
	v5 =	vmul.f32 v6, v5;
	v29 =	vmul.f32 v27, v26  }
0x2cf: {  	v37 =	vunpack.i.u.bf16.f32 v31;
	v38 =	vunpack.i.u.bf16.f32 v33;
	v6 =	vmul.f32 v7, v35  }
0x2d0: {  	v4 =	vmul.f32 v36, v34;
	v3 =	vadd.f32 v3, v25;
	v32 =	vadd.f32 v5, v29  }
0x2d1: {  	v8 =	vunpack.i.l.bf16.f32 v31;
	v39 =	vmul.f32 v38, v37;
	v5 =	vunpack.i.l.bf16.f32 v33  }
0x2d2: {  	v4 =	vadd.f32 v6, v4;
	v5 =	vmul.f32 v5, v8;
	v3 =	vadd.f32 v32, v3;
	_ =	sdelay $0x1  }
0x2d3: {  	v40 =	vadd.f32 v5, v39;
	v3 =	vadd.f32 v4, v3;
	_ =	sdelay $0x1  }
0x2d4: {  	v3 =	vadd.f32 v40, v3;
	_ =	sdelay $0x1  }
0x2d5: {  	(xrf2) =	vadd.scan.msk.f32 $0xffff, v3;
	_ =	sdelay $0x5  }
0x2d6: {  	v41 =	vor.u32 $0xE, v2;
	_ =	sdelay $0x3  }
0x2d7: {  	v42, _, _ =	vpop (xrf2)  }
0x2d8: {  	[tilespmem:v41+s23+$0x0] =	vst.idx.msk vm0, v42  }
0x2d9: {  	v3 =	vld [tilespmem:s0+$0xF400]  }
0x2da: {  	v4 =	vld [tilespmem:s0+$0x11400]  }
0x2db: {  	v43 =	vld [tilespmem:s0+$0xF410]  }
0x2dc: {  	v44 =	vld [tilespmem:s0+$0x11410]  }
0x2dd: {  	v50 =	vld [tilespmem:s0+$0xF420]  }
0x2de: {  	v52 =	vld [tilespmem:s0+$0x11420]  }
0x2df: {  	v53 =	vld [tilespmem:s0+$0xF430];
	v45 =	vunpack.i.u.bf16.f32 v3  }
0x2e0: {  	v55 =	vld [tilespmem:s0+$0x11430];
	v3 =	vunpack.i.l.bf16.f32 v3;
	v46 =	vunpack.i.u.bf16.f32 v4;
	v4 =	vunpack.i.l.bf16.f32 v4  }
0x2e1: {  	v48 =	vunpack.i.u.bf16.f32 v43;
	v5 =	vunpack.i.l.bf16.f32 v43;
	v49 =	vunpack.i.u.bf16.f32 v44  }
0x2e2: {  	v6 =	vunpack.i.l.bf16.f32 v44;
	v56 =	vunpack.i.u.bf16.f32 v50;
	v57 =	vunpack.i.l.bf16.f32 v50  }
0x2e3: {  	v58 =	vunpack.i.u.bf16.f32 v52;
	v3 =	vmul.f32 v4, v3;
	v47 =	vmul.f32 v46, v45  }
0x2e4: {  	v7 =	vunpack.i.l.bf16.f32 v52;
	v5 =	vmul.f32 v6, v5;
	v51 =	vmul.f32 v49, v48  }
0x2e5: {  	v59 =	vunpack.i.u.bf16.f32 v53;
	v60 =	vunpack.i.u.bf16.f32 v55;
	v6 =	vmul.f32 v7, v57  }
0x2e6: {  	v4 =	vmul.f32 v58, v56;
	v3 =	vadd.f32 v3, v47;
	v54 =	vadd.f32 v5, v51  }
0x2e7: {  	v8 =	vunpack.i.l.bf16.f32 v53;
	v61 =	vmul.f32 v60, v59;
	v5 =	vunpack.i.l.bf16.f32 v55  }
0x2e8: {  	v4 =	vadd.f32 v6, v4;
	v5 =	vmul.f32 v5, v8;
	v3 =	vadd.f32 v54, v3;
	_ =	sdelay $0x1  }
0x2e9: {  	v62 =	vadd.f32 v5, v61;
	v3 =	vadd.f32 v4, v3;
	_ =	sdelay $0x1  }
0x2ea: {  	v3 =	vadd.f32 v62, v3;
	_ =	sdelay $0x1  }
0x2eb: {  	(xrf2) =	vadd.scan.msk.f32 $0xffff, v3;
	_ =	sdelay $0x4  }
0x2ec: {  	v0 =	vor.u32 $0xF, v0  }
0x2ed: {  	p1 =	slt.u32 s1, $0x6;
	v2 =	vor.u32 $0xF, v2  }
.Ltmp0:
0x2ee: {  	_ = 	snop;
	(pc) =	sbr.rel @p1 .LBB2_3-.Ltmp0, $3  }
0x2ef: {  	_ =	sdelay $0x1  }
0x2f0: {  	s18 =	sadd.s32 $0x2, s1;
	[tilespmem:v0+s23+$0x0] =	vst.idx.msk vm0, v1;
	v63, _, _ =	vpop (xrf2)  }
0x2f1: {  	s1 =	smov.u32 s18;
	[tilespmem:v2+s23+$0x0] =	vst.idx.msk vm0, v63  }
0x2f2: {  	p1 =	seq.s32 s29, $0x27  }
0x2f3: {  	s0 =	sadd.s32 @!p1 $0x9D40, s31;
	s1 =	simm.s32 @!p1 $0x80;
	s17 =	simm.s32 @!p1 $0xEC40  }
0x2f4: {  	[tilespmem:s17], [sflag:$0x2] =	stream.indirect.gather @!p1 [spmem:s2], $0x40, s0, s1, $0xb8;
	[tilespmem:$0x19440] =	vst v63  }
0x2f5: {  	s0 =	sadd.s32 @!p1 $0xC540, s31;
	s17 =	simm.s32 @!p1 $0x10C40  }
0x2f6: {  	[tilespmem:s17], [sflag:$0x3] =	stream.indirect.gather @!p1 [spmem:s2], $0x40, s0, s1, $0xb8;
	[tilespmem:$0x19440] =	vst v63  }
0x2f7: {  	_ =	swait.ge [sflag:s24], $0x2000  }
0x2f8: {  	[sflag:s24] =	ssyncset.done $0x0  }
0x2f9: {  	[sflag:s24] =	ssyncadd.s32 $0xFFFFE000  }
0x2fa: {  	_ =	swait.ge [sflag:s25], $0x2000  }
0x2fb: {  	[sflag:s25] =	ssyncset.done $0x0  }
0x2fc: {  	s1 =	simm.s32 $0x0;
	[sflag:s25] =	ssyncadd.s32 $0xFFFFE000  }
.LBB2_5:
0x2fd: {  	s0 =	sshll.u32 s1, $0xA  }
0x2fe: {  	v0 =	vld [tilespmem:s0+$0x12C40]  }
0x2ff: {  	v1 =	vld [tilespmem:s0+$0x14C40]  }
0x300: {  	v2 =	vld [tilespmem:s0+$0x12C50]  }
0x301: {  	v3 =	vld [tilespmem:s0+$0x14C50]  }
0x302: {  	v6 =	vld [tilespmem:s0+$0x12C60]  }
0x303: {  	v17 =	vld [tilespmem:s0+$0x14C60]  }
0x304: {  	v18 =	vld [tilespmem:s0+$0x12C70];
	v4 =	vunpack.i.u.bf16.f32 v0  }
0x305: {  	v20 =	vld [tilespmem:s0+$0x14C70];
	v0 =	vunpack.i.l.bf16.f32 v0;
	v5 =	vunpack.i.u.bf16.f32 v1;
	v1 =	vunpack.i.l.bf16.f32 v1  }
0x306: {  	v14 =	vunpack.i.u.bf16.f32 v2;
	v2 =	vunpack.i.l.bf16.f32 v2;
	v15 =	vunpack.i.u.bf16.f32 v3  }
0x307: {  	v3 =	vunpack.i.l.bf16.f32 v3;
	v21 =	vunpack.i.u.bf16.f32 v6;
	v22 =	vunpack.i.l.bf16.f32 v6  }
0x308: {  	v23 =	vunpack.i.u.bf16.f32 v17;
	v0 =	vmul.f32 v1, v0;
	v13 =	vmul.f32 v5, v4  }
0x309: {  	v24 =	vunpack.i.u.bf16.f32 v18;
	v2 =	vmul.f32 v3, v2;
	v16 =	vmul.f32 v15, v14  }
0x30a: {  	v25 =	vunpack.i.u.bf16.f32 v20;
	v4 =	vunpack.i.l.bf16.f32 v17;
	v1 =	vmul.f32 v23, v21  }
0x30b: {  	v3 =	vmul.f32 v4, v22;
	v0 =	vadd.f32 v0, v13;
	v19 =	vadd.f32 v2, v16  }
0x30c: {  	v5 =	vunpack.i.l.bf16.f32 v18;
	v26 =	vmul.f32 v25, v24;
	v2 =	vunpack.i.l.bf16.f32 v20  }
0x30d: {  	v1 =	vadd.f32 v3, v1;
	v2 =	vmul.f32 v2, v5;
	v0 =	vadd.f32 v19, v0;
	_ =	sdelay $0x1  }
0x30e: {  	v27 =	vadd.f32 v2, v26;
	v0 =	vadd.f32 v1, v0;
	_ =	sdelay $0x1  }
0x30f: {  	v0 =	vadd.f32 v27, v0;
	_ =	sdelay $0x1  }
0x310: {  	(xrf2) =	vadd.scan.msk.f32 $0xffff, v0;
	_ =	sdelay $0x3  }
0x311: {  	s17 =	sshll.u32 s1, $0x4  }
0x312: {  	s18 =	sor.u32 s30, s17  }
0x313: {  	v0 =	vmov s18;
	_ =	sdelay $0x3  }
0x314: {  	v28, _, _ =	vpop (xrf2)  }
0x315: {  	[tilespmem:v0+s23+$0x0] =	vst.idx.msk vm0, v28  }
0x316: {  	v1 =	vld [tilespmem:s0+$0x12C80]  }
0x317: {  	v29 =	vld [tilespmem:s0+$0x14C80]  }
0x318: {  	v30 =	vld [tilespmem:s0+$0x12C90]  }
0x319: {  	v31 =	vld [tilespmem:s0+$0x14C90]  }
0x31a: {  	v7 =	vld [tilespmem:s0+$0x12CA0]  }
0x31b: {  	v38 =	vld [tilespmem:s0+$0x14CA0]  }
0x31c: {  	v39 =	vld [tilespmem:s0+$0x12CB0];
	v32 =	vunpack.i.u.bf16.f32 v1  }
0x31d: {  	v41 =	vld [tilespmem:s0+$0x14CB0];
	v1 =	vunpack.i.l.bf16.f32 v1;
	v33 =	vunpack.i.u.bf16.f32 v29;
	v2 =	vunpack.i.l.bf16.f32 v29  }
0x31e: {  	v35 =	vunpack.i.u.bf16.f32 v30;
	v3 =	vunpack.i.l.bf16.f32 v30;
	v36 =	vunpack.i.u.bf16.f32 v31  }
0x31f: {  	v4 =	vunpack.i.l.bf16.f32 v31;
	v42 =	vunpack.i.u.bf16.f32 v7;
	v43 =	vunpack.i.l.bf16.f32 v7  }
0x320: {  	v44 =	vunpack.i.u.bf16.f32 v38;
	v1 =	vmul.f32 v2, v1;
	v34 =	vmul.f32 v33, v32  }
0x321: {  	v5 =	vunpack.i.l.bf16.f32 v38;
	v3 =	vmul.f32 v4, v3;
	v37 =	vmul.f32 v36, v35  }
0x322: {  	v45 =	vunpack.i.u.bf16.f32 v39;
	v46 =	vunpack.i.u.bf16.f32 v41;
	v4 =	vmul.f32 v5, v43  }
0x323: {  	v2 =	vmul.f32 v44, v42;
	v1 =	vadd.f32 v1, v34;
	v40 =	vadd.f32 v3, v37  }
0x324: {  	v6 =	vunpack.i.l.bf16.f32 v39;
	v47 =	vmul.f32 v46, v45;
	v3 =	vunpack.i.l.bf16.f32 v41  }
0x325: {  	v2 =	vadd.f32 v4, v2;
	v3 =	vmul.f32 v3, v6;
	v1 =	vadd.f32 v40, v1;
	_ =	sdelay $0x1  }
0x326: {  	v48 =	vadd.f32 v3, v47;
	v1 =	vadd.f32 v2, v1;
	_ =	sdelay $0x1  }
0x327: {  	v1 =	vadd.f32 v48, v1;
	_ =	sdelay $0x1  }
0x328: {  	(xrf2) =	vadd.scan.msk.f32 $0xffff, v1;
	_ =	sdelay $0x5  }
0x329: {  	v49 =	vor.u32 $0x1, v0;
	_ =	sdelay $0x3  }
0x32a: {  	v50, _, _ =	vpop (xrf2)  }
0x32b: {  	[tilespmem:v49+s23+$0x0] =	vst.idx.msk vm0, v50  }
0x32c: {  	v1 =	vld [tilespmem:s0+$0x12CC0]  }
0x32d: {  	v2 =	vld [tilespmem:s0+$0x14CC0]  }
0x32e: {  	v51 =	vld [tilespmem:s0+$0x12CD0]  }
0x32f: {  	v52 =	vld [tilespmem:s0+$0x14CD0]  }
0x330: {  	v58 =	vld [tilespmem:s0+$0x12CE0]  }
0x331: {  	v60 =	vld [tilespmem:s0+$0x14CE0]  }
0x332: {  	v61 =	vld [tilespmem:s0+$0x12CF0];
	v53 =	vunpack.i.u.bf16.f32 v1  }
0x333: {  	v63 =	vld [tilespmem:s0+$0x14CF0];
	v1 =	vunpack.i.l.bf16.f32 v1;
	v54 =	vunpack.i.u.bf16.f32 v2;
	v2 =	vunpack.i.l.bf16.f32 v2  }
0x334: {  	v56 =	vunpack.i.u.bf16.f32 v51;
	v3 =	vunpack.i.l.bf16.f32 v51;
	v57 =	vunpack.i.u.bf16.f32 v52  }
0x335: {  	v4 =	vunpack.i.l.bf16.f32 v52;
	v9 =	vunpack.i.u.bf16.f32 v58;
	v10 =	vunpack.i.l.bf16.f32 v58  }
0x336: {  	v11 =	vunpack.i.u.bf16.f32 v60;
	v1 =	vmul.f32 v2, v1;
	v55 =	vmul.f32 v54, v53  }
0x337: {  	v5 =	vunpack.i.l.bf16.f32 v60;
	v3 =	vmul.f32 v4, v3;
	v59 =	vmul.f32 v57, v56  }
0x338: {  	v12 =	vunpack.i.u.bf16.f32 v61;
	v13 =	vunpack.i.u.bf16.f32 v63;
	v4 =	vmul.f32 v5, v10  }
0x339: {  	v2 =	vmul.f32 v11, v9;
	v1 =	vadd.f32 v1, v55;
	v62 =	vadd.f32 v3, v59  }
0x33a: {  	v6 =	vunpack.i.l.bf16.f32 v61;
	v14 =	vmul.f32 v13, v12;
	v3 =	vunpack.i.l.bf16.f32 v63  }
0x33b: {  	v2 =	vadd.f32 v4, v2;
	v3 =	vmul.f32 v3, v6;
	v1 =	vadd.f32 v62, v1;
	_ =	sdelay $0x1  }
0x33c: {  	v15 =	vadd.f32 v3, v14;
	v1 =	vadd.f32 v2, v1;
	_ =	sdelay $0x1  }
0x33d: {  	v1 =	vadd.f32 v15, v1;
	_ =	sdelay $0x1  }
0x33e: {  	(xrf2) =	vadd.scan.msk.f32 $0xffff, v1;
	_ =	sdelay $0x5  }
0x33f: {  	v16 =	vor.u32 $0x2, v0;
	_ =	sdelay $0x3  }
0x340: {  	v17, _, _ =	vpop (xrf2)  }
0x341: {  	[tilespmem:v16+s23+$0x0] =	vst.idx.msk vm0, v17  }
0x342: {  	v1 =	vld [tilespmem:s0+$0x12D00]  }
0x343: {  	v2 =	vld [tilespmem:s0+$0x14D00]  }
0x344: {  	v18 =	vld [tilespmem:s0+$0x12D10]  }
0x345: {  	v19 =	vld [tilespmem:s0+$0x14D10]  }
0x346: {  	v25 =	vld [tilespmem:s0+$0x12D20]  }
0x347: {  	v27 =	vld [tilespmem:s0+$0x14D20]  }
0x348: {  	v28 =	vld [tilespmem:s0+$0x12D30];
	v20 =	vunpack.i.u.bf16.f32 v1  }
0x349: {  	v30 =	vld [tilespmem:s0+$0x14D30];
	v1 =	vunpack.i.l.bf16.f32 v1;
	v21 =	vunpack.i.u.bf16.f32 v2;
	v2 =	vunpack.i.l.bf16.f32 v2  }
0x34a: {  	v23 =	vunpack.i.u.bf16.f32 v18;
	v3 =	vunpack.i.l.bf16.f32 v18;
	v24 =	vunpack.i.u.bf16.f32 v19  }
0x34b: {  	v4 =	vunpack.i.l.bf16.f32 v19;
	v31 =	vunpack.i.u.bf16.f32 v25;
	v32 =	vunpack.i.l.bf16.f32 v25  }
0x34c: {  	v33 =	vunpack.i.u.bf16.f32 v27;
	v1 =	vmul.f32 v2, v1;
	v22 =	vmul.f32 v21, v20  }
0x34d: {  	v5 =	vunpack.i.l.bf16.f32 v27;
	v3 =	vmul.f32 v4, v3;
	v26 =	vmul.f32 v24, v23  }
0x34e: {  	v34 =	vunpack.i.u.bf16.f32 v28;
	v35 =	vunpack.i.u.bf16.f32 v30;
	v4 =	vmul.f32 v5, v32  }
0x34f: {  	v2 =	vmul.f32 v33, v31;
	v1 =	vadd.f32 v1, v22;
	v29 =	vadd.f32 v3, v26  }
0x350: {  	v6 =	vunpack.i.l.bf16.f32 v28;
	v36 =	vmul.f32 v35, v34;
	v3 =	vunpack.i.l.bf16.f32 v30  }
0x351: {  	v2 =	vadd.f32 v4, v2;
	v3 =	vmul.f32 v3, v6;
	v1 =	vadd.f32 v29, v1;
	_ =	sdelay $0x1  }
0x352: {  	v37 =	vadd.f32 v3, v36;
	v1 =	vadd.f32 v2, v1;
	_ =	sdelay $0x1  }
0x353: {  	v1 =	vadd.f32 v37, v1;
	_ =	sdelay $0x1  }
0x354: {  	(xrf2) =	vadd.scan.msk.f32 $0xffff, v1;
	_ =	sdelay $0x5  }
0x355: {  	v38 =	vor.u32 $0x3, v0;
	_ =	sdelay $0x3  }
0x356: {  	v39, _, _ =	vpop (xrf2)  }
0x357: {  	[tilespmem:v38+s23+$0x0] =	vst.idx.msk vm0, v39  }
0x358: {  	v1 =	vld [tilespmem:s0+$0x12D40]  }
0x359: {  	v2 =	vld [tilespmem:s0+$0x14D40]  }
0x35a: {  	v40 =	vld [tilespmem:s0+$0x12D50]  }
0x35b: {  	v41 =	vld [tilespmem:s0+$0x14D50]  }
0x35c: {  	v47 =	vld [tilespmem:s0+$0x12D60]  }
0x35d: {  	v49 =	vld [tilespmem:s0+$0x14D60]  }
0x35e: {  	v50 =	vld [tilespmem:s0+$0x12D70];
	v42 =	vunpack.i.u.bf16.f32 v1  }
0x35f: {  	v52 =	vld [tilespmem:s0+$0x14D70];
	v1 =	vunpack.i.l.bf16.f32 v1;
	v43 =	vunpack.i.u.bf16.f32 v2;
	v2 =	vunpack.i.l.bf16.f32 v2  }
0x360: {  	v45 =	vunpack.i.u.bf16.f32 v40;
	v3 =	vunpack.i.l.bf16.f32 v40;
	v46 =	vunpack.i.u.bf16.f32 v41  }
0x361: {  	v4 =	vunpack.i.l.bf16.f32 v41;
	v53 =	vunpack.i.u.bf16.f32 v47;
	v54 =	vunpack.i.l.bf16.f32 v47  }
0x362: {  	v55 =	vunpack.i.u.bf16.f32 v49;
	v1 =	vmul.f32 v2, v1;
	v44 =	vmul.f32 v43, v42  }
0x363: {  	v5 =	vunpack.i.l.bf16.f32 v49;
	v3 =	vmul.f32 v4, v3;
	v48 =	vmul.f32 v46, v45  }
0x364: {  	v56 =	vunpack.i.u.bf16.f32 v50;
	v57 =	vunpack.i.u.bf16.f32 v52;
	v4 =	vmul.f32 v5, v54  }
0x365: {  	v2 =	vmul.f32 v55, v53;
	v1 =	vadd.f32 v1, v44;
	v51 =	vadd.f32 v3, v48  }
0x366: {  	v6 =	vunpack.i.l.bf16.f32 v50;
	v58 =	vmul.f32 v57, v56;
	v3 =	vunpack.i.l.bf16.f32 v52  }
0x367: {  	v2 =	vadd.f32 v4, v2;
	v3 =	vmul.f32 v3, v6;
	v1 =	vadd.f32 v51, v1;
	_ =	sdelay $0x1  }
0x368: {  	v59 =	vadd.f32 v3, v58;
	v1 =	vadd.f32 v2, v1;
	_ =	sdelay $0x1  }
0x369: {  	v1 =	vadd.f32 v59, v1;
	_ =	sdelay $0x1  }
0x36a: {  	(xrf2) =	vadd.scan.msk.f32 $0xffff, v1;
	_ =	sdelay $0x5  }
0x36b: {  	v60 =	vor.u32 $0x4, v0;
	_ =	sdelay $0x3  }
0x36c: {  	v61, _, _ =	vpop (xrf2)  }
0x36d: {  	[tilespmem:v60+s23+$0x0] =	vst.idx.msk vm0, v61  }
0x36e: {  	v1 =	vld [tilespmem:s0+$0x12D80]  }
0x36f: {  	v2 =	vld [tilespmem:s0+$0x14D80]  }
0x370: {  	v62 =	vld [tilespmem:s0+$0x12D90]  }
0x371: {  	v63 =	vld [tilespmem:s0+$0x14D90]  }
0x372: {  	v14 =	vld [tilespmem:s0+$0x12DA0]  }
0x373: {  	v16 =	vld [tilespmem:s0+$0x14DA0]  }
0x374: {  	v17 =	vld [tilespmem:s0+$0x12DB0];
	v9 =	vunpack.i.u.bf16.f32 v1  }
0x375: {  	v19 =	vld [tilespmem:s0+$0x14DB0];
	v1 =	vunpack.i.l.bf16.f32 v1;
	v10 =	vunpack.i.u.bf16.f32 v2;
	v2 =	vunpack.i.l.bf16.f32 v2  }
0x376: {  	v12 =	vunpack.i.u.bf16.f32 v62;
	v3 =	vunpack.i.l.bf16.f32 v62;
	v13 =	vunpack.i.u.bf16.f32 v63  }
0x377: {  	v4 =	vunpack.i.l.bf16.f32 v63;
	v20 =	vunpack.i.u.bf16.f32 v14;
	v21 =	vunpack.i.l.bf16.f32 v14  }
0x378: {  	v22 =	vunpack.i.u.bf16.f32 v16;
	v1 =	vmul.f32 v2, v1;
	v11 =	vmul.f32 v10, v9  }
0x379: {  	v5 =	vunpack.i.l.bf16.f32 v16;
	v3 =	vmul.f32 v4, v3;
	v15 =	vmul.f32 v13, v12  }
0x37a: {  	v23 =	vunpack.i.u.bf16.f32 v17;
	v24 =	vunpack.i.u.bf16.f32 v19;
	v4 =	vmul.f32 v5, v21  }
0x37b: {  	v2 =	vmul.f32 v22, v20;
	v1 =	vadd.f32 v1, v11;
	v18 =	vadd.f32 v3, v15  }
0x37c: {  	v6 =	vunpack.i.l.bf16.f32 v17;
	v25 =	vmul.f32 v24, v23;
	v3 =	vunpack.i.l.bf16.f32 v19  }
0x37d: {  	v2 =	vadd.f32 v4, v2;
	v3 =	vmul.f32 v3, v6;
	v1 =	vadd.f32 v18, v1;
	_ =	sdelay $0x1  }
0x37e: {  	v26 =	vadd.f32 v3, v25;
	v1 =	vadd.f32 v2, v1;
	_ =	sdelay $0x1  }
0x37f: {  	v1 =	vadd.f32 v26, v1;
	_ =	sdelay $0x1  }
0x380: {  	(xrf2) =	vadd.scan.msk.f32 $0xffff, v1;
	_ =	sdelay $0x5  }
0x381: {  	v27 =	vor.u32 $0x5, v0;
	_ =	sdelay $0x3  }
0x382: {  	v28, _, _ =	vpop (xrf2)  }
0x383: {  	[tilespmem:v27+s23+$0x0] =	vst.idx.msk vm0, v28  }
0x384: {  	v1 =	vld [tilespmem:s0+$0x12DC0]  }
0x385: {  	v2 =	vld [tilespmem:s0+$0x14DC0]  }
0x386: {  	v29 =	vld [tilespmem:s0+$0x12DD0]  }
0x387: {  	v30 =	vld [tilespmem:s0+$0x14DD0]  }
0x388: {  	v36 =	vld [tilespmem:s0+$0x12DE0]  }
0x389: {  	v38 =	vld [tilespmem:s0+$0x14DE0]  }
0x38a: {  	v39 =	vld [tilespmem:s0+$0x12DF0];
	v31 =	vunpack.i.u.bf16.f32 v1  }
0x38b: {  	v41 =	vld [tilespmem:s0+$0x14DF0];
	v1 =	vunpack.i.l.bf16.f32 v1;
	v32 =	vunpack.i.u.bf16.f32 v2;
	v2 =	vunpack.i.l.bf16.f32 v2  }
0x38c: {  	v34 =	vunpack.i.u.bf16.f32 v29;
	v3 =	vunpack.i.l.bf16.f32 v29;
	v35 =	vunpack.i.u.bf16.f32 v30  }
0x38d: {  	v4 =	vunpack.i.l.bf16.f32 v30;
	v42 =	vunpack.i.u.bf16.f32 v36;
	v43 =	vunpack.i.l.bf16.f32 v36  }
0x38e: {  	v44 =	vunpack.i.u.bf16.f32 v38;
	v1 =	vmul.f32 v2, v1;
	v33 =	vmul.f32 v32, v31  }
0x38f: {  	v5 =	vunpack.i.l.bf16.f32 v38;
	v3 =	vmul.f32 v4, v3;
	v37 =	vmul.f32 v35, v34  }
0x390: {  	v45 =	vunpack.i.u.bf16.f32 v39;
	v46 =	vunpack.i.u.bf16.f32 v41;
	v4 =	vmul.f32 v5, v43  }
0x391: {  	v2 =	vmul.f32 v44, v42;
	v1 =	vadd.f32 v1, v33;
	v40 =	vadd.f32 v3, v37  }
0x392: {  	v6 =	vunpack.i.l.bf16.f32 v39;
	v47 =	vmul.f32 v46, v45;
	v3 =	vunpack.i.l.bf16.f32 v41  }
0x393: {  	v2 =	vadd.f32 v4, v2;
	v3 =	vmul.f32 v3, v6;
	v1 =	vadd.f32 v40, v1;
	_ =	sdelay $0x1  }
0x394: {  	v48 =	vadd.f32 v3, v47;
	v1 =	vadd.f32 v2, v1;
	_ =	sdelay $0x1  }
0x395: {  	v1 =	vadd.f32 v48, v1;
	_ =	sdelay $0x1  }
0x396: {  	(xrf2) =	vadd.scan.msk.f32 $0xffff, v1;
	_ =	sdelay $0x5  }
0x397: {  	v49 =	vor.u32 $0x6, v0;
	_ =	sdelay $0x3  }
0x398: {  	v50, _, _ =	vpop (xrf2)  }
0x399: {  	[tilespmem:v49+s23+$0x0] =	vst.idx.msk vm0, v50  }
0x39a: {  	v1 =	vld [tilespmem:s0+$0x12E00]  }
0x39b: {  	v2 =	vld [tilespmem:s0+$0x14E00]  }
0x39c: {  	v51 =	vld [tilespmem:s0+$0x12E10]  }
0x39d: {  	v52 =	vld [tilespmem:s0+$0x14E10]  }
0x39e: {  	v58 =	vld [tilespmem:s0+$0x12E20]  }
0x39f: {  	v60 =	vld [tilespmem:s0+$0x14E20]  }
0x3a0: {  	v61 =	vld [tilespmem:s0+$0x12E30];
	v53 =	vunpack.i.u.bf16.f32 v1  }
0x3a1: {  	v63 =	vld [tilespmem:s0+$0x14E30];
	v1 =	vunpack.i.l.bf16.f32 v1;
	v54 =	vunpack.i.u.bf16.f32 v2;
	v2 =	vunpack.i.l.bf16.f32 v2  }
0x3a2: {  	v56 =	vunpack.i.u.bf16.f32 v51;
	v3 =	vunpack.i.l.bf16.f32 v51;
	v57 =	vunpack.i.u.bf16.f32 v52  }
0x3a3: {  	v4 =	vunpack.i.l.bf16.f32 v52;
	v9 =	vunpack.i.u.bf16.f32 v58;
	v10 =	vunpack.i.l.bf16.f32 v58  }
0x3a4: {  	v11 =	vunpack.i.u.bf16.f32 v60;
	v1 =	vmul.f32 v2, v1;
	v55 =	vmul.f32 v54, v53  }
0x3a5: {  	v5 =	vunpack.i.l.bf16.f32 v60;
	v3 =	vmul.f32 v4, v3;
	v59 =	vmul.f32 v57, v56  }
0x3a6: {  	v12 =	vunpack.i.u.bf16.f32 v61;
	v13 =	vunpack.i.u.bf16.f32 v63;
	v4 =	vmul.f32 v5, v10  }
0x3a7: {  	v2 =	vmul.f32 v11, v9;
	v1 =	vadd.f32 v1, v55;
	v62 =	vadd.f32 v3, v59  }
0x3a8: {  	v6 =	vunpack.i.l.bf16.f32 v61;
	v14 =	vmul.f32 v13, v12;
	v3 =	vunpack.i.l.bf16.f32 v63  }
0x3a9: {  	v2 =	vadd.f32 v4, v2;
	v3 =	vmul.f32 v3, v6;
	v1 =	vadd.f32 v62, v1;
	_ =	sdelay $0x1  }
0x3aa: {  	v15 =	vadd.f32 v3, v14;
	v1 =	vadd.f32 v2, v1;
	_ =	sdelay $0x1  }
0x3ab: {  	v1 =	vadd.f32 v15, v1;
	_ =	sdelay $0x1  }
0x3ac: {  	(xrf2) =	vadd.scan.msk.f32 $0xffff, v1;
	_ =	sdelay $0x5  }
0x3ad: {  	v16 =	vor.u32 $0x7, v0;
	_ =	sdelay $0x3  }
0x3ae: {  	v17, _, _ =	vpop (xrf2)  }
0x3af: {  	[tilespmem:v16+s23+$0x0] =	vst.idx.msk vm0, v17  }
0x3b0: {  	v1 =	vld [tilespmem:s0+$0x12E40]  }
0x3b1: {  	v2 =	vld [tilespmem:s0+$0x14E40]  }
0x3b2: {  	v18 =	vld [tilespmem:s0+$0x12E50]  }
0x3b3: {  	v19 =	vld [tilespmem:s0+$0x14E50]  }
0x3b4: {  	v25 =	vld [tilespmem:s0+$0x12E60]  }
0x3b5: {  	v27 =	vld [tilespmem:s0+$0x14E60]  }
0x3b6: {  	v28 =	vld [tilespmem:s0+$0x12E70];
	v20 =	vunpack.i.u.bf16.f32 v1  }
0x3b7: {  	v30 =	vld [tilespmem:s0+$0x14E70];
	v1 =	vunpack.i.l.bf16.f32 v1;
	v21 =	vunpack.i.u.bf16.f32 v2;
	v2 =	vunpack.i.l.bf16.f32 v2  }
0x3b8: {  	v23 =	vunpack.i.u.bf16.f32 v18;
	v3 =	vunpack.i.l.bf16.f32 v18;
	v24 =	vunpack.i.u.bf16.f32 v19  }
0x3b9: {  	v4 =	vunpack.i.l.bf16.f32 v19;
	v31 =	vunpack.i.u.bf16.f32 v25;
	v32 =	vunpack.i.l.bf16.f32 v25  }
0x3ba: {  	v33 =	vunpack.i.u.bf16.f32 v27;
	v1 =	vmul.f32 v2, v1;
	v22 =	vmul.f32 v21, v20  }
0x3bb: {  	v5 =	vunpack.i.l.bf16.f32 v27;
	v3 =	vmul.f32 v4, v3;
	v26 =	vmul.f32 v24, v23  }
0x3bc: {  	v34 =	vunpack.i.u.bf16.f32 v28;
	v35 =	vunpack.i.u.bf16.f32 v30;
	v4 =	vmul.f32 v5, v32  }
0x3bd: {  	v2 =	vmul.f32 v33, v31;
	v1 =	vadd.f32 v1, v22;
	v29 =	vadd.f32 v3, v26  }
0x3be: {  	v6 =	vunpack.i.l.bf16.f32 v28;
	v36 =	vmul.f32 v35, v34;
	v3 =	vunpack.i.l.bf16.f32 v30  }
0x3bf: {  	v2 =	vadd.f32 v4, v2;
	v3 =	vmul.f32 v3, v6;
	v1 =	vadd.f32 v29, v1;
	_ =	sdelay $0x1  }
0x3c0: {  	v37 =	vadd.f32 v3, v36;
	v1 =	vadd.f32 v2, v1;
	_ =	sdelay $0x1  }
0x3c1: {  	v1 =	vadd.f32 v37, v1;
	_ =	sdelay $0x1  }
0x3c2: {  	(xrf2) =	vadd.scan.msk.f32 $0xffff, v1;
	_ =	sdelay $0x5  }
0x3c3: {  	v38 =	vor.u32 $0x8, v0;
	_ =	sdelay $0x3  }
0x3c4: {  	v39, _, _ =	vpop (xrf2)  }
0x3c5: {  	[tilespmem:v38+s23+$0x0] =	vst.idx.msk vm0, v39  }
0x3c6: {  	v1 =	vld [tilespmem:s0+$0x12E80]  }
0x3c7: {  	v2 =	vld [tilespmem:s0+$0x14E80]  }
0x3c8: {  	v40 =	vld [tilespmem:s0+$0x12E90]  }
0x3c9: {  	v41 =	vld [tilespmem:s0+$0x14E90]  }
0x3ca: {  	v47 =	vld [tilespmem:s0+$0x12EA0]  }
0x3cb: {  	v49 =	vld [tilespmem:s0+$0x14EA0]  }
0x3cc: {  	v50 =	vld [tilespmem:s0+$0x12EB0];
	v42 =	vunpack.i.u.bf16.f32 v1  }
0x3cd: {  	v52 =	vld [tilespmem:s0+$0x14EB0];
	v1 =	vunpack.i.l.bf16.f32 v1;
	v43 =	vunpack.i.u.bf16.f32 v2;
	v2 =	vunpack.i.l.bf16.f32 v2  }
0x3ce: {  	v45 =	vunpack.i.u.bf16.f32 v40;
	v3 =	vunpack.i.l.bf16.f32 v40;
	v46 =	vunpack.i.u.bf16.f32 v41  }
0x3cf: {  	v4 =	vunpack.i.l.bf16.f32 v41;
	v53 =	vunpack.i.u.bf16.f32 v47;
	v54 =	vunpack.i.l.bf16.f32 v47  }
0x3d0: {  	v55 =	vunpack.i.u.bf16.f32 v49;
	v1 =	vmul.f32 v2, v1;
	v44 =	vmul.f32 v43, v42  }
0x3d1: {  	v5 =	vunpack.i.l.bf16.f32 v49;
	v3 =	vmul.f32 v4, v3;
	v48 =	vmul.f32 v46, v45  }
0x3d2: {  	v56 =	vunpack.i.u.bf16.f32 v50;
	v57 =	vunpack.i.u.bf16.f32 v52;
	v4 =	vmul.f32 v5, v54  }
0x3d3: {  	v2 =	vmul.f32 v55, v53;
	v1 =	vadd.f32 v1, v44;
	v51 =	vadd.f32 v3, v48  }
0x3d4: {  	v6 =	vunpack.i.l.bf16.f32 v50;
	v58 =	vmul.f32 v57, v56;
	v3 =	vunpack.i.l.bf16.f32 v52  }
0x3d5: {  	v2 =	vadd.f32 v4, v2;
	v3 =	vmul.f32 v3, v6;
	v1 =	vadd.f32 v51, v1;
	_ =	sdelay $0x1  }
0x3d6: {  	v59 =	vadd.f32 v3, v58;
	v1 =	vadd.f32 v2, v1;
	_ =	sdelay $0x1  }
0x3d7: {  	v1 =	vadd.f32 v59, v1;
	_ =	sdelay $0x1  }
0x3d8: {  	(xrf2) =	vadd.scan.msk.f32 $0xffff, v1;
	_ =	sdelay $0x5  }
0x3d9: {  	v60 =	vor.u32 $0x9, v0;
	_ =	sdelay $0x3  }
0x3da: {  	v61, _, _ =	vpop (xrf2)  }
0x3db: {  	[tilespmem:v60+s23+$0x0] =	vst.idx.msk vm0, v61  }
0x3dc: {  	v1 =	vld [tilespmem:s0+$0x12EC0]  }
0x3dd: {  	v2 =	vld [tilespmem:s0+$0x14EC0]  }
0x3de: {  	v62 =	vld [tilespmem:s0+$0x12ED0]  }
0x3df: {  	v63 =	vld [tilespmem:s0+$0x14ED0]  }
0x3e0: {  	v14 =	vld [tilespmem:s0+$0x12EE0]  }
0x3e1: {  	v16 =	vld [tilespmem:s0+$0x14EE0]  }
0x3e2: {  	v17 =	vld [tilespmem:s0+$0x12EF0];
	v9 =	vunpack.i.u.bf16.f32 v1  }
0x3e3: {  	v19 =	vld [tilespmem:s0+$0x14EF0];
	v1 =	vunpack.i.l.bf16.f32 v1;
	v10 =	vunpack.i.u.bf16.f32 v2;
	v2 =	vunpack.i.l.bf16.f32 v2  }
0x3e4: {  	v12 =	vunpack.i.u.bf16.f32 v62;
	v3 =	vunpack.i.l.bf16.f32 v62;
	v13 =	vunpack.i.u.bf16.f32 v63  }
0x3e5: {  	v4 =	vunpack.i.l.bf16.f32 v63;
	v20 =	vunpack.i.u.bf16.f32 v14;
	v21 =	vunpack.i.l.bf16.f32 v14  }
0x3e6: {  	v22 =	vunpack.i.u.bf16.f32 v16;
	v1 =	vmul.f32 v2, v1;
	v11 =	vmul.f32 v10, v9  }
0x3e7: {  	v5 =	vunpack.i.l.bf16.f32 v16;
	v3 =	vmul.f32 v4, v3;
	v15 =	vmul.f32 v13, v12  }
0x3e8: {  	v23 =	vunpack.i.u.bf16.f32 v17;
	v24 =	vunpack.i.u.bf16.f32 v19;
	v4 =	vmul.f32 v5, v21  }
0x3e9: {  	v2 =	vmul.f32 v22, v20;
	v1 =	vadd.f32 v1, v11;
	v18 =	vadd.f32 v3, v15  }
0x3ea: {  	v6 =	vunpack.i.l.bf16.f32 v17;
	v25 =	vmul.f32 v24, v23;
	v3 =	vunpack.i.l.bf16.f32 v19  }
0x3eb: {  	v2 =	vadd.f32 v4, v2;
	v3 =	vmul.f32 v3, v6;
	v1 =	vadd.f32 v18, v1;
	_ =	sdelay $0x1  }
0x3ec: {  	v26 =	vadd.f32 v3, v25;
	v1 =	vadd.f32 v2, v1;
	_ =	sdelay $0x1  }
0x3ed: {  	v1 =	vadd.f32 v26, v1;
	_ =	sdelay $0x1  }
0x3ee: {  	(xrf2) =	vadd.scan.msk.f32 $0xffff, v1;
	_ =	sdelay $0x5  }
0x3ef: {  	v27 =	vor.u32 $0xA, v0;
	_ =	sdelay $0x3  }
0x3f0: {  	v28, _, _ =	vpop (xrf2)  }
0x3f1: {  	[tilespmem:v27+s23+$0x0] =	vst.idx.msk vm0, v28  }
0x3f2: {  	v1 =	vld [tilespmem:s0+$0x12F00]  }
0x3f3: {  	v2 =	vld [tilespmem:s0+$0x14F00]  }
0x3f4: {  	v29 =	vld [tilespmem:s0+$0x12F10]  }
0x3f5: {  	v30 =	vld [tilespmem:s0+$0x14F10]  }
0x3f6: {  	v36 =	vld [tilespmem:s0+$0x12F20]  }
0x3f7: {  	v38 =	vld [tilespmem:s0+$0x14F20]  }
0x3f8: {  	v39 =	vld [tilespmem:s0+$0x12F30];
	v31 =	vunpack.i.u.bf16.f32 v1  }
0x3f9: {  	v41 =	vld [tilespmem:s0+$0x14F30];
	v1 =	vunpack.i.l.bf16.f32 v1;
	v32 =	vunpack.i.u.bf16.f32 v2;
	v2 =	vunpack.i.l.bf16.f32 v2  }
0x3fa: {  	v34 =	vunpack.i.u.bf16.f32 v29;
	v3 =	vunpack.i.l.bf16.f32 v29;
	v35 =	vunpack.i.u.bf16.f32 v30  }
0x3fb: {  	v4 =	vunpack.i.l.bf16.f32 v30;
	v42 =	vunpack.i.u.bf16.f32 v36;
	v43 =	vunpack.i.l.bf16.f32 v36  }
0x3fc: {  	v44 =	vunpack.i.u.bf16.f32 v38;
	v1 =	vmul.f32 v2, v1;
	v33 =	vmul.f32 v32, v31  }
0x3fd: {  	v5 =	vunpack.i.l.bf16.f32 v38;
	v3 =	vmul.f32 v4, v3;
	v37 =	vmul.f32 v35, v34  }
0x3fe: {  	v45 =	vunpack.i.u.bf16.f32 v39;
	v46 =	vunpack.i.u.bf16.f32 v41;
	v4 =	vmul.f32 v5, v43  }
0x3ff: {  	v2 =	vmul.f32 v44, v42;
	v1 =	vadd.f32 v1, v33;
	v40 =	vadd.f32 v3, v37  }
0x400: {  	v6 =	vunpack.i.l.bf16.f32 v39;
	v47 =	vmul.f32 v46, v45;
	v3 =	vunpack.i.l.bf16.f32 v41  }
0x401: {  	v2 =	vadd.f32 v4, v2;
	v3 =	vmul.f32 v3, v6;
	v1 =	vadd.f32 v40, v1;
	_ =	sdelay $0x1  }
0x402: {  	v48 =	vadd.f32 v3, v47;
	v1 =	vadd.f32 v2, v1;
	_ =	sdelay $0x1  }
0x403: {  	v1 =	vadd.f32 v48, v1;
	_ =	sdelay $0x1  }
0x404: {  	(xrf2) =	vadd.scan.msk.f32 $0xffff, v1;
	_ =	sdelay $0x5  }
0x405: {  	v49 =	vor.u32 $0xB, v0;
	_ =	sdelay $0x3  }
0x406: {  	v50, _, _ =	vpop (xrf2)  }
0x407: {  	[tilespmem:v49+s23+$0x0] =	vst.idx.msk vm0, v50  }
0x408: {  	v1 =	vld [tilespmem:s0+$0x12F40]  }
0x409: {  	v2 =	vld [tilespmem:s0+$0x14F40]  }
0x40a: {  	v51 =	vld [tilespmem:s0+$0x12F50]  }
0x40b: {  	v52 =	vld [tilespmem:s0+$0x14F50]  }
0x40c: {  	v58 =	vld [tilespmem:s0+$0x12F60]  }
0x40d: {  	v60 =	vld [tilespmem:s0+$0x14F60]  }
0x40e: {  	v61 =	vld [tilespmem:s0+$0x12F70];
	v53 =	vunpack.i.u.bf16.f32 v1  }
0x40f: {  	v63 =	vld [tilespmem:s0+$0x14F70];
	v1 =	vunpack.i.l.bf16.f32 v1;
	v54 =	vunpack.i.u.bf16.f32 v2;
	v2 =	vunpack.i.l.bf16.f32 v2  }
0x410: {  	v56 =	vunpack.i.u.bf16.f32 v51;
	v3 =	vunpack.i.l.bf16.f32 v51;
	v57 =	vunpack.i.u.bf16.f32 v52  }
0x411: {  	v4 =	vunpack.i.l.bf16.f32 v52;
	v9 =	vunpack.i.u.bf16.f32 v58;
	v10 =	vunpack.i.l.bf16.f32 v58  }
0x412: {  	v11 =	vunpack.i.u.bf16.f32 v60;
	v1 =	vmul.f32 v2, v1;
	v55 =	vmul.f32 v54, v53  }
0x413: {  	v5 =	vunpack.i.l.bf16.f32 v60;
	v3 =	vmul.f32 v4, v3;
	v59 =	vmul.f32 v57, v56  }
0x414: {  	v12 =	vunpack.i.u.bf16.f32 v61;
	v13 =	vunpack.i.u.bf16.f32 v63;
	v4 =	vmul.f32 v5, v10  }
0x415: {  	v2 =	vmul.f32 v11, v9;
	v1 =	vadd.f32 v1, v55;
	v62 =	vadd.f32 v3, v59  }
0x416: {  	v6 =	vunpack.i.l.bf16.f32 v61;
	v14 =	vmul.f32 v13, v12;
	v3 =	vunpack.i.l.bf16.f32 v63  }
0x417: {  	v2 =	vadd.f32 v4, v2;
	v3 =	vmul.f32 v3, v6;
	v1 =	vadd.f32 v62, v1;
	_ =	sdelay $0x1  }
0x418: {  	v15 =	vadd.f32 v3, v14;
	v1 =	vadd.f32 v2, v1;
	_ =	sdelay $0x1  }
0x419: {  	v1 =	vadd.f32 v15, v1;
	_ =	sdelay $0x1  }
0x41a: {  	(xrf2) =	vadd.scan.msk.f32 $0xffff, v1;
	_ =	sdelay $0x5  }
0x41b: {  	v16 =	vor.u32 $0xC, v0;
	_ =	sdelay $0x3  }
0x41c: {  	v17, _, _ =	vpop (xrf2)  }
0x41d: {  	[tilespmem:v16+s23+$0x0] =	vst.idx.msk vm0, v17  }
0x41e: {  	v1 =	vld [tilespmem:s0+$0x12F80]  }
0x41f: {  	v2 =	vld [tilespmem:s0+$0x14F80]  }
0x420: {  	v18 =	vld [tilespmem:s0+$0x12F90]  }
0x421: {  	v19 =	vld [tilespmem:s0+$0x14F90]  }
0x422: {  	v25 =	vld [tilespmem:s0+$0x12FA0]  }
0x423: {  	v27 =	vld [tilespmem:s0+$0x14FA0]  }
0x424: {  	v28 =	vld [tilespmem:s0+$0x12FB0];
	v20 =	vunpack.i.u.bf16.f32 v1  }
0x425: {  	v30 =	vld [tilespmem:s0+$0x14FB0];
	v1 =	vunpack.i.l.bf16.f32 v1;
	v21 =	vunpack.i.u.bf16.f32 v2;
	v2 =	vunpack.i.l.bf16.f32 v2  }
0x426: {  	v23 =	vunpack.i.u.bf16.f32 v18;
	v3 =	vunpack.i.l.bf16.f32 v18;
	v24 =	vunpack.i.u.bf16.f32 v19  }
0x427: {  	v4 =	vunpack.i.l.bf16.f32 v19;
	v31 =	vunpack.i.u.bf16.f32 v25;
	v32 =	vunpack.i.l.bf16.f32 v25  }
0x428: {  	v33 =	vunpack.i.u.bf16.f32 v27;
	v1 =	vmul.f32 v2, v1;
	v22 =	vmul.f32 v21, v20  }
0x429: {  	v5 =	vunpack.i.l.bf16.f32 v27;
	v3 =	vmul.f32 v4, v3;
	v26 =	vmul.f32 v24, v23  }
0x42a: {  	v34 =	vunpack.i.u.bf16.f32 v28;
	v35 =	vunpack.i.u.bf16.f32 v30;
	v4 =	vmul.f32 v5, v32  }
0x42b: {  	v2 =	vmul.f32 v33, v31;
	v1 =	vadd.f32 v1, v22;
	v29 =	vadd.f32 v3, v26  }
0x42c: {  	v6 =	vunpack.i.l.bf16.f32 v28;
	v36 =	vmul.f32 v35, v34;
	v3 =	vunpack.i.l.bf16.f32 v30  }
0x42d: {  	v2 =	vadd.f32 v4, v2;
	v3 =	vmul.f32 v3, v6;
	v1 =	vadd.f32 v29, v1;
	_ =	sdelay $0x1  }
0x42e: {  	v37 =	vadd.f32 v3, v36;
	v1 =	vadd.f32 v2, v1;
	_ =	sdelay $0x1  }
0x42f: {  	v1 =	vadd.f32 v37, v1;
	_ =	sdelay $0x1  }
0x430: {  	(xrf2) =	vadd.scan.msk.f32 $0xffff, v1;
	_ =	sdelay $0x5  }
0x431: {  	v38 =	vor.u32 $0xD, v0;
	_ =	sdelay $0x3  }
0x432: {  	v39, _, _ =	vpop (xrf2)  }
0x433: {  	[tilespmem:v38+s23+$0x0] =	vst.idx.msk vm0, v39  }
0x434: {  	v1 =	vld [tilespmem:s0+$0x12FC0]  }
0x435: {  	v2 =	vld [tilespmem:s0+$0x14FC0]  }
0x436: {  	v40 =	vld [tilespmem:s0+$0x12FD0]  }
0x437: {  	v41 =	vld [tilespmem:s0+$0x14FD0]  }
0x438: {  	v47 =	vld [tilespmem:s0+$0x12FE0]  }
0x439: {  	v49 =	vld [tilespmem:s0+$0x14FE0]  }
0x43a: {  	v50 =	vld [tilespmem:s0+$0x12FF0];
	v42 =	vunpack.i.u.bf16.f32 v1  }
0x43b: {  	v52 =	vld [tilespmem:s0+$0x14FF0];
	v1 =	vunpack.i.l.bf16.f32 v1;
	v43 =	vunpack.i.u.bf16.f32 v2;
	v2 =	vunpack.i.l.bf16.f32 v2  }
0x43c: {  	v45 =	vunpack.i.u.bf16.f32 v40;
	v3 =	vunpack.i.l.bf16.f32 v40;
	v46 =	vunpack.i.u.bf16.f32 v41  }
0x43d: {  	v4 =	vunpack.i.l.bf16.f32 v41;
	v53 =	vunpack.i.u.bf16.f32 v47;
	v54 =	vunpack.i.l.bf16.f32 v47  }
0x43e: {  	v55 =	vunpack.i.u.bf16.f32 v49;
	v1 =	vmul.f32 v2, v1;
	v44 =	vmul.f32 v43, v42  }
0x43f: {  	v5 =	vunpack.i.l.bf16.f32 v49;
	v3 =	vmul.f32 v4, v3;
	v48 =	vmul.f32 v46, v45  }
0x440: {  	v56 =	vunpack.i.u.bf16.f32 v50;
	v57 =	vunpack.i.u.bf16.f32 v52;
	v4 =	vmul.f32 v5, v54  }
0x441: {  	v2 =	vmul.f32 v55, v53;
	v1 =	vadd.f32 v1, v44;
	v51 =	vadd.f32 v3, v48  }
0x442: {  	v6 =	vunpack.i.l.bf16.f32 v50;
	v58 =	vmul.f32 v57, v56;
	v3 =	vunpack.i.l.bf16.f32 v52  }
0x443: {  	v2 =	vadd.f32 v4, v2;
	v3 =	vmul.f32 v3, v6;
	v1 =	vadd.f32 v51, v1;
	_ =	sdelay $0x1  }
0x444: {  	v59 =	vadd.f32 v3, v58;
	v1 =	vadd.f32 v2, v1;
	_ =	sdelay $0x1  }
0x445: {  	v1 =	vadd.f32 v59, v1;
	_ =	sdelay $0x1  }
0x446: {  	(xrf2) =	vadd.scan.msk.f32 $0xffff, v1;
	_ =	sdelay $0x2  }
0x447: {  	s17 =	sor.u32 $0x10, s17  }
0x448: {  	s31 =	sshll.u32 s17, $0x6  }
0x449: {  	v9 =	vld [tilespmem:s31+$0x12C40]  }
0x44a: {  	v60 =	vor.u32 $0xE, v0;
	v18 =	vld [tilespmem:s31+$0x14C40]  }
0x44b: {  	v19 =	vld [tilespmem:s31+$0x12C50]  }
0x44c: {  	v32 =	vld [tilespmem:s31+$0x12C70]  }
0x44d: {  	v34 =	vld [tilespmem:s31+$0x14C70]  }
0x44e: {  	v22 =	vld [tilespmem:s31+$0x14C50];
	v61, _, _ =	vpop (xrf2)  }
0x44f: {  	v29 =	vld [tilespmem:s31+$0x14C60];
	[tilespmem:v60+s23+$0x0] =	vst.idx.msk vm0, v61  }
0x450: {  	v1 =	vld [tilespmem:s0+$0x13000]  }
0x451: {  	v2 =	vld [tilespmem:s0+$0x15000]  }
0x452: {  	v62 =	vld [tilespmem:s0+$0x13010]  }
0x453: {  	v26 =	vunpack.i.u.bf16.f32 v19;
	v27 =	vunpack.i.u.bf16.f32 v22;
	v63 =	vld [tilespmem:s0+$0x15010]  }
0x454: {  	v24 =	vunpack.i.u.bf16.f32 v9;
	v9 =	vunpack.i.l.bf16.f32 v9;
	v28 =	vmul.f32 v27, v26;
	v13 =	vld [tilespmem:s0+$0x13020]  }
0x455: {  	v38 =	vunpack.i.u.bf16.f32 v29;
	v39 =	vunpack.i.u.bf16.f32 v32;
	v5 =	vunpack.i.l.bf16.f32 v18;
	v16 =	vld [tilespmem:s0+$0x15020]  }
0x456: {  	v40 =	vunpack.i.u.bf16.f32 v34;
	v5 =	vmul.f32 v5, v9;
	v23 =	vld [tilespmem:s0+$0x13030];
	v11 =	vunpack.i.u.bf16.f32 v1  }
0x457: {  	v1 =	vunpack.i.l.bf16.f32 v1;
	v12 =	vunpack.i.u.bf16.f32 v2;
	v2 =	vunpack.i.l.bf16.f32 v2  }
0x458: {  	v15 =	vunpack.i.u.bf16.f32 v62;
	v3 =	vunpack.i.l.bf16.f32 v62;
	v8 =	vunpack.i.u.bf16.f32 v63  }
0x459: {  	v4 =	vunpack.i.l.bf16.f32 v63;
	v21 =	vunpack.i.u.bf16.f32 v13;
	v7 =	vunpack.i.l.bf16.f32 v13  }
0x45a: {  	v10 =	vunpack.i.u.bf16.f32 v16;
	v6 =	vunpack.i.l.bf16.f32 v16;
	v1 =	vmul.f32 v2, v1  }
0x45b: {  	v31 =	vunpack.i.l.bf16.f32 v23;
	v14 =	vmul.f32 v12, v11;
	v3 =	vmul.f32 v4, v3  }
0x45c: {  	v13 =	vld [tilespmem:s31+$0x12C60];
	v17 =	vmul.f32 v8, v15;
	v6 =	vmul.f32 v6, v7;
	v12 =	vunpack.i.u.bf16.f32 v18  }
0x45d: {  	v11 =	vld [tilespmem:s0+$0x15030];
	v8 =	vunpack.i.l.bf16.f32 v19;
	v4 =	vunpack.i.l.bf16.f32 v22;
	v7 =	vunpack.i.u.bf16.f32 v23  }
0x45e: {  	v25 =	vmul.f32 v12, v24;
	v4 =	vmul.f32 v4, v8;
	v8 =	vunpack.i.l.bf16.f32 v34  }
0x45f: {  	v1 =	vadd.f32 v1, v14;
	v20 =	vadd.f32 v3, v17;
	v3 =	vmul.f32 v10, v21  }
0x460: {  	v10 =	vunpack.i.l.bf16.f32 v29;
	v5 =	vadd.f32 v5, v25;
	v4 =	vadd.f32 v4, v28  }
0x461: {  	v1 =	vadd.f32 v20, v1;
	v30 =	vadd.f32 v6, v3;
	v36 =	vunpack.i.u.bf16.f32 v13  }
0x462: {  	v37 =	vunpack.i.l.bf16.f32 v13;
	v33 =	vunpack.i.l.bf16.f32 v11;
	v35 =	vunpack.i.u.bf16.f32 v11  }
0x463: {  	v4 =	vadd.f32 v4, v5;
	v9 =	vmul.f32 v10, v37;
	v5 =	vmul.f32 v38, v36  }
0x464: {  	v6 =	vunpack.i.l.bf16.f32 v32;
	v3 =	vmul.f32 v33, v31;
	v7 =	vmul.f32 v35, v7  }
0x465: {  	v41 =	vmul.f32 v40, v39;
	v6 =	vmul.f32 v8, v6;
	v5 =	vadd.f32 v9, v5  }
0x466: {  	v1 =	vadd.f32 v30, v1;
	v42 =	vadd.f32 v3, v7  }
0x467: {  	v44 =	vadd.f32 v6, v41;
	v43 =	vadd.f32 v5, v4  }
0x468: {  	v1 =	vadd.f32 v42, v1  }
0x469: {  	v45 =	vadd.f32 v44, v43  }
0x46a: {  	(xrf2) =	vadd.scan.msk.f32 $0xffff, v1  }
0x46b: {  	(xrf2) =	vadd.scan.msk.f32 $0xffff, v45;
	_ =	sdelay $0x4  }
0x46c: {  	s17 =	sor.u32 s30, s17  }
0x46d: {  	v2 =	vmov s17;
	_ =	sdelay $0x2  }
0x46e: {  	v1, _, _ =	vpop (xrf2)  }
0x46f: {  	v46, _, _ =	vpop (xrf2)  }
0x470: {  	[tilespmem:v2+s23+$0x0] =	vst.idx.msk vm0, v46  }
0x471: {  	v3 =	vld [tilespmem:s0+$0x13080]  }
0x472: {  	v47 =	vld [tilespmem:s0+$0x15080]  }
0x473: {  	v48 =	vld [tilespmem:s0+$0x13090]  }
0x474: {  	v49 =	vld [tilespmem:s0+$0x15090]  }
0x475: {  	v55 =	vld [tilespmem:s0+$0x130A0]  }
0x476: {  	v57 =	vld [tilespmem:s0+$0x150A0]  }
0x477: {  	v58 =	vld [tilespmem:s0+$0x130B0];
	v50 =	vunpack.i.u.bf16.f32 v3  }
0x478: {  	v60 =	vld [tilespmem:s0+$0x150B0];
	v3 =	vunpack.i.l.bf16.f32 v3;
	v51 =	vunpack.i.u.bf16.f32 v47;
	v4 =	vunpack.i.l.bf16.f32 v47  }
0x479: {  	v53 =	vunpack.i.u.bf16.f32 v48;
	v5 =	vunpack.i.l.bf16.f32 v48;
	v54 =	vunpack.i.u.bf16.f32 v49  }
0x47a: {  	v6 =	vunpack.i.l.bf16.f32 v49;
	v61 =	vunpack.i.u.bf16.f32 v55;
	v62 =	vunpack.i.l.bf16.f32 v55  }
0x47b: {  	v63 =	vunpack.i.u.bf16.f32 v57;
	v3 =	vmul.f32 v4, v3;
	v52 =	vmul.f32 v51, v50  }
0x47c: {  	v7 =	vunpack.i.l.bf16.f32 v57;
	v5 =	vmul.f32 v6, v5;
	v56 =	vmul.f32 v54, v53  }
0x47d: {  	v12 =	vunpack.i.u.bf16.f32 v58;
	v13 =	vunpack.i.u.bf16.f32 v60;
	v6 =	vmul.f32 v7, v62  }
0x47e: {  	v4 =	vmul.f32 v63, v61;
	v3 =	vadd.f32 v3, v52;
	v59 =	vadd.f32 v5, v56  }
0x47f: {  	v8 =	vunpack.i.l.bf16.f32 v58;
	v14 =	vmul.f32 v13, v12;
	v5 =	vunpack.i.l.bf16.f32 v60  }
0x480: {  	v4 =	vadd.f32 v6, v4;
	v5 =	vmul.f32 v5, v8;
	v3 =	vadd.f32 v59, v3;
	_ =	sdelay $0x1  }
0x481: {  	v15 =	vadd.f32 v5, v14;
	v3 =	vadd.f32 v4, v3;
	_ =	sdelay $0x1  }
0x482: {  	v3 =	vadd.f32 v15, v3;
	_ =	sdelay $0x1  }
0x483: {  	(xrf2) =	vadd.scan.msk.f32 $0xffff, v3;
	_ =	sdelay $0x5  }
0x484: {  	v16 =	vor.u32 $0x1, v2;
	_ =	sdelay $0x3  }
0x485: {  	v17, _, _ =	vpop (xrf2)  }
0x486: {  	[tilespmem:v16+s23+$0x0] =	vst.idx.msk vm0, v17  }
0x487: {  	v3 =	vld [tilespmem:s0+$0x130C0]  }
0x488: {  	v4 =	vld [tilespmem:s0+$0x150C0]  }
0x489: {  	v18 =	vld [tilespmem:s0+$0x130D0]  }
0x48a: {  	v19 =	vld [tilespmem:s0+$0x150D0]  }
0x48b: {  	v25 =	vld [tilespmem:s0+$0x130E0]  }
0x48c: {  	v27 =	vld [tilespmem:s0+$0x150E0]  }
0x48d: {  	v28 =	vld [tilespmem:s0+$0x130F0];
	v20 =	vunpack.i.u.bf16.f32 v3  }
0x48e: {  	v30 =	vld [tilespmem:s0+$0x150F0];
	v3 =	vunpack.i.l.bf16.f32 v3;
	v21 =	vunpack.i.u.bf16.f32 v4;
	v4 =	vunpack.i.l.bf16.f32 v4  }
0x48f: {  	v23 =	vunpack.i.u.bf16.f32 v18;
	v5 =	vunpack.i.l.bf16.f32 v18;
	v24 =	vunpack.i.u.bf16.f32 v19  }
0x490: {  	v6 =	vunpack.i.l.bf16.f32 v19;
	v31 =	vunpack.i.u.bf16.f32 v25;
	v32 =	vunpack.i.l.bf16.f32 v25  }
0x491: {  	v33 =	vunpack.i.u.bf16.f32 v27;
	v3 =	vmul.f32 v4, v3;
	v22 =	vmul.f32 v21, v20  }
0x492: {  	v7 =	vunpack.i.l.bf16.f32 v27;
	v5 =	vmul.f32 v6, v5;
	v26 =	vmul.f32 v24, v23  }
0x493: {  	v34 =	vunpack.i.u.bf16.f32 v28;
	v35 =	vunpack.i.u.bf16.f32 v30;
	v6 =	vmul.f32 v7, v32  }
0x494: {  	v4 =	vmul.f32 v33, v31;
	v3 =	vadd.f32 v3, v22;
	v29 =	vadd.f32 v5, v26  }
0x495: {  	v8 =	vunpack.i.l.bf16.f32 v28;
	v36 =	vmul.f32 v35, v34;
	v5 =	vunpack.i.l.bf16.f32 v30  }
0x496: {  	v4 =	vadd.f32 v6, v4;
	v5 =	vmul.f32 v5, v8;
	v3 =	vadd.f32 v29, v3;
	_ =	sdelay $0x1  }
0x497: {  	v37 =	vadd.f32 v5, v36;
	v3 =	vadd.f32 v4, v3;
	_ =	sdelay $0x1  }
0x498: {  	v3 =	vadd.f32 v37, v3;
	_ =	sdelay $0x1  }
0x499: {  	(xrf2) =	vadd.scan.msk.f32 $0xffff, v3;
	_ =	sdelay $0x5  }
0x49a: {  	v38 =	vor.u32 $0x2, v2;
	_ =	sdelay $0x3  }
0x49b: {  	v39, _, _ =	vpop (xrf2)  }
0x49c: {  	[tilespmem:v38+s23+$0x0] =	vst.idx.msk vm0, v39  }
0x49d: {  	v3 =	vld [tilespmem:s0+$0x13100]  }
0x49e: {  	v4 =	vld [tilespmem:s0+$0x15100]  }
0x49f: {  	v40 =	vld [tilespmem:s0+$0x13110]  }
0x4a0: {  	v41 =	vld [tilespmem:s0+$0x15110]  }
0x4a1: {  	v47 =	vld [tilespmem:s0+$0x13120]  }
0x4a2: {  	v49 =	vld [tilespmem:s0+$0x15120]  }
0x4a3: {  	v50 =	vld [tilespmem:s0+$0x13130];
	v42 =	vunpack.i.u.bf16.f32 v3  }
0x4a4: {  	v52 =	vld [tilespmem:s0+$0x15130];
	v3 =	vunpack.i.l.bf16.f32 v3;
	v43 =	vunpack.i.u.bf16.f32 v4;
	v4 =	vunpack.i.l.bf16.f32 v4  }
0x4a5: {  	v45 =	vunpack.i.u.bf16.f32 v40;
	v5 =	vunpack.i.l.bf16.f32 v40;
	v46 =	vunpack.i.u.bf16.f32 v41  }
0x4a6: {  	v6 =	vunpack.i.l.bf16.f32 v41;
	v53 =	vunpack.i.u.bf16.f32 v47;
	v54 =	vunpack.i.l.bf16.f32 v47  }
0x4a7: {  	v55 =	vunpack.i.u.bf16.f32 v49;
	v3 =	vmul.f32 v4, v3;
	v44 =	vmul.f32 v43, v42  }
0x4a8: {  	v7 =	vunpack.i.l.bf16.f32 v49;
	v5 =	vmul.f32 v6, v5;
	v48 =	vmul.f32 v46, v45  }
0x4a9: {  	v56 =	vunpack.i.u.bf16.f32 v50;
	v57 =	vunpack.i.u.bf16.f32 v52;
	v6 =	vmul.f32 v7, v54  }
0x4aa: {  	v4 =	vmul.f32 v55, v53;
	v3 =	vadd.f32 v3, v44;
	v51 =	vadd.f32 v5, v48  }
0x4ab: {  	v8 =	vunpack.i.l.bf16.f32 v50;
	v58 =	vmul.f32 v57, v56;
	v5 =	vunpack.i.l.bf16.f32 v52  }
0x4ac: {  	v4 =	vadd.f32 v6, v4;
	v5 =	vmul.f32 v5, v8;
	v3 =	vadd.f32 v51, v3;
	_ =	sdelay $0x1  }
0x4ad: {  	v59 =	vadd.f32 v5, v58;
	v3 =	vadd.f32 v4, v3;
	_ =	sdelay $0x1  }
0x4ae: {  	v3 =	vadd.f32 v59, v3;
	_ =	sdelay $0x1  }
0x4af: {  	(xrf2) =	vadd.scan.msk.f32 $0xffff, v3;
	_ =	sdelay $0x5  }
0x4b0: {  	v60 =	vor.u32 $0x3, v2;
	_ =	sdelay $0x3  }
0x4b1: {  	v61, _, _ =	vpop (xrf2)  }
0x4b2: {  	[tilespmem:v60+s23+$0x0] =	vst.idx.msk vm0, v61  }
0x4b3: {  	v3 =	vld [tilespmem:s0+$0x13140]  }
0x4b4: {  	v4 =	vld [tilespmem:s0+$0x15140]  }
0x4b5: {  	v62 =	vld [tilespmem:s0+$0x13150]  }
0x4b6: {  	v63 =	vld [tilespmem:s0+$0x15150]  }
0x4b7: {  	v17 =	vld [tilespmem:s0+$0x13160]  }
0x4b8: {  	v19 =	vld [tilespmem:s0+$0x15160]  }
0x4b9: {  	v20 =	vld [tilespmem:s0+$0x13170];
	v12 =	vunpack.i.u.bf16.f32 v3  }
0x4ba: {  	v22 =	vld [tilespmem:s0+$0x15170];
	v3 =	vunpack.i.l.bf16.f32 v3;
	v13 =	vunpack.i.u.bf16.f32 v4;
	v4 =	vunpack.i.l.bf16.f32 v4  }
0x4bb: {  	v15 =	vunpack.i.u.bf16.f32 v62;
	v5 =	vunpack.i.l.bf16.f32 v62;
	v16 =	vunpack.i.u.bf16.f32 v63  }
0x4bc: {  	v6 =	vunpack.i.l.bf16.f32 v63;
	v23 =	vunpack.i.u.bf16.f32 v17;
	v24 =	vunpack.i.l.bf16.f32 v17  }
0x4bd: {  	v25 =	vunpack.i.u.bf16.f32 v19;
	v3 =	vmul.f32 v4, v3;
	v14 =	vmul.f32 v13, v12  }
0x4be: {  	v7 =	vunpack.i.l.bf16.f32 v19;
	v5 =	vmul.f32 v6, v5;
	v18 =	vmul.f32 v16, v15  }
0x4bf: {  	v26 =	vunpack.i.u.bf16.f32 v20;
	v27 =	vunpack.i.u.bf16.f32 v22;
	v6 =	vmul.f32 v7, v24  }
0x4c0: {  	v4 =	vmul.f32 v25, v23;
	v3 =	vadd.f32 v3, v14;
	v21 =	vadd.f32 v5, v18  }
0x4c1: {  	v8 =	vunpack.i.l.bf16.f32 v20;
	v28 =	vmul.f32 v27, v26;
	v5 =	vunpack.i.l.bf16.f32 v22  }
0x4c2: {  	v4 =	vadd.f32 v6, v4;
	v5 =	vmul.f32 v5, v8;
	v3 =	vadd.f32 v21, v3;
	_ =	sdelay $0x1  }
0x4c3: {  	v29 =	vadd.f32 v5, v28;
	v3 =	vadd.f32 v4, v3;
	_ =	sdelay $0x1  }
0x4c4: {  	v3 =	vadd.f32 v29, v3;
	_ =	sdelay $0x1  }
0x4c5: {  	(xrf2) =	vadd.scan.msk.f32 $0xffff, v3;
	_ =	sdelay $0x5  }
0x4c6: {  	v30 =	vor.u32 $0x4, v2;
	_ =	sdelay $0x3  }
0x4c7: {  	v31, _, _ =	vpop (xrf2)  }
0x4c8: {  	[tilespmem:v30+s23+$0x0] =	vst.idx.msk vm0, v31  }
0x4c9: {  	v3 =	vld [tilespmem:s0+$0x13180]  }
0x4ca: {  	v4 =	vld [tilespmem:s0+$0x15180]  }
0x4cb: {  	v32 =	vld [tilespmem:s0+$0x13190]  }
0x4cc: {  	v33 =	vld [tilespmem:s0+$0x15190]  }
0x4cd: {  	v39 =	vld [tilespmem:s0+$0x131A0]  }
0x4ce: {  	v41 =	vld [tilespmem:s0+$0x151A0]  }
0x4cf: {  	v42 =	vld [tilespmem:s0+$0x131B0];
	v34 =	vunpack.i.u.bf16.f32 v3  }
0x4d0: {  	v44 =	vld [tilespmem:s0+$0x151B0];
	v3 =	vunpack.i.l.bf16.f32 v3;
	v35 =	vunpack.i.u.bf16.f32 v4;
	v4 =	vunpack.i.l.bf16.f32 v4  }
0x4d1: {  	v37 =	vunpack.i.u.bf16.f32 v32;
	v5 =	vunpack.i.l.bf16.f32 v32;
	v38 =	vunpack.i.u.bf16.f32 v33  }
0x4d2: {  	v6 =	vunpack.i.l.bf16.f32 v33;
	v45 =	vunpack.i.u.bf16.f32 v39;
	v46 =	vunpack.i.l.bf16.f32 v39  }
0x4d3: {  	v47 =	vunpack.i.u.bf16.f32 v41;
	v3 =	vmul.f32 v4, v3;
	v36 =	vmul.f32 v35, v34  }
0x4d4: {  	v7 =	vunpack.i.l.bf16.f32 v41;
	v5 =	vmul.f32 v6, v5;
	v40 =	vmul.f32 v38, v37  }
0x4d5: {  	v48 =	vunpack.i.u.bf16.f32 v42;
	v49 =	vunpack.i.u.bf16.f32 v44;
	v6 =	vmul.f32 v7, v46  }
0x4d6: {  	v4 =	vmul.f32 v47, v45;
	v3 =	vadd.f32 v3, v36;
	v43 =	vadd.f32 v5, v40  }
0x4d7: {  	v8 =	vunpack.i.l.bf16.f32 v42;
	v50 =	vmul.f32 v49, v48;
	v5 =	vunpack.i.l.bf16.f32 v44  }
0x4d8: {  	v4 =	vadd.f32 v6, v4;
	v5 =	vmul.f32 v5, v8;
	v3 =	vadd.f32 v43, v3;
	_ =	sdelay $0x1  }
0x4d9: {  	v51 =	vadd.f32 v5, v50;
	v3 =	vadd.f32 v4, v3;
	_ =	sdelay $0x1  }
0x4da: {  	v3 =	vadd.f32 v51, v3;
	_ =	sdelay $0x1  }
0x4db: {  	(xrf2) =	vadd.scan.msk.f32 $0xffff, v3;
	_ =	sdelay $0x5  }
0x4dc: {  	v52 =	vor.u32 $0x5, v2;
	_ =	sdelay $0x3  }
0x4dd: {  	v53, _, _ =	vpop (xrf2)  }
0x4de: {  	[tilespmem:v52+s23+$0x0] =	vst.idx.msk vm0, v53  }
0x4df: {  	v3 =	vld [tilespmem:s0+$0x131C0]  }
0x4e0: {  	v4 =	vld [tilespmem:s0+$0x151C0]  }
0x4e1: {  	v54 =	vld [tilespmem:s0+$0x131D0]  }
0x4e2: {  	v55 =	vld [tilespmem:s0+$0x151D0]  }
0x4e3: {  	v61 =	vld [tilespmem:s0+$0x131E0]  }
0x4e4: {  	v63 =	vld [tilespmem:s0+$0x151E0]  }
0x4e5: {  	v12 =	vld [tilespmem:s0+$0x131F0];
	v56 =	vunpack.i.u.bf16.f32 v3  }
0x4e6: {  	v14 =	vld [tilespmem:s0+$0x151F0];
	v3 =	vunpack.i.l.bf16.f32 v3;
	v57 =	vunpack.i.u.bf16.f32 v4;
	v4 =	vunpack.i.l.bf16.f32 v4  }
0x4e7: {  	v59 =	vunpack.i.u.bf16.f32 v54;
	v5 =	vunpack.i.l.bf16.f32 v54;
	v60 =	vunpack.i.u.bf16.f32 v55  }
0x4e8: {  	v6 =	vunpack.i.l.bf16.f32 v55;
	v15 =	vunpack.i.u.bf16.f32 v61;
	v16 =	vunpack.i.l.bf16.f32 v61  }
0x4e9: {  	v17 =	vunpack.i.u.bf16.f32 v63;
	v3 =	vmul.f32 v4, v3;
	v58 =	vmul.f32 v57, v56  }
0x4ea: {  	v7 =	vunpack.i.l.bf16.f32 v63;
	v5 =	vmul.f32 v6, v5;
	v62 =	vmul.f32 v60, v59  }
0x4eb: {  	v18 =	vunpack.i.u.bf16.f32 v12;
	v19 =	vunpack.i.u.bf16.f32 v14;
	v6 =	vmul.f32 v7, v16  }
0x4ec: {  	v4 =	vmul.f32 v17, v15;
	v3 =	vadd.f32 v3, v58;
	v13 =	vadd.f32 v5, v62  }
0x4ed: {  	v8 =	vunpack.i.l.bf16.f32 v12;
	v20 =	vmul.f32 v19, v18;
	v5 =	vunpack.i.l.bf16.f32 v14  }
0x4ee: {  	v4 =	vadd.f32 v6, v4;
	v5 =	vmul.f32 v5, v8;
	v3 =	vadd.f32 v13, v3;
	_ =	sdelay $0x1  }
0x4ef: {  	v21 =	vadd.f32 v5, v20;
	v3 =	vadd.f32 v4, v3;
	_ =	sdelay $0x1  }
0x4f0: {  	v3 =	vadd.f32 v21, v3;
	_ =	sdelay $0x1  }
0x4f1: {  	(xrf2) =	vadd.scan.msk.f32 $0xffff, v3;
	_ =	sdelay $0x5  }
0x4f2: {  	v22 =	vor.u32 $0x6, v2;
	_ =	sdelay $0x3  }
0x4f3: {  	v23, _, _ =	vpop (xrf2)  }
0x4f4: {  	[tilespmem:v22+s23+$0x0] =	vst.idx.msk vm0, v23  }
0x4f5: {  	v3 =	vld [tilespmem:s0+$0x13200]  }
0x4f6: {  	v4 =	vld [tilespmem:s0+$0x15200]  }
0x4f7: {  	v24 =	vld [tilespmem:s0+$0x13210]  }
0x4f8: {  	v25 =	vld [tilespmem:s0+$0x15210]  }
0x4f9: {  	v31 =	vld [tilespmem:s0+$0x13220]  }
0x4fa: {  	v33 =	vld [tilespmem:s0+$0x15220]  }
0x4fb: {  	v34 =	vld [tilespmem:s0+$0x13230];
	v26 =	vunpack.i.u.bf16.f32 v3  }
0x4fc: {  	v36 =	vld [tilespmem:s0+$0x15230];
	v3 =	vunpack.i.l.bf16.f32 v3;
	v27 =	vunpack.i.u.bf16.f32 v4;
	v4 =	vunpack.i.l.bf16.f32 v4  }
0x4fd: {  	v29 =	vunpack.i.u.bf16.f32 v24;
	v5 =	vunpack.i.l.bf16.f32 v24;
	v30 =	vunpack.i.u.bf16.f32 v25  }
0x4fe: {  	v6 =	vunpack.i.l.bf16.f32 v25;
	v37 =	vunpack.i.u.bf16.f32 v31;
	v38 =	vunpack.i.l.bf16.f32 v31  }
0x4ff: {  	v39 =	vunpack.i.u.bf16.f32 v33;
	v3 =	vmul.f32 v4, v3;
	v28 =	vmul.f32 v27, v26  }
0x500: {  	v7 =	vunpack.i.l.bf16.f32 v33;
	v5 =	vmul.f32 v6, v5;
	v32 =	vmul.f32 v30, v29  }
0x501: {  	v40 =	vunpack.i.u.bf16.f32 v34;
	v41 =	vunpack.i.u.bf16.f32 v36;
	v6 =	vmul.f32 v7, v38  }
0x502: {  	v4 =	vmul.f32 v39, v37;
	v3 =	vadd.f32 v3, v28;
	v35 =	vadd.f32 v5, v32  }
0x503: {  	v8 =	vunpack.i.l.bf16.f32 v34;
	v42 =	vmul.f32 v41, v40;
	v5 =	vunpack.i.l.bf16.f32 v36  }
0x504: {  	v4 =	vadd.f32 v6, v4;
	v5 =	vmul.f32 v5, v8;
	v3 =	vadd.f32 v35, v3;
	_ =	sdelay $0x1  }
0x505: {  	v43 =	vadd.f32 v5, v42;
	v3 =	vadd.f32 v4, v3;
	_ =	sdelay $0x1  }
0x506: {  	v3 =	vadd.f32 v43, v3;
	_ =	sdelay $0x1  }
0x507: {  	(xrf2) =	vadd.scan.msk.f32 $0xffff, v3;
	_ =	sdelay $0x5  }
0x508: {  	v44 =	vor.u32 $0x7, v2;
	_ =	sdelay $0x3  }
0x509: {  	v45, _, _ =	vpop (xrf2)  }
0x50a: {  	[tilespmem:v44+s23+$0x0] =	vst.idx.msk vm0, v45  }
0x50b: {  	v3 =	vld [tilespmem:s0+$0x13240]  }
0x50c: {  	v4 =	vld [tilespmem:s0+$0x15240]  }
0x50d: {  	v46 =	vld [tilespmem:s0+$0x13250]  }
0x50e: {  	v47 =	vld [tilespmem:s0+$0x15250]  }
0x50f: {  	v53 =	vld [tilespmem:s0+$0x13260]  }
0x510: {  	v55 =	vld [tilespmem:s0+$0x15260]  }
0x511: {  	v56 =	vld [tilespmem:s0+$0x13270];
	v48 =	vunpack.i.u.bf16.f32 v3  }
0x512: {  	v58 =	vld [tilespmem:s0+$0x15270];
	v3 =	vunpack.i.l.bf16.f32 v3;
	v49 =	vunpack.i.u.bf16.f32 v4;
	v4 =	vunpack.i.l.bf16.f32 v4  }
0x513: {  	v51 =	vunpack.i.u.bf16.f32 v46;
	v5 =	vunpack.i.l.bf16.f32 v46;
	v52 =	vunpack.i.u.bf16.f32 v47  }
0x514: {  	v6 =	vunpack.i.l.bf16.f32 v47;
	v59 =	vunpack.i.u.bf16.f32 v53;
	v60 =	vunpack.i.l.bf16.f32 v53  }
0x515: {  	v61 =	vunpack.i.u.bf16.f32 v55;
	v3 =	vmul.f32 v4, v3;
	v50 =	vmul.f32 v49, v48  }
0x516: {  	v7 =	vunpack.i.l.bf16.f32 v55;
	v5 =	vmul.f32 v6, v5;
	v54 =	vmul.f32 v52, v51  }
0x517: {  	v62 =	vunpack.i.u.bf16.f32 v56;
	v63 =	vunpack.i.u.bf16.f32 v58;
	v6 =	vmul.f32 v7, v60  }
0x518: {  	v4 =	vmul.f32 v61, v59;
	v3 =	vadd.f32 v3, v50;
	v57 =	vadd.f32 v5, v54  }
0x519: {  	v8 =	vunpack.i.l.bf16.f32 v56;
	v11 =	vmul.f32 v63, v62;
	v5 =	vunpack.i.l.bf16.f32 v58  }
0x51a: {  	v4 =	vadd.f32 v6, v4;
	v5 =	vmul.f32 v5, v8;
	v3 =	vadd.f32 v57, v3;
	_ =	sdelay $0x1  }
0x51b: {  	v12 =	vadd.f32 v5, v11;
	v3 =	vadd.f32 v4, v3;
	_ =	sdelay $0x1  }
0x51c: {  	v3 =	vadd.f32 v12, v3;
	_ =	sdelay $0x1  }
0x51d: {  	(xrf2) =	vadd.scan.msk.f32 $0xffff, v3;
	_ =	sdelay $0x5  }
0x51e: {  	v13 =	vor.u32 $0x8, v2;
	_ =	sdelay $0x3  }
0x51f: {  	v14, _, _ =	vpop (xrf2)  }
0x520: {  	[tilespmem:v13+s23+$0x0] =	vst.idx.msk vm0, v14  }
0x521: {  	v3 =	vld [tilespmem:s0+$0x13280]  }
0x522: {  	v4 =	vld [tilespmem:s0+$0x15280]  }
0x523: {  	v15 =	vld [tilespmem:s0+$0x13290]  }
0x524: {  	v16 =	vld [tilespmem:s0+$0x15290]  }
0x525: {  	v22 =	vld [tilespmem:s0+$0x132A0]  }
0x526: {  	v24 =	vld [tilespmem:s0+$0x152A0]  }
0x527: {  	v25 =	vld [tilespmem:s0+$0x132B0];
	v17 =	vunpack.i.u.bf16.f32 v3  }
0x528: {  	v27 =	vld [tilespmem:s0+$0x152B0];
	v3 =	vunpack.i.l.bf16.f32 v3;
	v18 =	vunpack.i.u.bf16.f32 v4;
	v4 =	vunpack.i.l.bf16.f32 v4  }
0x529: {  	v20 =	vunpack.i.u.bf16.f32 v15;
	v5 =	vunpack.i.l.bf16.f32 v15;
	v21 =	vunpack.i.u.bf16.f32 v16  }
0x52a: {  	v6 =	vunpack.i.l.bf16.f32 v16;
	v28 =	vunpack.i.u.bf16.f32 v22;
	v29 =	vunpack.i.l.bf16.f32 v22  }
0x52b: {  	v30 =	vunpack.i.u.bf16.f32 v24;
	v3 =	vmul.f32 v4, v3;
	v19 =	vmul.f32 v18, v17  }
0x52c: {  	v7 =	vunpack.i.l.bf16.f32 v24;
	v5 =	vmul.f32 v6, v5;
	v23 =	vmul.f32 v21, v20  }
0x52d: {  	v31 =	vunpack.i.u.bf16.f32 v25;
	v32 =	vunpack.i.u.bf16.f32 v27;
	v6 =	vmul.f32 v7, v29  }
0x52e: {  	v4 =	vmul.f32 v30, v28;
	v3 =	vadd.f32 v3, v19;
	v26 =	vadd.f32 v5, v23  }
0x52f: {  	v8 =	vunpack.i.l.bf16.f32 v25;
	v33 =	vmul.f32 v32, v31;
	v5 =	vunpack.i.l.bf16.f32 v27  }
0x530: {  	v4 =	vadd.f32 v6, v4;
	v5 =	vmul.f32 v5, v8;
	v3 =	vadd.f32 v26, v3;
	_ =	sdelay $0x1  }
0x531: {  	v34 =	vadd.f32 v5, v33;
	v3 =	vadd.f32 v4, v3;
	_ =	sdelay $0x1  }
0x532: {  	v3 =	vadd.f32 v34, v3;
	_ =	sdelay $0x1  }
0x533: {  	(xrf2) =	vadd.scan.msk.f32 $0xffff, v3;
	_ =	sdelay $0x5  }
0x534: {  	v35 =	vor.u32 $0x9, v2;
	_ =	sdelay $0x3  }
0x535: {  	v36, _, _ =	vpop (xrf2)  }
0x536: {  	[tilespmem:v35+s23+$0x0] =	vst.idx.msk vm0, v36  }
0x537: {  	v3 =	vld [tilespmem:s0+$0x132C0]  }
0x538: {  	v4 =	vld [tilespmem:s0+$0x152C0]  }
0x539: {  	v37 =	vld [tilespmem:s0+$0x132D0]  }
0x53a: {  	v38 =	vld [tilespmem:s0+$0x152D0]  }
0x53b: {  	v44 =	vld [tilespmem:s0+$0x132E0]  }
0x53c: {  	v46 =	vld [tilespmem:s0+$0x152E0]  }
0x53d: {  	v47 =	vld [tilespmem:s0+$0x132F0];
	v39 =	vunpack.i.u.bf16.f32 v3  }
0x53e: {  	v49 =	vld [tilespmem:s0+$0x152F0];
	v3 =	vunpack.i.l.bf16.f32 v3;
	v40 =	vunpack.i.u.bf16.f32 v4;
	v4 =	vunpack.i.l.bf16.f32 v4  }
0x53f: {  	v42 =	vunpack.i.u.bf16.f32 v37;
	v5 =	vunpack.i.l.bf16.f32 v37;
	v43 =	vunpack.i.u.bf16.f32 v38  }
0x540: {  	v6 =	vunpack.i.l.bf16.f32 v38;
	v50 =	vunpack.i.u.bf16.f32 v44;
	v51 =	vunpack.i.l.bf16.f32 v44  }
0x541: {  	v52 =	vunpack.i.u.bf16.f32 v46;
	v3 =	vmul.f32 v4, v3;
	v41 =	vmul.f32 v40, v39  }
0x542: {  	v7 =	vunpack.i.l.bf16.f32 v46;
	v5 =	vmul.f32 v6, v5;
	v45 =	vmul.f32 v43, v42  }
0x543: {  	v53 =	vunpack.i.u.bf16.f32 v47;
	v54 =	vunpack.i.u.bf16.f32 v49;
	v6 =	vmul.f32 v7, v51  }
0x544: {  	v4 =	vmul.f32 v52, v50;
	v3 =	vadd.f32 v3, v41;
	v48 =	vadd.f32 v5, v45  }
0x545: {  	v8 =	vunpack.i.l.bf16.f32 v47;
	v55 =	vmul.f32 v54, v53;
	v5 =	vunpack.i.l.bf16.f32 v49  }
0x546: {  	v4 =	vadd.f32 v6, v4;
	v5 =	vmul.f32 v5, v8;
	v3 =	vadd.f32 v48, v3;
	_ =	sdelay $0x1  }
0x547: {  	v56 =	vadd.f32 v5, v55;
	v3 =	vadd.f32 v4, v3;
	_ =	sdelay $0x1  }
0x548: {  	v3 =	vadd.f32 v56, v3;
	_ =	sdelay $0x1  }
0x549: {  	(xrf2) =	vadd.scan.msk.f32 $0xffff, v3;
	_ =	sdelay $0x5  }
0x54a: {  	v57 =	vor.u32 $0xA, v2;
	_ =	sdelay $0x3  }
0x54b: {  	v58, _, _ =	vpop (xrf2)  }
0x54c: {  	[tilespmem:v57+s23+$0x0] =	vst.idx.msk vm0, v58  }
0x54d: {  	v3 =	vld [tilespmem:s0+$0x13300]  }
0x54e: {  	v4 =	vld [tilespmem:s0+$0x15300]  }
0x54f: {  	v59 =	vld [tilespmem:s0+$0x13310]  }
0x550: {  	v60 =	vld [tilespmem:s0+$0x15310]  }
0x551: {  	v14 =	vld [tilespmem:s0+$0x13320]  }
0x552: {  	v16 =	vld [tilespmem:s0+$0x15320]  }
0x553: {  	v17 =	vld [tilespmem:s0+$0x13330];
	v61 =	vunpack.i.u.bf16.f32 v3  }
0x554: {  	v19 =	vld [tilespmem:s0+$0x15330];
	v3 =	vunpack.i.l.bf16.f32 v3;
	v62 =	vunpack.i.u.bf16.f32 v4;
	v4 =	vunpack.i.l.bf16.f32 v4  }
0x555: {  	v12 =	vunpack.i.u.bf16.f32 v59;
	v5 =	vunpack.i.l.bf16.f32 v59;
	v13 =	vunpack.i.u.bf16.f32 v60  }
0x556: {  	v6 =	vunpack.i.l.bf16.f32 v60;
	v20 =	vunpack.i.u.bf16.f32 v14;
	v21 =	vunpack.i.l.bf16.f32 v14  }
0x557: {  	v22 =	vunpack.i.u.bf16.f32 v16;
	v3 =	vmul.f32 v4, v3;
	v63 =	vmul.f32 v62, v61  }
0x558: {  	v7 =	vunpack.i.l.bf16.f32 v16;
	v5 =	vmul.f32 v6, v5;
	v15 =	vmul.f32 v13, v12  }
0x559: {  	v23 =	vunpack.i.u.bf16.f32 v17;
	v24 =	vunpack.i.u.bf16.f32 v19;
	v6 =	vmul.f32 v7, v21  }
0x55a: {  	v4 =	vmul.f32 v22, v20;
	v3 =	vadd.f32 v3, v63;
	v18 =	vadd.f32 v5, v15  }
0x55b: {  	v8 =	vunpack.i.l.bf16.f32 v17;
	v25 =	vmul.f32 v24, v23;
	v5 =	vunpack.i.l.bf16.f32 v19  }
0x55c: {  	v4 =	vadd.f32 v6, v4;
	v5 =	vmul.f32 v5, v8;
	v3 =	vadd.f32 v18, v3;
	_ =	sdelay $0x1  }
0x55d: {  	v26 =	vadd.f32 v5, v25;
	v3 =	vadd.f32 v4, v3;
	_ =	sdelay $0x1  }
0x55e: {  	v3 =	vadd.f32 v26, v3;
	_ =	sdelay $0x1  }
0x55f: {  	(xrf2) =	vadd.scan.msk.f32 $0xffff, v3;
	_ =	sdelay $0x5  }
0x560: {  	v27 =	vor.u32 $0xB, v2;
	_ =	sdelay $0x3  }
0x561: {  	v28, _, _ =	vpop (xrf2)  }
0x562: {  	[tilespmem:v27+s23+$0x0] =	vst.idx.msk vm0, v28  }
0x563: {  	v3 =	vld [tilespmem:s0+$0x13340]  }
0x564: {  	v4 =	vld [tilespmem:s0+$0x15340]  }
0x565: {  	v29 =	vld [tilespmem:s0+$0x13350]  }
0x566: {  	v30 =	vld [tilespmem:s0+$0x15350]  }
0x567: {  	v36 =	vld [tilespmem:s0+$0x13360]  }
0x568: {  	v38 =	vld [tilespmem:s0+$0x15360]  }
0x569: {  	v39 =	vld [tilespmem:s0+$0x13370];
	v31 =	vunpack.i.u.bf16.f32 v3  }
0x56a: {  	v41 =	vld [tilespmem:s0+$0x15370];
	v3 =	vunpack.i.l.bf16.f32 v3;
	v32 =	vunpack.i.u.bf16.f32 v4;
	v4 =	vunpack.i.l.bf16.f32 v4  }
0x56b: {  	v34 =	vunpack.i.u.bf16.f32 v29;
	v5 =	vunpack.i.l.bf16.f32 v29;
	v35 =	vunpack.i.u.bf16.f32 v30  }
0x56c: {  	v6 =	vunpack.i.l.bf16.f32 v30;
	v42 =	vunpack.i.u.bf16.f32 v36;
	v43 =	vunpack.i.l.bf16.f32 v36  }
0x56d: {  	v44 =	vunpack.i.u.bf16.f32 v38;
	v3 =	vmul.f32 v4, v3;
	v33 =	vmul.f32 v32, v31  }
0x56e: {  	v7 =	vunpack.i.l.bf16.f32 v38;
	v5 =	vmul.f32 v6, v5;
	v37 =	vmul.f32 v35, v34  }
0x56f: {  	v45 =	vunpack.i.u.bf16.f32 v39;
	v46 =	vunpack.i.u.bf16.f32 v41;
	v6 =	vmul.f32 v7, v43  }
0x570: {  	v4 =	vmul.f32 v44, v42;
	v3 =	vadd.f32 v3, v33;
	v40 =	vadd.f32 v5, v37  }
0x571: {  	v8 =	vunpack.i.l.bf16.f32 v39;
	v47 =	vmul.f32 v46, v45;
	v5 =	vunpack.i.l.bf16.f32 v41  }
0x572: {  	v4 =	vadd.f32 v6, v4;
	v5 =	vmul.f32 v5, v8;
	v3 =	vadd.f32 v40, v3;
	_ =	sdelay $0x1  }
0x573: {  	v48 =	vadd.f32 v5, v47;
	v3 =	vadd.f32 v4, v3;
	_ =	sdelay $0x1  }
0x574: {  	v3 =	vadd.f32 v48, v3;
	_ =	sdelay $0x1  }
0x575: {  	(xrf2) =	vadd.scan.msk.f32 $0xffff, v3;
	_ =	sdelay $0x5  }
0x576: {  	v49 =	vor.u32 $0xC, v2;
	_ =	sdelay $0x3  }
0x577: {  	v50, _, _ =	vpop (xrf2)  }
0x578: {  	[tilespmem:v49+s23+$0x0] =	vst.idx.msk vm0, v50  }
0x579: {  	v3 =	vld [tilespmem:s0+$0x13380]  }
0x57a: {  	v4 =	vld [tilespmem:s0+$0x15380]  }
0x57b: {  	v51 =	vld [tilespmem:s0+$0x13390]  }
0x57c: {  	v52 =	vld [tilespmem:s0+$0x15390]  }
0x57d: {  	v58 =	vld [tilespmem:s0+$0x133A0]  }
0x57e: {  	v60 =	vld [tilespmem:s0+$0x153A0]  }
0x57f: {  	v61 =	vld [tilespmem:s0+$0x133B0];
	v53 =	vunpack.i.u.bf16.f32 v3  }
0x580: {  	v63 =	vld [tilespmem:s0+$0x153B0];
	v3 =	vunpack.i.l.bf16.f32 v3;
	v54 =	vunpack.i.u.bf16.f32 v4;
	v4 =	vunpack.i.l.bf16.f32 v4  }
0x581: {  	v56 =	vunpack.i.u.bf16.f32 v51;
	v5 =	vunpack.i.l.bf16.f32 v51;
	v57 =	vunpack.i.u.bf16.f32 v52  }
0x582: {  	v6 =	vunpack.i.l.bf16.f32 v52;
	v12 =	vunpack.i.u.bf16.f32 v58;
	v13 =	vunpack.i.l.bf16.f32 v58  }
0x583: {  	v14 =	vunpack.i.u.bf16.f32 v60;
	v3 =	vmul.f32 v4, v3;
	v55 =	vmul.f32 v54, v53  }
0x584: {  	v7 =	vunpack.i.l.bf16.f32 v60;
	v5 =	vmul.f32 v6, v5;
	v59 =	vmul.f32 v57, v56  }
0x585: {  	v15 =	vunpack.i.u.bf16.f32 v61;
	v16 =	vunpack.i.u.bf16.f32 v63;
	v6 =	vmul.f32 v7, v13  }
0x586: {  	v4 =	vmul.f32 v14, v12;
	v3 =	vadd.f32 v3, v55;
	v62 =	vadd.f32 v5, v59  }
0x587: {  	v8 =	vunpack.i.l.bf16.f32 v61;
	v17 =	vmul.f32 v16, v15;
	v5 =	vunpack.i.l.bf16.f32 v63  }
0x588: {  	v4 =	vadd.f32 v6, v4;
	v5 =	vmul.f32 v5, v8;
	v3 =	vadd.f32 v62, v3;
	_ =	sdelay $0x1  }
0x589: {  	v18 =	vadd.f32 v5, v17;
	v3 =	vadd.f32 v4, v3;
	_ =	sdelay $0x1  }
0x58a: {  	v3 =	vadd.f32 v18, v3;
	_ =	sdelay $0x1  }
0x58b: {  	(xrf2) =	vadd.scan.msk.f32 $0xffff, v3;
	_ =	sdelay $0x5  }
0x58c: {  	v19 =	vor.u32 $0xD, v2;
	_ =	sdelay $0x3  }
0x58d: {  	v20, _, _ =	vpop (xrf2)  }
0x58e: {  	[tilespmem:v19+s23+$0x0] =	vst.idx.msk vm0, v20  }
0x58f: {  	v3 =	vld [tilespmem:s0+$0x133C0]  }
0x590: {  	v4 =	vld [tilespmem:s0+$0x153C0]  }
0x591: {  	v21 =	vld [tilespmem:s0+$0x133D0]  }
0x592: {  	v22 =	vld [tilespmem:s0+$0x153D0]  }
0x593: {  	v28 =	vld [tilespmem:s0+$0x133E0]  }
0x594: {  	v30 =	vld [tilespmem:s0+$0x153E0]  }
0x595: {  	v31 =	vld [tilespmem:s0+$0x133F0];
	v23 =	vunpack.i.u.bf16.f32 v3  }
0x596: {  	v33 =	vld [tilespmem:s0+$0x153F0];
	v3 =	vunpack.i.l.bf16.f32 v3;
	v24 =	vunpack.i.u.bf16.f32 v4;
	v4 =	vunpack.i.l.bf16.f32 v4  }
0x597: {  	v26 =	vunpack.i.u.bf16.f32 v21;
	v5 =	vunpack.i.l.bf16.f32 v21;
	v27 =	vunpack.i.u.bf16.f32 v22  }
0x598: {  	v6 =	vunpack.i.l.bf16.f32 v22;
	v34 =	vunpack.i.u.bf16.f32 v28;
	v35 =	vunpack.i.l.bf16.f32 v28  }
0x599: {  	v36 =	vunpack.i.u.bf16.f32 v30;
	v3 =	vmul.f32 v4, v3;
	v25 =	vmul.f32 v24, v23  }
0x59a: {  	v7 =	vunpack.i.l.bf16.f32 v30;
	v5 =	vmul.f32 v6, v5;
	v29 =	vmul.f32 v27, v26  }
0x59b: {  	v37 =	vunpack.i.u.bf16.f32 v31;
	v38 =	vunpack.i.u.bf16.f32 v33;
	v6 =	vmul.f32 v7, v35  }
0x59c: {  	v4 =	vmul.f32 v36, v34;
	v3 =	vadd.f32 v3, v25;
	v32 =	vadd.f32 v5, v29  }
0x59d: {  	v8 =	vunpack.i.l.bf16.f32 v31;
	v39 =	vmul.f32 v38, v37;
	v5 =	vunpack.i.l.bf16.f32 v33  }
0x59e: {  	v4 =	vadd.f32 v6, v4;
	v5 =	vmul.f32 v5, v8;
	v3 =	vadd.f32 v32, v3;
	_ =	sdelay $0x1  }
0x59f: {  	v40 =	vadd.f32 v5, v39;
	v3 =	vadd.f32 v4, v3;
	_ =	sdelay $0x1  }
0x5a0: {  	v3 =	vadd.f32 v40, v3;
	_ =	sdelay $0x1  }
0x5a1: {  	(xrf2) =	vadd.scan.msk.f32 $0xffff, v3;
	_ =	sdelay $0x5  }
0x5a2: {  	v41 =	vor.u32 $0xE, v2;
	_ =	sdelay $0x3  }
0x5a3: {  	v42, _, _ =	vpop (xrf2)  }
0x5a4: {  	[tilespmem:v41+s23+$0x0] =	vst.idx.msk vm0, v42  }
0x5a5: {  	v3 =	vld [tilespmem:s0+$0x13400]  }
0x5a6: {  	v4 =	vld [tilespmem:s0+$0x15400]  }
0x5a7: {  	v43 =	vld [tilespmem:s0+$0x13410]  }
0x5a8: {  	v44 =	vld [tilespmem:s0+$0x15410]  }
0x5a9: {  	v50 =	vld [tilespmem:s0+$0x13420]  }
0x5aa: {  	v52 =	vld [tilespmem:s0+$0x15420]  }
0x5ab: {  	v53 =	vld [tilespmem:s0+$0x13430];
	v45 =	vunpack.i.u.bf16.f32 v3  }
0x5ac: {  	v55 =	vld [tilespmem:s0+$0x15430];
	v3 =	vunpack.i.l.bf16.f32 v3;
	v46 =	vunpack.i.u.bf16.f32 v4;
	v4 =	vunpack.i.l.bf16.f32 v4  }
0x5ad: {  	v48 =	vunpack.i.u.bf16.f32 v43;
	v5 =	vunpack.i.l.bf16.f32 v43;
	v49 =	vunpack.i.u.bf16.f32 v44  }
0x5ae: {  	v6 =	vunpack.i.l.bf16.f32 v44;
	v56 =	vunpack.i.u.bf16.f32 v50;
	v57 =	vunpack.i.l.bf16.f32 v50  }
0x5af: {  	v58 =	vunpack.i.u.bf16.f32 v52;
	v3 =	vmul.f32 v4, v3;
	v47 =	vmul.f32 v46, v45  }
0x5b0: {  	v7 =	vunpack.i.l.bf16.f32 v52;
	v5 =	vmul.f32 v6, v5;
	v51 =	vmul.f32 v49, v48  }
0x5b1: {  	v59 =	vunpack.i.u.bf16.f32 v53;
	v60 =	vunpack.i.u.bf16.f32 v55;
	v6 =	vmul.f32 v7, v57  }
0x5b2: {  	v4 =	vmul.f32 v58, v56;
	v3 =	vadd.f32 v3, v47;
	v54 =	vadd.f32 v5, v51  }
0x5b3: {  	v8 =	vunpack.i.l.bf16.f32 v53;
	v61 =	vmul.f32 v60, v59;
	v5 =	vunpack.i.l.bf16.f32 v55  }
0x5b4: {  	v4 =	vadd.f32 v6, v4;
	v5 =	vmul.f32 v5, v8;
	v3 =	vadd.f32 v54, v3;
	_ =	sdelay $0x1  }
0x5b5: {  	v62 =	vadd.f32 v5, v61;
	v3 =	vadd.f32 v4, v3;
	_ =	sdelay $0x1  }
0x5b6: {  	v3 =	vadd.f32 v62, v3;
	_ =	sdelay $0x1  }
0x5b7: {  	(xrf2) =	vadd.scan.msk.f32 $0xffff, v3;
	_ =	sdelay $0x4  }
0x5b8: {  	v0 =	vor.u32 $0xF, v0  }
0x5b9: {  	p1 =	slt.u32 s1, $0x6;
	v2 =	vor.u32 $0xF, v2  }
.Ltmp1:
0x5ba: {  	_ = 	snop;
	(pc) =	sbr.rel @p1 .LBB2_5-.Ltmp1, $3  }
0x5bb: {  	_ =	sdelay $0x1  }
0x5bc: {  	s31 =	sadd.s32 $0x2, s1;
	[tilespmem:v0+s23+$0x0] =	vst.idx.msk vm0, v1;
	v63, _, _ =	vpop (xrf2)  }
0x5bd: {  	s1 =	smov.u32 s31;
	[tilespmem:v2+s23+$0x0] =	vst.idx.msk vm0, v63  }
0x5be: {  	s29 =	sadd.s32 $0x1, s29  }
0x5bf: {  	p1 =	sne.s32 s29, $0x28  }
.Ltmp2:
0x5c0: {  	_ = 	snop;
	(pc) =	sbr.rel @p1 .LBB2_2-.Ltmp2, $1  }
0x5c1: {  	_ =	sdelay $0x3  }
0x5c2: {  	s28 =	sadd.s32 $0x1, s28  }
0x5c3: {  	p1 =	sne.s32 s28, s9  }
.Ltmp3:
0x5c4: {  	_ = 	snop;
	(pc) =	sbr.rel @p1 .LBB2_1-.Ltmp3, $4  }
0x5c5: {  	[hbm4b:s8+s3] =	stream.linear.scatter [tilespmem:s23], [sflag:$0x6], $0x2800, $0x38;
	[tilespmem:$0x19440] =	vst v63  }
0x5c6: {  	_ =	swait.ge [sflag:s26], $0x2800  }
0x5c7: {  	[sflag:s26] =	ssyncset.done $0x0  }
0x5c8: {  	[sflag:s26] =	ssyncadd.s32 $0xFFFFD800  }
0x5c9: {  	_ =	sfence.sel $0x180000  }
0x5ca: {  	[bflag:$0x0] =	sbarrier.arrive $0xFFFF  }
0x5cb: {  	_ =	strace $0x90000047  }
0x5cc: {  	s0 =	stileid.u32;
	[bflag:$0x2] =	sbarrier.arrive $0xFFFF  }
0x5cd: {  	p0 =	sne.s32 s0, $0x0;
	s0 =	rddreg [dreg:$0x2]  }
0x5ce: {  	s0 =	sadd.s32 @!p0 $0x100000, s0  }
0x5cf: {  	[sflag:s0] =	ssyncadd.tile.s32 @!p0 $0x1;
	_ =	shalt  }
.Lfunc_end2:
_tile_overlayer_lowered:
.L_overlay_start_2:
0x5d0: {  	(tag) =	ssettag $0x2  }
0x5d1: {  	s0 =	rddreg [dreg:$0x0];
	s2 =	stileid.u32  }
0x5d2: {  	s1 =	rddreg [dreg:$0x1];
	p0 =	sne.s32 s2, $0x0  }
0x5d3: {  	s3 =	rddreg [dreg:$0x2];
	[bflag:$0x3] =	sbarrier.arrive $0xFFFF;
	s2 =	simm.s32 @!p0 $0x1C06  }
0x5d4: {  	[timem:s3], [sflag:s2] =	dma.local @!p0 [hbm:s0], s1  }
0x5d5: {  	s0 =	simm.s32 @!p0 $0x6  }
0x5d6: {  	_ =	swait.ge @!p0 [sflag:s0], s1  }
0x5d7: {  	s1 =	ssub.s32 @!p0 $0x0, s1;
	[sflag:s0] =	ssyncset.done @!p0 $0x0  }
0x5d8: {  	[sflag:s0] =	ssyncadd.s32 @!p0 s1  }
0x5d9: {  	[bflag:$0x3] =	sbarrier.arrive $0xFFFF  }
0x5da: {  	_ =	shalt  }

</sc_bundles>
